<compile_context>
chip_gen: v7x
topology: tpu7x:2x2x1
jax: 0.10.2.dev20260603
libtpu: 0.0.44.dev20260713+nightly
codegen_flags: <defaults>
</compile_context>

<pallas_src>
import jax
import jax.numpy as jnp
from jax import lax
from jax.experimental import pallas as pl
from jax.experimental.pallas import tpu as pltpu
from jax.experimental.pallas import tpu_sc as plsc

N = 10000
E = 320000
D_IN = 128
D_HID = 256
D_OUT = 128
D = 128

NC = 2
NS = 16
B = 128

E_LOOP = E + N
R_SC = 88
R_TOT = NC * NS * R_SC
E_PAD = R_TOT * B
N_TRASH = 128
N_TAB = N + N_TRASH

CH = 80
NCH = N // CH
CPT = (NCH + NS - 1) // NS
IGRP = 8
NGRP = R_SC // IGRP


def _mesh():
    return plsc.VectorSubcoreMesh(
        core_axis_name="c", subcore_axis_name="s", num_cores=NC, num_subcores=NS
    )


def _edge_loop(table, idx_hbm, acc, sdidx0, sdidx1, buf0, buf1,
               sem0, sem1, isem, base_grp, ngrp):
    bufs = (buf0, buf1)
    sems = (sem0, sem1)

    def group_body(g, sdidx, sdidx_next, prefetch):
        ipdesc = None
        if prefetch:
            off_n = pl.multiple_of((base_grp + g + 1) * 2 * IGRP, 8)
            ipdesc = pltpu.async_copy(
                idx_hbm.at[pl.ds(off_n, 2 * IGRP)], sdidx_next, isem)
        descs = [None] * IGRP
        descs[0] = pltpu.async_copy(table.at[sdidx.at[0]], bufs[0], sems[0])
        for j in range(IGRP):
            if j + 1 < IGRP:
                descs[j + 1] = pltpu.async_copy(
                    table.at[sdidx.at[j + 1]], bufs[(j + 1) % 2],
                    sems[(j + 1) % 2])
            descs[j].wait()
            pltpu.sync_copy(bufs[j % 2], acc.at[sdidx.at[IGRP + j]], add=True)
        if prefetch:
            ipdesc.wait()

    pltpu.sync_copy(
        idx_hbm.at[pl.ds(pl.multiple_of(base_grp * 2 * IGRP, 8), 2 * IGRP)],
        sdidx0)

    @pl.loop(0, (ngrp - 1) // 2)
    def _(t):
        g = 2 * t
        group_body(g, sdidx0, sdidx1, True)
        group_body(g + 1, sdidx1, sdidx0, True)

    group_body(ngrp - 1, sdidx0, sdidx1, False)


def _chunked(s, copy_fn):
    @pl.loop(0, CPT)
    def _(k):
        cid = s + k * NS

        @pl.when(cid < NCH)
        def _():
            copy_fn(pl.multiple_of(cid * CH, 8))


def _deg_body(dst_hbm, zeros_hbm, ones_hbm, out0_hbm, out1_hbm,
              deg_acc, didx, ones_v, stage):
    c = lax.axis_index("c")
    s = lax.axis_index("s")
    w = c * NS + s
    pltpu.sync_copy(dst_hbm.at[pl.ds(pl.multiple_of(w * R_SC, 8), R_SC)], didx)
    pltpu.sync_copy(ones_hbm, ones_v)

    pltpu.sync_copy(zeros_hbm, stage)

    def zinit(off):
        pltpu.sync_copy(stage, deg_acc.at[pl.ds(off, CH)])
    _chunked(s, zinit)

    plsc.subcore_barrier()

    @pl.loop(0, R_SC)
    def _(j):
        pltpu.sync_copy(ones_v, deg_acc.at[didx.at[j]], add=True)

    plsc.subcore_barrier()

    def wb(out_hbm):
        def cp(off):
            pltpu.sync_copy(deg_acc.at[pl.ds(off, CH)], stage)
            pltpu.sync_copy(stage, out_hbm.at[pl.ds(off, CH)])
        _chunked(s, cp)

    @pl.when(c == 0)
    def _():
        wb(out0_hbm)

    @pl.when(c == 1)
    def _():
        wb(out1_hbm)


def _deg_kernel(dstp, zeros, ones):
    kfn = pl.kernel(
        _deg_body,
        out_type=[
            jax.ShapeDtypeStruct((N,), jnp.float32),
            jax.ShapeDtypeStruct((N,), jnp.float32),
        ],
        mesh=_mesh(),
        scratch_types=[
            pltpu.VMEM_SHARED((N_TAB,), jnp.float32),
            pltpu.VMEM((R_SC, B), jnp.int32),
            pltpu.VMEM((B,), jnp.float32),
            pltpu.VMEM((CH,), jnp.float32),
        ],
    )
    return kfn(dstp, zeros, ones)


def _scatter_body(y, zeros2_hbm, idx_hbm, out_hbm, acc, sdidx0, sdidx1,
                  buf0, buf1, stage, sem0, sem1, isem):
    c = lax.axis_index("c")
    s = lax.axis_index("s")

    pltpu.sync_copy(zeros2_hbm, stage)

    def zinit(off):
        pltpu.sync_copy(stage, acc.at[pl.ds(off, CH)])
    _chunked(s, zinit)

    plsc.subcore_barrier()

    _edge_loop(y, idx_hbm, acc, sdidx0, sdidx1, buf0, buf1,
               sem0, sem1, isem, (c * NS + s) * NGRP, NGRP)

    plsc.subcore_barrier()

    def wb(off):
        pltpu.sync_copy(acc.at[pl.ds(off, CH)], stage)
        pltpu.sync_copy(stage, out_hbm.at[c, pl.ds(off, CH)])
    _chunked(s, wb)


def _scatter_kernel(y, zeros2, idxc):
    kfn = pl.kernel(
        _scatter_body,
        out_type=jax.ShapeDtypeStruct((NC, N, D), jnp.float32),
        mesh=_mesh(),
        scratch_types=[
            pltpu.VMEM_SHARED((N_TAB, D), jnp.float32),
            pltpu.VMEM((2 * IGRP, B), jnp.int32),
            pltpu.VMEM((2 * IGRP, B), jnp.int32),
            pltpu.VMEM((B, D), jnp.float32),
            pltpu.VMEM((B, D), jnp.float32),
            pltpu.VMEM((CH, D), jnp.float32),
            pltpu.SemaphoreType.DMA,
            pltpu.SemaphoreType.DMA,
            pltpu.SemaphoreType.DMA,
        ],
    )
    return kfn(y, zeros2, idxc)


def _dis(deg0_ref, deg1_ref):
    deg = deg0_ref[...] + deg1_ref[...]
    return lax.rsqrt(deg)[:, None]


def _tca_body(x_ref, deg0_ref, deg1_ref, xt_ref):
    xt_ref[...] = x_ref[...] * _dis(deg0_ref, deg1_ref)


def _tca(x, deg0, deg1):
    return pl.pallas_call(
        _tca_body,
        out_shape=jax.ShapeDtypeStruct((N, D_IN), jnp.float32),
    )(x, deg0, deg1)


def _tcb_body(agg_ref, deg0_ref, deg1_ref, w1_ref, b1_ref, w2_ref, y_ref):
    dis = _dis(deg0_ref, deg1_ref)
    agg = (agg_ref[0] + agg_ref[1]) * dis
    h = jnp.maximum(
        jnp.dot(agg, w1_ref[...], preferred_element_type=jnp.float32)
        + b1_ref[...][None, :], 0.0)
    y_ref[...] = jnp.dot(h, w2_ref[...],
                         preferred_element_type=jnp.float32) * dis


def _tcb(agg1, deg0, deg1, W1, b1, W2):
    return pl.pallas_call(
        _tcb_body,
        out_shape=jax.ShapeDtypeStruct((N, D_OUT), jnp.float32),
    )(agg1, deg0, deg1, W1, b1, W2)


def _tcc_body(agg_ref, deg0_ref, deg1_ref, b2_ref, out_ref):
    agg = agg_ref[0] + agg_ref[1]
    out_ref[...] = jnp.maximum(
        agg * _dis(deg0_ref, deg1_ref) + b2_ref[...][None, :], 0.0)


def _tcc(agg2, deg0, deg1, b2):
    return pl.pallas_call(
        _tcc_body,
        out_shape=jax.ShapeDtypeStruct((N, D_OUT), jnp.float32),
    )(agg2, deg0, deg1, b2)


def kernel(x, edge_index, W1, b1, W2, b2):
    ei = edge_index.astype(jnp.int32)
    loop = jnp.arange(N, dtype=jnp.int32)
    pad = E_PAD - E_LOOP
    psrc = jnp.arange(pad, dtype=jnp.int32) * 37 % N
    trash = N + (jnp.arange(pad, dtype=jnp.int32) % N_TRASH)
    srcp = (jnp.concatenate([ei[0], loop, psrc]).reshape(R_SC, NC * NS, B)
            .swapaxes(0, 1).reshape(R_TOT, B))
    dstp = (jnp.concatenate([ei[1], loop, trash]).reshape(R_SC, NC * NS, B)
            .swapaxes(0, 1).reshape(R_TOT, B))
    idxc = jnp.concatenate(
        [srcp.reshape(-1, IGRP, B), dstp.reshape(-1, IGRP, B)], axis=1
    ).reshape(2 * R_TOT, B)
    zeros = jnp.zeros((CH,), jnp.float32)
    zeros2 = jnp.zeros((CH, D), jnp.float32)
    ones = jnp.ones((B,), jnp.float32)

    deg0, deg1 = _deg_kernel(dstp, zeros, ones)
    xt = _tca(x, deg0, deg1)
    agg1 = _scatter_kernel(xt, zeros2, idxc)
    y2 = _tcb(agg1, deg0, deg1, W1, b1, W2)
    agg2 = _scatter_kernel(y2, zeros2, idxc)
    return _tcc(agg2, deg0, deg1, b2)

# --- scband reference (transcript-rebuilt; emitter-appended) ---
"""Pipeline reference for scband-grace-3934190043973 (READ-ONLY COPY).

The authoritative reference and input builder live on the scoring server;
editing this copy changes nothing except your own understanding.
"""

import jax, jax.numpy as jnp
import numpy as np

N_NODES = 10000
N_EDGES = 320000
D_IN = 128
D_HID = 256  # 2 * out_channels
D_OUT = 128  # out_channels (num_hidden)


def gcn_conv(x, edge_index, W, b):
    """Faithful jax translation of PyG GCNConv (add_self_loops=True, normalize=True)."""
    N = x.shape[0]
    src = edge_index[0]
    dst = edge_index[1]
    loop = jnp.arange(N, dtype=edge_index.dtype)
    src = jnp.concatenate([src, loop])
    dst = jnp.concatenate([dst, loop])
    # linear transform first (weight, no bias inside propagate)
    xw = x @ W
    # symmetric normalization: deg computed on destination (col) with unit edge weights
    deg = jnp.zeros((N,), dtype=xw.dtype).at[dst].add(1.0)
    deg_inv_sqrt = jnp.where(deg > 0, deg ** -0.5, 0.0)
    norm = deg_inv_sqrt[src] * deg_inv_sqrt[dst]
    # gather messages from source nodes, scale, scatter-add into destination nodes
    msg = xw[src] * norm[:, None]
    out = jnp.zeros((N, xw.shape[1]), dtype=xw.dtype).at[dst].add(msg)
    return out + b


def setup_inputs(seed: int = 0) -> dict:
    key = jax.random.key(seed)
    k_x, k_ei, k_w1, k_b1, k_w2, k_b2 = jax.random.split(key, 6)
    x = jax.random.normal(k_x, (N_NODES, D_IN), dtype=jnp.float32)
    edge_index = jax.random.randint(k_ei, (2, N_EDGES), 0, N_NODES, dtype=jnp.int64)
    # GCNConv layer 1: in_channels=128 -> 2*out_channels=256 (glorot init)
    s1 = float(np.sqrt(6.0 / (D_IN + D_HID)))
    W1 = jax.random.uniform(k_w1, (D_IN, D_HID), dtype=jnp.float32, minval=-s1, maxval=s1)
    b1 = jnp.zeros((D_HID,), dtype=jnp.float32)
    # GCNConv layer 2: 256 -> out_channels=128
    s2 = float(np.sqrt(6.0 / (D_HID + D_OUT)))
    W2 = jax.random.uniform(k_w2, (D_HID, D_OUT), dtype=jnp.float32, minval=-s2, maxval=s2)
    b2 = jnp.zeros((D_OUT,), dtype=jnp.float32)
    return {"x": x, "edge_index": edge_index, "W1": W1, "b1": b1, "W2": W2, "b2": b2}


def reference(x, edge_index, W1, b1, W2, b2):
    # GRACE.forward(x, edge_index) -> Encoder.forward: k=2 GCNConv layers, relu after each
    h = gcn_conv(x, edge_index, W1, b1)
    h = jax.nn.relu(h)
    h = gcn_conv(h, edge_index, W2, b2)
    h = jax.nn.relu(h)
    return h

if __name__ == "__main__":
    import jax
    _d = setup_inputs()
    print(jax.jit(kernel)(*tuple(_d.values())))

</pallas_src>

<mosaic_0001>
#map = affine_map<(d0, d1) -> (0, 0)>
#map1 = affine_map<(d0, d1) -> (0, 0, 0)>
module attributes {stable_mosaic.version = 14 : i64} {
  func.func @_scatter_body(%arg0: i32, %arg1: i32, %arg2: memref<10000x128xf32, #tpu.memory_space<hbm>>, %arg3: memref<80x128xf32, #tpu.memory_space<hbm>>, %arg4: memref<5632x128xi32, #tpu.memory_space<hbm>>, %arg5: memref<2x10000x128xf32, #tpu.memory_space<hbm>>, %arg6: memref<10128x128xf32, #tpu.memory_space<vmem_shared>>, %arg7: memref<16x128xi32, #tpu.memory_space<vmem>>, %arg8: memref<16x128xi32, #tpu.memory_space<vmem>>, %arg9: memref<128x128xf32, #tpu.memory_space<vmem>>, %arg10: memref<128x128xf32, #tpu.memory_space<vmem>>, %arg11: memref<80x128xf32, #tpu.memory_space<vmem>>, %arg12: memref<!tpu.dma_semaphore, #tpu.memory_space<semaphore_mem>>, %arg13: memref<!tpu.dma_semaphore, #tpu.memory_space<semaphore_mem>>, %arg14: memref<!tpu.dma_semaphore, #tpu.memory_space<semaphore_mem>>) attributes {dimension_semantics = [#tpu.dimension_semantics<core_parallel>, #tpu.dimension_semantics<subcore_parallel>], iteration_bounds = array<i64: 2, 16>, scalar_prefetch = 0 : i64, scratch_operands = 9 : i64, tpu.core_type = #tpu.core_type<sc_vector_subcore>, window_params = [{transform_indices = #map}, {transform_indices = #map}, {transform_indices = #map}, {transform_indices = #map1}]} {
    "tpu.region"() ({
      %run_scoped3A_139 = tpu.sem_alloc : memref<!tpu.dma_semaphore, #tpu.memory_space<semaphore_mem>>
      tpu.enqueue_dma source(%arg3 : memref<80x128xf32, #tpu.memory_space<hbm>>) target(%arg11 : memref<80x128xf32, #tpu.memory_space<vmem>>) target_semaphore(%run_scoped3A_139 : memref<!tpu.dma_semaphore, #tpu.memory_space<semaphore_mem>>)
      tpu.wait_dma2 semaphore(%run_scoped3A_139 : memref<!tpu.dma_semaphore, #tpu.memory_space<semaphore_mem>>) src(%arg3 : memref<80x128xf32, #tpu.memory_space<hbm>>) dst(%arg11 : memref<80x128xf32, #tpu.memory_space<vmem>>)
      tpu.yield
    }) : () -> ()
    %scan3A = arith.constant 0 : i32
    %scan3A_0 = arith.constant 8 : i32
    %scan3A_1 = arith.addi %scan3A, %scan3A_0 : i32
    %scan3A_2 = arith.constant 1 : i32
    scf.for %scan3A_139 = %scan3A to %scan3A_1 step %scan3A_2  : i32 {
      %mul3A_140 = arith.constant 1 : i32
      %mul3A_141 = arith.muli %scan3A_139, %mul3A_140 : i32
      %add3A_142 = arith.constant 0 : i32
      %add3A_143 = arith.addi %add3A_142, %mul3A_141 : i32
      %mul3A_144 = arith.constant 16 : i32
      %mul3A_145 = arith.muli %add3A_143, %mul3A_144 : i32
      %add3A_146 = arith.addi %arg1, %mul3A_145 : i32
      %lt3A = arith.constant 125 : i32
      %lt3A_147 = arith.cmpi slt, %add3A_146, %lt3A : i32
      %convert_element_type3A = arith.extui %lt3A_147 : i1 to i32
      %cond3A = arith.constant 0 : i32
      %cond3A_148 = arith.cmpi ne, %convert_element_type3A, %cond3A : i32
      scf.if %cond3A_148 {
        %mul3A_149 = arith.constant 80 : i32
        %mul3A_150 = arith.muli %add3A_146, %mul3A_149 : i32
        %multiple_of3A_151 = tpu.assume_multiple %mul3A_150, 8 : i32
        "tpu.region"() ({
          %run_scoped3A_152 = tpu.sem_alloc : memref<!tpu.dma_semaphore, #tpu.memory_space<semaphore_mem>>
          %dma_start3A_153 = arith.constant 0 : i32
          %dma_start3A_154 = tpu.memref_slice %arg6[%multiple_of3A_151, %dma_start3A_153] : memref<10128x128xf32, #tpu.memory_space<vmem_shared>> -> memref<80x128xf32, #tpu.memory_space<vmem_shared>>
          %dma_start3A_155 = arith.constant 0 : i32
          %dma_start3A_156 = tpu.memref_slice %arg6[%multiple_of3A_151, %dma_start3A_155] : memref<10128x128xf32, #tpu.memory_space<vmem_shared>> -> memref<80x128xf32, #tpu.memory_space<vmem_shared>>
          tpu.enqueue_dma source(%arg11 : memref<80x128xf32, #tpu.memory_space<vmem>>) target(%dma_start3A_156 : memref<80x128xf32, #tpu.memory_space<vmem_shared>>) target_semaphore(%run_scoped3A_152 : memref<!tpu.dma_semaphore, #tpu.memory_space<semaphore_mem>>)
          %dma_wait3A_157 = arith.constant 0 : i32
          %dma_wait3A_158 = tpu.memref_slice %arg6[%multiple_of3A_151, %dma_wait3A_157] : memref<10128x128xf32, #tpu.memory_space<vmem_shared>> -> memref<80x128xf32, #tpu.memory_space<vmem_shared>>
          %dma_wait3A_159 = arith.constant 0 : i32
          %dma_wait3A_160 = tpu.memref_slice %arg6[%multiple_of3A_151, %dma_wait3A_159] : memref<10128x128xf32, #tpu.memory_space<vmem_shared>> -> memref<80x128xf32, #tpu.memory_space<vmem_shared>>
          tpu.wait_dma2 semaphore(%run_scoped3A_152 : memref<!tpu.dma_semaphore, #tpu.memory_space<semaphore_mem>>) src(%arg11 : memref<80x128xf32, #tpu.memory_space<vmem>>) dst(%dma_wait3A_160 : memref<80x128xf32, #tpu.memory_space<vmem_shared>>)
          tpu.yield
        }) : () -> ()
      } else {
      }
    }
    %scan3A_3 = arith.constant 8 : i32
    %barrier3A = arith.constant 0 : index
    tpu.barrier barrier_id(%barrier3A)
    %mul3A = arith.constant 16 : i32
    %mul3A_4 = arith.muli %arg0, %mul3A : i32
    %add3A = arith.addi %mul3A_4, %arg1 : i32
    %mul3A_5 = arith.constant 11 : i32
    %mul3A_6 = arith.muli %add3A, %mul3A_5 : i32
    %mul3A_7 = arith.constant 2 : i32
    %mul3A_8 = arith.muli %mul3A_6, %mul3A_7 : i32
    %mul3A_9 = arith.constant 8 : i32
    %mul3A_10 = arith.muli %mul3A_8, %mul3A_9 : i32
    %multiple_of3A = tpu.assume_multiple %mul3A_10, 8 : i32
    "tpu.region"() ({
      %run_scoped3A_139 = tpu.sem_alloc : memref<!tpu.dma_semaphore, #tpu.memory_space<semaphore_mem>>
      %dma_start3A_140 = arith.constant 0 : i32
      %dma_start3A_141 = tpu.memref_slice %arg4[%multiple_of3A, %dma_start3A_140] : memref<5632x128xi32, #tpu.memory_space<hbm>> -> memref<16x128xi32, #tpu.memory_space<hbm>>
      %dma_start3A_142 = arith.constant 0 : i32
      %dma_start3A_143 = tpu.memref_slice %arg4[%multiple_of3A, %dma_start3A_142] : memref<5632x128xi32, #tpu.memory_space<hbm>> -> memref<16x128xi32, #tpu.memory_space<hbm>>
      tpu.enqueue_dma source(%dma_start3A_143 : memref<16x128xi32, #tpu.memory_space<hbm>>) target(%arg7 : memref<16x128xi32, #tpu.memory_space<vmem>>) target_semaphore(%run_scoped3A_139 : memref<!tpu.dma_semaphore, #tpu.memory_space<semaphore_mem>>)
      %dma_wait3A_144 = arith.constant 0 : i32
      %dma_wait3A_145 = tpu.memref_slice %arg4[%multiple_of3A, %dma_wait3A_144] : memref<5632x128xi32, #tpu.memory_space<hbm>> -> memref<16x128xi32, #tpu.memory_space<hbm>>
      %dma_wait3A_146 = arith.constant 0 : i32
      %dma_wait3A_147 = tpu.memref_slice %arg4[%multiple_of3A, %dma_wait3A_146] : memref<5632x128xi32, #tpu.memory_space<hbm>> -> memref<16x128xi32, #tpu.memory_space<hbm>>
      tpu.wait_dma2 semaphore(%run_scoped3A_139 : memref<!tpu.dma_semaphore, #tpu.memory_space<semaphore_mem>>) src(%dma_wait3A_147 : memref<16x128xi32, #tpu.memory_space<hbm>>) dst(%arg7 : memref<16x128xi32, #tpu.memory_space<vmem>>)
      tpu.yield
    }) : () -> ()
    %scan3A_11 = arith.constant 0 : i32
    %scan3A_12 = arith.constant 5 : i32
    %scan3A_13 = arith.addi %scan3A_11, %scan3A_12 : i32
    %scan3A_14 = arith.constant 1 : i32
    scf.for %scan3A_139 = %scan3A_11 to %scan3A_13 step %scan3A_14  : i32 {
      %mul3A_140 = arith.constant 1 : i32
      %mul3A_141 = arith.muli %scan3A_139, %mul3A_140 : i32
      %add3A_142 = arith.constant 0 : i32
      %add3A_143 = arith.addi %add3A_142, %mul3A_141 : i32
      %mul3A_144 = arith.constant 2 : i32
      %mul3A_145 = arith.muli %mul3A_144, %add3A_143 : i32
      %add3A_146 = arith.addi %mul3A_6, %mul3A_145 : i32
      %add3A_147 = arith.constant 1 : i32
      %add3A_148 = arith.addi %add3A_146, %add3A_147 : i32
      %mul3A_149 = arith.constant 2 : i32
      %mul3A_150 = arith.muli %add3A_148, %mul3A_149 : i32
      %mul3A_151 = arith.constant 8 : i32
      %mul3A_152 = arith.muli %mul3A_150, %mul3A_151 : i32
      %multiple_of3A_153 = tpu.assume_multiple %mul3A_152, 8 : i32
      %dma_start3A_154 = arith.constant 0 : i32
      %dma_start3A_155 = tpu.memref_slice %arg4[%multiple_of3A_153, %dma_start3A_154] : memref<5632x128xi32, #tpu.memory_space<hbm>> -> memref<16x128xi32, #tpu.memory_space<hbm>>
      %dma_start3A_156 = arith.constant 0 : i32
      %dma_start3A_157 = tpu.memref_slice %arg4[%multiple_of3A_153, %dma_start3A_156] : memref<5632x128xi32, #tpu.memory_space<hbm>> -> memref<16x128xi32, #tpu.memory_space<hbm>>
      tpu.enqueue_dma source(%dma_start3A_157 : memref<16x128xi32, #tpu.memory_space<hbm>>) target(%arg8 : memref<16x128xi32, #tpu.memory_space<vmem>>) target_semaphore(%arg14 : memref<!tpu.dma_semaphore, #tpu.memory_space<semaphore_mem>>)
      %dma_start3A_158 = arith.constant 0 : i32
      %dma_start3A_159 = arith.constant 0 : i32
      %dma_start3A_160 = tpu.memref_slice %arg7[%dma_start3A_158, %dma_start3A_159] : memref<16x128xi32, #tpu.memory_space<vmem>> -> memref<1x128xi32, #tpu.memory_space<vmem>>
      %dma_start3A_161 = tpu.memref_squeeze %dma_start3A_160 : memref<1x128xi32, #tpu.memory_space<vmem>> -> memref<128xi32, #tpu.memory_space<vmem>>
      %dma_start3A_162 = arith.constant 0 : i32
      %dma_start3A_163 = arith.constant 0 : i32
      %dma_start3A_164 = tpu.memref_slice %arg2[%dma_start3A_162, %dma_start3A_163] : memref<10000x128xf32, #tpu.memory_space<hbm>> -> memref<10000x128xf32, #tpu.memory_space<hbm>>
      tpu.enqueue_indirect_dma source(%dma_start3A_164 : memref<10000x128xf32, #tpu.memory_space<hbm>>) target(%arg9 : memref<128x128xf32, #tpu.memory_space<vmem>>) offsets(%dma_start3A_161 : memref<128xi32, #tpu.memory_space<vmem>>) semaphore(%arg12 : memref<!tpu.dma_semaphore, #tpu.memory_space<semaphore_mem>>)
      %dma_start3A_165 = arith.constant 1 : i32
      %dma_start3A_166 = arith.constant 0 : i32
      %dma_start3A_167 = tpu.memref_slice %arg7[%dma_start3A_165, %dma_start3A_166] : memref<16x128xi32, #tpu.memory_space<vmem>> -> memref<1x128xi32, #tpu.memory_space<vmem>>
      %dma_start3A_168 = tpu.memref_squeeze %dma_start3A_167 : memref<1x128xi32, #tpu.memory_space<vmem>> -> memref<128xi32, #tpu.memory_space<vmem>>
      %dma_start3A_169 = arith.constant 0 : i32
      %dma_start3A_170 = arith.constant 0 : i32
      %dma_start3A_171 = tpu.memref_slice %arg2[%dma_start3A_169, %dma_start3A_170] : memref<10000x128xf32, #tpu.memory_space<hbm>> -> memref<10000x128xf32, #tpu.memory_space<hbm>>
      tpu.enqueue_indirect_dma source(%dma_start3A_171 : memref<10000x128xf32, #tpu.memory_space<hbm>>) target(%arg10 : memref<128x128xf32, #tpu.memory_space<vmem>>) offsets(%dma_start3A_168 : memref<128xi32, #tpu.memory_space<vmem>>) semaphore(%arg13 : memref<!tpu.dma_semaphore, #tpu.memory_space<semaphore_mem>>)
      %dma_wait3A_172 = arith.constant 0 : i32
      %dma_wait3A_173 = arith.constant 0 : i32
      %dma_wait3A_174 = tpu.memref_slice %arg7[%dma_wait3A_172, %dma_wait3A_173] : memref<16x128xi32, #tpu.memory_space<vmem>> -> memref<1x128xi32, #tpu.memory_space<vmem>>
      %dma_wait3A_175 = tpu.memref_squeeze %dma_wait3A_174 : memref<1x128xi32, #tpu.memory_space<vmem>> -> memref<128xi32, #tpu.memory_space<vmem>>
      %dma_wait3A_176 = arith.constant 0 : i32
      %dma_wait3A_177 = arith.constant 0 : i32
      %dma_wait3A_178 = tpu.memref_slice %arg2[%dma_wait3A_176, %dma_wait3A_177] : memref<10000x128xf32, #tpu.memory_space<hbm>> -> memref<10000x128xf32, #tpu.memory_space<hbm>>
      tpu.wait_indirect_dma semaphore(%arg12 : memref<!tpu.dma_semaphore, #tpu.memory_space<semaphore_mem>>) src(%dma_wait3A_178 : memref<10000x128xf32, #tpu.memory_space<hbm>>) dst(%arg9 : memref<128x128xf32, #tpu.memory_space<vmem>>)
      %run_scoped3A_179 = arith.constant 8 : i32
      "tpu.region"() ({
        %run_scoped3A_420 = tpu.sem_alloc : memref<!tpu.dma_semaphore, #tpu.memory_space<semaphore_mem>>
        %dma_start3A_421 = arith.constant 0 : i32
        %dma_start3A_422 = tpu.memref_slice %arg7[%run_scoped3A_179, %dma_start3A_421] : memref<16x128xi32, #tpu.memory_space<vmem>> -> memref<1x128xi32, #tpu.memory_space<vmem>>
        %dma_start3A_423 = tpu.memref_squeeze %dma_start3A_422 : memref<1x128xi32, #tpu.memory_space<vmem>> -> memref<128xi32, #tpu.memory_space<vmem>>
        %dma_start3A_424 = arith.constant 0 : i32
        %dma_start3A_425 = arith.constant 0 : i32
        %dma_start3A_426 = tpu.memref_slice %arg6[%dma_start3A_424, %dma_start3A_425] : memref<10128x128xf32, #tpu.memory_space<vmem_shared>> -> memref<10128x128xf32, #tpu.memory_space<vmem_shared>>
        tpu.enqueue_indirect_dma source(%arg9 : memref<128x128xf32, #tpu.memory_space<vmem>>) target(%dma_start3A_426 : memref<10128x128xf32, #tpu.memory_space<vmem_shared>>) offsets(%dma_start3A_423 : memref<128xi32, #tpu.memory_space<vmem>>) semaphore(%run_scoped3A_420 : memref<!tpu.dma_semaphore, #tpu.memory_space<semaphore_mem>>) {add = true}
        %dma_wait3A_427 = arith.constant 0 : i32
        %dma_wait3A_428 = tpu.memref_slice %arg7[%run_scoped3A_179, %dma_wait3A_427] : memref<16x128xi32, #tpu.memory_space<vmem>> -> memref<1x128xi32, #tpu.memory_space<vmem>>
        %dma_wait3A_429 = tpu.memref_squeeze %dma_wait3A_428 : memref<1x128xi32, #tpu.memory_space<vmem>> -> memref<128xi32, #tpu.memory_space<vmem>>
        %dma_wait3A_430 = arith.constant 0 : i32
        %dma_wait3A_431 = arith.constant 0 : i32
        %dma_wait3A_432 = tpu.memref_slice %arg6[%dma_wait3A_430, %dma_wait3A_431] : memref<10128x128xf32, #tpu.memory_space<vmem_shared>> -> memref<10128x128xf32, #tpu.memory_space<vmem_shared>>
        tpu.wait_indirect_dma semaphore(%run_scoped3A_420 : memref<!tpu.dma_semaphore, #tpu.memory_space<semaphore_mem>>) src(%arg9 : memref<128x128xf32, #tpu.memory_space<vmem>>) dst(%dma_wait3A_432 : memref<10128x128xf32, #tpu.memory_space<vmem_shared>>)
        tpu.yield
      }) : () -> ()
      %dma_start3A_180 = arith.constant 2 : i32
      %dma_start3A_181 = arith.constant 0 : i32
      %dma_start3A_182 = tpu.memref_slice %arg7[%dma_start3A_180, %dma_start3A_181] : memref<16x128xi32, #tpu.memory_space<vmem>> -> memref<1x128xi32, #tpu.memory_space<vmem>>
      %dma_start3A_183 = tpu.memref_squeeze %dma_start3A_182 : memref<1x128xi32, #tpu.memory_space<vmem>> -> memref<128xi32, #tpu.memory_space<vmem>>
      %dma_start3A_184 = arith.constant 0 : i32
      %dma_start3A_185 = arith.constant 0 : i32
      %dma_start3A_186 = tpu.memref_slice %arg2[%dma_start3A_184, %dma_start3A_185] : memref<10000x128xf32, #tpu.memory_space<hbm>> -> memref<10000x128xf32, #tpu.memory_space<hbm>>
      tpu.enqueue_indirect_dma source(%dma_start3A_186 : memref<10000x128xf32, #tpu.memory_space<hbm>>) target(%arg9 : memref<128x128xf32, #tpu.memory_space<vmem>>) offsets(%dma_start3A_183 : memref<128xi32, #tpu.memory_space<vmem>>) semaphore(%arg12 : memref<!tpu.dma_semaphore, #tpu.memory_space<semaphore_mem>>)
      %dma_wait3A_187 = arith.constant 1 : i32
      %dma_wait3A_188 = arith.constant 0 : i32
      %dma_wait3A_189 = tpu.memref_slice %arg7[%dma_wait3A_187, %dma_wait3A_188] : memref<16x128xi32, #tpu.memory_space<vmem>> -> memref<1x128xi32, #tpu.memory_space<vmem>>
      %dma_wait3A_190 = tpu.memref_squeeze %dma_wait3A_189 : memref<1x128xi32, #tpu.memory_space<vmem>> -> memref<128xi32, #tpu.memory_space<vmem>>
      %dma_wait3A_191 = arith.constant 0 : i32
      %dma_wait3A_192 = arith.constant 0 : i32
      %dma_wait3A_193 = tpu.memref_slice %arg2[%dma_wait3A_191, %dma_wait3A_192] : memref<10000x128xf32, #tpu.memory_space<hbm>> -> memref<10000x128xf32, #tpu.memory_space<hbm>>
      tpu.wait_indirect_dma semaphore(%arg13 : memref<!tpu.dma_semaphore, #tpu.memory_space<semaphore_mem>>) src(%dma_wait3A_193 : memref<10000x128xf32, #tpu.memory_space<hbm>>) dst(%arg10 : memref<128x128xf32, #tpu.memory_space<vmem>>)
      %run_scoped3A_194 = arith.constant 9 : i32
      "tpu.region"() ({
        %run_scoped3A_420 = tpu.sem_alloc : memref<!tpu.dma_semaphore, #tpu.memory_space<semaphore_mem>>
        %dma_start3A_421 = arith.constant 0 : i32
        %dma_start3A_422 = tpu.memref_slice %arg7[%run_scoped3A_194, %dma_start3A_421] : memref<16x128xi32, #tpu.memory_space<vmem>> -> memref<1x128xi32, #tpu.memory_space<vmem>>
        %dma_start3A_423 = tpu.memref_squeeze %dma_start3A_422 : memref<1x128xi32, #tpu.memory_space<vmem>> -> memref<128xi32, #tpu.memory_space<vmem>>
        %dma_start3A_424 = arith.constant 0 : i32
        %dma_start3A_425 = arith.constant 0 : i32
        %dma_start3A_426 = tpu.memref_slice %arg6[%dma_start3A_424, %dma_start3A_425] : memref<10128x128xf32, #tpu.memory_space<vmem_shared>> -> memref<10128x128xf32, #tpu.memory_space<vmem_shared>>
        tpu.enqueue_indirect_dma source(%arg10 : memref<128x128xf32, #tpu.memory_space<vmem>>) target(%dma_start3A_426 : memref<10128x128xf32, #tpu.memory_space<vmem_shared>>) offsets(%dma_start3A_423 : memref<128xi32, #tpu.memory_space<vmem>>) semaphore(%run_scoped3A_420 : memref<!tpu.dma_semaphore, #tpu.memory_space<semaphore_mem>>) {add = true}
        %dma_wait3A_427 = arith.constant 0 : i32
        %dma_wait3A_428 = tpu.memref_slice %arg7[%run_scoped3A_194, %dma_wait3A_427] : memref<16x128xi32, #tpu.memory_space<vmem>> -> memref<1x128xi32, #tpu.memory_space<vmem>>
        %dma_wait3A_429 = tpu.memref_squeeze %dma_wait3A_428 : memref<1x128xi32, #tpu.memory_space<vmem>> -> memref<128xi32, #tpu.memory_space<vmem>>
        %dma_wait3A_430 = arith.constant 0 : i32
        %dma_wait3A_431 = arith.constant 0 : i32
        %dma_wait3A_432 = tpu.memref_slice %arg6[%dma_wait3A_430, %dma_wait3A_431] : memref<10128x128xf32, #tpu.memory_space<vmem_shared>> -> memref<10128x128xf32, #tpu.memory_space<vmem_shared>>
        tpu.wait_indirect_dma semaphore(%run_scoped3A_420 : memref<!tpu.dma_semaphore, #tpu.memory_space<semaphore_mem>>) src(%arg10 : memref<128x128xf32, #tpu.memory_space<vmem>>) dst(%dma_wait3A_432 : memref<10128x128xf32, #tpu.memory_space<vmem_shared>>)
        tpu.yield
      }) : () -> ()
      %dma_start3A_195 = arith.constant 3 : i32
      %dma_start3A_196 = arith.constant 0 : i32
      %dma_start3A_197 = tpu.memref_slice %arg7[%dma_start3A_195, %dma_start3A_196] : memref<16x128xi32, #tpu.memory_space<vmem>> -> memref<1x128xi32, #tpu.memory_space<vmem>>
      %dma_start3A_198 = tpu.memref_squeeze %dma_start3A_197 : memref<1x128xi32, #tpu.memory_space<vmem>> -> memref<128xi32, #tpu.memory_space<vmem>>
      %dma_start3A_199 = arith.constant 0 : i32
      %dma_start3A_200 = arith.constant 0 : i32
      %dma_start3A_201 = tpu.memref_slice %arg2[%dma_start3A_199, %dma_start3A_200] : memref<10000x128xf32, #tpu.memory_space<hbm>> -> memref<10000x128xf32, #tpu.memory_space<hbm>>
      tpu.enqueue_indirect_dma source(%dma_start3A_201 : memref<10000x128xf32, #tpu.memory_space<hbm>>) target(%arg10 : memref<128x128xf32, #tpu.memory_space<vmem>>) offsets(%dma_start3A_198 : memref<128xi32, #tpu.memory_space<vmem>>) semaphore(%arg13 : memref<!tpu.dma_semaphore, #tpu.memory_space<semaphore_mem>>)
      %dma_wait3A_202 = arith.constant 2 : i32
      %dma_wait3A_203 = arith.constant 0 : i32
      %dma_wait3A_204 = tpu.memref_slice %arg7[%dma_wait3A_202, %dma_wait3A_203] : memref<16x128xi32, #tpu.memory_space<vmem>> -> memref<1x128xi32, #tpu.memory_space<vmem>>
      %dma_wait3A_205 = tpu.memref_squeeze %dma_wait3A_204 : memref<1x128xi32, #tpu.memory_space<vmem>> -> memref<128xi32, #tpu.memory_space<vmem>>
      %dma_wait3A_206 = arith.constant 0 : i32
      %dma_wait3A_207 = arith.constant 0 : i32
      %dma_wait3A_208 = tpu.memref_slice %arg2[%dma_wait3A_206, %dma_wait3A_207] : memref<10000x128xf32, #tpu.memory_space<hbm>> -> memref<10000x128xf32, #tpu.memory_space<hbm>>
      tpu.wait_indirect_dma semaphore(%arg12 : memref<!tpu.dma_semaphore, #tpu.memory_space<semaphore_mem>>) src(%dma_wait3A_208 : memref<10000x128xf32, #tpu.memory_space<hbm>>) dst(%arg9 : memref<128x128xf32, #tpu.memory_space<vmem>>)
      %run_scoped3A_209 = arith.constant 10 : i32
      "tpu.region"() ({
        %run_scoped3A_420 = tpu.sem_alloc : memref<!tpu.dma_semaphore, #tpu.memory_space<semaphore_mem>>
        %dma_start3A_421 = arith.constant 0 : i32
        %dma_start3A_422 = tpu.memref_slice %arg7[%run_scoped3A_209, %dma_start3A_421] : memref<16x128xi32, #tpu.memory_space<vmem>> -> memref<1x128xi32, #tpu.memory_space<vmem>>
        %dma_start3A_423 = tpu.memref_squeeze %dma_start3A_422 : memref<1x128xi32, #tpu.memory_space<vmem>> -> memref<128xi32, #tpu.memory_space<vmem>>
        %dma_start3A_424 = arith.constant 0 : i32
        %dma_start3A_425 = arith.constant 0 : i32
        %dma_start3A_426 = tpu.memref_slice %arg6[%dma_start3A_424, %dma_start3A_425] : memref<10128x128xf32, #tpu.memory_space<vmem_shared>> -> memref<10128x128xf32, #tpu.memory_space<vmem_shared>>
        tpu.enqueue_indirect_dma source(%arg9 : memref<128x128xf32, #tpu.memory_space<vmem>>) target(%dma_start3A_426 : memref<10128x128xf32, #tpu.memory_space<vmem_shared>>) offsets(%dma_start3A_423 : memref<128xi32, #tpu.memory_space<vmem>>) semaphore(%run_scoped3A_420 : memref<!tpu.dma_semaphore, #tpu.memory_space<semaphore_mem>>) {add = true}
        %dma_wait3A_427 = arith.constant 0 : i32
        %dma_wait3A_428 = tpu.memref_slice %arg7[%run_scoped3A_209, %dma_wait3A_427] : memref<16x128xi32, #tpu.memory_space<vmem>> -> memref<1x128xi32, #tpu.memory_space<vmem>>
        %dma_wait3A_429 = tpu.memref_squeeze %dma_wait3A_428 : memref<1x128xi32, #tpu.memory_space<vmem>> -> memref<128xi32, #tpu.memory_space<vmem>>
        %dma_wait3A_430 = arith.constant 0 : i32
        %dma_wait3A_431 = arith.constant 0 : i32
        %dma_wait3A_432 = tpu.memref_slice %arg6[%dma_wait3A_430, %dma_wait3A_431] : memref<10128x128xf32, #tpu.memory_space<vmem_shared>> -> memref<10128x128xf32, #tpu.memory_space<vmem_shared>>
        tpu.wait_indirect_dma semaphore(%run_scoped3A_420 : memref<!tpu.dma_semaphore, #tpu.memory_space<semaphore_mem>>) src(%arg9 : memref<128x128xf32, #tpu.memory_space<vmem>>) dst(%dma_wait3A_432 : memref<10128x128xf32, #tpu.memory_space<vmem_shared>>)
        tpu.yield
      }) : () -> ()
      %dma_start3A_210 = arith.constant 4 : i32
      %dma_start3A_211 = arith.constant 0 : i32
      %dma_start3A_212 = tpu.memref_slice %arg7[%dma_start3A_210, %dma_start3A_211] : memref<16x128xi32, #tpu.memory_space<vmem>> -> memref<1x128xi32, #tpu.memory_space<vmem>>
      %dma_start3A_213 = tpu.memref_squeeze %dma_start3A_212 : memref<1x128xi32, #tpu.memory_space<vmem>> -> memref<128xi32, #tpu.memory_space<vmem>>
      %dma_start3A_214 = arith.constant 0 : i32
      %dma_start3A_215 = arith.constant 0 : i32
      %dma_start3A_216 = tpu.memref_slice %arg2[%dma_start3A_214, %dma_start3A_215] : memref<10000x128xf32, #tpu.memory_space<hbm>> -> memref<10000x128xf32, #tpu.memory_space<hbm>>
      tpu.enqueue_indirect_dma source(%dma_start3A_216 : memref<10000x128xf32, #tpu.memory_space<hbm>>) target(%arg9 : memref<128x128xf32, #tpu.memory_space<vmem>>) offsets(%dma_start3A_213 : memref<128xi32, #tpu.memory_space<vmem>>) semaphore(%arg12 : memref<!tpu.dma_semaphore, #tpu.memory_space<semaphore_mem>>)
      %dma_wait3A_217 = arith.constant 3 : i32
      %dma_wait3A_218 = arith.constant 0 : i32
      %dma_wait3A_219 = tpu.memref_slice %arg7[%dma_wait3A_217, %dma_wait3A_218] : memref<16x128xi32, #tpu.memory_space<vmem>> -> memref<1x128xi32, #tpu.memory_space<vmem>>
      %dma_wait3A_220 = tpu.memref_squeeze %dma_wait3A_219 : memref<1x128xi32, #tpu.memory_space<vmem>> -> memref<128xi32, #tpu.memory_space<vmem>>
      %dma_wait3A_221 = arith.constant 0 : i32
      %dma_wait3A_222 = arith.constant 0 : i32
      %dma_wait3A_223 = tpu.memref_slice %arg2[%dma_wait3A_221, %dma_wait3A_222] : memref<10000x128xf32, #tpu.memory_space<hbm>> -> memref<10000x128xf32, #tpu.memory_space<hbm>>
      tpu.wait_indirect_dma semaphore(%arg13 : memref<!tpu.dma_semaphore, #tpu.memory_space<semaphore_mem>>) src(%dma_wait3A_223 : memref<10000x128xf32, #tpu.memory_space<hbm>>) dst(%arg10 : memref<128x128xf32, #tpu.memory_space<vmem>>)
      %run_scoped3A_224 = arith.constant 11 : i32
      "tpu.region"() ({
        %run_scoped3A_420 = tpu.sem_alloc : memref<!tpu.dma_semaphore, #tpu.memory_space<semaphore_mem>>
        %dma_start3A_421 = arith.constant 0 : i32
        %dma_start3A_422 = tpu.memref_slice %arg7[%run_scoped3A_224, %dma_start3A_421] : memref<16x128xi32, #tpu.memory_space<vmem>> -> memref<1x128xi32, #tpu.memory_space<vmem>>
        %dma_start3A_423 = tpu.memref_squeeze %dma_start3A_422 : memref<1x128xi32, #tpu.memory_space<vmem>> -> memref<128xi32, #tpu.memory_space<vmem>>
        %dma_start3A_424 = arith.constant 0 : i32
        %dma_start3A_425 = arith.constant 0 : i32
        %dma_start3A_426 = tpu.memref_slice %arg6[%dma_start3A_424, %dma_start3A_425] : memref<10128x128xf32, #tpu.memory_space<vmem_shared>> -> memref<10128x128xf32, #tpu.memory_space<vmem_shared>>
        tpu.enqueue_indirect_dma source(%arg10 : memref<128x128xf32, #tpu.memory_space<vmem>>) target(%dma_start3A_426 : memref<10128x128xf32, #tpu.memory_space<vmem_shared>>) offsets(%dma_start3A_423 : memref<128xi32, #tpu.memory_space<vmem>>) semaphore(%run_scoped3A_420 : memref<!tpu.dma_semaphore, #tpu.memory_space<semaphore_mem>>) {add = true}
        %dma_wait3A_427 = arith.constant 0 : i32
        %dma_wait3A_428 = tpu.memref_slice %arg7[%run_scoped3A_224, %dma_wait3A_427] : memref<16x128xi32, #tpu.memory_space<vmem>> -> memref<1x128xi32, #tpu.memory_space<vmem>>
        %dma_wait3A_429 = tpu.memref_squeeze %dma_wait3A_428 : memref<1x128xi32, #tpu.memory_space<vmem>> -> memref<128xi32, #tpu.memory_space<vmem>>
        %dma_wait3A_430 = arith.constant 0 : i32
        %dma_wait3A_431 = arith.constant 0 : i32
        %dma_wait3A_432 = tpu.memref_slice %arg6[%dma_wait3A_430, %dma_wait3A_431] : memref<10128x128xf32, #tpu.memory_space<vmem_shared>> -> memref<10128x128xf32, #tpu.memory_space<vmem_shared>>
        tpu.wait_indirect_dma semaphore(%run_scoped3A_420 : memref<!tpu.dma_semaphore, #tpu.memory_space<semaphore_mem>>) src(%arg10 : memref<128x128xf32, #tpu.memory_space<vmem>>) dst(%dma_wait3A_432 : memref<10128x128xf32, #tpu.memory_space<vmem_shared>>)
        tpu.yield
      }) : () -> ()
      %dma_start3A_225 = arith.constant 5 : i32
      %dma_start3A_226 = arith.constant 0 : i32
      %dma_start3A_227 = tpu.memref_slice %arg7[%dma_start3A_225, %dma_start3A_226] : memref<16x128xi32, #tpu.memory_space<vmem>> -> memref<1x128xi32, #tpu.memory_space<vmem>>
      %dma_start3A_228 = tpu.memref_squeeze %dma_start3A_227 : memref<1x128xi32, #tpu.memory_space<vmem>> -> memref<128xi32, #tpu.memory_space<vmem>>
      %dma_start3A_229 = arith.constant 0 : i32
      %dma_start3A_230 = arith.constant 0 : i32
      %dma_start3A_231 = tpu.memref_slice %arg2[%dma_start3A_229, %dma_start3A_230] : memref<10000x128xf32, #tpu.memory_space<hbm>> -> memref<10000x128xf32, #tpu.memory_space<hbm>>
      tpu.enqueue_indirect_dma source(%dma_start3A_231 : memref<10000x128xf32, #tpu.memory_space<hbm>>) target(%arg10 : memref<128x128xf32, #tpu.memory_space<vmem>>) offsets(%dma_start3A_228 : memref<128xi32, #tpu.memory_space<vmem>>) semaphore(%arg13 : memref<!tpu.dma_semaphore, #tpu.memory_space<semaphore_mem>>)
      %dma_wait3A_232 = arith.constant 4 : i32
      %dma_wait3A_233 = arith.constant 0 : i32
      %dma_wait3A_234 = tpu.memref_slice %arg7[%dma_wait3A_232, %dma_wait3A_233] : memref<16x128xi32, #tpu.memory_space<vmem>> -> memref<1x128xi32, #tpu.memory_space<vmem>>
      %dma_wait3A_235 = tpu.memref_squeeze %dma_wait3A_234 : memref<1x128xi32, #tpu.memory_space<vmem>> -> memref<128xi32, #tpu.memory_space<vmem>>
      %dma_wait3A_236 = arith.constant 0 : i32
      %dma_wait3A_237 = arith.constant 0 : i32
      %dma_wait3A_238 = tpu.memref_slice %arg2[%dma_wait3A_236, %dma_wait3A_237] : memref<10000x128xf32, #tpu.memory_space<hbm>> -> memref<10000x128xf32, #tpu.memory_space<hbm>>
      tpu.wait_indirect_dma semaphore(%arg12 : memref<!tpu.dma_semaphore, #tpu.memory_space<semaphore_mem>>) src(%dma_wait3A_238 : memref<10000x128xf32, #tpu.memory_space<hbm>>) dst(%arg9 : memref<128x128xf32, #tpu.memory_space<vmem>>)
      %run_scoped3A_239 = arith.constant 12 : i32
      "tpu.region"() ({
        %run_scoped3A_420 = tpu.sem_alloc : memref<!tpu.dma_semaphore, #tpu.memory_space<semaphore_mem>>
        %dma_start3A_421 = arith.constant 0 : i32
        %dma_start3A_422 = tpu.memref_slice %arg7[%run_scoped3A_239, %dma_start3A_421] : memref<16x128xi32, #tpu.memory_space<vmem>> -> memref<1x128xi32, #tpu.memory_space<vmem>>
        %dma_start3A_423 = tpu.memref_squeeze %dma_start3A_422 : memref<1x128xi32, #tpu.memory_space<vmem>> -> memref<128xi32, #tpu.memory_space<vmem>>
        %dma_start3A_424 = arith.constant 0 : i32
        %dma_start3A_425 = arith.constant 0 : i32
        %dma_start3A_426 = tpu.memref_slice %arg6[%dma_start3A_424, %dma_start3A_425] : memref<10128x128xf32, #tpu.memory_space<vmem_shared>> -> memref<10128x128xf32, #tpu.memory_space<vmem_shared>>
        tpu.enqueue_indirect_dma source(%arg9 : memref<128x128xf32, #tpu.memory_space<vmem>>) target(%dma_start3A_426 : memref<10128x128xf32, #tpu.memory_space<vmem_shared>>) offsets(%dma_start3A_423 : memref<128xi32, #tpu.memory_space<vmem>>) semaphore(%run_scoped3A_420 : memref<!tpu.dma_semaphore, #tpu.memory_space<semaphore_mem>>) {add = true}
        %dma_wait3A_427 = arith.constant 0 : i32
        %dma_wait3A_428 = tpu.memref_slice %arg7[%run_scoped3A_239, %dma_wait3A_427] : memref<16x128xi32, #tpu.memory_space<vmem>> -> memref<1x128xi32, #tpu.memory_space<vmem>>
        %dma_wait3A_429 = tpu.memref_squeeze %dma_wait3A_428 : memref<1x128xi32, #tpu.memory_space<vmem>> -> memref<128xi32, #tpu.memory_space<vmem>>
        %dma_wait3A_430 = arith.constant 0 : i32
        %dma_wait3A_431 = arith.constant 0 : i32
        %dma_wait3A_432 = tpu.memref_slice %arg6[%dma_wait3A_430, %dma_wait3A_431] : memref<10128x128xf32, #tpu.memory_space<vmem_shared>> -> memref<10128x128xf32, #tpu.memory_space<vmem_shared>>
        tpu.wait_indirect_dma semaphore(%run_scoped3A_420 : memref<!tpu.dma_semaphore, #tpu.memory_space<semaphore_mem>>) src(%arg9 : memref<128x128xf32, #tpu.memory_space<vmem>>) dst(%dma_wait3A_432 : memref<10128x128xf32, #tpu.memory_space<vmem_shared>>)
        tpu.yield
      }) : () -> ()
      %dma_start3A_240 = arith.constant 6 : i32
      %dma_start3A_241 = arith.constant 0 : i32
      %dma_start3A_242 = tpu.memref_slice %arg7[%dma_start3A_240, %dma_start3A_241] : memref<16x128xi32, #tpu.memory_space<vmem>> -> memref<1x128xi32, #tpu.memory_space<vmem>>
      %dma_start3A_243 = tpu.memref_squeeze %dma_start3A_242 : memref<1x128xi32, #tpu.memory_space<vmem>> -> memref<128xi32, #tpu.memory_space<vmem>>
      %dma_start3A_244 = arith.constant 0 : i32
      %dma_start3A_245 = arith.constant 0 : i32
      %dma_start3A_246 = tpu.memref_slice %arg2[%dma_start3A_244, %dma_start3A_245] : memref<10000x128xf32, #tpu.memory_space<hbm>> -> memref<10000x128xf32, #tpu.memory_space<hbm>>
      tpu.enqueue_indirect_dma source(%dma_start3A_246 : memref<10000x128xf32, #tpu.memory_space<hbm>>) target(%arg9 : memref<128x128xf32, #tpu.memory_space<vmem>>) offsets(%dma_start3A_243 : memref<128xi32, #tpu.memory_space<vmem>>) semaphore(%arg12 : memref<!tpu.dma_semaphore, #tpu.memory_space<semaphore_mem>>)
      %dma_wait3A_247 = arith.constant 5 : i32
      %dma_wait3A_248 = arith.constant 0 : i32
      %dma_wait3A_249 = tpu.memref_slice %arg7[%dma_wait3A_247, %dma_wait3A_248] : memref<16x128xi32, #tpu.memory_space<vmem>> -> memref<1x128xi32, #tpu.memory_space<vmem>>
      %dma_wait3A_250 = tpu.memref_squeeze %dma_wait3A_249 : memref<1x128xi32, #tpu.memory_space<vmem>> -> memref<128xi32, #tpu.memory_space<vmem>>
      %dma_wait3A_251 = arith.constant 0 : i32
      %dma_wait3A_252 = arith.constant 0 : i32
      %dma_wait3A_253 = tpu.memref_slice %arg2[%dma_wait3A_251, %dma_wait3A_252] : memref<10000x128xf32, #tpu.memory_space<hbm>> -> memref<10000x128xf32, #tpu.memory_space<hbm>>
      tpu.wait_indirect_dma semaphore(%arg13 : memref<!tpu.dma_semaphore, #tpu.memory_space<semaphore_mem>>) src(%dma_wait3A_253 : memref<10000x128xf32, #tpu.memory_space<hbm>>) dst(%arg10 : memref<128x128xf32, #tpu.memory_space<vmem>>)
      %run_scoped3A_254 = arith.constant 13 : i32
      "tpu.region"() ({
        %run_scoped3A_420 = tpu.sem_alloc : memref<!tpu.dma_semaphore, #tpu.memory_space<semaphore_mem>>
        %dma_start3A_421 = arith.constant 0 : i32
        %dma_start3A_422 = tpu.memref_slice %arg7[%run_scoped3A_254, %dma_start3A_421] : memref<16x128xi32, #tpu.memory_space<vmem>> -> memref<1x128xi32, #tpu.memory_space<vmem>>
        %dma_start3A_423 = tpu.memref_squeeze %dma_start3A_422 : memref<1x128xi32, #tpu.memory_space<vmem>> -> memref<128xi32, #tpu.memory_space<vmem>>
        %dma_start3A_424 = arith.constant 0 : i32
        %dma_start3A_425 = arith.constant 0 : i32
        %dma_start3A_426 = tpu.memref_slice %arg6[%dma_start3A_424, %dma_start3A_425] : memref<10128x128xf32, #tpu.memory_space<vmem_shared>> -> memref<10128x128xf32, #tpu.memory_space<vmem_shared>>
        tpu.enqueue_indirect_dma source(%arg10 : memref<128x128xf32, #tpu.memory_space<vmem>>) target(%dma_start3A_426 : memref<10128x128xf32, #tpu.memory_space<vmem_shared>>) offsets(%dma_start3A_423 : memref<128xi32, #tpu.memory_space<vmem>>) semaphore(%run_scoped3A_420 : memref<!tpu.dma_semaphore, #tpu.memory_space<semaphore_mem>>) {add = true}
        %dma_wait3A_427 = arith.constant 0 : i32
        %dma_wait3A_428 = tpu.memref_slice %arg7[%run_scoped3A_254, %dma_wait3A_427] : memref<16x128xi32, #tpu.memory_space<vmem>> -> memref<1x128xi32, #tpu.memory_space<vmem>>
        %dma_wait3A_429 = tpu.memref_squeeze %dma_wait3A_428 : memref<1x128xi32, #tpu.memory_space<vmem>> -> memref<128xi32, #tpu.memory_space<vmem>>
        %dma_wait3A_430 = arith.constant 0 : i32
        %dma_wait3A_431 = arith.constant 0 : i32
        %dma_wait3A_432 = tpu.memref_slice %arg6[%dma_wait3A_430, %dma_wait3A_431] : memref<10128x128xf32, #tpu.memory_space<vmem_shared>> -> memref<10128x128xf32, #tpu.memory_space<vmem_shared>>
        tpu.wait_indirect_dma semaphore(%run_scoped3A_420 : memref<!tpu.dma_semaphore, #tpu.memory_space<semaphore_mem>>) src(%arg10 : memref<128x128xf32, #tpu.memory_space<vmem>>) dst(%dma_wait3A_432 : memref<10128x128xf32, #tpu.memory_space<vmem_shared>>)
        tpu.yield
      }) : () -> ()
      %dma_start3A_255 = arith.constant 7 : i32
      %dma_start3A_256 = arith.constant 0 : i32
      %dma_start3A_257 = tpu.memref_slice %arg7[%dma_start3A_255, %dma_start3A_256] : memref<16x128xi32, #tpu.memory_space<vmem>> -> memref<1x128xi32, #tpu.memory_space<vmem>>
      %dma_start3A_258 = tpu.memref_squeeze %dma_start3A_257 : memref<1x128xi32, #tpu.memory_space<vmem>> -> memref<128xi32, #tpu.memory_space<vmem>>
      %dma_start3A_259 = arith.constant 0 : i32
      %dma_start3A_260 = arith.constant 0 : i32
      %dma_start3A_261 = tpu.memref_slice %arg2[%dma_start3A_259, %dma_start3A_260] : memref<10000x128xf32, #tpu.memory_space<hbm>> -> memref<10000x128xf32, #tpu.memory_space<hbm>>
      tpu.enqueue_indirect_dma source(%dma_start3A_261 : memref<10000x128xf32, #tpu.memory_space<hbm>>) target(%arg10 : memref<128x128xf32, #tpu.memory_space<vmem>>) offsets(%dma_start3A_258 : memref<128xi32, #tpu.memory_space<vmem>>) semaphore(%arg13 : memref<!tpu.dma_semaphore, #tpu.memory_space<semaphore_mem>>)
      %dma_wait3A_262 = arith.constant 6 : i32
      %dma_wait3A_263 = arith.constant 0 : i32
      %dma_wait3A_264 = tpu.memref_slice %arg7[%dma_wait3A_262, %dma_wait3A_263] : memref<16x128xi32, #tpu.memory_space<vmem>> -> memref<1x128xi32, #tpu.memory_space<vmem>>
      %dma_wait3A_265 = tpu.memref_squeeze %dma_wait3A_264 : memref<1x128xi32, #tpu.memory_space<vmem>> -> memref<128xi32, #tpu.memory_space<vmem>>
      %dma_wait3A_266 = arith.constant 0 : i32
      %dma_wait3A_267 = arith.constant 0 : i32
      %dma_wait3A_268 = tpu.memref_slice %arg2[%dma_wait3A_266, %dma_wait3A_267] : memref<10000x128xf32, #tpu.memory_space<hbm>> -> memref<10000x128xf32, #tpu.memory_space<hbm>>
      tpu.wait_indirect_dma semaphore(%arg12 : memref<!tpu.dma_semaphore, #tpu.memory_space<semaphore_mem>>) src(%dma_wait3A_268 : memref<10000x128xf32, #tpu.memory_space<hbm>>) dst(%arg9 : memref<128x128xf32, #tpu.memory_space<vmem>>)
      %run_scoped3A_269 = arith.constant 14 : i32
      "tpu.region"() ({
        %run_scoped3A_420 = tpu.sem_alloc : memref<!tpu.dma_semaphore, #tpu.memory_space<semaphore_mem>>
        %dma_start3A_421 = arith.constant 0 : i32
        %dma_start3A_422 = tpu.memref_slice %arg7[%run_scoped3A_269, %dma_start3A_421] : memref<16x128xi32, #tpu.memory_space<vmem>> -> memref<1x128xi32, #tpu.memory_space<vmem>>
        %dma_start3A_423 = tpu.memref_squeeze %dma_start3A_422 : memref<1x128xi32, #tpu.memory_space<vmem>> -> memref<128xi32, #tpu.memory_space<vmem>>
        %dma_start3A_424 = arith.constant 0 : i32
        %dma_start3A_425 = arith.constant 0 : i32
        %dma_start3A_426 = tpu.memref_slice %arg6[%dma_start3A_424, %dma_start3A_425] : memref<10128x128xf32, #tpu.memory_space<vmem_shared>> -> memref<10128x128xf32, #tpu.memory_space<vmem_shared>>
        tpu.enqueue_indirect_dma source(%arg9 : memref<128x128xf32, #tpu.memory_space<vmem>>) target(%dma_start3A_426 : memref<10128x128xf32, #tpu.memory_space<vmem_shared>>) offsets(%dma_start3A_423 : memref<128xi32, #tpu.memory_space<vmem>>) semaphore(%run_scoped3A_420 : memref<!tpu.dma_semaphore, #tpu.memory_space<semaphore_mem>>) {add = true}
        %dma_wait3A_427 = arith.constant 0 : i32
        %dma_wait3A_428 = tpu.memref_slice %arg7[%run_scoped3A_269, %dma_wait3A_427] : memref<16x128xi32, #tpu.memory_space<vmem>> -> memref<1x128xi32, #tpu.memory_space<vmem>>
        %dma_wait3A_429 = tpu.memref_squeeze %dma_wait3A_428 : memref<1x128xi32, #tpu.memory_space<vmem>> -> memref<128xi32, #tpu.memory_space<vmem>>
        %dma_wait3A_430 = arith.constant 0 : i32
        %dma_wait3A_431 = arith.constant 0 : i32
        %dma_wait3A_432 = tpu.memref_slice %arg6[%dma_wait3A_430, %dma_wait3A_431] : memref<10128x128xf32, #tpu.memory_space<vmem_shared>> -> memref<10128x128xf32, #tpu.memory_space<vmem_shared>>
        tpu.wait_indirect_dma semaphore(%run_scoped3A_420 : memref<!tpu.dma_semaphore, #tpu.memory_space<semaphore_mem>>) src(%arg9 : memref<128x128xf32, #tpu.memory_space<vmem>>) dst(%dma_wait3A_432 : memref<10128x128xf32, #tpu.memory_space<vmem_shared>>)
        tpu.yield
      }) : () -> ()
      %dma_wait3A_270 = arith.constant 7 : i32
      %dma_wait3A_271 = arith.constant 0 : i32
      %dma_wait3A_272 = tpu.memref_slice %arg7[%dma_wait3A_270, %dma_wait3A_271] : memref<16x128xi32, #tpu.memory_space<vmem>> -> memref<1x128xi32, #tpu.memory_space<vmem>>
      %dma_wait3A_273 = tpu.memref_squeeze %dma_wait3A_272 : memref<1x128xi32, #tpu.memory_space<vmem>> -> memref<128xi32, #tpu.memory_space<vmem>>
      %dma_wait3A_274 = arith.constant 0 : i32
      %dma_wait3A_275 = arith.constant 0 : i32
      %dma_wait3A_276 = tpu.memref_slice %arg2[%dma_wait3A_274, %dma_wait3A_275] : memref<10000x128xf32, #tpu.memory_space<hbm>> -> memref<10000x128xf32, #tpu.memory_space<hbm>>
      tpu.wait_indirect_dma semaphore(%arg13 : memref<!tpu.dma_semaphore, #tpu.memory_space<semaphore_mem>>) src(%dma_wait3A_276 : memref<10000x128xf32, #tpu.memory_space<hbm>>) dst(%arg10 : memref<128x128xf32, #tpu.memory_space<vmem>>)
      %run_scoped3A_277 = arith.constant 15 : i32
      "tpu.region"() ({
        %run_scoped3A_420 = tpu.sem_alloc : memref<!tpu.dma_semaphore, #tpu.memory_space<semaphore_mem>>
        %dma_start3A_421 = arith.constant 0 : i32
        %dma_start3A_422 = tpu.memref_slice %arg7[%run_scoped3A_277, %dma_start3A_421] : memref<16x128xi32, #tpu.memory_space<vmem>> -> memref<1x128xi32, #tpu.memory_space<vmem>>
        %dma_start3A_423 = tpu.memref_squeeze %dma_start3A_422 : memref<1x128xi32, #tpu.memory_space<vmem>> -> memref<128xi32, #tpu.memory_space<vmem>>
        %dma_start3A_424 = arith.constant 0 : i32
        %dma_start3A_425 = arith.constant 0 : i32
        %dma_start3A_426 = tpu.memref_slice %arg6[%dma_start3A_424, %dma_start3A_425] : memref<10128x128xf32, #tpu.memory_space<vmem_shared>> -> memref<10128x128xf32, #tpu.memory_space<vmem_shared>>
        tpu.enqueue_indirect_dma source(%arg10 : memref<128x128xf32, #tpu.memory_space<vmem>>) target(%dma_start3A_426 : memref<10128x128xf32, #tpu.memory_space<vmem_shared>>) offsets(%dma_start3A_423 : memref<128xi32, #tpu.memory_space<vmem>>) semaphore(%run_scoped3A_420 : memref<!tpu.dma_semaphore, #tpu.memory_space<semaphore_mem>>) {add = true}
        %dma_wait3A_427 = arith.constant 0 : i32
        %dma_wait3A_428 = tpu.memref_slice %arg7[%run_scoped3A_277, %dma_wait3A_427] : memref<16x128xi32, #tpu.memory_space<vmem>> -> memref<1x128xi32, #tpu.memory_space<vmem>>
        %dma_wait3A_429 = tpu.memref_squeeze %dma_wait3A_428 : memref<1x128xi32, #tpu.memory_space<vmem>> -> memref<128xi32, #tpu.memory_space<vmem>>
        %dma_wait3A_430 = arith.constant 0 : i32
        %dma_wait3A_431 = arith.constant 0 : i32
        %dma_wait3A_432 = tpu.memref_slice %arg6[%dma_wait3A_430, %dma_wait3A_431] : memref<10128x128xf32, #tpu.memory_space<vmem_shared>> -> memref<10128x128xf32, #tpu.memory_space<vmem_shared>>
        tpu.wait_indirect_dma semaphore(%run_scoped3A_420 : memref<!tpu.dma_semaphore, #tpu.memory_space<semaphore_mem>>) src(%arg10 : memref<128x128xf32, #tpu.memory_space<vmem>>) dst(%dma_wait3A_432 : memref<10128x128xf32, #tpu.memory_space<vmem_shared>>)
        tpu.yield
      }) : () -> ()
      %dma_wait3A_278 = arith.constant 0 : i32
      %dma_wait3A_279 = tpu.memref_slice %arg4[%multiple_of3A_153, %dma_wait3A_278] : memref<5632x128xi32, #tpu.memory_space<hbm>> -> memref<16x128xi32, #tpu.memory_space<hbm>>
      %dma_wait3A_280 = arith.constant 0 : i32
      %dma_wait3A_281 = tpu.memref_slice %arg4[%multiple_of3A_153, %dma_wait3A_280] : memref<5632x128xi32, #tpu.memory_space<hbm>> -> memref<16x128xi32, #tpu.memory_space<hbm>>
      tpu.wait_dma2 semaphore(%arg14 : memref<!tpu.dma_semaphore, #tpu.memory_space<semaphore_mem>>) src(%dma_wait3A_281 : memref<16x128xi32, #tpu.memory_space<hbm>>) dst(%arg8 : memref<16x128xi32, #tpu.memory_space<vmem>>)
      %add3A_282 = arith.constant 1 : i32
      %add3A_283 = arith.addi %mul3A_145, %add3A_282 : i32
      %add3A_284 = arith.addi %mul3A_6, %add3A_283 : i32
      %add3A_285 = arith.constant 1 : i32
      %add3A_286 = arith.addi %add3A_284, %add3A_285 : i32
      %mul3A_287 = arith.constant 2 : i32
      %mul3A_288 = arith.muli %add3A_286, %mul3A_287 : i32
      %mul3A_289 = arith.constant 8 : i32
      %mul3A_290 = arith.muli %mul3A_288, %mul3A_289 : i32
      %multiple_of3A_291 = tpu.assume_multiple %mul3A_290, 8 : i32
      %dma_start3A_292 = arith.constant 0 : i32
      %dma_start3A_293 = tpu.memref_slice %arg4[%multiple_of3A_291, %dma_start3A_292] : memref<5632x128xi32, #tpu.memory_space<hbm>> -> memref<16x128xi32, #tpu.memory_space<hbm>>
      %dma_start3A_294 = arith.constant 0 : i32
      %dma_start3A_295 = tpu.memref_slice %arg4[%multiple_of3A_291, %dma_start3A_294] : memref<5632x128xi32, #tpu.memory_space<hbm>> -> memref<16x128xi32, #tpu.memory_space<hbm>>
      tpu.enqueue_dma source(%dma_start3A_295 : memref<16x128xi32, #tpu.memory_space<hbm>>) target(%arg7 : memref<16x128xi32, #tpu.memory_space<vmem>>) target_semaphore(%arg14 : memref<!tpu.dma_semaphore, #tpu.memory_space<semaphore_mem>>)
      %dma_start3A_296 = arith.constant 0 : i32
      %dma_start3A_297 = arith.constant 0 : i32
      %dma_start3A_298 = tpu.memref_slice %arg8[%dma_start3A_296, %dma_start3A_297] : memref<16x128xi32, #tpu.memory_space<vmem>> -> memref<1x128xi32, #tpu.memory_space<vmem>>
      %dma_start3A_299 = tpu.memref_squeeze %dma_start3A_298 : memref<1x128xi32, #tpu.memory_space<vmem>> -> memref<128xi32, #tpu.memory_space<vmem>>
      %dma_start3A_300 = arith.constant 0 : i32
      %dma_start3A_301 = arith.constant 0 : i32
      %dma_start3A_302 = tpu.memref_slice %arg2[%dma_start3A_300, %dma_start3A_301] : memref<10000x128xf32, #tpu.memory_space<hbm>> -> memref<10000x128xf32, #tpu.memory_space<hbm>>
      tpu.enqueue_indirect_dma source(%dma_start3A_302 : memref<10000x128xf32, #tpu.memory_space<hbm>>) target(%arg9 : memref<128x128xf32, #tpu.memory_space<vmem>>) offsets(%dma_start3A_299 : memref<128xi32, #tpu.memory_space<vmem>>) semaphore(%arg12 : memref<!tpu.dma_semaphore, #tpu.memory_space<semaphore_mem>>)
      %dma_start3A_303 = arith.constant 1 : i32
      %dma_start3A_304 = arith.constant 0 : i32
      %dma_start3A_305 = tpu.memref_slice %arg8[%dma_start3A_303, %dma_start3A_304] : memref<16x128xi32, #tpu.memory_space<vmem>> -> memref<1x128xi32, #tpu.memory_space<vmem>>
      %dma_start3A_306 = tpu.memref_squeeze %dma_start3A_305 : memref<1x128xi32, #tpu.memory_space<vmem>> -> memref<128xi32, #tpu.memory_space<vmem>>
      %dma_start3A_307 = arith.constant 0 : i32
      %dma_start3A_308 = arith.constant 0 : i32
      %dma_start3A_309 = tpu.memref_slice %arg2[%dma_start3A_307, %dma_start3A_308] : memref<10000x128xf32, #tpu.memory_space<hbm>> -> memref<10000x128xf32, #tpu.memory_space<hbm>>
      tpu.enqueue_indirect_dma source(%dma_start3A_309 : memref<10000x128xf32, #tpu.memory_space<hbm>>) target(%arg10 : memref<128x128xf32, #tpu.memory_space<vmem>>) offsets(%dma_start3A_306 : memref<128xi32, #tpu.memory_space<vmem>>) semaphore(%arg13 : memref<!tpu.dma_semaphore, #tpu.memory_space<semaphore_mem>>)
      %dma_wait3A_310 = arith.constant 0 : i32
      %dma_wait3A_311 = arith.constant 0 : i32
      %dma_wait3A_312 = tpu.memref_slice %arg8[%dma_wait3A_310, %dma_wait3A_311] : memref<16x128xi32, #tpu.memory_space<vmem>> -> memref<1x128xi32, #tpu.memory_space<vmem>>
      %dma_wait3A_313 = tpu.memref_squeeze %dma_wait3A_312 : memref<1x128xi32, #tpu.memory_space<vmem>> -> memref<128xi32, #tpu.memory_space<vmem>>
      %dma_wait3A_314 = arith.constant 0 : i32
      %dma_wait3A_315 = arith.constant 0 : i32
      %dma_wait3A_316 = tpu.memref_slice %arg2[%dma_wait3A_314, %dma_wait3A_315] : memref<10000x128xf32, #tpu.memory_space<hbm>> -> memref<10000x128xf32, #tpu.memory_space<hbm>>
      tpu.wait_indirect_dma semaphore(%arg12 : memref<!tpu.dma_semaphore, #tpu.memory_space<semaphore_mem>>) src(%dma_wait3A_316 : memref<10000x128xf32, #tpu.memory_space<hbm>>) dst(%arg9 : memref<128x128xf32, #tpu.memory_space<vmem>>)
      %run_scoped3A_317 = arith.constant 8 : i32
      "tpu.region"() ({
        %run_scoped3A_420 = tpu.sem_alloc : memref<!tpu.dma_semaphore, #tpu.memory_space<semaphore_mem>>
        %dma_start3A_421 = arith.constant 0 : i32
        %dma_start3A_422 = tpu.memref_slice %arg8[%run_scoped3A_317, %dma_start3A_421] : memref<16x128xi32, #tpu.memory_space<vmem>> -> memref<1x128xi32, #tpu.memory_space<vmem>>
        %dma_start3A_423 = tpu.memref_squeeze %dma_start3A_422 : memref<1x128xi32, #tpu.memory_space<vmem>> -> memref<128xi32, #tpu.memory_space<vmem>>
        %dma_start3A_424 = arith.constant 0 : i32
        %dma_start3A_425 = arith.constant 0 : i32
        %dma_start3A_426 = tpu.memref_slice %arg6[%dma_start3A_424, %dma_start3A_425] : memref<10128x128xf32, #tpu.memory_space<vmem_shared>> -> memref<10128x128xf32, #tpu.memory_space<vmem_shared>>
        tpu.enqueue_indirect_dma source(%arg9 : memref<128x128xf32, #tpu.memory_space<vmem>>) target(%dma_start3A_426 : memref<10128x128xf32, #tpu.memory_space<vmem_shared>>) offsets(%dma_start3A_423 : memref<128xi32, #tpu.memory_space<vmem>>) semaphore(%run_scoped3A_420 : memref<!tpu.dma_semaphore, #tpu.memory_space<semaphore_mem>>) {add = true}
        %dma_wait3A_427 = arith.constant 0 : i32
        %dma_wait3A_428 = tpu.memref_slice %arg8[%run_scoped3A_317, %dma_wait3A_427] : memref<16x128xi32, #tpu.memory_space<vmem>> -> memref<1x128xi32, #tpu.memory_space<vmem>>
        %dma_wait3A_429 = tpu.memref_squeeze %dma_wait3A_428 : memref<1x128xi32, #tpu.memory_space<vmem>> -> memref<128xi32, #tpu.memory_space<vmem>>
        %dma_wait3A_430 = arith.constant 0 : i32
        %dma_wait3A_431 = arith.constant 0 : i32
        %dma_wait3A_432 = tpu.memref_slice %arg6[%dma_wait3A_430, %dma_wait3A_431] : memref<10128x128xf32, #tpu.memory_space<vmem_shared>> -> memref<10128x128xf32, #tpu.memory_space<vmem_shared>>
        tpu.wait_indirect_dma semaphore(%run_scoped3A_420 : memref<!tpu.dma_semaphore, #tpu.memory_space<semaphore_mem>>) src(%arg9 : memref<128x128xf32, #tpu.memory_space<vmem>>) dst(%dma_wait3A_432 : memref<10128x128xf32, #tpu.memory_space<vmem_shared>>)
        tpu.yield
      }) : () -> ()
      %dma_start3A_318 = arith.constant 2 : i32
      %dma_start3A_319 = arith.constant 0 : i32
      %dma_start3A_320 = tpu.memref_slice %arg8[%dma_start3A_318, %dma_start3A_319] : memref<16x128xi32, #tpu.memory_space<vmem>> -> memref<1x128xi32, #tpu.memory_space<vmem>>
      %dma_start3A_321 = tpu.memref_squeeze %dma_start3A_320 : memref<1x128xi32, #tpu.memory_space<vmem>> -> memref<128xi32, #tpu.memory_space<vmem>>
      %dma_start3A_322 = arith.constant 0 : i32
      %dma_start3A_323 = arith.constant 0 : i32
      %dma_start3A_324 = tpu.memref_slice %arg2[%dma_start3A_322, %dma_start3A_323] : memref<10000x128xf32, #tpu.memory_space<hbm>> -> memref<10000x128xf32, #tpu.memory_space<hbm>>
      tpu.enqueue_indirect_dma source(%dma_start3A_324 : memref<10000x128xf32, #tpu.memory_space<hbm>>) target(%arg9 : memref<128x128xf32, #tpu.memory_space<vmem>>) offsets(%dma_start3A_321 : memref<128xi32, #tpu.memory_space<vmem>>) semaphore(%arg12 : memref<!tpu.dma_semaphore, #tpu.memory_space<semaphore_mem>>)
      %dma_wait3A_325 = arith.constant 1 : i32
      %dma_wait3A_326 = arith.constant 0 : i32
      %dma_wait3A_327 = tpu.memref_slice %arg8[%dma_wait3A_325, %dma_wait3A_326] : memref<16x128xi32, #tpu.memory_space<vmem>> -> memref<1x128xi32, #tpu.memory_space<vmem>>
      %dma_wait3A_328 = tpu.memref_squeeze %dma_wait3A_327 : memref<1x128xi32, #tpu.memory_space<vmem>> -> memref<128xi32, #tpu.memory_space<vmem>>
      %dma_wait3A_329 = arith.constant 0 : i32
      %dma_wait3A_330 = arith.constant 0 : i32
      %dma_wait3A_331 = tpu.memref_slice %arg2[%dma_wait3A_329, %dma_wait3A_330] : memref<10000x128xf32, #tpu.memory_space<hbm>> -> memref<10000x128xf32, #tpu.memory_space<hbm>>
      tpu.wait_indirect_dma semaphore(%arg13 : memref<!tpu.dma_semaphore, #tpu.memory_space<semaphore_mem>>) src(%dma_wait3A_331 : memref<10000x128xf32, #tpu.memory_space<hbm>>) dst(%arg10 : memref<128x128xf32, #tpu.memory_space<vmem>>)
      %run_scoped3A_332 = arith.constant 9 : i32
      "tpu.region"() ({
        %run_scoped3A_420 = tpu.sem_alloc : memref<!tpu.dma_semaphore, #tpu.memory_space<semaphore_mem>>
        %dma_start3A_421 = arith.constant 0 : i32
        %dma_start3A_422 = tpu.memref_slice %arg8[%run_scoped3A_332, %dma_start3A_421] : memref<16x128xi32, #tpu.memory_space<vmem>> -> memref<1x128xi32, #tpu.memory_space<vmem>>
        %dma_start3A_423 = tpu.memref_squeeze %dma_start3A_422 : memref<1x128xi32, #tpu.memory_space<vmem>> -> memref<128xi32, #tpu.memory_space<vmem>>
        %dma_start3A_424 = arith.constant 0 : i32
        %dma_start3A_425 = arith.constant 0 : i32
        %dma_start3A_426 = tpu.memref_slice %arg6[%dma_start3A_424, %dma_start3A_425] : memref<10128x128xf32, #tpu.memory_space<vmem_shared>> -> memref<10128x128xf32, #tpu.memory_space<vmem_shared>>
        tpu.enqueue_indirect_dma source(%arg10 : memref<128x128xf32, #tpu.memory_space<vmem>>) target(%dma_start3A_426 : memref<10128x128xf32, #tpu.memory_space<vmem_shared>>) offsets(%dma_start3A_423 : memref<128xi32, #tpu.memory_space<vmem>>) semaphore(%run_scoped3A_420 : memref<!tpu.dma_semaphore, #tpu.memory_space<semaphore_mem>>) {add = true}
        %dma_wait3A_427 = arith.constant 0 : i32
        %dma_wait3A_428 = tpu.memref_slice %arg8[%run_scoped3A_332, %dma_wait3A_427] : memref<16x128xi32, #tpu.memory_space<vmem>> -> memref<1x128xi32, #tpu.memory_space<vmem>>
        %dma_wait3A_429 = tpu.memref_squeeze %dma_wait3A_428 : memref<1x128xi32, #tpu.memory_space<vmem>> -> memref<128xi32, #tpu.memory_space<vmem>>
        %dma_wait3A_430 = arith.constant 0 : i32
        %dma_wait3A_431 = arith.constant 0 : i32
        %dma_wait3A_432 = tpu.memref_slice %arg6[%dma_wait3A_430, %dma_wait3A_431] : memref<10128x128xf32, #tpu.memory_space<vmem_shared>> -> memref<10128x128xf32, #tpu.memory_space<vmem_shared>>
        tpu.wait_indirect_dma semaphore(%run_scoped3A_420 : memref<!tpu.dma_semaphore, #tpu.memory_space<semaphore_mem>>) src(%arg10 : memref<128x128xf32, #tpu.memory_space<vmem>>) dst(%dma_wait3A_432 : memref<10128x128xf32, #tpu.memory_space<vmem_shared>>)
        tpu.yield
      }) : () -> ()
      %dma_start3A_333 = arith.constant 3 : i32
      %dma_start3A_334 = arith.constant 0 : i32
      %dma_start3A_335 = tpu.memref_slice %arg8[%dma_start3A_333, %dma_start3A_334] : memref<16x128xi32, #tpu.memory_space<vmem>> -> memref<1x128xi32, #tpu.memory_space<vmem>>
      %dma_start3A_336 = tpu.memref_squeeze %dma_start3A_335 : memref<1x128xi32, #tpu.memory_space<vmem>> -> memref<128xi32, #tpu.memory_space<vmem>>
      %dma_start3A_337 = arith.constant 0 : i32
      %dma_start3A_338 = arith.constant 0 : i32
      %dma_start3A_339 = tpu.memref_slice %arg2[%dma_start3A_337, %dma_start3A_338] : memref<10000x128xf32, #tpu.memory_space<hbm>> -> memref<10000x128xf32, #tpu.memory_space<hbm>>
      tpu.enqueue_indirect_dma source(%dma_start3A_339 : memref<10000x128xf32, #tpu.memory_space<hbm>>) target(%arg10 : memref<128x128xf32, #tpu.memory_space<vmem>>) offsets(%dma_start3A_336 : memref<128xi32, #tpu.memory_space<vmem>>) semaphore(%arg13 : memref<!tpu.dma_semaphore, #tpu.memory_space<semaphore_mem>>)
      %dma_wait3A_340 = arith.constant 2 : i32
      %dma_wait3A_341 = arith.constant 0 : i32
      %dma_wait3A_342 = tpu.memref_slice %arg8[%dma_wait3A_340, %dma_wait3A_341] : memref<16x128xi32, #tpu.memory_space<vmem>> -> memref<1x128xi32, #tpu.memory_space<vmem>>
      %dma_wait3A_343 = tpu.memref_squeeze %dma_wait3A_342 : memref<1x128xi32, #tpu.memory_space<vmem>> -> memref<128xi32, #tpu.memory_space<vmem>>
      %dma_wait3A_344 = arith.constant 0 : i32
      %dma_wait3A_345 = arith.constant 0 : i32
      %dma_wait3A_346 = tpu.memref_slice %arg2[%dma_wait3A_344, %dma_wait3A_345] : memref<10000x128xf32, #tpu.memory_space<hbm>> -> memref<10000x128xf32, #tpu.memory_space<hbm>>
      tpu.wait_indirect_dma semaphore(%arg12 : memref<!tpu.dma_semaphore, #tpu.memory_space<semaphore_mem>>) src(%dma_wait3A_346 : memref<10000x128xf32, #tpu.memory_space<hbm>>) dst(%arg9 : memref<128x128xf32, #tpu.memory_space<vmem>>)
      %run_scoped3A_347 = arith.constant 10 : i32
      "tpu.region"() ({
        %run_scoped3A_420 = tpu.sem_alloc : memref<!tpu.dma_semaphore, #tpu.memory_space<semaphore_mem>>
        %dma_start3A_421 = arith.constant 0 : i32
        %dma_start3A_422 = tpu.memref_slice %arg8[%run_scoped3A_347, %dma_start3A_421] : memref<16x128xi32, #tpu.memory_space<vmem>> -> memref<1x128xi32, #tpu.memory_space<vmem>>
        %dma_start3A_423 = tpu.memref_squeeze %dma_start3A_422 : memref<1x128xi32, #tpu.memory_space<vmem>> -> memref<128xi32, #tpu.memory_space<vmem>>
        %dma_start3A_424 = arith.constant 0 : i32
        %dma_start3A_425 = arith.constant 0 : i32
        %dma_start3A_426 = tpu.memref_slice %arg6[%dma_start3A_424, %dma_start3A_425] : memref<10128x128xf32, #tpu.memory_space<vmem_shared>> -> memref<10128x128xf32, #tpu.memory_space<vmem_shared>>
        tpu.enqueue_indirect_dma source(%arg9 : memref<128x128xf32, #tpu.memory_space<vmem>>) target(%dma_start3A_426 : memref<10128x128xf32, #tpu.memory_space<vmem_shared>>) offsets(%dma_start3A_423 : memref<128xi32, #tpu.memory_space<vmem>>) semaphore(%run_scoped3A_420 : memref<!tpu.dma_semaphore, #tpu.memory_space<semaphore_mem>>) {add = true}
        %dma_wait3A_427 = arith.constant 0 : i32
        %dma_wait3A_428 = tpu.memref_slice %arg8[%run_scoped3A_347, %dma_wait3A_427] : memref<16x128xi32, #tpu.memory_space<vmem>> -> memref<1x128xi32, #tpu.memory_space<vmem>>
        %dma_wait3A_429 = tpu.memref_squeeze %dma_wait3A_428 : memref<1x128xi32, #tpu.memory_space<vmem>> -> memref<128xi32, #tpu.memory_space<vmem>>
        %dma_wait3A_430 = arith.constant 0 : i32
        %dma_wait3A_431 = arith.constant 0 : i32
        %dma_wait3A_432 = tpu.memref_slice %arg6[%dma_wait3A_430, %dma_wait3A_431] : memref<10128x128xf32, #tpu.memory_space<vmem_shared>> -> memref<10128x128xf32, #tpu.memory_space<vmem_shared>>
        tpu.wait_indirect_dma semaphore(%run_scoped3A_420 : memref<!tpu.dma_semaphore, #tpu.memory_space<semaphore_mem>>) src(%arg9 : memref<128x128xf32, #tpu.memory_space<vmem>>) dst(%dma_wait3A_432 : memref<10128x128xf32, #tpu.memory_space<vmem_shared>>)
        tpu.yield
      }) : () -> ()
      %dma_start3A_348 = arith.constant 4 : i32
      %dma_start3A_349 = arith.constant 0 : i32
      %dma_start3A_350 = tpu.memref_slice %arg8[%dma_start3A_348, %dma_start3A_349] : memref<16x128xi32, #tpu.memory_space<vmem>> -> memref<1x128xi32, #tpu.memory_space<vmem>>
      %dma_start3A_351 = tpu.memref_squeeze %dma_start3A_350 : memref<1x128xi32, #tpu.memory_space<vmem>> -> memref<128xi32, #tpu.memory_space<vmem>>
      %dma_start3A_352 = arith.constant 0 : i32
      %dma_start3A_353 = arith.constant 0 : i32
      %dma_start3A_354 = tpu.memref_slice %arg2[%dma_start3A_352, %dma_start3A_353] : memref<10000x128xf32, #tpu.memory_space<hbm>> -> memref<10000x128xf32, #tpu.memory_space<hbm>>
      tpu.enqueue_indirect_dma source(%dma_start3A_354 : memref<10000x128xf32, #tpu.memory_space<hbm>>) target(%arg9 : memref<128x128xf32, #tpu.memory_space<vmem>>) offsets(%dma_start3A_351 : memref<128xi32, #tpu.memory_space<vmem>>) semaphore(%arg12 : memref<!tpu.dma_semaphore, #tpu.memory_space<semaphore_mem>>)
      %dma_wait3A_355 = arith.constant 3 : i32
      %dma_wait3A_356 = arith.constant 0 : i32
      %dma_wait3A_357 = tpu.memref_slice %arg8[%dma_wait3A_355, %dma_wait3A_356] : memref<16x128xi32, #tpu.memory_space<vmem>> -> memref<1x128xi32, #tpu.memory_space<vmem>>
      %dma_wait3A_358 = tpu.memref_squeeze %dma_wait3A_357 : memref<1x128xi32, #tpu.memory_space<vmem>> -> memref<128xi32, #tpu.memory_space<vmem>>
      %dma_wait3A_359 = arith.constant 0 : i32
      %dma_wait3A_360 = arith.constant 0 : i32
      %dma_wait3A_361 = tpu.memref_slice %arg2[%dma_wait3A_359, %dma_wait3A_360] : memref<10000x128xf32, #tpu.memory_space<hbm>> -> memref<10000x128xf32, #tpu.memory_space<hbm>>
      tpu.wait_indirect_dma semaphore(%arg13 : memref<!tpu.dma_semaphore, #tpu.memory_space<semaphore_mem>>) src(%dma_wait3A_361 : memref<10000x128xf32, #tpu.memory_space<hbm>>) dst(%arg10 : memref<128x128xf32, #tpu.memory_space<vmem>>)
      %run_scoped3A_362 = arith.constant 11 : i32
      "tpu.region"() ({
        %run_scoped3A_420 = tpu.sem_alloc : memref<!tpu.dma_semaphore, #tpu.memory_space<semaphore_mem>>
        %dma_start3A_421 = arith.constant 0 : i32
        %dma_start3A_422 = tpu.memref_slice %arg8[%run_scoped3A_362, %dma_start3A_421] : memref<16x128xi32, #tpu.memory_space<vmem>> -> memref<1x128xi32, #tpu.memory_space<vmem>>
        %dma_start3A_423 = tpu.memref_squeeze %dma_start3A_422 : memref<1x128xi32, #tpu.memory_space<vmem>> -> memref<128xi32, #tpu.memory_space<vmem>>
        %dma_start3A_424 = arith.constant 0 : i32
        %dma_start3A_425 = arith.constant 0 : i32
        %dma_start3A_426 = tpu.memref_slice %arg6[%dma_start3A_424, %dma_start3A_425] : memref<10128x128xf32, #tpu.memory_space<vmem_shared>> -> memref<10128x128xf32, #tpu.memory_space<vmem_shared>>
        tpu.enqueue_indirect_dma source(%arg10 : memref<128x128xf32, #tpu.memory_space<vmem>>) target(%dma_start3A_426 : memref<10128x128xf32, #tpu.memory_space<vmem_shared>>) offsets(%dma_start3A_423 : memref<128xi32, #tpu.memory_space<vmem>>) semaphore(%run_scoped3A_420 : memref<!tpu.dma_semaphore, #tpu.memory_space<semaphore_mem>>) {add = true}
        %dma_wait3A_427 = arith.constant 0 : i32
        %dma_wait3A_428 = tpu.memref_slice %arg8[%run_scoped3A_362, %dma_wait3A_427] : memref<16x128xi32, #tpu.memory_space<vmem>> -> memref<1x128xi32, #tpu.memory_space<vmem>>
        %dma_wait3A_429 = tpu.memref_squeeze %dma_wait3A_428 : memref<1x128xi32, #tpu.memory_space<vmem>> -> memref<128xi32, #tpu.memory_space<vmem>>
        %dma_wait3A_430 = arith.constant 0 : i32
        %dma_wait3A_431 = arith.constant 0 : i32
        %dma_wait3A_432 = tpu.memref_slice %arg6[%dma_wait3A_430, %dma_wait3A_431] : memref<10128x128xf32, #tpu.memory_space<vmem_shared>> -> memref<10128x128xf32, #tpu.memory_space<vmem_shared>>
        tpu.wait_indirect_dma semaphore(%run_scoped3A_420 : memref<!tpu.dma_semaphore, #tpu.memory_space<semaphore_mem>>) src(%arg10 : memref<128x128xf32, #tpu.memory_space<vmem>>) dst(%dma_wait3A_432 : memref<10128x128xf32, #tpu.memory_space<vmem_shared>>)
        tpu.yield
      }) : () -> ()
      %dma_start3A_363 = arith.constant 5 : i32
      %dma_start3A_364 = arith.constant 0 : i32
      %dma_start3A_365 = tpu.memref_slice %arg8[%dma_start3A_363, %dma_start3A_364] : memref<16x128xi32, #tpu.memory_space<vmem>> -> memref<1x128xi32, #tpu.memory_space<vmem>>
      %dma_start3A_366 = tpu.memref_squeeze %dma_start3A_365 : memref<1x128xi32, #tpu.memory_space<vmem>> -> memref<128xi32, #tpu.memory_space<vmem>>
      %dma_start3A_367 = arith.constant 0 : i32
      %dma_start3A_368 = arith.constant 0 : i32
      %dma_start3A_369 = tpu.memref_slice %arg2[%dma_start3A_367, %dma_start3A_368] : memref<10000x128xf32, #tpu.memory_space<hbm>> -> memref<10000x128xf32, #tpu.memory_space<hbm>>
      tpu.enqueue_indirect_dma source(%dma_start3A_369 : memref<10000x128xf32, #tpu.memory_space<hbm>>) target(%arg10 : memref<128x128xf32, #tpu.memory_space<vmem>>) offsets(%dma_start3A_366 : memref<128xi32, #tpu.memory_space<vmem>>) semaphore(%arg13 : memref<!tpu.dma_semaphore, #tpu.memory_space<semaphore_mem>>)
      %dma_wait3A_370 = arith.constant 4 : i32
      %dma_wait3A_371 = arith.constant 0 : i32
      %dma_wait3A_372 = tpu.memref_slice %arg8[%dma_wait3A_370, %dma_wait3A_371] : memref<16x128xi32, #tpu.memory_space<vmem>> -> memref<1x128xi32, #tpu.memory_space<vmem>>
      %dma_wait3A_373 = tpu.memref_squeeze %dma_wait3A_372 : memref<1x128xi32, #tpu.memory_space<vmem>> -> memref<128xi32, #tpu.memory_space<vmem>>
      %dma_wait3A_374 = arith.constant 0 : i32
      %dma_wait3A_375 = arith.constant 0 : i32
      %dma_wait3A_376 = tpu.memref_slice %arg2[%dma_wait3A_374, %dma_wait3A_375] : memref<10000x128xf32, #tpu.memory_space<hbm>> -> memref<10000x128xf32, #tpu.memory_space<hbm>>
      tpu.wait_indirect_dma semaphore(%arg12 : memref<!tpu.dma_semaphore, #tpu.memory_space<semaphore_mem>>) src(%dma_wait3A_376 : memref<10000x128xf32, #tpu.memory_space<hbm>>) dst(%arg9 : memref<128x128xf32, #tpu.memory_space<vmem>>)
      %run_scoped3A_377 = arith.constant 12 : i32
      "tpu.region"() ({
        %run_scoped3A_420 = tpu.sem_alloc : memref<!tpu.dma_semaphore, #tpu.memory_space<semaphore_mem>>
        %dma_start3A_421 = arith.constant 0 : i32
        %dma_start3A_422 = tpu.memref_slice %arg8[%run_scoped3A_377, %dma_start3A_421] : memref<16x128xi32, #tpu.memory_space<vmem>> -> memref<1x128xi32, #tpu.memory_space<vmem>>
        %dma_start3A_423 = tpu.memref_squeeze %dma_start3A_422 : memref<1x128xi32, #tpu.memory_space<vmem>> -> memref<128xi32, #tpu.memory_space<vmem>>
        %dma_start3A_424 = arith.constant 0 : i32
        %dma_start3A_425 = arith.constant 0 : i32
        %dma_start3A_426 = tpu.memref_slice %arg6[%dma_start3A_424, %dma_start3A_425] : memref<10128x128xf32, #tpu.memory_space<vmem_shared>> -> memref<10128x128xf32, #tpu.memory_space<vmem_shared>>
        tpu.enqueue_indirect_dma source(%arg9 : memref<128x128xf32, #tpu.memory_space<vmem>>) target(%dma_start3A_426 : memref<10128x128xf32, #tpu.memory_space<vmem_shared>>) offsets(%dma_start3A_423 : memref<128xi32, #tpu.memory_space<vmem>>) semaphore(%run_scoped3A_420 : memref<!tpu.dma_semaphore, #tpu.memory_space<semaphore_mem>>) {add = true}
        %dma_wait3A_427 = arith.constant 0 : i32
        %dma_wait3A_428 = tpu.memref_slice %arg8[%run_scoped3A_377, %dma_wait3A_427] : memref<16x128xi32, #tpu.memory_space<vmem>> -> memref<1x128xi32, #tpu.memory_space<vmem>>
        %dma_wait3A_429 = tpu.memref_squeeze %dma_wait3A_428 : memref<1x128xi32, #tpu.memory_space<vmem>> -> memref<128xi32, #tpu.memory_space<vmem>>
        %dma_wait3A_430 = arith.constant 0 : i32
        %dma_wait3A_431 = arith.constant 0 : i32
        %dma_wait3A_432 = tpu.memref_slice %arg6[%dma_wait3A_430, %dma_wait3A_431] : memref<10128x128xf32, #tpu.memory_space<vmem_shared>> -> memref<10128x128xf32, #tpu.memory_space<vmem_shared>>
        tpu.wait_indirect_dma semaphore(%run_scoped3A_420 : memref<!tpu.dma_semaphore, #tpu.memory_space<semaphore_mem>>) src(%arg9 : memref<128x128xf32, #tpu.memory_space<vmem>>) dst(%dma_wait3A_432 : memref<10128x128xf32, #tpu.memory_space<vmem_shared>>)
        tpu.yield
      }) : () -> ()
      %dma_start3A_378 = arith.constant 6 : i32
      %dma_start3A_379 = arith.constant 0 : i32
      %dma_start3A_380 = tpu.memref_slice %arg8[%dma_start3A_378, %dma_start3A_379] : memref<16x128xi32, #tpu.memory_space<vmem>> -> memref<1x128xi32, #tpu.memory_space<vmem>>
      %dma_start3A_381 = tpu.memref_squeeze %dma_start3A_380 : memref<1x128xi32, #tpu.memory_space<vmem>> -> memref<128xi32, #tpu.memory_space<vmem>>
      %dma_start3A_382 = arith.constant 0 : i32
      %dma_start3A_383 = arith.constant 0 : i32
      %dma_start3A_384 = tpu.memref_slice %arg2[%dma_start3A_382, %dma_start3A_383] : memref<10000x128xf32, #tpu.memory_space<hbm>> -> memref<10000x128xf32, #tpu.memory_space<hbm>>
      tpu.enqueue_indirect_dma source(%dma_start3A_384 : memref<10000x128xf32, #tpu.memory_space<hbm>>) target(%arg9 : memref<128x128xf32, #tpu.memory_space<vmem>>) offsets(%dma_start3A_381 : memref<128xi32, #tpu.memory_space<vmem>>) semaphore(%arg12 : memref<!tpu.dma_semaphore, #tpu.memory_space<semaphore_mem>>)
      %dma_wait3A_385 = arith.constant 5 : i32
      %dma_wait3A_386 = arith.constant 0 : i32
      %dma_wait3A_387 = tpu.memref_slice %arg8[%dma_wait3A_385, %dma_wait3A_386] : memref<16x128xi32, #tpu.memory_space<vmem>> -> memref<1x128xi32, #tpu.memory_space<vmem>>
      %dma_wait3A_388 = tpu.memref_squeeze %dma_wait3A_387 : memref<1x128xi32, #tpu.memory_space<vmem>> -> memref<128xi32, #tpu.memory_space<vmem>>
      %dma_wait3A_389 = arith.constant 0 : i32
      %dma_wait3A_390 = arith.constant 0 : i32
      %dma_wait3A_391 = tpu.memref_slice %arg2[%dma_wait3A_389, %dma_wait3A_390] : memref<10000x128xf32, #tpu.memory_space<hbm>> -> memref<10000x128xf32, #tpu.memory_space<hbm>>
      tpu.wait_indirect_dma semaphore(%arg13 : memref<!tpu.dma_semaphore, #tpu.memory_space<semaphore_mem>>) src(%dma_wait3A_391 : memref<10000x128xf32, #tpu.memory_space<hbm>>) dst(%arg10 : memref<128x128xf32, #tpu.memory_space<vmem>>)
      %run_scoped3A_392 = arith.constant 13 : i32
      "tpu.region"() ({
        %run_scoped3A_420 = tpu.sem_alloc : memref<!tpu.dma_semaphore, #tpu.memory_space<semaphore_mem>>
        %dma_start3A_421 = arith.constant 0 : i32
        %dma_start3A_422 = tpu.memref_slice %arg8[%run_scoped3A_392, %dma_start3A_421] : memref<16x128xi32, #tpu.memory_space<vmem>> -> memref<1x128xi32, #tpu.memory_space<vmem>>
        %dma_start3A_423 = tpu.memref_squeeze %dma_start3A_422 : memref<1x128xi32, #tpu.memory_space<vmem>> -> memref<128xi32, #tpu.memory_space<vmem>>
        %dma_start3A_424 = arith.constant 0 : i32
        %dma_start3A_425 = arith.constant 0 : i32
        %dma_start3A_426 = tpu.memref_slice %arg6[%dma_start3A_424, %dma_start3A_425] : memref<10128x128xf32, #tpu.memory_space<vmem_shared>> -> memref<10128x128xf32, #tpu.memory_space<vmem_shared>>
        tpu.enqueue_indirect_dma source(%arg10 : memref<128x128xf32, #tpu.memory_space<vmem>>) target(%dma_start3A_426 : memref<10128x128xf32, #tpu.memory_space<vmem_shared>>) offsets(%dma_start3A_423 : memref<128xi32, #tpu.memory_space<vmem>>) semaphore(%run_scoped3A_420 : memref<!tpu.dma_semaphore, #tpu.memory_space<semaphore_mem>>) {add = true}
        %dma_wait3A_427 = arith.constant 0 : i32
        %dma_wait3A_428 = tpu.memref_slice %arg8[%run_scoped3A_392, %dma_wait3A_427] : memref<16x128xi32, #tpu.memory_space<vmem>> -> memref<1x128xi32, #tpu.memory_space<vmem>>
        %dma_wait3A_429 = tpu.memref_squeeze %dma_wait3A_428 : memref<1x128xi32, #tpu.memory_space<vmem>> -> memref<128xi32, #tpu.memory_space<vmem>>
        %dma_wait3A_430 = arith.constant 0 : i32
        %dma_wait3A_431 = arith.constant 0 : i32
        %dma_wait3A_432 = tpu.memref_slice %arg6[%dma_wait3A_430, %dma_wait3A_431] : memref<10128x128xf32, #tpu.memory_space<vmem_shared>> -> memref<10128x128xf32, #tpu.memory_space<vmem_shared>>
        tpu.wait_indirect_dma semaphore(%run_scoped3A_420 : memref<!tpu.dma_semaphore, #tpu.memory_space<semaphore_mem>>) src(%arg10 : memref<128x128xf32, #tpu.memory_space<vmem>>) dst(%dma_wait3A_432 : memref<10128x128xf32, #tpu.memory_space<vmem_shared>>)
        tpu.yield
      }) : () -> ()
      %dma_start3A_393 = arith.constant 7 : i32
      %dma_start3A_394 = arith.constant 0 : i32
      %dma_start3A_395 = tpu.memref_slice %arg8[%dma_start3A_393, %dma_start3A_394] : memref<16x128xi32, #tpu.memory_space<vmem>> -> memref<1x128xi32, #tpu.memory_space<vmem>>
      %dma_start3A_396 = tpu.memref_squeeze %dma_start3A_395 : memref<1x128xi32, #tpu.memory_space<vmem>> -> memref<128xi32, #tpu.memory_space<vmem>>
      %dma_start3A_397 = arith.constant 0 : i32
      %dma_start3A_398 = arith.constant 0 : i32
      %dma_start3A_399 = tpu.memref_slice %arg2[%dma_start3A_397, %dma_start3A_398] : memref<10000x128xf32, #tpu.memory_space<hbm>> -> memref<10000x128xf32, #tpu.memory_space<hbm>>
      tpu.enqueue_indirect_dma source(%dma_start3A_399 : memref<10000x128xf32, #tpu.memory_space<hbm>>) target(%arg10 : memref<128x128xf32, #tpu.memory_space<vmem>>) offsets(%dma_start3A_396 : memref<128xi32, #tpu.memory_space<vmem>>) semaphore(%arg13 : memref<!tpu.dma_semaphore, #tpu.memory_space<semaphore_mem>>)
      %dma_wait3A_400 = arith.constant 6 : i32
      %dma_wait3A_401 = arith.constant 0 : i32
      %dma_wait3A_402 = tpu.memref_slice %arg8[%dma_wait3A_400, %dma_wait3A_401] : memref<16x128xi32, #tpu.memory_space<vmem>> -> memref<1x128xi32, #tpu.memory_space<vmem>>
      %dma_wait3A_403 = tpu.memref_squeeze %dma_wait3A_402 : memref<1x128xi32, #tpu.memory_space<vmem>> -> memref<128xi32, #tpu.memory_space<vmem>>
      %dma_wait3A_404 = arith.constant 0 : i32
      %dma_wait3A_405 = arith.constant 0 : i32
      %dma_wait3A_406 = tpu.memref_slice %arg2[%dma_wait3A_404, %dma_wait3A_405] : memref<10000x128xf32, #tpu.memory_space<hbm>> -> memref<10000x128xf32, #tpu.memory_space<hbm>>
      tpu.wait_indirect_dma semaphore(%arg12 : memref<!tpu.dma_semaphore, #tpu.memory_space<semaphore_mem>>) src(%dma_wait3A_406 : memref<10000x128xf32, #tpu.memory_space<hbm>>) dst(%arg9 : memref<128x128xf32, #tpu.memory_space<vmem>>)
      %run_scoped3A_407 = arith.constant 14 : i32
      "tpu.region"() ({
        %run_scoped3A_420 = tpu.sem_alloc : memref<!tpu.dma_semaphore, #tpu.memory_space<semaphore_mem>>
        %dma_start3A_421 = arith.constant 0 : i32
        %dma_start3A_422 = tpu.memref_slice %arg8[%run_scoped3A_407, %dma_start3A_421] : memref<16x128xi32, #tpu.memory_space<vmem>> -> memref<1x128xi32, #tpu.memory_space<vmem>>
        %dma_start3A_423 = tpu.memref_squeeze %dma_start3A_422 : memref<1x128xi32, #tpu.memory_space<vmem>> -> memref<128xi32, #tpu.memory_space<vmem>>
        %dma_start3A_424 = arith.constant 0 : i32
        %dma_start3A_425 = arith.constant 0 : i32
        %dma_start3A_426 = tpu.memref_slice %arg6[%dma_start3A_424, %dma_start3A_425] : memref<10128x128xf32, #tpu.memory_space<vmem_shared>> -> memref<10128x128xf32, #tpu.memory_space<vmem_shared>>
        tpu.enqueue_indirect_dma source(%arg9 : memref<128x128xf32, #tpu.memory_space<vmem>>) target(%dma_start3A_426 : memref<10128x128xf32, #tpu.memory_space<vmem_shared>>) offsets(%dma_start3A_423 : memref<128xi32, #tpu.memory_space<vmem>>) semaphore(%run_scoped3A_420 : memref<!tpu.dma_semaphore, #tpu.memory_space<semaphore_mem>>) {add = true}
        %dma_wait3A_427 = arith.constant 0 : i32
        %dma_wait3A_428 = tpu.memref_slice %arg8[%run_scoped3A_407, %dma_wait3A_427] : memref<16x128xi32, #tpu.memory_space<vmem>> -> memref<1x128xi32, #tpu.memory_space<vmem>>
        %dma_wait3A_429 = tpu.memref_squeeze %dma_wait3A_428 : memref<1x128xi32, #tpu.memory_space<vmem>> -> memref<128xi32, #tpu.memory_space<vmem>>
        %dma_wait3A_430 = arith.constant 0 : i32
        %dma_wait3A_431 = arith.constant 0 : i32
        %dma_wait3A_432 = tpu.memref_slice %arg6[%dma_wait3A_430, %dma_wait3A_431] : memref<10128x128xf32, #tpu.memory_space<vmem_shared>> -> memref<10128x128xf32, #tpu.memory_space<vmem_shared>>
        tpu.wait_indirect_dma semaphore(%run_scoped3A_420 : memref<!tpu.dma_semaphore, #tpu.memory_space<semaphore_mem>>) src(%arg9 : memref<128x128xf32, #tpu.memory_space<vmem>>) dst(%dma_wait3A_432 : memref<10128x128xf32, #tpu.memory_space<vmem_shared>>)
        tpu.yield
      }) : () -> ()
      %dma_wait3A_408 = arith.constant 7 : i32
      %dma_wait3A_409 = arith.constant 0 : i32
      %dma_wait3A_410 = tpu.memref_slice %arg8[%dma_wait3A_408, %dma_wait3A_409] : memref<16x128xi32, #tpu.memory_space<vmem>> -> memref<1x128xi32, #tpu.memory_space<vmem>>
      %dma_wait3A_411 = tpu.memref_squeeze %dma_wait3A_410 : memref<1x128xi32, #tpu.memory_space<vmem>> -> memref<128xi32, #tpu.memory_space<vmem>>
      %dma_wait3A_412 = arith.constant 0 : i32
      %dma_wait3A_413 = arith.constant 0 : i32
      %dma_wait3A_414 = tpu.memref_slice %arg2[%dma_wait3A_412, %dma_wait3A_413] : memref<10000x128xf32, #tpu.memory_space<hbm>> -> memref<10000x128xf32, #tpu.memory_space<hbm>>
      tpu.wait_indirect_dma semaphore(%arg13 : memref<!tpu.dma_semaphore, #tpu.memory_space<semaphore_mem>>) src(%dma_wait3A_414 : memref<10000x128xf32, #tpu.memory_space<hbm>>) dst(%arg10 : memref<128x128xf32, #tpu.memory_space<vmem>>)
      %run_scoped3A_415 = arith.constant 15 : i32
      "tpu.region"() ({
        %run_scoped3A_420 = tpu.sem_alloc : memref<!tpu.dma_semaphore, #tpu.memory_space<semaphore_mem>>
        %dma_start3A_421 = arith.constant 0 : i32
        %dma_start3A_422 = tpu.memref_slice %arg8[%run_scoped3A_415, %dma_start3A_421] : memref<16x128xi32, #tpu.memory_space<vmem>> -> memref<1x128xi32, #tpu.memory_space<vmem>>
        %dma_start3A_423 = tpu.memref_squeeze %dma_start3A_422 : memref<1x128xi32, #tpu.memory_space<vmem>> -> memref<128xi32, #tpu.memory_space<vmem>>
        %dma_start3A_424 = arith.constant 0 : i32
        %dma_start3A_425 = arith.constant 0 : i32
        %dma_start3A_426 = tpu.memref_slice %arg6[%dma_start3A_424, %dma_start3A_425] : memref<10128x128xf32, #tpu.memory_space<vmem_shared>> -> memref<10128x128xf32, #tpu.memory_space<vmem_shared>>
        tpu.enqueue_indirect_dma source(%arg10 : memref<128x128xf32, #tpu.memory_space<vmem>>) target(%dma_start3A_426 : memref<10128x128xf32, #tpu.memory_space<vmem_shared>>) offsets(%dma_start3A_423 : memref<128xi32, #tpu.memory_space<vmem>>) semaphore(%run_scoped3A_420 : memref<!tpu.dma_semaphore, #tpu.memory_space<semaphore_mem>>) {add = true}
        %dma_wait3A_427 = arith.constant 0 : i32
        %dma_wait3A_428 = tpu.memref_slice %arg8[%run_scoped3A_415, %dma_wait3A_427] : memref<16x128xi32, #tpu.memory_space<vmem>> -> memref<1x128xi32, #tpu.memory_space<vmem>>
        %dma_wait3A_429 = tpu.memref_squeeze %dma_wait3A_428 : memref<1x128xi32, #tpu.memory_space<vmem>> -> memref<128xi32, #tpu.memory_space<vmem>>
        %dma_wait3A_430 = arith.constant 0 : i32
        %dma_wait3A_431 = arith.constant 0 : i32
        %dma_wait3A_432 = tpu.memref_slice %arg6[%dma_wait3A_430, %dma_wait3A_431] : memref<10128x128xf32, #tpu.memory_space<vmem_shared>> -> memref<10128x128xf32, #tpu.memory_space<vmem_shared>>
        tpu.wait_indirect_dma semaphore(%run_scoped3A_420 : memref<!tpu.dma_semaphore, #tpu.memory_space<semaphore_mem>>) src(%arg10 : memref<128x128xf32, #tpu.memory_space<vmem>>) dst(%dma_wait3A_432 : memref<10128x128xf32, #tpu.memory_space<vmem_shared>>)
        tpu.yield
      }) : () -> ()
      %dma_wait3A_416 = arith.constant 0 : i32
      %dma_wait3A_417 = tpu.memref_slice %arg4[%multiple_of3A_291, %dma_wait3A_416] : memref<5632x128xi32, #tpu.memory_space<hbm>> -> memref<16x128xi32, #tpu.memory_space<hbm>>
      %dma_wait3A_418 = arith.constant 0 : i32
      %dma_wait3A_419 = tpu.memref_slice %arg4[%multiple_of3A_291, %dma_wait3A_418] : memref<5632x128xi32, #tpu.memory_space<hbm>> -> memref<16x128xi32, #tpu.memory_space<hbm>>
      tpu.wait_dma2 semaphore(%arg14 : memref<!tpu.dma_semaphore, #tpu.memory_space<semaphore_mem>>) src(%dma_wait3A_419 : memref<16x128xi32, #tpu.memory_space<hbm>>) dst(%arg7 : memref<16x128xi32, #tpu.memory_space<vmem>>)
    }
    %scan3A_15 = arith.constant 5 : i32
    %dma_start3A = arith.constant 0 : i32
    %dma_start3A_16 = arith.constant 0 : i32
    %dma_start3A_17 = tpu.memref_slice %arg7[%dma_start3A, %dma_start3A_16] : memref<16x128xi32, #tpu.memory_space<vmem>> -> memref<1x128xi32, #tpu.memory_space<vmem>>
    %dma_start3A_18 = tpu.memref_squeeze %dma_start3A_17 : memref<1x128xi32, #tpu.memory_space<vmem>> -> memref<128xi32, #tpu.memory_space<vmem>>
    %dma_start3A_19 = arith.constant 0 : i32
    %dma_start3A_20 = arith.constant 0 : i32
    %dma_start3A_21 = tpu.memref_slice %arg2[%dma_start3A_19, %dma_start3A_20] : memref<10000x128xf32, #tpu.memory_space<hbm>> -> memref<10000x128xf32, #tpu.memory_space<hbm>>
    tpu.enqueue_indirect_dma source(%dma_start3A_21 : memref<10000x128xf32, #tpu.memory_space<hbm>>) target(%arg9 : memref<128x128xf32, #tpu.memory_space<vmem>>) offsets(%dma_start3A_18 : memref<128xi32, #tpu.memory_space<vmem>>) semaphore(%arg12 : memref<!tpu.dma_semaphore, #tpu.memory_space<semaphore_mem>>)
    %dma_start3A_22 = arith.constant 1 : i32
    %dma_start3A_23 = arith.constant 0 : i32
    %dma_start3A_24 = tpu.memref_slice %arg7[%dma_start3A_22, %dma_start3A_23] : memref<16x128xi32, #tpu.memory_space<vmem>> -> memref<1x128xi32, #tpu.memory_space<vmem>>
    %dma_start3A_25 = tpu.memref_squeeze %dma_start3A_24 : memref<1x128xi32, #tpu.memory_space<vmem>> -> memref<128xi32, #tpu.memory_space<vmem>>
    %dma_start3A_26 = arith.constant 0 : i32
    %dma_start3A_27 = arith.constant 0 : i32
    %dma_start3A_28 = tpu.memref_slice %arg2[%dma_start3A_26, %dma_start3A_27] : memref<10000x128xf32, #tpu.memory_space<hbm>> -> memref<10000x128xf32, #tpu.memory_space<hbm>>
    tpu.enqueue_indirect_dma source(%dma_start3A_28 : memref<10000x128xf32, #tpu.memory_space<hbm>>) target(%arg10 : memref<128x128xf32, #tpu.memory_space<vmem>>) offsets(%dma_start3A_25 : memref<128xi32, #tpu.memory_space<vmem>>) semaphore(%arg13 : memref<!tpu.dma_semaphore, #tpu.memory_space<semaphore_mem>>)
    %dma_wait3A = arith.constant 0 : i32
    %dma_wait3A_29 = arith.constant 0 : i32
    %dma_wait3A_30 = tpu.memref_slice %arg7[%dma_wait3A, %dma_wait3A_29] : memref<16x128xi32, #tpu.memory_space<vmem>> -> memref<1x128xi32, #tpu.memory_space<vmem>>
    %dma_wait3A_31 = tpu.memref_squeeze %dma_wait3A_30 : memref<1x128xi32, #tpu.memory_space<vmem>> -> memref<128xi32, #tpu.memory_space<vmem>>
    %dma_wait3A_32 = arith.constant 0 : i32
    %dma_wait3A_33 = arith.constant 0 : i32
    %dma_wait3A_34 = tpu.memref_slice %arg2[%dma_wait3A_32, %dma_wait3A_33] : memref<10000x128xf32, #tpu.memory_space<hbm>> -> memref<10000x128xf32, #tpu.memory_space<hbm>>
    tpu.wait_indirect_dma semaphore(%arg12 : memref<!tpu.dma_semaphore, #tpu.memory_space<semaphore_mem>>) src(%dma_wait3A_34 : memref<10000x128xf32, #tpu.memory_space<hbm>>) dst(%arg9 : memref<128x128xf32, #tpu.memory_space<vmem>>)
    %run_scoped3A = arith.constant 8 : i32
    "tpu.region"() ({
      %run_scoped3A_139 = tpu.sem_alloc : memref<!tpu.dma_semaphore, #tpu.memory_space<semaphore_mem>>
      %dma_start3A_140 = arith.constant 0 : i32
      %dma_start3A_141 = tpu.memref_slice %arg7[%run_scoped3A, %dma_start3A_140] : memref<16x128xi32, #tpu.memory_space<vmem>> -> memref<1x128xi32, #tpu.memory_space<vmem>>
      %dma_start3A_142 = tpu.memref_squeeze %dma_start3A_141 : memref<1x128xi32, #tpu.memory_space<vmem>> -> memref<128xi32, #tpu.memory_space<vmem>>
      %dma_start3A_143 = arith.constant 0 : i32
      %dma_start3A_144 = arith.constant 0 : i32
      %dma_start3A_145 = tpu.memref_slice %arg6[%dma_start3A_143, %dma_start3A_144] : memref<10128x128xf32, #tpu.memory_space<vmem_shared>> -> memref<10128x128xf32, #tpu.memory_space<vmem_shared>>
      tpu.enqueue_indirect_dma source(%arg9 : memref<128x128xf32, #tpu.memory_space<vmem>>) target(%dma_start3A_145 : memref<10128x128xf32, #tpu.memory_space<vmem_shared>>) offsets(%dma_start3A_142 : memref<128xi32, #tpu.memory_space<vmem>>) semaphore(%run_scoped3A_139 : memref<!tpu.dma_semaphore, #tpu.memory_space<semaphore_mem>>) {add = true}
      %dma_wait3A_146 = arith.constant 0 : i32
      %dma_wait3A_147 = tpu.memref_slice %arg7[%run_scoped3A, %dma_wait3A_146] : memref<16x128xi32, #tpu.memory_space<vmem>> -> memref<1x128xi32, #tpu.memory_space<vmem>>
      %dma_wait3A_148 = tpu.memref_squeeze %dma_wait3A_147 : memref<1x128xi32, #tpu.memory_space<vmem>> -> memref<128xi32, #tpu.memory_space<vmem>>
      %dma_wait3A_149 = arith.constant 0 : i32
      %dma_wait3A_150 = arith.constant 0 : i32
      %dma_wait3A_151 = tpu.memref_slice %arg6[%dma_wait3A_149, %dma_wait3A_150] : memref<10128x128xf32, #tpu.memory_space<vmem_shared>> -> memref<10128x128xf32, #tpu.memory_space<vmem_shared>>
      tpu.wait_indirect_dma semaphore(%run_scoped3A_139 : memref<!tpu.dma_semaphore, #tpu.memory_space<semaphore_mem>>) src(%arg9 : memref<128x128xf32, #tpu.memory_space<vmem>>) dst(%dma_wait3A_151 : memref<10128x128xf32, #tpu.memory_space<vmem_shared>>)
      tpu.yield
    }) : () -> ()
    %dma_start3A_35 = arith.constant 2 : i32
    %dma_start3A_36 = arith.constant 0 : i32
    %dma_start3A_37 = tpu.memref_slice %arg7[%dma_start3A_35, %dma_start3A_36] : memref<16x128xi32, #tpu.memory_space<vmem>> -> memref<1x128xi32, #tpu.memory_space<vmem>>
    %dma_start3A_38 = tpu.memref_squeeze %dma_start3A_37 : memref<1x128xi32, #tpu.memory_space<vmem>> -> memref<128xi32, #tpu.memory_space<vmem>>
    %dma_start3A_39 = arith.constant 0 : i32
    %dma_start3A_40 = arith.constant 0 : i32
    %dma_start3A_41 = tpu.memref_slice %arg2[%dma_start3A_39, %dma_start3A_40] : memref<10000x128xf32, #tpu.memory_space<hbm>> -> memref<10000x128xf32, #tpu.memory_space<hbm>>
    tpu.enqueue_indirect_dma source(%dma_start3A_41 : memref<10000x128xf32, #tpu.memory_space<hbm>>) target(%arg9 : memref<128x128xf32, #tpu.memory_space<vmem>>) offsets(%dma_start3A_38 : memref<128xi32, #tpu.memory_space<vmem>>) semaphore(%arg12 : memref<!tpu.dma_semaphore, #tpu.memory_space<semaphore_mem>>)
    %dma_wait3A_42 = arith.constant 1 : i32
    %dma_wait3A_43 = arith.constant 0 : i32
    %dma_wait3A_44 = tpu.memref_slice %arg7[%dma_wait3A_42, %dma_wait3A_43] : memref<16x128xi32, #tpu.memory_space<vmem>> -> memref<1x128xi32, #tpu.memory_space<vmem>>
    %dma_wait3A_45 = tpu.memref_squeeze %dma_wait3A_44 : memref<1x128xi32, #tpu.memory_space<vmem>> -> memref<128xi32, #tpu.memory_space<vmem>>
    %dma_wait3A_46 = arith.constant 0 : i32
    %dma_wait3A_47 = arith.constant 0 : i32
    %dma_wait3A_48 = tpu.memref_slice %arg2[%dma_wait3A_46, %dma_wait3A_47] : memref<10000x128xf32, #tpu.memory_space<hbm>> -> memref<10000x128xf32, #tpu.memory_space<hbm>>
    tpu.wait_indirect_dma semaphore(%arg13 : memref<!tpu.dma_semaphore, #tpu.memory_space<semaphore_mem>>) src(%dma_wait3A_48 : memref<10000x128xf32, #tpu.memory_space<hbm>>) dst(%arg10 : memref<128x128xf32, #tpu.memory_space<vmem>>)
    %run_scoped3A_49 = arith.constant 9 : i32
    "tpu.region"() ({
      %run_scoped3A_139 = tpu.sem_alloc : memref<!tpu.dma_semaphore, #tpu.memory_space<semaphore_mem>>
      %dma_start3A_140 = arith.constant 0 : i32
      %dma_start3A_141 = tpu.memref_slice %arg7[%run_scoped3A_49, %dma_start3A_140] : memref<16x128xi32, #tpu.memory_space<vmem>> -> memref<1x128xi32, #tpu.memory_space<vmem>>
      %dma_start3A_142 = tpu.memref_squeeze %dma_start3A_141 : memref<1x128xi32, #tpu.memory_space<vmem>> -> memref<128xi32, #tpu.memory_space<vmem>>
      %dma_start3A_143 = arith.constant 0 : i32
      %dma_start3A_144 = arith.constant 0 : i32
      %dma_start3A_145 = tpu.memref_slice %arg6[%dma_start3A_143, %dma_start3A_144] : memref<10128x128xf32, #tpu.memory_space<vmem_shared>> -> memref<10128x128xf32, #tpu.memory_space<vmem_shared>>
      tpu.enqueue_indirect_dma source(%arg10 : memref<128x128xf32, #tpu.memory_space<vmem>>) target(%dma_start3A_145 : memref<10128x128xf32, #tpu.memory_space<vmem_shared>>) offsets(%dma_start3A_142 : memref<128xi32, #tpu.memory_space<vmem>>) semaphore(%run_scoped3A_139 : memref<!tpu.dma_semaphore, #tpu.memory_space<semaphore_mem>>) {add = true}
      %dma_wait3A_146 = arith.constant 0 : i32
      %dma_wait3A_147 = tpu.memref_slice %arg7[%run_scoped3A_49, %dma_wait3A_146] : memref<16x128xi32, #tpu.memory_space<vmem>> -> memref<1x128xi32, #tpu.memory_space<vmem>>
      %dma_wait3A_148 = tpu.memref_squeeze %dma_wait3A_147 : memref<1x128xi32, #tpu.memory_space<vmem>> -> memref<128xi32, #tpu.memory_space<vmem>>
      %dma_wait3A_149 = arith.constant 0 : i32
      %dma_wait3A_150 = arith.constant 0 : i32
      %dma_wait3A_151 = tpu.memref_slice %arg6[%dma_wait3A_149, %dma_wait3A_150] : memref<10128x128xf32, #tpu.memory_space<vmem_shared>> -> memref<10128x128xf32, #tpu.memory_space<vmem_shared>>
      tpu.wait_indirect_dma semaphore(%run_scoped3A_139 : memref<!tpu.dma_semaphore, #tpu.memory_space<semaphore_mem>>) src(%arg10 : memref<128x128xf32, #tpu.memory_space<vmem>>) dst(%dma_wait3A_151 : memref<10128x128xf32, #tpu.memory_space<vmem_shared>>)
      tpu.yield
    }) : () -> ()
    %dma_start3A_50 = arith.constant 3 : i32
    %dma_start3A_51 = arith.constant 0 : i32
    %dma_start3A_52 = tpu.memref_slice %arg7[%dma_start3A_50, %dma_start3A_51] : memref<16x128xi32, #tpu.memory_space<vmem>> -> memref<1x128xi32, #tpu.memory_space<vmem>>
    %dma_start3A_53 = tpu.memref_squeeze %dma_start3A_52 : memref<1x128xi32, #tpu.memory_space<vmem>> -> memref<128xi32, #tpu.memory_space<vmem>>
    %dma_start3A_54 = arith.constant 0 : i32
    %dma_start3A_55 = arith.constant 0 : i32
    %dma_start3A_56 = tpu.memref_slice %arg2[%dma_start3A_54, %dma_start3A_55] : memref<10000x128xf32, #tpu.memory_space<hbm>> -> memref<10000x128xf32, #tpu.memory_space<hbm>>
    tpu.enqueue_indirect_dma source(%dma_start3A_56 : memref<10000x128xf32, #tpu.memory_space<hbm>>) target(%arg10 : memref<128x128xf32, #tpu.memory_space<vmem>>) offsets(%dma_start3A_53 : memref<128xi32, #tpu.memory_space<vmem>>) semaphore(%arg13 : memref<!tpu.dma_semaphore, #tpu.memory_space<semaphore_mem>>)
    %dma_wait3A_57 = arith.constant 2 : i32
    %dma_wait3A_58 = arith.constant 0 : i32
    %dma_wait3A_59 = tpu.memref_slice %arg7[%dma_wait3A_57, %dma_wait3A_58] : memref<16x128xi32, #tpu.memory_space<vmem>> -> memref<1x128xi32, #tpu.memory_space<vmem>>
    %dma_wait3A_60 = tpu.memref_squeeze %dma_wait3A_59 : memref<1x128xi32, #tpu.memory_space<vmem>> -> memref<128xi32, #tpu.memory_space<vmem>>
    %dma_wait3A_61 = arith.constant 0 : i32
    %dma_wait3A_62 = arith.constant 0 : i32
    %dma_wait3A_63 = tpu.memref_slice %arg2[%dma_wait3A_61, %dma_wait3A_62] : memref<10000x128xf32, #tpu.memory_space<hbm>> -> memref<10000x128xf32, #tpu.memory_space<hbm>>
    tpu.wait_indirect_dma semaphore(%arg12 : memref<!tpu.dma_semaphore, #tpu.memory_space<semaphore_mem>>) src(%dma_wait3A_63 : memref<10000x128xf32, #tpu.memory_space<hbm>>) dst(%arg9 : memref<128x128xf32, #tpu.memory_space<vmem>>)
    %run_scoped3A_64 = arith.constant 10 : i32
    "tpu.region"() ({
      %run_scoped3A_139 = tpu.sem_alloc : memref<!tpu.dma_semaphore, #tpu.memory_space<semaphore_mem>>
      %dma_start3A_140 = arith.constant 0 : i32
      %dma_start3A_141 = tpu.memref_slice %arg7[%run_scoped3A_64, %dma_start3A_140] : memref<16x128xi32, #tpu.memory_space<vmem>> -> memref<1x128xi32, #tpu.memory_space<vmem>>
      %dma_start3A_142 = tpu.memref_squeeze %dma_start3A_141 : memref<1x128xi32, #tpu.memory_space<vmem>> -> memref<128xi32, #tpu.memory_space<vmem>>
      %dma_start3A_143 = arith.constant 0 : i32
      %dma_start3A_144 = arith.constant 0 : i32
      %dma_start3A_145 = tpu.memref_slice %arg6[%dma_start3A_143, %dma_start3A_144] : memref<10128x128xf32, #tpu.memory_space<vmem_shared>> -> memref<10128x128xf32, #tpu.memory_space<vmem_shared>>
      tpu.enqueue_indirect_dma source(%arg9 : memref<128x128xf32, #tpu.memory_space<vmem>>) target(%dma_start3A_145 : memref<10128x128xf32, #tpu.memory_space<vmem_shared>>) offsets(%dma_start3A_142 : memref<128xi32, #tpu.memory_space<vmem>>) semaphore(%run_scoped3A_139 : memref<!tpu.dma_semaphore, #tpu.memory_space<semaphore_mem>>) {add = true}
      %dma_wait3A_146 = arith.constant 0 : i32
      %dma_wait3A_147 = tpu.memref_slice %arg7[%run_scoped3A_64, %dma_wait3A_146] : memref<16x128xi32, #tpu.memory_space<vmem>> -> memref<1x128xi32, #tpu.memory_space<vmem>>
      %dma_wait3A_148 = tpu.memref_squeeze %dma_wait3A_147 : memref<1x128xi32, #tpu.memory_space<vmem>> -> memref<128xi32, #tpu.memory_space<vmem>>
      %dma_wait3A_149 = arith.constant 0 : i32
      %dma_wait3A_150 = arith.constant 0 : i32
      %dma_wait3A_151 = tpu.memref_slice %arg6[%dma_wait3A_149, %dma_wait3A_150] : memref<10128x128xf32, #tpu.memory_space<vmem_shared>> -> memref<10128x128xf32, #tpu.memory_space<vmem_shared>>
      tpu.wait_indirect_dma semaphore(%run_scoped3A_139 : memref<!tpu.dma_semaphore, #tpu.memory_space<semaphore_mem>>) src(%arg9 : memref<128x128xf32, #tpu.memory_space<vmem>>) dst(%dma_wait3A_151 : memref<10128x128xf32, #tpu.memory_space<vmem_shared>>)
      tpu.yield
    }) : () -> ()
    %dma_start3A_65 = arith.constant 4 : i32
    %dma_start3A_66 = arith.constant 0 : i32
    %dma_start3A_67 = tpu.memref_slice %arg7[%dma_start3A_65, %dma_start3A_66] : memref<16x128xi32, #tpu.memory_space<vmem>> -> memref<1x128xi32, #tpu.memory_space<vmem>>
    %dma_start3A_68 = tpu.memref_squeeze %dma_start3A_67 : memref<1x128xi32, #tpu.memory_space<vmem>> -> memref<128xi32, #tpu.memory_space<vmem>>
    %dma_start3A_69 = arith.constant 0 : i32
    %dma_start3A_70 = arith.constant 0 : i32
    %dma_start3A_71 = tpu.memref_slice %arg2[%dma_start3A_69, %dma_start3A_70] : memref<10000x128xf32, #tpu.memory_space<hbm>> -> memref<10000x128xf32, #tpu.memory_space<hbm>>
    tpu.enqueue_indirect_dma source(%dma_start3A_71 : memref<10000x128xf32, #tpu.memory_space<hbm>>) target(%arg9 : memref<128x128xf32, #tpu.memory_space<vmem>>) offsets(%dma_start3A_68 : memref<128xi32, #tpu.memory_space<vmem>>) semaphore(%arg12 : memref<!tpu.dma_semaphore, #tpu.memory_space<semaphore_mem>>)
    %dma_wait3A_72 = arith.constant 3 : i32
    %dma_wait3A_73 = arith.constant 0 : i32
    %dma_wait3A_74 = tpu.memref_slice %arg7[%dma_wait3A_72, %dma_wait3A_73] : memref<16x128xi32, #tpu.memory_space<vmem>> -> memref<1x128xi32, #tpu.memory_space<vmem>>
    %dma_wait3A_75 = tpu.memref_squeeze %dma_wait3A_74 : memref<1x128xi32, #tpu.memory_space<vmem>> -> memref<128xi32, #tpu.memory_space<vmem>>
    %dma_wait3A_76 = arith.constant 0 : i32
    %dma_wait3A_77 = arith.constant 0 : i32
    %dma_wait3A_78 = tpu.memref_slice %arg2[%dma_wait3A_76, %dma_wait3A_77] : memref<10000x128xf32, #tpu.memory_space<hbm>> -> memref<10000x128xf32, #tpu.memory_space<hbm>>
    tpu.wait_indirect_dma semaphore(%arg13 : memref<!tpu.dma_semaphore, #tpu.memory_space<semaphore_mem>>) src(%dma_wait3A_78 : memref<10000x128xf32, #tpu.memory_space<hbm>>) dst(%arg10 : memref<128x128xf32, #tpu.memory_space<vmem>>)
    %run_scoped3A_79 = arith.constant 11 : i32
    "tpu.region"() ({
      %run_scoped3A_139 = tpu.sem_alloc : memref<!tpu.dma_semaphore, #tpu.memory_space<semaphore_mem>>
      %dma_start3A_140 = arith.constant 0 : i32
      %dma_start3A_141 = tpu.memref_slice %arg7[%run_scoped3A_79, %dma_start3A_140] : memref<16x128xi32, #tpu.memory_space<vmem>> -> memref<1x128xi32, #tpu.memory_space<vmem>>
      %dma_start3A_142 = tpu.memref_squeeze %dma_start3A_141 : memref<1x128xi32, #tpu.memory_space<vmem>> -> memref<128xi32, #tpu.memory_space<vmem>>
      %dma_start3A_143 = arith.constant 0 : i32
      %dma_start3A_144 = arith.constant 0 : i32
      %dma_start3A_145 = tpu.memref_slice %arg6[%dma_start3A_143, %dma_start3A_144] : memref<10128x128xf32, #tpu.memory_space<vmem_shared>> -> memref<10128x128xf32, #tpu.memory_space<vmem_shared>>
      tpu.enqueue_indirect_dma source(%arg10 : memref<128x128xf32, #tpu.memory_space<vmem>>) target(%dma_start3A_145 : memref<10128x128xf32, #tpu.memory_space<vmem_shared>>) offsets(%dma_start3A_142 : memref<128xi32, #tpu.memory_space<vmem>>) semaphore(%run_scoped3A_139 : memref<!tpu.dma_semaphore, #tpu.memory_space<semaphore_mem>>) {add = true}
      %dma_wait3A_146 = arith.constant 0 : i32
      %dma_wait3A_147 = tpu.memref_slice %arg7[%run_scoped3A_79, %dma_wait3A_146] : memref<16x128xi32, #tpu.memory_space<vmem>> -> memref<1x128xi32, #tpu.memory_space<vmem>>
      %dma_wait3A_148 = tpu.memref_squeeze %dma_wait3A_147 : memref<1x128xi32, #tpu.memory_space<vmem>> -> memref<128xi32, #tpu.memory_space<vmem>>
      %dma_wait3A_149 = arith.constant 0 : i32
      %dma_wait3A_150 = arith.constant 0 : i32
      %dma_wait3A_151 = tpu.memref_slice %arg6[%dma_wait3A_149, %dma_wait3A_150] : memref<10128x128xf32, #tpu.memory_space<vmem_shared>> -> memref<10128x128xf32, #tpu.memory_space<vmem_shared>>
      tpu.wait_indirect_dma semaphore(%run_scoped3A_139 : memref<!tpu.dma_semaphore, #tpu.memory_space<semaphore_mem>>) src(%arg10 : memref<128x128xf32, #tpu.memory_space<vmem>>) dst(%dma_wait3A_151 : memref<10128x128xf32, #tpu.memory_space<vmem_shared>>)
      tpu.yield
    }) : () -> ()
    %dma_start3A_80 = arith.constant 5 : i32
    %dma_start3A_81 = arith.constant 0 : i32
    %dma_start3A_82 = tpu.memref_slice %arg7[%dma_start3A_80, %dma_start3A_81] : memref<16x128xi32, #tpu.memory_space<vmem>> -> memref<1x128xi32, #tpu.memory_space<vmem>>
    %dma_start3A_83 = tpu.memref_squeeze %dma_start3A_82 : memref<1x128xi32, #tpu.memory_space<vmem>> -> memref<128xi32, #tpu.memory_space<vmem>>
    %dma_start3A_84 = arith.constant 0 : i32
    %dma_start3A_85 = arith.constant 0 : i32
    %dma_start3A_86 = tpu.memref_slice %arg2[%dma_start3A_84, %dma_start3A_85] : memref<10000x128xf32, #tpu.memory_space<hbm>> -> memref<10000x128xf32, #tpu.memory_space<hbm>>
    tpu.enqueue_indirect_dma source(%dma_start3A_86 : memref<10000x128xf32, #tpu.memory_space<hbm>>) target(%arg10 : memref<128x128xf32, #tpu.memory_space<vmem>>) offsets(%dma_start3A_83 : memref<128xi32, #tpu.memory_space<vmem>>) semaphore(%arg13 : memref<!tpu.dma_semaphore, #tpu.memory_space<semaphore_mem>>)
    %dma_wait3A_87 = arith.constant 4 : i32
    %dma_wait3A_88 = arith.constant 0 : i32
    %dma_wait3A_89 = tpu.memref_slice %arg7[%dma_wait3A_87, %dma_wait3A_88] : memref<16x128xi32, #tpu.memory_space<vmem>> -> memref<1x128xi32, #tpu.memory_space<vmem>>
    %dma_wait3A_90 = tpu.memref_squeeze %dma_wait3A_89 : memref<1x128xi32, #tpu.memory_space<vmem>> -> memref<128xi32, #tpu.memory_space<vmem>>
    %dma_wait3A_91 = arith.constant 0 : i32
    %dma_wait3A_92 = arith.constant 0 : i32
    %dma_wait3A_93 = tpu.memref_slice %arg2[%dma_wait3A_91, %dma_wait3A_92] : memref<10000x128xf32, #tpu.memory_space<hbm>> -> memref<10000x128xf32, #tpu.memory_space<hbm>>
    tpu.wait_indirect_dma semaphore(%arg12 : memref<!tpu.dma_semaphore, #tpu.memory_space<semaphore_mem>>) src(%dma_wait3A_93 : memref<10000x128xf32, #tpu.memory_space<hbm>>) dst(%arg9 : memref<128x128xf32, #tpu.memory_space<vmem>>)
    %run_scoped3A_94 = arith.constant 12 : i32
    "tpu.region"() ({
      %run_scoped3A_139 = tpu.sem_alloc : memref<!tpu.dma_semaphore, #tpu.memory_space<semaphore_mem>>
      %dma_start3A_140 = arith.constant 0 : i32
      %dma_start3A_141 = tpu.memref_slice %arg7[%run_scoped3A_94, %dma_start3A_140] : memref<16x128xi32, #tpu.memory_space<vmem>> -> memref<1x128xi32, #tpu.memory_space<vmem>>
      %dma_start3A_142 = tpu.memref_squeeze %dma_start3A_141 : memref<1x128xi32, #tpu.memory_space<vmem>> -> memref<128xi32, #tpu.memory_space<vmem>>
      %dma_start3A_143 = arith.constant 0 : i32
      %dma_start3A_144 = arith.constant 0 : i32
      %dma_start3A_145 = tpu.memref_slice %arg6[%dma_start3A_143, %dma_start3A_144] : memref<10128x128xf32, #tpu.memory_space<vmem_shared>> -> memref<10128x128xf32, #tpu.memory_space<vmem_shared>>
      tpu.enqueue_indirect_dma source(%arg9 : memref<128x128xf32, #tpu.memory_space<vmem>>) target(%dma_start3A_145 : memref<10128x128xf32, #tpu.memory_space<vmem_shared>>) offsets(%dma_start3A_142 : memref<128xi32, #tpu.memory_space<vmem>>) semaphore(%run_scoped3A_139 : memref<!tpu.dma_semaphore, #tpu.memory_space<semaphore_mem>>) {add = true}
      %dma_wait3A_146 = arith.constant 0 : i32
      %dma_wait3A_147 = tpu.memref_slice %arg7[%run_scoped3A_94, %dma_wait3A_146] : memref<16x128xi32, #tpu.memory_space<vmem>> -> memref<1x128xi32, #tpu.memory_space<vmem>>
      %dma_wait3A_148 = tpu.memref_squeeze %dma_wait3A_147 : memref<1x128xi32, #tpu.memory_space<vmem>> -> memref<128xi32, #tpu.memory_space<vmem>>
      %dma_wait3A_149 = arith.constant 0 : i32
      %dma_wait3A_150 = arith.constant 0 : i32
      %dma_wait3A_151 = tpu.memref_slice %arg6[%dma_wait3A_149, %dma_wait3A_150] : memref<10128x128xf32, #tpu.memory_space<vmem_shared>> -> memref<10128x128xf32, #tpu.memory_space<vmem_shared>>
      tpu.wait_indirect_dma semaphore(%run_scoped3A_139 : memref<!tpu.dma_semaphore, #tpu.memory_space<semaphore_mem>>) src(%arg9 : memref<128x128xf32, #tpu.memory_space<vmem>>) dst(%dma_wait3A_151 : memref<10128x128xf32, #tpu.memory_space<vmem_shared>>)
      tpu.yield
    }) : () -> ()
    %dma_start3A_95 = arith.constant 6 : i32
    %dma_start3A_96 = arith.constant 0 : i32
    %dma_start3A_97 = tpu.memref_slice %arg7[%dma_start3A_95, %dma_start3A_96] : memref<16x128xi32, #tpu.memory_space<vmem>> -> memref<1x128xi32, #tpu.memory_space<vmem>>
    %dma_start3A_98 = tpu.memref_squeeze %dma_start3A_97 : memref<1x128xi32, #tpu.memory_space<vmem>> -> memref<128xi32, #tpu.memory_space<vmem>>
    %dma_start3A_99 = arith.constant 0 : i32
    %dma_start3A_100 = arith.constant 0 : i32
    %dma_start3A_101 = tpu.memref_slice %arg2[%dma_start3A_99, %dma_start3A_100] : memref<10000x128xf32, #tpu.memory_space<hbm>> -> memref<10000x128xf32, #tpu.memory_space<hbm>>
    tpu.enqueue_indirect_dma source(%dma_start3A_101 : memref<10000x128xf32, #tpu.memory_space<hbm>>) target(%arg9 : memref<128x128xf32, #tpu.memory_space<vmem>>) offsets(%dma_start3A_98 : memref<128xi32, #tpu.memory_space<vmem>>) semaphore(%arg12 : memref<!tpu.dma_semaphore, #tpu.memory_space<semaphore_mem>>)
    %dma_wait3A_102 = arith.constant 5 : i32
    %dma_wait3A_103 = arith.constant 0 : i32
    %dma_wait3A_104 = tpu.memref_slice %arg7[%dma_wait3A_102, %dma_wait3A_103] : memref<16x128xi32, #tpu.memory_space<vmem>> -> memref<1x128xi32, #tpu.memory_space<vmem>>
    %dma_wait3A_105 = tpu.memref_squeeze %dma_wait3A_104 : memref<1x128xi32, #tpu.memory_space<vmem>> -> memref<128xi32, #tpu.memory_space<vmem>>
    %dma_wait3A_106 = arith.constant 0 : i32
    %dma_wait3A_107 = arith.constant 0 : i32
    %dma_wait3A_108 = tpu.memref_slice %arg2[%dma_wait3A_106, %dma_wait3A_107] : memref<10000x128xf32, #tpu.memory_space<hbm>> -> memref<10000x128xf32, #tpu.memory_space<hbm>>
    tpu.wait_indirect_dma semaphore(%arg13 : memref<!tpu.dma_semaphore, #tpu.memory_space<semaphore_mem>>) src(%dma_wait3A_108 : memref<10000x128xf32, #tpu.memory_space<hbm>>) dst(%arg10 : memref<128x128xf32, #tpu.memory_space<vmem>>)
    %run_scoped3A_109 = arith.constant 13 : i32
    "tpu.region"() ({
      %run_scoped3A_139 = tpu.sem_alloc : memref<!tpu.dma_semaphore, #tpu.memory_space<semaphore_mem>>
      %dma_start3A_140 = arith.constant 0 : i32
      %dma_start3A_141 = tpu.memref_slice %arg7[%run_scoped3A_109, %dma_start3A_140] : memref<16x128xi32, #tpu.memory_space<vmem>> -> memref<1x128xi32, #tpu.memory_space<vmem>>
      %dma_start3A_142 = tpu.memref_squeeze %dma_start3A_141 : memref<1x128xi32, #tpu.memory_space<vmem>> -> memref<128xi32, #tpu.memory_space<vmem>>
      %dma_start3A_143 = arith.constant 0 : i32
      %dma_start3A_144 = arith.constant 0 : i32
      %dma_start3A_145 = tpu.memref_slice %arg6[%dma_start3A_143, %dma_start3A_144] : memref<10128x128xf32, #tpu.memory_space<vmem_shared>> -> memref<10128x128xf32, #tpu.memory_space<vmem_shared>>
      tpu.enqueue_indirect_dma source(%arg10 : memref<128x128xf32, #tpu.memory_space<vmem>>) target(%dma_start3A_145 : memref<10128x128xf32, #tpu.memory_space<vmem_shared>>) offsets(%dma_start3A_142 : memref<128xi32, #tpu.memory_space<vmem>>) semaphore(%run_scoped3A_139 : memref<!tpu.dma_semaphore, #tpu.memory_space<semaphore_mem>>) {add = true}
      %dma_wait3A_146 = arith.constant 0 : i32
      %dma_wait3A_147 = tpu.memref_slice %arg7[%run_scoped3A_109, %dma_wait3A_146] : memref<16x128xi32, #tpu.memory_space<vmem>> -> memref<1x128xi32, #tpu.memory_space<vmem>>
      %dma_wait3A_148 = tpu.memref_squeeze %dma_wait3A_147 : memref<1x128xi32, #tpu.memory_space<vmem>> -> memref<128xi32, #tpu.memory_space<vmem>>
      %dma_wait3A_149 = arith.constant 0 : i32
      %dma_wait3A_150 = arith.constant 0 : i32
      %dma_wait3A_151 = tpu.memref_slice %arg6[%dma_wait3A_149, %dma_wait3A_150] : memref<10128x128xf32, #tpu.memory_space<vmem_shared>> -> memref<10128x128xf32, #tpu.memory_space<vmem_shared>>
      tpu.wait_indirect_dma semaphore(%run_scoped3A_139 : memref<!tpu.dma_semaphore, #tpu.memory_space<semaphore_mem>>) src(%arg10 : memref<128x128xf32, #tpu.memory_space<vmem>>) dst(%dma_wait3A_151 : memref<10128x128xf32, #tpu.memory_space<vmem_shared>>)
      tpu.yield
    }) : () -> ()
    %dma_start3A_110 = arith.constant 7 : i32
    %dma_start3A_111 = arith.constant 0 : i32
    %dma_start3A_112 = tpu.memref_slice %arg7[%dma_start3A_110, %dma_start3A_111] : memref<16x128xi32, #tpu.memory_space<vmem>> -> memref<1x128xi32, #tpu.memory_space<vmem>>
    %dma_start3A_113 = tpu.memref_squeeze %dma_start3A_112 : memref<1x128xi32, #tpu.memory_space<vmem>> -> memref<128xi32, #tpu.memory_space<vmem>>
    %dma_start3A_114 = arith.constant 0 : i32
    %dma_start3A_115 = arith.constant 0 : i32
    %dma_start3A_116 = tpu.memref_slice %arg2[%dma_start3A_114, %dma_start3A_115] : memref<10000x128xf32, #tpu.memory_space<hbm>> -> memref<10000x128xf32, #tpu.memory_space<hbm>>
    tpu.enqueue_indirect_dma source(%dma_start3A_116 : memref<10000x128xf32, #tpu.memory_space<hbm>>) target(%arg10 : memref<128x128xf32, #tpu.memory_space<vmem>>) offsets(%dma_start3A_113 : memref<128xi32, #tpu.memory_space<vmem>>) semaphore(%arg13 : memref<!tpu.dma_semaphore, #tpu.memory_space<semaphore_mem>>)
    %dma_wait3A_117 = arith.constant 6 : i32
    %dma_wait3A_118 = arith.constant 0 : i32
    %dma_wait3A_119 = tpu.memref_slice %arg7[%dma_wait3A_117, %dma_wait3A_118] : memref<16x128xi32, #tpu.memory_space<vmem>> -> memref<1x128xi32, #tpu.memory_space<vmem>>
    %dma_wait3A_120 = tpu.memref_squeeze %dma_wait3A_119 : memref<1x128xi32, #tpu.memory_space<vmem>> -> memref<128xi32, #tpu.memory_space<vmem>>
    %dma_wait3A_121 = arith.constant 0 : i32
    %dma_wait3A_122 = arith.constant 0 : i32
    %dma_wait3A_123 = tpu.memref_slice %arg2[%dma_wait3A_121, %dma_wait3A_122] : memref<10000x128xf32, #tpu.memory_space<hbm>> -> memref<10000x128xf32, #tpu.memory_space<hbm>>
    tpu.wait_indirect_dma semaphore(%arg12 : memref<!tpu.dma_semaphore, #tpu.memory_space<semaphore_mem>>) src(%dma_wait3A_123 : memref<10000x128xf32, #tpu.memory_space<hbm>>) dst(%arg9 : memref<128x128xf32, #tpu.memory_space<vmem>>)
    %run_scoped3A_124 = arith.constant 14 : i32
    "tpu.region"() ({
      %run_scoped3A_139 = tpu.sem_alloc : memref<!tpu.dma_semaphore, #tpu.memory_space<semaphore_mem>>
      %dma_start3A_140 = arith.constant 0 : i32
      %dma_start3A_141 = tpu.memref_slice %arg7[%run_scoped3A_124, %dma_start3A_140] : memref<16x128xi32, #tpu.memory_space<vmem>> -> memref<1x128xi32, #tpu.memory_space<vmem>>
      %dma_start3A_142 = tpu.memref_squeeze %dma_start3A_141 : memref<1x128xi32, #tpu.memory_space<vmem>> -> memref<128xi32, #tpu.memory_space<vmem>>
      %dma_start3A_143 = arith.constant 0 : i32
      %dma_start3A_144 = arith.constant 0 : i32
      %dma_start3A_145 = tpu.memref_slice %arg6[%dma_start3A_143, %dma_start3A_144] : memref<10128x128xf32, #tpu.memory_space<vmem_shared>> -> memref<10128x128xf32, #tpu.memory_space<vmem_shared>>
      tpu.enqueue_indirect_dma source(%arg9 : memref<128x128xf32, #tpu.memory_space<vmem>>) target(%dma_start3A_145 : memref<10128x128xf32, #tpu.memory_space<vmem_shared>>) offsets(%dma_start3A_142 : memref<128xi32, #tpu.memory_space<vmem>>) semaphore(%run_scoped3A_139 : memref<!tpu.dma_semaphore, #tpu.memory_space<semaphore_mem>>) {add = true}
      %dma_wait3A_146 = arith.constant 0 : i32
      %dma_wait3A_147 = tpu.memref_slice %arg7[%run_scoped3A_124, %dma_wait3A_146] : memref<16x128xi32, #tpu.memory_space<vmem>> -> memref<1x128xi32, #tpu.memory_space<vmem>>
      %dma_wait3A_148 = tpu.memref_squeeze %dma_wait3A_147 : memref<1x128xi32, #tpu.memory_space<vmem>> -> memref<128xi32, #tpu.memory_space<vmem>>
      %dma_wait3A_149 = arith.constant 0 : i32
      %dma_wait3A_150 = arith.constant 0 : i32
      %dma_wait3A_151 = tpu.memref_slice %arg6[%dma_wait3A_149, %dma_wait3A_150] : memref<10128x128xf32, #tpu.memory_space<vmem_shared>> -> memref<10128x128xf32, #tpu.memory_space<vmem_shared>>
      tpu.wait_indirect_dma semaphore(%run_scoped3A_139 : memref<!tpu.dma_semaphore, #tpu.memory_space<semaphore_mem>>) src(%arg9 : memref<128x128xf32, #tpu.memory_space<vmem>>) dst(%dma_wait3A_151 : memref<10128x128xf32, #tpu.memory_space<vmem_shared>>)
      tpu.yield
    }) : () -> ()
    %dma_wait3A_125 = arith.constant 7 : i32
    %dma_wait3A_126 = arith.constant 0 : i32
    %dma_wait3A_127 = tpu.memref_slice %arg7[%dma_wait3A_125, %dma_wait3A_126] : memref<16x128xi32, #tpu.memory_space<vmem>> -> memref<1x128xi32, #tpu.memory_space<vmem>>
    %dma_wait3A_128 = tpu.memref_squeeze %dma_wait3A_127 : memref<1x128xi32, #tpu.memory_space<vmem>> -> memref<128xi32, #tpu.memory_space<vmem>>
    %dma_wait3A_129 = arith.constant 0 : i32
    %dma_wait3A_130 = arith.constant 0 : i32
    %dma_wait3A_131 = tpu.memref_slice %arg2[%dma_wait3A_129, %dma_wait3A_130] : memref<10000x128xf32, #tpu.memory_space<hbm>> -> memref<10000x128xf32, #tpu.memory_space<hbm>>
    tpu.wait_indirect_dma semaphore(%arg13 : memref<!tpu.dma_semaphore, #tpu.memory_space<semaphore_mem>>) src(%dma_wait3A_131 : memref<10000x128xf32, #tpu.memory_space<hbm>>) dst(%arg10 : memref<128x128xf32, #tpu.memory_space<vmem>>)
    %run_scoped3A_132 = arith.constant 15 : i32
    "tpu.region"() ({
      %run_scoped3A_139 = tpu.sem_alloc : memref<!tpu.dma_semaphore, #tpu.memory_space<semaphore_mem>>
      %dma_start3A_140 = arith.constant 0 : i32
      %dma_start3A_141 = tpu.memref_slice %arg7[%run_scoped3A_132, %dma_start3A_140] : memref<16x128xi32, #tpu.memory_space<vmem>> -> memref<1x128xi32, #tpu.memory_space<vmem>>
      %dma_start3A_142 = tpu.memref_squeeze %dma_start3A_141 : memref<1x128xi32, #tpu.memory_space<vmem>> -> memref<128xi32, #tpu.memory_space<vmem>>
      %dma_start3A_143 = arith.constant 0 : i32
      %dma_start3A_144 = arith.constant 0 : i32
      %dma_start3A_145 = tpu.memref_slice %arg6[%dma_start3A_143, %dma_start3A_144] : memref<10128x128xf32, #tpu.memory_space<vmem_shared>> -> memref<10128x128xf32, #tpu.memory_space<vmem_shared>>
      tpu.enqueue_indirect_dma source(%arg10 : memref<128x128xf32, #tpu.memory_space<vmem>>) target(%dma_start3A_145 : memref<10128x128xf32, #tpu.memory_space<vmem_shared>>) offsets(%dma_start3A_142 : memref<128xi32, #tpu.memory_space<vmem>>) semaphore(%run_scoped3A_139 : memref<!tpu.dma_semaphore, #tpu.memory_space<semaphore_mem>>) {add = true}
      %dma_wait3A_146 = arith.constant 0 : i32
      %dma_wait3A_147 = tpu.memref_slice %arg7[%run_scoped3A_132, %dma_wait3A_146] : memref<16x128xi32, #tpu.memory_space<vmem>> -> memref<1x128xi32, #tpu.memory_space<vmem>>
      %dma_wait3A_148 = tpu.memref_squeeze %dma_wait3A_147 : memref<1x128xi32, #tpu.memory_space<vmem>> -> memref<128xi32, #tpu.memory_space<vmem>>
      %dma_wait3A_149 = arith.constant 0 : i32
      %dma_wait3A_150 = arith.constant 0 : i32
      %dma_wait3A_151 = tpu.memref_slice %arg6[%dma_wait3A_149, %dma_wait3A_150] : memref<10128x128xf32, #tpu.memory_space<vmem_shared>> -> memref<10128x128xf32, #tpu.memory_space<vmem_shared>>
      tpu.wait_indirect_dma semaphore(%run_scoped3A_139 : memref<!tpu.dma_semaphore, #tpu.memory_space<semaphore_mem>>) src(%arg10 : memref<128x128xf32, #tpu.memory_space<vmem>>) dst(%dma_wait3A_151 : memref<10128x128xf32, #tpu.memory_space<vmem_shared>>)
      tpu.yield
    }) : () -> ()
    %barrier3A_133 = arith.constant 0 : index
    tpu.barrier barrier_id(%barrier3A_133)
    %scan3A_134 = arith.constant 0 : i32
    %scan3A_135 = arith.constant 8 : i32
    %scan3A_136 = arith.addi %scan3A_134, %scan3A_135 : i32
    %scan3A_137 = arith.constant 1 : i32
    scf.for %scan3A_139 = %scan3A_134 to %scan3A_136 step %scan3A_137  : i32 {
      %mul3A_140 = arith.constant 1 : i32
      %mul3A_141 = arith.muli %scan3A_139, %mul3A_140 : i32
      %add3A_142 = arith.constant 0 : i32
      %add3A_143 = arith.addi %add3A_142, %mul3A_141 : i32
      %mul3A_144 = arith.constant 16 : i32
      %mul3A_145 = arith.muli %add3A_143, %mul3A_144 : i32
      %add3A_146 = arith.addi %arg1, %mul3A_145 : i32
      %lt3A = arith.constant 125 : i32
      %lt3A_147 = arith.cmpi slt, %add3A_146, %lt3A : i32
      %convert_element_type3A = arith.extui %lt3A_147 : i1 to i32
      %cond3A = arith.constant 0 : i32
      %cond3A_148 = arith.cmpi ne, %convert_element_type3A, %cond3A : i32
      scf.if %cond3A_148 {
        %mul3A_149 = arith.constant 80 : i32
        %mul3A_150 = arith.muli %add3A_146, %mul3A_149 : i32
        %multiple_of3A_151 = tpu.assume_multiple %mul3A_150, 8 : i32
        "tpu.region"() ({
          %run_scoped3A_152 = tpu.sem_alloc : memref<!tpu.dma_semaphore, #tpu.memory_space<semaphore_mem>>
          %dma_start3A_153 = arith.constant 0 : i32
          %dma_start3A_154 = tpu.memref_slice %arg6[%multiple_of3A_151, %dma_start3A_153] : memref<10128x128xf32, #tpu.memory_space<vmem_shared>> -> memref<80x128xf32, #tpu.memory_space<vmem_shared>>
          %dma_start3A_155 = arith.constant 0 : i32
          %dma_start3A_156 = tpu.memref_slice %arg6[%multiple_of3A_151, %dma_start3A_155] : memref<10128x128xf32, #tpu.memory_space<vmem_shared>> -> memref<80x128xf32, #tpu.memory_space<vmem_shared>>
          tpu.enqueue_dma source(%dma_start3A_156 : memref<80x128xf32, #tpu.memory_space<vmem_shared>>) target(%arg11 : memref<80x128xf32, #tpu.memory_space<vmem>>) target_semaphore(%run_scoped3A_152 : memref<!tpu.dma_semaphore, #tpu.memory_space<semaphore_mem>>)
          %dma_wait3A_157 = arith.constant 0 : i32
          %dma_wait3A_158 = tpu.memref_slice %arg6[%multiple_of3A_151, %dma_wait3A_157] : memref<10128x128xf32, #tpu.memory_space<vmem_shared>> -> memref<80x128xf32, #tpu.memory_space<vmem_shared>>
          %dma_wait3A_159 = arith.constant 0 : i32
          %dma_wait3A_160 = tpu.memref_slice %arg6[%multiple_of3A_151, %dma_wait3A_159] : memref<10128x128xf32, #tpu.memory_space<vmem_shared>> -> memref<80x128xf32, #tpu.memory_space<vmem_shared>>
          tpu.wait_dma2 semaphore(%run_scoped3A_152 : memref<!tpu.dma_semaphore, #tpu.memory_space<semaphore_mem>>) src(%dma_wait3A_160 : memref<80x128xf32, #tpu.memory_space<vmem_shared>>) dst(%arg11 : memref<80x128xf32, #tpu.memory_space<vmem>>)
          tpu.yield
        }) : () -> ()
        "tpu.region"() ({
          %run_scoped3A_152 = tpu.sem_alloc : memref<!tpu.dma_semaphore, #tpu.memory_space<semaphore_mem>>
          %dma_start3A_153 = arith.constant 0 : i32
          %dma_start3A_154 = tpu.memref_slice %arg5[%arg0, %multiple_of3A_151, %dma_start3A_153] : memref<2x10000x128xf32, #tpu.memory_space<hbm>> -> memref<1x80x128xf32, #tpu.memory_space<hbm>>
          %dma_start3A_155 = tpu.memref_squeeze %dma_start3A_154 : memref<1x80x128xf32, #tpu.memory_space<hbm>> -> memref<80x128xf32, #tpu.memory_space<hbm>>
          %dma_start3A_156 = arith.constant 0 : i32
          %dma_start3A_157 = tpu.memref_slice %arg5[%arg0, %multiple_of3A_151, %dma_start3A_156] : memref<2x10000x128xf32, #tpu.memory_space<hbm>> -> memref<1x80x128xf32, #tpu.memory_space<hbm>>
          %dma_start3A_158 = tpu.memref_squeeze %dma_start3A_157 : memref<1x80x128xf32, #tpu.memory_space<hbm>> -> memref<80x128xf32, #tpu.memory_space<hbm>>
          tpu.enqueue_dma source(%arg11 : memref<80x128xf32, #tpu.memory_space<vmem>>) target(%dma_start3A_158 : memref<80x128xf32, #tpu.memory_space<hbm>>) target_semaphore(%run_scoped3A_152 : memref<!tpu.dma_semaphore, #tpu.memory_space<semaphore_mem>>)
          %dma_wait3A_159 = arith.constant 0 : i32
          %dma_wait3A_160 = tpu.memref_slice %arg5[%arg0, %multiple_of3A_151, %dma_wait3A_159] : memref<2x10000x128xf32, #tpu.memory_space<hbm>> -> memref<1x80x128xf32, #tpu.memory_space<hbm>>
          %dma_wait3A_161 = tpu.memref_squeeze %dma_wait3A_160 : memref<1x80x128xf32, #tpu.memory_space<hbm>> -> memref<80x128xf32, #tpu.memory_space<hbm>>
          %dma_wait3A_162 = arith.constant 0 : i32
          %dma_wait3A_163 = tpu.memref_slice %arg5[%arg0, %multiple_of3A_151, %dma_wait3A_162] : memref<2x10000x128xf32, #tpu.memory_space<hbm>> -> memref<1x80x128xf32, #tpu.memory_space<hbm>>
          %dma_wait3A_164 = tpu.memref_squeeze %dma_wait3A_163 : memref<1x80x128xf32, #tpu.memory_space<hbm>> -> memref<80x128xf32, #tpu.memory_space<hbm>>
          tpu.wait_dma2 semaphore(%run_scoped3A_152 : memref<!tpu.dma_semaphore, #tpu.memory_space<semaphore_mem>>) src(%arg11 : memref<80x128xf32, #tpu.memory_space<vmem>>) dst(%dma_wait3A_164 : memref<80x128xf32, #tpu.memory_space<hbm>>)
          tpu.yield
        }) : () -> ()
      } else {
      }
    }
    %scan3A_138 = arith.constant 8 : i32
    return
  }
}

#map = affine_map<(d0, d1) -> (0, 0)>
#map1 = affine_map<(d0, d1) -> (0)>
module attributes {stable_mosaic.version = 14 : i64} {
  func.func @_deg_body(%arg0: i32, %arg1: i32, %arg2: memref<2816x128xi32, #tpu.memory_space<hbm>>, %arg3: memref<80xf32, #tpu.memory_space<hbm>>, %arg4: memref<128xf32, #tpu.memory_space<hbm>>, %arg5: memref<10000xf32, #tpu.memory_space<hbm>>, %arg6: memref<10000xf32, #tpu.memory_space<hbm>>, %arg7: memref<10128xf32, #tpu.memory_space<vmem_shared>>, %arg8: memref<88x128xi32, #tpu.memory_space<vmem>>, %arg9: memref<128xf32, #tpu.memory_space<vmem>>, %arg10: memref<80xf32, #tpu.memory_space<vmem>>) attributes {dimension_semantics = [#tpu.dimension_semantics<core_parallel>, #tpu.dimension_semantics<subcore_parallel>], iteration_bounds = array<i64: 2, 16>, scalar_prefetch = 0 : i64, scratch_operands = 4 : i64, tpu.core_type = #tpu.core_type<sc_vector_subcore>, window_params = [{transform_indices = #map}, {transform_indices = #map1}, {transform_indices = #map1}, {transform_indices = #map1}, {transform_indices = #map1}]} {
    %mul3A = arith.constant 16 : i32
    %mul3A_0 = arith.muli %arg0, %mul3A : i32
    %add3A = arith.addi %mul3A_0, %arg1 : i32
    %mul3A_1 = arith.constant 88 : i32
    %mul3A_2 = arith.muli %add3A, %mul3A_1 : i32
    %multiple_of3A = tpu.assume_multiple %mul3A_2, 8 : i32
    "tpu.region"() ({
      %run_scoped3A = tpu.sem_alloc : memref<!tpu.dma_semaphore, #tpu.memory_space<semaphore_mem>>
      %dma_start3A = arith.constant 0 : i32
      %dma_start3A_20 = tpu.memref_slice %arg2[%multiple_of3A, %dma_start3A] : memref<2816x128xi32, #tpu.memory_space<hbm>> -> memref<88x128xi32, #tpu.memory_space<hbm>>
      %dma_start3A_21 = arith.constant 0 : i32
      %dma_start3A_22 = tpu.memref_slice %arg2[%multiple_of3A, %dma_start3A_21] : memref<2816x128xi32, #tpu.memory_space<hbm>> -> memref<88x128xi32, #tpu.memory_space<hbm>>
      tpu.enqueue_dma source(%dma_start3A_22 : memref<88x128xi32, #tpu.memory_space<hbm>>) target(%arg8 : memref<88x128xi32, #tpu.memory_space<vmem>>) target_semaphore(%run_scoped3A : memref<!tpu.dma_semaphore, #tpu.memory_space<semaphore_mem>>)
      %dma_wait3A = arith.constant 0 : i32
      %dma_wait3A_23 = tpu.memref_slice %arg2[%multiple_of3A, %dma_wait3A] : memref<2816x128xi32, #tpu.memory_space<hbm>> -> memref<88x128xi32, #tpu.memory_space<hbm>>
      %dma_wait3A_24 = arith.constant 0 : i32
      %dma_wait3A_25 = tpu.memref_slice %arg2[%multiple_of3A, %dma_wait3A_24] : memref<2816x128xi32, #tpu.memory_space<hbm>> -> memref<88x128xi32, #tpu.memory_space<hbm>>
      tpu.wait_dma2 semaphore(%run_scoped3A : memref<!tpu.dma_semaphore, #tpu.memory_space<semaphore_mem>>) src(%dma_wait3A_25 : memref<88x128xi32, #tpu.memory_space<hbm>>) dst(%arg8 : memref<88x128xi32, #tpu.memory_space<vmem>>)
      tpu.yield
    }) : () -> ()
    "tpu.region"() ({
      %run_scoped3A = tpu.sem_alloc : memref<!tpu.dma_semaphore, #tpu.memory_space<semaphore_mem>>
      tpu.enqueue_dma source(%arg4 : memref<128xf32, #tpu.memory_space<hbm>>) target(%arg9 : memref<128xf32, #tpu.memory_space<vmem>>) target_semaphore(%run_scoped3A : memref<!tpu.dma_semaphore, #tpu.memory_space<semaphore_mem>>)
      tpu.wait_dma2 semaphore(%run_scoped3A : memref<!tpu.dma_semaphore, #tpu.memory_space<semaphore_mem>>) src(%arg4 : memref<128xf32, #tpu.memory_space<hbm>>) dst(%arg9 : memref<128xf32, #tpu.memory_space<vmem>>)
      tpu.yield
    }) : () -> ()
    "tpu.region"() ({
      %run_scoped3A = tpu.sem_alloc : memref<!tpu.dma_semaphore, #tpu.memory_space<semaphore_mem>>
      tpu.enqueue_dma source(%arg3 : memref<80xf32, #tpu.memory_space<hbm>>) target(%arg10 : memref<80xf32, #tpu.memory_space<vmem>>) target_semaphore(%run_scoped3A : memref<!tpu.dma_semaphore, #tpu.memory_space<semaphore_mem>>)
      tpu.wait_dma2 semaphore(%run_scoped3A : memref<!tpu.dma_semaphore, #tpu.memory_space<semaphore_mem>>) src(%arg3 : memref<80xf32, #tpu.memory_space<hbm>>) dst(%arg10 : memref<80xf32, #tpu.memory_space<vmem>>)
      tpu.yield
    }) : () -> ()
    %scan3A = arith.constant 0 : i32
    %scan3A_3 = arith.constant 8 : i32
    %scan3A_4 = arith.addi %scan3A, %scan3A_3 : i32
    %scan3A_5 = arith.constant 1 : i32
    scf.for %scan3A_20 = %scan3A to %scan3A_4 step %scan3A_5  : i32 {
      %mul3A_21 = arith.constant 1 : i32
      %mul3A_22 = arith.muli %scan3A_20, %mul3A_21 : i32
      %add3A_23 = arith.constant 0 : i32
      %add3A_24 = arith.addi %add3A_23, %mul3A_22 : i32
      %mul3A_25 = arith.constant 16 : i32
      %mul3A_26 = arith.muli %add3A_24, %mul3A_25 : i32
      %add3A_27 = arith.addi %arg1, %mul3A_26 : i32
      %lt3A = arith.constant 125 : i32
      %lt3A_28 = arith.cmpi slt, %add3A_27, %lt3A : i32
      %convert_element_type3A_29 = arith.extui %lt3A_28 : i1 to i32
      %cond3A_30 = arith.constant 0 : i32
      %cond3A_31 = arith.cmpi ne, %convert_element_type3A_29, %cond3A_30 : i32
      scf.if %cond3A_31 {
        %mul3A_32 = arith.constant 80 : i32
        %mul3A_33 = arith.muli %add3A_27, %mul3A_32 : i32
        %multiple_of3A_34 = tpu.assume_multiple %mul3A_33, 8 : i32
        "tpu.region"() ({
          %run_scoped3A = tpu.sem_alloc : memref<!tpu.dma_semaphore, #tpu.memory_space<semaphore_mem>>
          %dma_start3A = tpu.memref_slice %arg7[%multiple_of3A_34] : memref<10128xf32, #tpu.memory_space<vmem_shared>> -> memref<80xf32, #tpu.memory_space<vmem_shared>>
          %dma_start3A_35 = tpu.memref_slice %arg7[%multiple_of3A_34] : memref<10128xf32, #tpu.memory_space<vmem_shared>> -> memref<80xf32, #tpu.memory_space<vmem_shared>>
          tpu.enqueue_dma source(%arg10 : memref<80xf32, #tpu.memory_space<vmem>>) target(%dma_start3A_35 : memref<80xf32, #tpu.memory_space<vmem_shared>>) target_semaphore(%run_scoped3A : memref<!tpu.dma_semaphore, #tpu.memory_space<semaphore_mem>>)
          %dma_wait3A = tpu.memref_slice %arg7[%multiple_of3A_34] : memref<10128xf32, #tpu.memory_space<vmem_shared>> -> memref<80xf32, #tpu.memory_space<vmem_shared>>
          %dma_wait3A_36 = tpu.memref_slice %arg7[%multiple_of3A_34] : memref<10128xf32, #tpu.memory_space<vmem_shared>> -> memref<80xf32, #tpu.memory_space<vmem_shared>>
          tpu.wait_dma2 semaphore(%run_scoped3A : memref<!tpu.dma_semaphore, #tpu.memory_space<semaphore_mem>>) src(%arg10 : memref<80xf32, #tpu.memory_space<vmem>>) dst(%dma_wait3A_36 : memref<80xf32, #tpu.memory_space<vmem_shared>>)
          tpu.yield
        }) : () -> ()
      } else {
      }
    }
    %scan3A_6 = arith.constant 8 : i32
    %barrier3A = arith.constant 0 : index
    tpu.barrier barrier_id(%barrier3A)
    %scan3A_7 = arith.constant 0 : i32
    %scan3A_8 = arith.constant 88 : i32
    %scan3A_9 = arith.addi %scan3A_7, %scan3A_8 : i32
    %scan3A_10 = arith.constant 1 : i32
    scf.for %scan3A_20 = %scan3A_7 to %scan3A_9 step %scan3A_10  : i32 {
      %mul3A_21 = arith.constant 1 : i32
      %mul3A_22 = arith.muli %scan3A_20, %mul3A_21 : i32
      %add3A_23 = arith.constant 0 : i32
      %add3A_24 = arith.addi %add3A_23, %mul3A_22 : i32
      "tpu.region"() ({
        %run_scoped3A = tpu.sem_alloc : memref<!tpu.dma_semaphore, #tpu.memory_space<semaphore_mem>>
        %dma_start3A = arith.constant 0 : i32
        %dma_start3A_25 = tpu.memref_slice %arg8[%add3A_24, %dma_start3A] : memref<88x128xi32, #tpu.memory_space<vmem>> -> memref<1x128xi32, #tpu.memory_space<vmem>>
        %dma_start3A_26 = tpu.memref_squeeze %dma_start3A_25 : memref<1x128xi32, #tpu.memory_space<vmem>> -> memref<128xi32, #tpu.memory_space<vmem>>
        %dma_start3A_27 = arith.constant 0 : i32
        %dma_start3A_28 = tpu.memref_slice %arg7[%dma_start3A_27] : memref<10128xf32, #tpu.memory_space<vmem_shared>> -> memref<10128xf32, #tpu.memory_space<vmem_shared>>
        tpu.enqueue_indirect_dma source(%arg9 : memref<128xf32, #tpu.memory_space<vmem>>) target(%dma_start3A_28 : memref<10128xf32, #tpu.memory_space<vmem_shared>>) offsets(%dma_start3A_26 : memref<128xi32, #tpu.memory_space<vmem>>) semaphore(%run_scoped3A : memref<!tpu.dma_semaphore, #tpu.memory_space<semaphore_mem>>) {add = true}
        %dma_wait3A = arith.constant 0 : i32
        %dma_wait3A_29 = tpu.memref_slice %arg8[%add3A_24, %dma_wait3A] : memref<88x128xi32, #tpu.memory_space<vmem>> -> memref<1x128xi32, #tpu.memory_space<vmem>>
        %dma_wait3A_30 = tpu.memref_squeeze %dma_wait3A_29 : memref<1x128xi32, #tpu.memory_space<vmem>> -> memref<128xi32, #tpu.memory_space<vmem>>
        %dma_wait3A_31 = arith.constant 0 : i32
        %dma_wait3A_32 = tpu.memref_slice %arg7[%dma_wait3A_31] : memref<10128xf32, #tpu.memory_space<vmem_shared>> -> memref<10128xf32, #tpu.memory_space<vmem_shared>>
        tpu.wait_indirect_dma semaphore(%run_scoped3A : memref<!tpu.dma_semaphore, #tpu.memory_space<semaphore_mem>>) src(%arg9 : memref<128xf32, #tpu.memory_space<vmem>>) dst(%dma_wait3A_32 : memref<10128xf32, #tpu.memory_space<vmem_shared>>)
        tpu.yield
      }) : () -> ()
    }
    %scan3A_11 = arith.constant 88 : i32
    %barrier3A_12 = arith.constant 0 : index
    tpu.barrier barrier_id(%barrier3A_12)
    %eq3A = arith.constant 0 : i32
    %eq3A_13 = arith.cmpi eq, %arg0, %eq3A : i32
    %convert_element_type3A = arith.extui %eq3A_13 : i1 to i32
    %cond3A = arith.constant 0 : i32
    %cond3A_14 = arith.cmpi ne, %convert_element_type3A, %cond3A : i32
    scf.if %cond3A_14 {
      %scan3A_20 = arith.constant 0 : i32
      %scan3A_21 = arith.constant 8 : i32
      %scan3A_22 = arith.addi %scan3A_20, %scan3A_21 : i32
      %scan3A_23 = arith.constant 1 : i32
      scf.for %scan3A_25 = %scan3A_20 to %scan3A_22 step %scan3A_23  : i32 {
        %mul3A_26 = arith.constant 1 : i32
        %mul3A_27 = arith.muli %scan3A_25, %mul3A_26 : i32
        %add3A_28 = arith.constant 0 : i32
        %add3A_29 = arith.addi %add3A_28, %mul3A_27 : i32
        %mul3A_30 = arith.constant 16 : i32
        %mul3A_31 = arith.muli %add3A_29, %mul3A_30 : i32
        %add3A_32 = arith.addi %arg1, %mul3A_31 : i32
        %lt3A = arith.constant 125 : i32
        %lt3A_33 = arith.cmpi slt, %add3A_32, %lt3A : i32
        %convert_element_type3A_34 = arith.extui %lt3A_33 : i1 to i32
        %cond3A_35 = arith.constant 0 : i32
        %cond3A_36 = arith.cmpi ne, %convert_element_type3A_34, %cond3A_35 : i32
        scf.if %cond3A_36 {
          %mul3A_37 = arith.constant 80 : i32
          %mul3A_38 = arith.muli %add3A_32, %mul3A_37 : i32
          %multiple_of3A_39 = tpu.assume_multiple %mul3A_38, 8 : i32
          "tpu.region"() ({
            %run_scoped3A = tpu.sem_alloc : memref<!tpu.dma_semaphore, #tpu.memory_space<semaphore_mem>>
            %dma_start3A = tpu.memref_slice %arg7[%multiple_of3A_39] : memref<10128xf32, #tpu.memory_space<vmem_shared>> -> memref<80xf32, #tpu.memory_space<vmem_shared>>
            %dma_start3A_40 = tpu.memref_slice %arg7[%multiple_of3A_39] : memref<10128xf32, #tpu.memory_space<vmem_shared>> -> memref<80xf32, #tpu.memory_space<vmem_shared>>
            tpu.enqueue_dma source(%dma_start3A_40 : memref<80xf32, #tpu.memory_space<vmem_shared>>) target(%arg10 : memref<80xf32, #tpu.memory_space<vmem>>) target_semaphore(%run_scoped3A : memref<!tpu.dma_semaphore, #tpu.memory_space<semaphore_mem>>)
            %dma_wait3A = tpu.memref_slice %arg7[%multiple_of3A_39] : memref<10128xf32, #tpu.memory_space<vmem_shared>> -> memref<80xf32, #tpu.memory_space<vmem_shared>>
            %dma_wait3A_41 = tpu.memref_slice %arg7[%multiple_of3A_39] : memref<10128xf32, #tpu.memory_space<vmem_shared>> -> memref<80xf32, #tpu.memory_space<vmem_shared>>
            tpu.wait_dma2 semaphore(%run_scoped3A : memref<!tpu.dma_semaphore, #tpu.memory_space<semaphore_mem>>) src(%dma_wait3A_41 : memref<80xf32, #tpu.memory_space<vmem_shared>>) dst(%arg10 : memref<80xf32, #tpu.memory_space<vmem>>)
            tpu.yield
          }) : () -> ()
          "tpu.region"() ({
            %run_scoped3A = tpu.sem_alloc : memref<!tpu.dma_semaphore, #tpu.memory_space<semaphore_mem>>
            %dma_start3A = tpu.memref_slice %arg5[%multiple_of3A_39] : memref<10000xf32, #tpu.memory_space<hbm>> -> memref<80xf32, #tpu.memory_space<hbm>>
            %dma_start3A_40 = tpu.memref_slice %arg5[%multiple_of3A_39] : memref<10000xf32, #tpu.memory_space<hbm>> -> memref<80xf32, #tpu.memory_space<hbm>>
            tpu.enqueue_dma source(%arg10 : memref<80xf32, #tpu.memory_space<vmem>>) target(%dma_start3A_40 : memref<80xf32, #tpu.memory_space<hbm>>) target_semaphore(%run_scoped3A : memref<!tpu.dma_semaphore, #tpu.memory_space<semaphore_mem>>)
            %dma_wait3A = tpu.memref_slice %arg5[%multiple_of3A_39] : memref<10000xf32, #tpu.memory_space<hbm>> -> memref<80xf32, #tpu.memory_space<hbm>>
            %dma_wait3A_41 = tpu.memref_slice %arg5[%multiple_of3A_39] : memref<10000xf32, #tpu.memory_space<hbm>> -> memref<80xf32, #tpu.memory_space<hbm>>
            tpu.wait_dma2 semaphore(%run_scoped3A : memref<!tpu.dma_semaphore, #tpu.memory_space<semaphore_mem>>) src(%arg10 : memref<80xf32, #tpu.memory_space<vmem>>) dst(%dma_wait3A_41 : memref<80xf32, #tpu.memory_space<hbm>>)
            tpu.yield
          }) : () -> ()
        } else {
        }
      }
      %scan3A_24 = arith.constant 8 : i32
    } else {
    }
    %eq3A_15 = arith.constant 1 : i32
    %eq3A_16 = arith.cmpi eq, %arg0, %eq3A_15 : i32
    %convert_element_type3A_17 = arith.extui %eq3A_16 : i1 to i32
    %cond3A_18 = arith.constant 0 : i32
    %cond3A_19 = arith.cmpi ne, %convert_element_type3A_17, %cond3A_18 : i32
    scf.if %cond3A_19 {
      %scan3A_20 = arith.constant 0 : i32
      %scan3A_21 = arith.constant 8 : i32
      %scan3A_22 = arith.addi %scan3A_20, %scan3A_21 : i32
      %scan3A_23 = arith.constant 1 : i32
      scf.for %scan3A_25 = %scan3A_20 to %scan3A_22 step %scan3A_23  : i32 {
        %mul3A_26 = arith.constant 1 : i32
        %mul3A_27 = arith.muli %scan3A_25, %mul3A_26 : i32
        %add3A_28 = arith.constant 0 : i32
        %add3A_29 = arith.addi %add3A_28, %mul3A_27 : i32
        %mul3A_30 = arith.constant 16 : i32
        %mul3A_31 = arith.muli %add3A_29, %mul3A_30 : i32
        %add3A_32 = arith.addi %arg1, %mul3A_31 : i32
        %lt3A = arith.constant 125 : i32
        %lt3A_33 = arith.cmpi slt, %add3A_32, %lt3A : i32
        %convert_element_type3A_34 = arith.extui %lt3A_33 : i1 to i32
        %cond3A_35 = arith.constant 0 : i32
        %cond3A_36 = arith.cmpi ne, %convert_element_type3A_34, %cond3A_35 : i32
        scf.if %cond3A_36 {
          %mul3A_37 = arith.constant 80 : i32
          %mul3A_38 = arith.muli %add3A_32, %mul3A_37 : i32
          %multiple_of3A_39 = tpu.assume_multiple %mul3A_38, 8 : i32
          "tpu.region"() ({
            %run_scoped3A = tpu.sem_alloc : memref<!tpu.dma_semaphore, #tpu.memory_space<semaphore_mem>>
            %dma_start3A = tpu.memref_slice %arg7[%multiple_of3A_39] : memref<10128xf32, #tpu.memory_space<vmem_shared>> -> memref<80xf32, #tpu.memory_space<vmem_shared>>
            %dma_start3A_40 = tpu.memref_slice %arg7[%multiple_of3A_39] : memref<10128xf32, #tpu.memory_space<vmem_shared>> -> memref<80xf32, #tpu.memory_space<vmem_shared>>
            tpu.enqueue_dma source(%dma_start3A_40 : memref<80xf32, #tpu.memory_space<vmem_shared>>) target(%arg10 : memref<80xf32, #tpu.memory_space<vmem>>) target_semaphore(%run_scoped3A : memref<!tpu.dma_semaphore, #tpu.memory_space<semaphore_mem>>)
            %dma_wait3A = tpu.memref_slice %arg7[%multiple_of3A_39] : memref<10128xf32, #tpu.memory_space<vmem_shared>> -> memref<80xf32, #tpu.memory_space<vmem_shared>>
            %dma_wait3A_41 = tpu.memref_slice %arg7[%multiple_of3A_39] : memref<10128xf32, #tpu.memory_space<vmem_shared>> -> memref<80xf32, #tpu.memory_space<vmem_shared>>
            tpu.wait_dma2 semaphore(%run_scoped3A : memref<!tpu.dma_semaphore, #tpu.memory_space<semaphore_mem>>) src(%dma_wait3A_41 : memref<80xf32, #tpu.memory_space<vmem_shared>>) dst(%arg10 : memref<80xf32, #tpu.memory_space<vmem>>)
            tpu.yield
          }) : () -> ()
          "tpu.region"() ({
            %run_scoped3A = tpu.sem_alloc : memref<!tpu.dma_semaphore, #tpu.memory_space<semaphore_mem>>
            %dma_start3A = tpu.memref_slice %arg6[%multiple_of3A_39] : memref<10000xf32, #tpu.memory_space<hbm>> -> memref<80xf32, #tpu.memory_space<hbm>>
            %dma_start3A_40 = tpu.memref_slice %arg6[%multiple_of3A_39] : memref<10000xf32, #tpu.memory_space<hbm>> -> memref<80xf32, #tpu.memory_space<hbm>>
            tpu.enqueue_dma source(%arg10 : memref<80xf32, #tpu.memory_space<vmem>>) target(%dma_start3A_40 : memref<80xf32, #tpu.memory_space<hbm>>) target_semaphore(%run_scoped3A : memref<!tpu.dma_semaphore, #tpu.memory_space<semaphore_mem>>)
            %dma_wait3A = tpu.memref_slice %arg6[%multiple_of3A_39] : memref<10000xf32, #tpu.memory_space<hbm>> -> memref<80xf32, #tpu.memory_space<hbm>>
            %dma_wait3A_41 = tpu.memref_slice %arg6[%multiple_of3A_39] : memref<10000xf32, #tpu.memory_space<hbm>> -> memref<80xf32, #tpu.memory_space<hbm>>
            tpu.wait_dma2 semaphore(%run_scoped3A : memref<!tpu.dma_semaphore, #tpu.memory_space<semaphore_mem>>) src(%arg10 : memref<80xf32, #tpu.memory_space<vmem>>) dst(%dma_wait3A_41 : memref<80xf32, #tpu.memory_space<hbm>>)
            tpu.yield
          }) : () -> ()
        } else {
        }
      }
      %scan3A_24 = arith.constant 8 : i32
    } else {
    }
    return
  }
}

#map = affine_map<(d0, d1) -> (0, 0)>
#map1 = affine_map<(d0, d1) -> (0, 0, 0)>
module attributes {stable_mosaic.version = 14 : i64} {
  func.func @_scatter_body(%arg0: i32, %arg1: i32, %arg2: memref<10000x128xf32, #tpu.memory_space<hbm>>, %arg3: memref<80x128xf32, #tpu.memory_space<hbm>>, %arg4: memref<5632x128xi32, #tpu.memory_space<hbm>>, %arg5: memref<2x10000x128xf32, #tpu.memory_space<hbm>>, %arg6: memref<10128x128xf32, #tpu.memory_space<vmem_shared>>, %arg7: memref<16x128xi32, #tpu.memory_space<vmem>>, %arg8: memref<16x128xi32, #tpu.memory_space<vmem>>, %arg9: memref<128x128xf32, #tpu.memory_space<vmem>>, %arg10: memref<128x128xf32, #tpu.memory_space<vmem>>, %arg11: memref<80x128xf32, #tpu.memory_space<vmem>>, %arg12: memref<!tpu.dma_semaphore, #tpu.memory_space<semaphore_mem>>, %arg13: memref<!tpu.dma_semaphore, #tpu.memory_space<semaphore_mem>>, %arg14: memref<!tpu.dma_semaphore, #tpu.memory_space<semaphore_mem>>) attributes {dimension_semantics = [#tpu.dimension_semantics<core_parallel>, #tpu.dimension_semantics<subcore_parallel>], iteration_bounds = array<i64: 2, 16>, scalar_prefetch = 0 : i64, scratch_operands = 9 : i64, tpu.core_type = #tpu.core_type<sc_vector_subcore>, window_params = [{transform_indices = #map}, {transform_indices = #map}, {transform_indices = #map}, {transform_indices = #map1}]} {
    "tpu.region"() ({
      %run_scoped3A_139 = tpu.sem_alloc : memref<!tpu.dma_semaphore, #tpu.memory_space<semaphore_mem>>
      tpu.enqueue_dma source(%arg3 : memref<80x128xf32, #tpu.memory_space<hbm>>) target(%arg11 : memref<80x128xf32, #tpu.memory_space<vmem>>) target_semaphore(%run_scoped3A_139 : memref<!tpu.dma_semaphore, #tpu.memory_space<semaphore_mem>>)
      tpu.wait_dma2 semaphore(%run_scoped3A_139 : memref<!tpu.dma_semaphore, #tpu.memory_space<semaphore_mem>>) src(%arg3 : memref<80x128xf32, #tpu.memory_space<hbm>>) dst(%arg11 : memref<80x128xf32, #tpu.memory_space<vmem>>)
      tpu.yield
    }) : () -> ()
    %scan3A = arith.constant 0 : i32
    %scan3A_0 = arith.constant 8 : i32
    %scan3A_1 = arith.addi %scan3A, %scan3A_0 : i32
    %scan3A_2 = arith.constant 1 : i32
    scf.for %scan3A_139 = %scan3A to %scan3A_1 step %scan3A_2  : i32 {
      %mul3A_140 = arith.constant 1 : i32
      %mul3A_141 = arith.muli %scan3A_139, %mul3A_140 : i32
      %add3A_142 = arith.constant 0 : i32
      %add3A_143 = arith.addi %add3A_142, %mul3A_141 : i32
      %mul3A_144 = arith.constant 16 : i32
      %mul3A_145 = arith.muli %add3A_143, %mul3A_144 : i32
      %add3A_146 = arith.addi %arg1, %mul3A_145 : i32
      %lt3A = arith.constant 125 : i32
      %lt3A_147 = arith.cmpi slt, %add3A_146, %lt3A : i32
      %convert_element_type3A = arith.extui %lt3A_147 : i1 to i32
      %cond3A = arith.constant 0 : i32
      %cond3A_148 = arith.cmpi ne, %convert_element_type3A, %cond3A : i32
      scf.if %cond3A_148 {
        %mul3A_149 = arith.constant 80 : i32
        %mul3A_150 = arith.muli %add3A_146, %mul3A_149 : i32
        %multiple_of3A_151 = tpu.assume_multiple %mul3A_150, 8 : i32
        "tpu.region"() ({
          %run_scoped3A_152 = tpu.sem_alloc : memref<!tpu.dma_semaphore, #tpu.memory_space<semaphore_mem>>
          %dma_start3A_153 = arith.constant 0 : i32
          %dma_start3A_154 = tpu.memref_slice %arg6[%multiple_of3A_151, %dma_start3A_153] : memref<10128x128xf32, #tpu.memory_space<vmem_shared>> -> memref<80x128xf32, #tpu.memory_space<vmem_shared>>
          %dma_start3A_155 = arith.constant 0 : i32
          %dma_start3A_156 = tpu.memref_slice %arg6[%multiple_of3A_151, %dma_start3A_155] : memref<10128x128xf32, #tpu.memory_space<vmem_shared>> -> memref<80x128xf32, #tpu.memory_space<vmem_shared>>
          tpu.enqueue_dma source(%arg11 : memref<80x128xf32, #tpu.memory_space<vmem>>) target(%dma_start3A_156 : memref<80x128xf32, #tpu.memory_space<vmem_shared>>) target_semaphore(%run_scoped3A_152 : memref<!tpu.dma_semaphore, #tpu.memory_space<semaphore_mem>>)
          %dma_wait3A_157 = arith.constant 0 : i32
          %dma_wait3A_158 = tpu.memref_slice %arg6[%multiple_of3A_151, %dma_wait3A_157] : memref<10128x128xf32, #tpu.memory_space<vmem_shared>> -> memref<80x128xf32, #tpu.memory_space<vmem_shared>>
          %dma_wait3A_159 = arith.constant 0 : i32
          %dma_wait3A_160 = tpu.memref_slice %arg6[%multiple_of3A_151, %dma_wait3A_159] : memref<10128x128xf32, #tpu.memory_space<vmem_shared>> -> memref<80x128xf32, #tpu.memory_space<vmem_shared>>
          tpu.wait_dma2 semaphore(%run_scoped3A_152 : memref<!tpu.dma_semaphore, #tpu.memory_space<semaphore_mem>>) src(%arg11 : memref<80x128xf32, #tpu.memory_space<vmem>>) dst(%dma_wait3A_160 : memref<80x128xf32, #tpu.memory_space<vmem_shared>>)
          tpu.yield
        }) : () -> ()
      } else {
      }
    }
    %scan3A_3 = arith.constant 8 : i32
    %barrier3A = arith.constant 0 : index
    tpu.barrier barrier_id(%barrier3A)
    %mul3A = arith.constant 16 : i32
    %mul3A_4 = arith.muli %arg0, %mul3A : i32
    %add3A = arith.addi %mul3A_4, %arg1 : i32
    %mul3A_5 = arith.constant 11 : i32
    %mul3A_6 = arith.muli %add3A, %mul3A_5 : i32
    %mul3A_7 = arith.constant 2 : i32
    %mul3A_8 = arith.muli %mul3A_6, %mul3A_7 : i32
    %mul3A_9 = arith.constant 8 : i32
    %mul3A_10 = arith.muli %mul3A_8, %mul3A_9 : i32
    %multiple_of3A = tpu.assume_multiple %mul3A_10, 8 : i32
    "tpu.region"() ({
      %run_scoped3A_139 = tpu.sem_alloc : memref<!tpu.dma_semaphore, #tpu.memory_space<semaphore_mem>>
      %dma_start3A_140 = arith.constant 0 : i32
      %dma_start3A_141 = tpu.memref_slice %arg4[%multiple_of3A, %dma_start3A_140] : memref<5632x128xi32, #tpu.memory_space<hbm>> -> memref<16x128xi32, #tpu.memory_space<hbm>>
      %dma_start3A_142 = arith.constant 0 : i32
      %dma_start3A_143 = tpu.memref_slice %arg4[%multiple_of3A, %dma_start3A_142] : memref<5632x128xi32, #tpu.memory_space<hbm>> -> memref<16x128xi32, #tpu.memory_space<hbm>>
      tpu.enqueue_dma source(%dma_start3A_143 : memref<16x128xi32, #tpu.memory_space<hbm>>) target(%arg7 : memref<16x128xi32, #tpu.memory_space<vmem>>) target_semaphore(%run_scoped3A_139 : memref<!tpu.dma_semaphore, #tpu.memory_space<semaphore_mem>>)
      %dma_wait3A_144 = arith.constant 0 : i32
      %dma_wait3A_145 = tpu.memref_slice %arg4[%multiple_of3A, %dma_wait3A_144] : memref<5632x128xi32, #tpu.memory_space<hbm>> -> memref<16x128xi32, #tpu.memory_space<hbm>>
      %dma_wait3A_146 = arith.constant 0 : i32
      %dma_wait3A_147 = tpu.memref_slice %arg4[%multiple_of3A, %dma_wait3A_146] : memref<5632x128xi32, #tpu.memory_space<hbm>> -> memref<16x128xi32, #tpu.memory_space<hbm>>
      tpu.wait_dma2 semaphore(%run_scoped3A_139 : memref<!tpu.dma_semaphore, #tpu.memory_space<semaphore_mem>>) src(%dma_wait3A_147 : memref<16x128xi32, #tpu.memory_space<hbm>>) dst(%arg7 : memref<16x128xi32, #tpu.memory_space<vmem>>)
      tpu.yield
    }) : () -> ()
    %scan3A_11 = arith.constant 0 : i32
    %scan3A_12 = arith.constant 5 : i32
    %scan3A_13 = arith.addi %scan3A_11, %scan3A_12 : i32
    %scan3A_14 = arith.constant 1 : i32
    scf.for %scan3A_139 = %scan3A_11 to %scan3A_13 step %scan3A_14  : i32 {
      %mul3A_140 = arith.constant 1 : i32
      %mul3A_141 = arith.muli %scan3A_139, %mul3A_140 : i32
      %add3A_142 = arith.constant 0 : i32
      %add3A_143 = arith.addi %add3A_142, %mul3A_141 : i32
      %mul3A_144 = arith.constant 2 : i32
      %mul3A_145 = arith.muli %mul3A_144, %add3A_143 : i32
      %add3A_146 = arith.addi %mul3A_6, %mul3A_145 : i32
      %add3A_147 = arith.constant 1 : i32
      %add3A_148 = arith.addi %add3A_146, %add3A_147 : i32
      %mul3A_149 = arith.constant 2 : i32
      %mul3A_150 = arith.muli %add3A_148, %mul3A_149 : i32
      %mul3A_151 = arith.constant 8 : i32
      %mul3A_152 = arith.muli %mul3A_150, %mul3A_151 : i32
      %multiple_of3A_153 = tpu.assume_multiple %mul3A_152, 8 : i32
      %dma_start3A_154 = arith.constant 0 : i32
      %dma_start3A_155 = tpu.memref_slice %arg4[%multiple_of3A_153, %dma_start3A_154] : memref<5632x128xi32, #tpu.memory_space<hbm>> -> memref<16x128xi32, #tpu.memory_space<hbm>>
      %dma_start3A_156 = arith.constant 0 : i32
      %dma_start3A_157 = tpu.memref_slice %arg4[%multiple_of3A_153, %dma_start3A_156] : memref<5632x128xi32, #tpu.memory_space<hbm>> -> memref<16x128xi32, #tpu.memory_space<hbm>>
      tpu.enqueue_dma source(%dma_start3A_157 : memref<16x128xi32, #tpu.memory_space<hbm>>) target(%arg8 : memref<16x128xi32, #tpu.memory_space<vmem>>) target_semaphore(%arg14 : memref<!tpu.dma_semaphore, #tpu.memory_space<semaphore_mem>>)
      %dma_start3A_158 = arith.constant 0 : i32
      %dma_start3A_159 = arith.constant 0 : i32
      %dma_start3A_160 = tpu.memref_slice %arg7[%dma_start3A_158, %dma_start3A_159] : memref<16x128xi32, #tpu.memory_space<vmem>> -> memref<1x128xi32, #tpu.memory_space<vmem>>
      %dma_start3A_161 = tpu.memref_squeeze %dma_start3A_160 : memref<1x128xi32, #tpu.memory_space<vmem>> -> memref<128xi32, #tpu.memory_space<vmem>>
      %dma_start3A_162 = arith.constant 0 : i32
      %dma_start3A_163 = arith.constant 0 : i32
      %dma_start3A_164 = tpu.memref_slice %arg2[%dma_start3A_162, %dma_start3A_163] : memref<10000x128xf32, #tpu.memory_space<hbm>> -> memref<10000x128xf32, #tpu.memory_space<hbm>>
      tpu.enqueue_indirect_dma source(%dma_start3A_164 : memref<10000x128xf32, #tpu.memory_space<hbm>>) target(%arg9 : memref<128x128xf32, #tpu.memory_space<vmem>>) offsets(%dma_start3A_161 : memref<128xi32, #tpu.memory_space<vmem>>) semaphore(%arg12 : memref<!tpu.dma_semaphore, #tpu.memory_space<semaphore_mem>>)
      %dma_start3A_165 = arith.constant 1 : i32
      %dma_start3A_166 = arith.constant 0 : i32
      %dma_start3A_167 = tpu.memref_slice %arg7[%dma_start3A_165, %dma_start3A_166] : memref<16x128xi32, #tpu.memory_space<vmem>> -> memref<1x128xi32, #tpu.memory_space<vmem>>
      %dma_start3A_168 = tpu.memref_squeeze %dma_start3A_167 : memref<1x128xi32, #tpu.memory_space<vmem>> -> memref<128xi32, #tpu.memory_space<vmem>>
      %dma_start3A_169 = arith.constant 0 : i32
      %dma_start3A_170 = arith.constant 0 : i32
      %dma_start3A_171 = tpu.memref_slice %arg2[%dma_start3A_169, %dma_start3A_170] : memref<10000x128xf32, #tpu.memory_space<hbm>> -> memref<10000x128xf32, #tpu.memory_space<hbm>>
      tpu.enqueue_indirect_dma source(%dma_start3A_171 : memref<10000x128xf32, #tpu.memory_space<hbm>>) target(%arg10 : memref<128x128xf32, #tpu.memory_space<vmem>>) offsets(%dma_start3A_168 : memref<128xi32, #tpu.memory_space<vmem>>) semaphore(%arg13 : memref<!tpu.dma_semaphore, #tpu.memory_space<semaphore_mem>>)
      %dma_wait3A_172 = arith.constant 0 : i32
      %dma_wait3A_173 = arith.constant 0 : i32
      %dma_wait3A_174 = tpu.memref_slice %arg7[%dma_wait3A_172, %dma_wait3A_173] : memref<16x128xi32, #tpu.memory_space<vmem>> -> memref<1x128xi32, #tpu.memory_space<vmem>>
      %dma_wait3A_175 = tpu.memref_squeeze %dma_wait3A_174 : memref<1x128xi32, #tpu.memory_space<vmem>> -> memref<128xi32, #tpu.memory_space<vmem>>
      %dma_wait3A_176 = arith.constant 0 : i32
      %dma_wait3A_177 = arith.constant 0 : i32
      %dma_wait3A_178 = tpu.memref_slice %arg2[%dma_wait3A_176, %dma_wait3A_177] : memref<10000x128xf32, #tpu.memory_space<hbm>> -> memref<10000x128xf32, #tpu.memory_space<hbm>>
      tpu.wait_indirect_dma semaphore(%arg12 : memref<!tpu.dma_semaphore, #tpu.memory_space<semaphore_mem>>) src(%dma_wait3A_178 : memref<10000x128xf32, #tpu.memory_space<hbm>>) dst(%arg9 : memref<128x128xf32, #tpu.memory_space<vmem>>)
      %run_scoped3A_179 = arith.constant 8 : i32
      "tpu.region"() ({
        %run_scoped3A_420 = tpu.sem_alloc : memref<!tpu.dma_semaphore, #tpu.memory_space<semaphore_mem>>
        %dma_start3A_421 = arith.constant 0 : i32
        %dma_start3A_422 = tpu.memref_slice %arg7[%run_scoped3A_179, %dma_start3A_421] : memref<16x128xi32, #tpu.memory_space<vmem>> -> memref<1x128xi32, #tpu.memory_space<vmem>>
        %dma_start3A_423 = tpu.memref_squeeze %dma_start3A_422 : memref<1x128xi32, #tpu.memory_space<vmem>> -> memref<128xi32, #tpu.memory_space<vmem>>
        %dma_start3A_424 = arith.constant 0 : i32
        %dma_start3A_425 = arith.constant 0 : i32
        %dma_start3A_426 = tpu.memref_slice %arg6[%dma_start3A_424, %dma_start3A_425] : memref<10128x128xf32, #tpu.memory_space<vmem_shared>> -> memref<10128x128xf32, #tpu.memory_space<vmem_shared>>
        tpu.enqueue_indirect_dma source(%arg9 : memref<128x128xf32, #tpu.memory_space<vmem>>) target(%dma_start3A_426 : memref<10128x128xf32, #tpu.memory_space<vmem_shared>>) offsets(%dma_start3A_423 : memref<128xi32, #tpu.memory_space<vmem>>) semaphore(%run_scoped3A_420 : memref<!tpu.dma_semaphore, #tpu.memory_space<semaphore_mem>>) {add = true}
        %dma_wait3A_427 = arith.constant 0 : i32
        %dma_wait3A_428 = tpu.memref_slice %arg7[%run_scoped3A_179, %dma_wait3A_427] : memref<16x128xi32, #tpu.memory_space<vmem>> -> memref<1x128xi32, #tpu.memory_space<vmem>>
        %dma_wait3A_429 = tpu.memref_squeeze %dma_wait3A_428 : memref<1x128xi32, #tpu.memory_space<vmem>> -> memref<128xi32, #tpu.memory_space<vmem>>
        %dma_wait3A_430 = arith.constant 0 : i32
        %dma_wait3A_431 = arith.constant 0 : i32
        %dma_wait3A_432 = tpu.memref_slice %arg6[%dma_wait3A_430, %dma_wait3A_431] : memref<10128x128xf32, #tpu.memory_space<vmem_shared>> -> memref<10128x128xf32, #tpu.memory_space<vmem_shared>>
        tpu.wait_indirect_dma semaphore(%run_scoped3A_420 : memref<!tpu.dma_semaphore, #tpu.memory_space<semaphore_mem>>) src(%arg9 : memref<128x128xf32, #tpu.memory_space<vmem>>) dst(%dma_wait3A_432 : memref<10128x128xf32, #tpu.memory_space<vmem_shared>>)
        tpu.yield
      }) : () -> ()
      %dma_start3A_180 = arith.constant 2 : i32
      %dma_start3A_181 = arith.constant 0 : i32
      %dma_start3A_182 = tpu.memref_slice %arg7[%dma_start3A_180, %dma_start3A_181] : memref<16x128xi32, #tpu.memory_space<vmem>> -> memref<1x128xi32, #tpu.memory_space<vmem>>
      %dma_start3A_183 = tpu.memref_squeeze %dma_start3A_182 : memref<1x128xi32, #tpu.memory_space<vmem>> -> memref<128xi32, #tpu.memory_space<vmem>>
      %dma_start3A_184 = arith.constant 0 : i32
      %dma_start3A_185 = arith.constant 0 : i32
      %dma_start3A_186 = tpu.memref_slice %arg2[%dma_start3A_184, %dma_start3A_185] : memref<10000x128xf32, #tpu.memory_space<hbm>> -> memref<10000x128xf32, #tpu.memory_space<hbm>>
      tpu.enqueue_indirect_dma source(%dma_start3A_186 : memref<10000x128xf32, #tpu.memory_space<hbm>>) target(%arg9 : memref<128x128xf32, #tpu.memory_space<vmem>>) offsets(%dma_start3A_183 : memref<128xi32, #tpu.memory_space<vmem>>) semaphore(%arg12 : memref<!tpu.dma_semaphore, #tpu.memory_space<semaphore_mem>>)
      %dma_wait3A_187 = arith.constant 1 : i32
      %dma_wait3A_188 = arith.constant 0 : i32
      %dma_wait3A_189 = tpu.memref_slice %arg7[%dma_wait3A_187, %dma_wait3A_188] : memref<16x128xi32, #tpu.memory_space<vmem>> -> memref<1x128xi32, #tpu.memory_space<vmem>>
      %dma_wait3A_190 = tpu.memref_squeeze %dma_wait3A_189 : memref<1x128xi32, #tpu.memory_space<vmem>> -> memref<128xi32, #tpu.memory_space<vmem>>
      %dma_wait3A_191 = arith.constant 0 : i32
      %dma_wait3A_192 = arith.constant 0 : i32
      %dma_wait3A_193 = tpu.memref_slice %arg2[%dma_wait3A_191, %dma_wait3A_192] : memref<10000x128xf32, #tpu.memory_space<hbm>> -> memref<10000x128xf32, #tpu.memory_space<hbm>>
      tpu.wait_indirect_dma semaphore(%arg13 : memref<!tpu.dma_semaphore, #tpu.memory_space<semaphore_mem>>) src(%dma_wait3A_193 : memref<10000x128xf32, #tpu.memory_space<hbm>>) dst(%arg10 : memref<128x128xf32, #tpu.memory_space<vmem>>)
      %run_scoped3A_194 = arith.constant 9 : i32
      "tpu.region"() ({
        %run_scoped3A_420 = tpu.sem_alloc : memref<!tpu.dma_semaphore, #tpu.memory_space<semaphore_mem>>
        %dma_start3A_421 = arith.constant 0 : i32
        %dma_start3A_422 = tpu.memref_slice %arg7[%run_scoped3A_194, %dma_start3A_421] : memref<16x128xi32, #tpu.memory_space<vmem>> -> memref<1x128xi32, #tpu.memory_space<vmem>>
        %dma_start3A_423 = tpu.memref_squeeze %dma_start3A_422 : memref<1x128xi32, #tpu.memory_space<vmem>> -> memref<128xi32, #tpu.memory_space<vmem>>
        %dma_start3A_424 = arith.constant 0 : i32
        %dma_start3A_425 = arith.constant 0 : i32
        %dma_start3A_426 = tpu.memref_slice %arg6[%dma_start3A_424, %dma_start3A_425] : memref<10128x128xf32, #tpu.memory_space<vmem_shared>> -> memref<10128x128xf32, #tpu.memory_space<vmem_shared>>
        tpu.enqueue_indirect_dma source(%arg10 : memref<128x128xf32, #tpu.memory_space<vmem>>) target(%dma_start3A_426 : memref<10128x128xf32, #tpu.memory_space<vmem_shared>>) offsets(%dma_start3A_423 : memref<128xi32, #tpu.memory_space<vmem>>) semaphore(%run_scoped3A_420 : memref<!tpu.dma_semaphore, #tpu.memory_space<semaphore_mem>>) {add = true}
        %dma_wait3A_427 = arith.constant 0 : i32
        %dma_wait3A_428 = tpu.memref_slice %arg7[%run_scoped3A_194, %dma_wait3A_427] : memref<16x128xi32, #tpu.memory_space<vmem>> -> memref<1x128xi32, #tpu.memory_space<vmem>>
        %dma_wait3A_429 = tpu.memref_squeeze %dma_wait3A_428 : memref<1x128xi32, #tpu.memory_space<vmem>> -> memref<128xi32, #tpu.memory_space<vmem>>
        %dma_wait3A_430 = arith.constant 0 : i32
        %dma_wait3A_431 = arith.constant 0 : i32
        %dma_wait3A_432 = tpu.memref_slice %arg6[%dma_wait3A_430, %dma_wait3A_431] : memref<10128x128xf32, #tpu.memory_space<vmem_shared>> -> memref<10128x128xf32, #tpu.memory_space<vmem_shared>>
        tpu.wait_indirect_dma semaphore(%run_scoped3A_420 : memref<!tpu.dma_semaphore, #tpu.memory_space<semaphore_mem>>) src(%arg10 : memref<128x128xf32, #tpu.memory_space<vmem>>) dst(%dma_wait3A_432 : memref<10128x128xf32, #tpu.memory_space<vmem_shared>>)
        tpu.yield
      }) : () -> ()
      %dma_start3A_195 = arith.constant 3 : i32
      %dma_start3A_196 = arith.constant 0 : i32
      %dma_start3A_197 = tpu.memref_slice %arg7[%dma_start3A_195, %dma_start3A_196] : memref<16x128xi32, #tpu.memory_space<vmem>> -> memref<1x128xi32, #tpu.memory_space<vmem>>
      %dma_start3A_198 = tpu.memref_squeeze %dma_start3A_197 : memref<1x128xi32, #tpu.memory_space<vmem>> -> memref<128xi32, #tpu.memory_space<vmem>>
      %dma_start3A_199 = arith.constant 0 : i32
      %dma_start3A_200 = arith.constant 0 : i32
      %dma_start3A_201 = tpu.memref_slice %arg2[%dma_start3A_199, %dma_start3A_200] : memref<10000x128xf32, #tpu.memory_space<hbm>> -> memref<10000x128xf32, #tpu.memory_space<hbm>>
      tpu.enqueue_indirect_dma source(%dma_start3A_201 : memref<10000x128xf32, #tpu.memory_space<hbm>>) target(%arg10 : memref<128x128xf32, #tpu.memory_space<vmem>>) offsets(%dma_start3A_198 : memref<128xi32, #tpu.memory_space<vmem>>) semaphore(%arg13 : memref<!tpu.dma_semaphore, #tpu.memory_space<semaphore_mem>>)
      %dma_wait3A_202 = arith.constant 2 : i32
      %dma_wait3A_203 = arith.constant 0 : i32
      %dma_wait3A_204 = tpu.memref_slice %arg7[%dma_wait3A_202, %dma_wait3A_203] : memref<16x128xi32, #tpu.memory_space<vmem>> -> memref<1x128xi32, #tpu.memory_space<vmem>>
      %dma_wait3A_205 = tpu.memref_squeeze %dma_wait3A_204 : memref<1x128xi32, #tpu.memory_space<vmem>> -> memref<128xi32, #tpu.memory_space<vmem>>
      %dma_wait3A_206 = arith.constant 0 : i32
      %dma_wait3A_207 = arith.constant 0 : i32
      %dma_wait3A_208 = tpu.memref_slice %arg2[%dma_wait3A_206, %dma_wait3A_207] : memref<10000x128xf32, #tpu.memory_space<hbm>> -> memref<10000x128xf32, #tpu.memory_space<hbm>>
      tpu.wait_indirect_dma semaphore(%arg12 : memref<!tpu.dma_semaphore, #tpu.memory_space<semaphore_mem>>) src(%dma_wait3A_208 : memref<10000x128xf32, #tpu.memory_space<hbm>>) dst(%arg9 : memref<128x128xf32, #tpu.memory_space<vmem>>)
      %run_scoped3A_209 = arith.constant 10 : i32
      "tpu.region"() ({
        %run_scoped3A_420 = tpu.sem_alloc : memref<!tpu.dma_semaphore, #tpu.memory_space<semaphore_mem>>
        %dma_start3A_421 = arith.constant 0 : i32
        %dma_start3A_422 = tpu.memref_slice %arg7[%run_scoped3A_209, %dma_start3A_421] : memref<16x128xi32, #tpu.memory_space<vmem>> -> memref<1x128xi32, #tpu.memory_space<vmem>>
        %dma_start3A_423 = tpu.memref_squeeze %dma_start3A_422 : memref<1x128xi32, #tpu.memory_space<vmem>> -> memref<128xi32, #tpu.memory_space<vmem>>
        %dma_start3A_424 = arith.constant 0 : i32
        %dma_start3A_425 = arith.constant 0 : i32
        %dma_start3A_426 = tpu.memref_slice %arg6[%dma_start3A_424, %dma_start3A_425] : memref<10128x128xf32, #tpu.memory_space<vmem_shared>> -> memref<10128x128xf32, #tpu.memory_space<vmem_shared>>
        tpu.enqueue_indirect_dma source(%arg9 : memref<128x128xf32, #tpu.memory_space<vmem>>) target(%dma_start3A_426 : memref<10128x128xf32, #tpu.memory_space<vmem_shared>>) offsets(%dma_start3A_423 : memref<128xi32, #tpu.memory_space<vmem>>) semaphore(%run_scoped3A_420 : memref<!tpu.dma_semaphore, #tpu.memory_space<semaphore_mem>>) {add = true}
        %dma_wait3A_427 = arith.constant 0 : i32
        %dma_wait3A_428 = tpu.memref_slice %arg7[%run_scoped3A_209, %dma_wait3A_427] : memref<16x128xi32, #tpu.memory_space<vmem>> -> memref<1x128xi32, #tpu.memory_space<vmem>>
        %dma_wait3A_429 = tpu.memref_squeeze %dma_wait3A_428 : memref<1x128xi32, #tpu.memory_space<vmem>> -> memref<128xi32, #tpu.memory_space<vmem>>
        %dma_wait3A_430 = arith.constant 0 : i32
        %dma_wait3A_431 = arith.constant 0 : i32
        %dma_wait3A_432 = tpu.memref_slice %arg6[%dma_wait3A_430, %dma_wait3A_431] : memref<10128x128xf32, #tpu.memory_space<vmem_shared>> -> memref<10128x128xf32, #tpu.memory_space<vmem_shared>>
        tpu.wait_indirect_dma semaphore(%run_scoped3A_420 : memref<!tpu.dma_semaphore, #tpu.memory_space<semaphore_mem>>) src(%arg9 : memref<128x128xf32, #tpu.memory_space<vmem>>) dst(%dma_wait3A_432 : memref<10128x128xf32, #tpu.memory_space<vmem_shared>>)
        tpu.yield
      }) : () -> ()
      %dma_start3A_210 = arith.constant 4 : i32
      %dma_start3A_211 = arith.constant 0 : i32
      %dma_start3A_212 = tpu.memref_slice %arg7[%dma_start3A_210, %dma_start3A_211] : memref<16x128xi32, #tpu.memory_space<vmem>> -> memref<1x128xi32, #tpu.memory_space<vmem>>
      %dma_start3A_213 = tpu.memref_squeeze %dma_start3A_212 : memref<1x128xi32, #tpu.memory_space<vmem>> -> memref<128xi32, #tpu.memory_space<vmem>>
      %dma_start3A_214 = arith.constant 0 : i32
      %dma_start3A_215 = arith.constant 0 : i32
      %dma_start3A_216 = tpu.memref_slice %arg2[%dma_start3A_214, %dma_start3A_215] : memref<10000x128xf32, #tpu.memory_space<hbm>> -> memref<10000x128xf32, #tpu.memory_space<hbm>>
      tpu.enqueue_indirect_dma source(%dma_start3A_216 : memref<10000x128xf32, #tpu.memory_space<hbm>>) target(%arg9 : memref<128x128xf32, #tpu.memory_space<vmem>>) offsets(%dma_start3A_213 : memref<128xi32, #tpu.memory_space<vmem>>) semaphore(%arg12 : memref<!tpu.dma_semaphore, #tpu.memory_space<semaphore_mem>>)
      %dma_wait3A_217 = arith.constant 3 : i32
      %dma_wait3A_218 = arith.constant 0 : i32
      %dma_wait3A_219 = tpu.memref_slice %arg7[%dma_wait3A_217, %dma_wait3A_218] : memref<16x128xi32, #tpu.memory_space<vmem>> -> memref<1x128xi32, #tpu.memory_space<vmem>>
      %dma_wait3A_220 = tpu.memref_squeeze %dma_wait3A_219 : memref<1x128xi32, #tpu.memory_space<vmem>> -> memref<128xi32, #tpu.memory_space<vmem>>
      %dma_wait3A_221 = arith.constant 0 : i32
      %dma_wait3A_222 = arith.constant 0 : i32
      %dma_wait3A_223 = tpu.memref_slice %arg2[%dma_wait3A_221, %dma_wait3A_222] : memref<10000x128xf32, #tpu.memory_space<hbm>> -> memref<10000x128xf32, #tpu.memory_space<hbm>>
      tpu.wait_indirect_dma semaphore(%arg13 : memref<!tpu.dma_semaphore, #tpu.memory_space<semaphore_mem>>) src(%dma_wait3A_223 : memref<10000x128xf32, #tpu.memory_space<hbm>>) dst(%arg10 : memref<128x128xf32, #tpu.memory_space<vmem>>)
      %run_scoped3A_224 = arith.constant 11 : i32
      "tpu.region"() ({
        %run_scoped3A_420 = tpu.sem_alloc : memref<!tpu.dma_semaphore, #tpu.memory_space<semaphore_mem>>
        %dma_start3A_421 = arith.constant 0 : i32
        %dma_start3A_422 = tpu.memref_slice %arg7[%run_scoped3A_224, %dma_start3A_421] : memref<16x128xi32, #tpu.memory_space<vmem>> -> memref<1x128xi32, #tpu.memory_space<vmem>>
        %dma_start3A_423 = tpu.memref_squeeze %dma_start3A_422 : memref<1x128xi32, #tpu.memory_space<vmem>> -> memref<128xi32, #tpu.memory_space<vmem>>
        %dma_start3A_424 = arith.constant 0 : i32
        %dma_start3A_425 = arith.constant 0 : i32
        %dma_start3A_426 = tpu.memref_slice %arg6[%dma_start3A_424, %dma_start3A_425] : memref<10128x128xf32, #tpu.memory_space<vmem_shared>> -> memref<10128x128xf32, #tpu.memory_space<vmem_shared>>
        tpu.enqueue_indirect_dma source(%arg10 : memref<128x128xf32, #tpu.memory_space<vmem>>) target(%dma_start3A_426 : memref<10128x128xf32, #tpu.memory_space<vmem_shared>>) offsets(%dma_start3A_423 : memref<128xi32, #tpu.memory_space<vmem>>) semaphore(%run_scoped3A_420 : memref<!tpu.dma_semaphore, #tpu.memory_space<semaphore_mem>>) {add = true}
        %dma_wait3A_427 = arith.constant 0 : i32
        %dma_wait3A_428 = tpu.memref_slice %arg7[%run_scoped3A_224, %dma_wait3A_427] : memref<16x128xi32, #tpu.memory_space<vmem>> -> memref<1x128xi32, #tpu.memory_space<vmem>>
        %dma_wait3A_429 = tpu.memref_squeeze %dma_wait3A_428 : memref<1x128xi32, #tpu.memory_space<vmem>> -> memref<128xi32, #tpu.memory_space<vmem>>
        %dma_wait3A_430 = arith.constant 0 : i32
        %dma_wait3A_431 = arith.constant 0 : i32
        %dma_wait3A_432 = tpu.memref_slice %arg6[%dma_wait3A_430, %dma_wait3A_431] : memref<10128x128xf32, #tpu.memory_space<vmem_shared>> -> memref<10128x128xf32, #tpu.memory_space<vmem_shared>>
        tpu.wait_indirect_dma semaphore(%run_scoped3A_420 : memref<!tpu.dma_semaphore, #tpu.memory_space<semaphore_mem>>) src(%arg10 : memref<128x128xf32, #tpu.memory_space<vmem>>) dst(%dma_wait3A_432 : memref<10128x128xf32, #tpu.memory_space<vmem_shared>>)
        tpu.yield
      }) : () -> ()
      %dma_start3A_225 = arith.constant 5 : i32
      %dma_start3A_226 = arith.constant 0 : i32
      %dma_start3A_227 = tpu.memref_slice %arg7[%dma_start3A_225, %dma_start3A_226] : memref<16x128xi32, #tpu.memory_space<vmem>> -> memref<1x128xi32, #tpu.memory_space<vmem>>
      %dma_start3A_228 = tpu.memref_squeeze %dma_start3A_227 : memref<1x128xi32, #tpu.memory_space<vmem>> -> memref<128xi32, #tpu.memory_space<vmem>>
      %dma_start3A_229 = arith.constant 0 : i32
      %dma_start3A_230 = arith.constant 0 : i32
      %dma_start3A_231 = tpu.memref_slice %arg2[%dma_start3A_229, %dma_start3A_230] : memref<10000x128xf32, #tpu.memory_space<hbm>> -> memref<10000x128xf32, #tpu.memory_space<hbm>>
      tpu.enqueue_indirect_dma source(%dma_start3A_231 : memref<10000x128xf32, #tpu.memory_space<hbm>>) target(%arg10 : memref<128x128xf32, #tpu.memory_space<vmem>>) offsets(%dma_start3A_228 : memref<128xi32, #tpu.memory_space<vmem>>) semaphore(%arg13 : memref<!tpu.dma_semaphore, #tpu.memory_space<semaphore_mem>>)
      %dma_wait3A_232 = arith.constant 4 : i32
      %dma_wait3A_233 = arith.constant 0 : i32
      %dma_wait3A_234 = tpu.memref_slice %arg7[%dma_wait3A_232, %dma_wait3A_233] : memref<16x128xi32, #tpu.memory_space<vmem>> -> memref<1x128xi32, #tpu.memory_space<vmem>>
      %dma_wait3A_235 = tpu.memref_squeeze %dma_wait3A_234 : memref<1x128xi32, #tpu.memory_space<vmem>> -> memref<128xi32, #tpu.memory_space<vmem>>
      %dma_wait3A_236 = arith.constant 0 : i32
      %dma_wait3A_237 = arith.constant 0 : i32
      %dma_wait3A_238 = tpu.memref_slice %arg2[%dma_wait3A_236, %dma_wait3A_237] : memref<10000x128xf32, #tpu.memory_space<hbm>> -> memref<10000x128xf32, #tpu.memory_space<hbm>>
      tpu.wait_indirect_dma semaphore(%arg12 : memref<!tpu.dma_semaphore, #tpu.memory_space<semaphore_mem>>) src(%dma_wait3A_238 : memref<10000x128xf32, #tpu.memory_space<hbm>>) dst(%arg9 : memref<128x128xf32, #tpu.memory_space<vmem>>)
      %run_scoped3A_239 = arith.constant 12 : i32
      "tpu.region"() ({
        %run_scoped3A_420 = tpu.sem_alloc : memref<!tpu.dma_semaphore, #tpu.memory_space<semaphore_mem>>
        %dma_start3A_421 = arith.constant 0 : i32
        %dma_start3A_422 = tpu.memref_slice %arg7[%run_scoped3A_239, %dma_start3A_421] : memref<16x128xi32, #tpu.memory_space<vmem>> -> memref<1x128xi32, #tpu.memory_space<vmem>>
        %dma_start3A_423 = tpu.memref_squeeze %dma_start3A_422 : memref<1x128xi32, #tpu.memory_space<vmem>> -> memref<128xi32, #tpu.memory_space<vmem>>
        %dma_start3A_424 = arith.constant 0 : i32
        %dma_start3A_425 = arith.constant 0 : i32
        %dma_start3A_426 = tpu.memref_slice %arg6[%dma_start3A_424, %dma_start3A_425] : memref<10128x128xf32, #tpu.memory_space<vmem_shared>> -> memref<10128x128xf32, #tpu.memory_space<vmem_shared>>
        tpu.enqueue_indirect_dma source(%arg9 : memref<128x128xf32, #tpu.memory_space<vmem>>) target(%dma_start3A_426 : memref<10128x128xf32, #tpu.memory_space<vmem_shared>>) offsets(%dma_start3A_423 : memref<128xi32, #tpu.memory_space<vmem>>) semaphore(%run_scoped3A_420 : memref<!tpu.dma_semaphore, #tpu.memory_space<semaphore_mem>>) {add = true}
        %dma_wait3A_427 = arith.constant 0 : i32
        %dma_wait3A_428 = tpu.memref_slice %arg7[%run_scoped3A_239, %dma_wait3A_427] : memref<16x128xi32, #tpu.memory_space<vmem>> -> memref<1x128xi32, #tpu.memory_space<vmem>>
        %dma_wait3A_429 = tpu.memref_squeeze %dma_wait3A_428 : memref<1x128xi32, #tpu.memory_space<vmem>> -> memref<128xi32, #tpu.memory_space<vmem>>
        %dma_wait3A_430 = arith.constant 0 : i32
        %dma_wait3A_431 = arith.constant 0 : i32
        %dma_wait3A_432 = tpu.memref_slice %arg6[%dma_wait3A_430, %dma_wait3A_431] : memref<10128x128xf32, #tpu.memory_space<vmem_shared>> -> memref<10128x128xf32, #tpu.memory_space<vmem_shared>>
        tpu.wait_indirect_dma semaphore(%run_scoped3A_420 : memref<!tpu.dma_semaphore, #tpu.memory_space<semaphore_mem>>) src(%arg9 : memref<128x128xf32, #tpu.memory_space<vmem>>) dst(%dma_wait3A_432 : memref<10128x128xf32, #tpu.memory_space<vmem_shared>>)
        tpu.yield
      }) : () -> ()
      %dma_start3A_240 = arith.constant 6 : i32
      %dma_start3A_241 = arith.constant 0 : i32
      %dma_start3A_242 = tpu.memref_slice %arg7[%dma_start3A_240, %dma_start3A_241] : memref<16x128xi32, #tpu.memory_space<vmem>> -> memref<1x128xi32, #tpu.memory_space<vmem>>
      %dma_start3A_243 = tpu.memref_squeeze %dma_start3A_242 : memref<1x128xi32, #tpu.memory_space<vmem>> -> memref<128xi32, #tpu.memory_space<vmem>>
      %dma_start3A_244 = arith.constant 0 : i32
      %dma_start3A_245 = arith.constant 0 : i32
      %dma_start3A_246 = tpu.memref_slice %arg2[%dma_start3A_244, %dma_start3A_245] : memref<10000x128xf32, #tpu.memory_space<hbm>> -> memref<10000x128xf32, #tpu.memory_space<hbm>>
      tpu.enqueue_indirect_dma source(%dma_start3A_246 : memref<10000x128xf32, #tpu.memory_space<hbm>>) target(%arg9 : memref<128x128xf32, #tpu.memory_space<vmem>>) offsets(%dma_start3A_243 : memref<128xi32, #tpu.memory_space<vmem>>) semaphore(%arg12 : memref<!tpu.dma_semaphore, #tpu.memory_space<semaphore_mem>>)
      %dma_wait3A_247 = arith.constant 5 : i32
      %dma_wait3A_248 = arith.constant 0 : i32
      %dma_wait3A_249 = tpu.memref_slice %arg7[%dma_wait3A_247, %dma_wait3A_248] : memref<16x128xi32, #tpu.memory_space<vmem>> -> memref<1x128xi32, #tpu.memory_space<vmem>>
      %dma_wait3A_250 = tpu.memref_squeeze %dma_wait3A_249 : memref<1x128xi32, #tpu.memory_space<vmem>> -> memref<128xi32, #tpu.memory_space<vmem>>
      %dma_wait3A_251 = arith.constant 0 : i32
      %dma_wait3A_252 = arith.constant 0 : i32
      %dma_wait3A_253 = tpu.memref_slice %arg2[%dma_wait3A_251, %dma_wait3A_252] : memref<10000x128xf32, #tpu.memory_space<hbm>> -> memref<10000x128xf32, #tpu.memory_space<hbm>>
      tpu.wait_indirect_dma semaphore(%arg13 : memref<!tpu.dma_semaphore, #tpu.memory_space<semaphore_mem>>) src(%dma_wait3A_253 : memref<10000x128xf32, #tpu.memory_space<hbm>>) dst(%arg10 : memref<128x128xf32, #tpu.memory_space<vmem>>)
      %run_scoped3A_254 = arith.constant 13 : i32
      "tpu.region"() ({
        %run_scoped3A_420 = tpu.sem_alloc : memref<!tpu.dma_semaphore, #tpu.memory_space<semaphore_mem>>
        %dma_start3A_421 = arith.constant 0 : i32
        %dma_start3A_422 = tpu.memref_slice %arg7[%run_scoped3A_254, %dma_start3A_421] : memref<16x128xi32, #tpu.memory_space<vmem>> -> memref<1x128xi32, #tpu.memory_space<vmem>>
        %dma_start3A_423 = tpu.memref_squeeze %dma_start3A_422 : memref<1x128xi32, #tpu.memory_space<vmem>> -> memref<128xi32, #tpu.memory_space<vmem>>
        %dma_start3A_424 = arith.constant 0 : i32
        %dma_start3A_425 = arith.constant 0 : i32
        %dma_start3A_426 = tpu.memref_slice %arg6[%dma_start3A_424, %dma_start3A_425] : memref<10128x128xf32, #tpu.memory_space<vmem_shared>> -> memref<10128x128xf32, #tpu.memory_space<vmem_shared>>
        tpu.enqueue_indirect_dma source(%arg10 : memref<128x128xf32, #tpu.memory_space<vmem>>) target(%dma_start3A_426 : memref<10128x128xf32, #tpu.memory_space<vmem_shared>>) offsets(%dma_start3A_423 : memref<128xi32, #tpu.memory_space<vmem>>) semaphore(%run_scoped3A_420 : memref<!tpu.dma_semaphore, #tpu.memory_space<semaphore_mem>>) {add = true}
        %dma_wait3A_427 = arith.constant 0 : i32
        %dma_wait3A_428 = tpu.memref_slice %arg7[%run_scoped3A_254, %dma_wait3A_427] : memref<16x128xi32, #tpu.memory_space<vmem>> -> memref<1x128xi32, #tpu.memory_space<vmem>>
        %dma_wait3A_429 = tpu.memref_squeeze %dma_wait3A_428 : memref<1x128xi32, #tpu.memory_space<vmem>> -> memref<128xi32, #tpu.memory_space<vmem>>
        %dma_wait3A_430 = arith.constant 0 : i32
        %dma_wait3A_431 = arith.constant 0 : i32
        %dma_wait3A_432 = tpu.memref_slice %arg6[%dma_wait3A_430, %dma_wait3A_431] : memref<10128x128xf32, #tpu.memory_space<vmem_shared>> -> memref<10128x128xf32, #tpu.memory_space<vmem_shared>>
        tpu.wait_indirect_dma semaphore(%run_scoped3A_420 : memref<!tpu.dma_semaphore, #tpu.memory_space<semaphore_mem>>) src(%arg10 : memref<128x128xf32, #tpu.memory_space<vmem>>) dst(%dma_wait3A_432 : memref<10128x128xf32, #tpu.memory_space<vmem_shared>>)
        tpu.yield
      }) : () -> ()
      %dma_start3A_255 = arith.constant 7 : i32
      %dma_start3A_256 = arith.constant 0 : i32
      %dma_start3A_257 = tpu.memref_slice %arg7[%dma_start3A_255, %dma_start3A_256] : memref<16x128xi32, #tpu.memory_space<vmem>> -> memref<1x128xi32, #tpu.memory_space<vmem>>
      %dma_start3A_258 = tpu.memref_squeeze %dma_start3A_257 : memref<1x128xi32, #tpu.memory_space<vmem>> -> memref<128xi32, #tpu.memory_space<vmem>>
      %dma_start3A_259 = arith.constant 0 : i32
      %dma_start3A_260 = arith.constant 0 : i32
      %dma_start3A_261 = tpu.memref_slice %arg2[%dma_start3A_259, %dma_start3A_260] : memref<10000x128xf32, #tpu.memory_space<hbm>> -> memref<10000x128xf32, #tpu.memory_space<hbm>>
      tpu.enqueue_indirect_dma source(%dma_start3A_261 : memref<10000x128xf32, #tpu.memory_space<hbm>>) target(%arg10 : memref<128x128xf32, #tpu.memory_space<vmem>>) offsets(%dma_start3A_258 : memref<128xi32, #tpu.memory_space<vmem>>) semaphore(%arg13 : memref<!tpu.dma_semaphore, #tpu.memory_space<semaphore_mem>>)
      %dma_wait3A_262 = arith.constant 6 : i32
      %dma_wait3A_263 = arith.constant 0 : i32
      %dma_wait3A_264 = tpu.memref_slice %arg7[%dma_wait3A_262, %dma_wait3A_263] : memref<16x128xi32, #tpu.memory_space<vmem>> -> memref<1x128xi32, #tpu.memory_space<vmem>>
      %dma_wait3A_265 = tpu.memref_squeeze %dma_wait3A_264 : memref<1x128xi32, #tpu.memory_space<vmem>> -> memref<128xi32, #tpu.memory_space<vmem>>
      %dma_wait3A_266 = arith.constant 0 : i32
      %dma_wait3A_267 = arith.constant 0 : i32
      %dma_wait3A_268 = tpu.memref_slice %arg2[%dma_wait3A_266, %dma_wait3A_267] : memref<10000x128xf32, #tpu.memory_space<hbm>> -> memref<10000x128xf32, #tpu.memory_space<hbm>>
      tpu.wait_indirect_dma semaphore(%arg12 : memref<!tpu.dma_semaphore, #tpu.memory_space<semaphore_mem>>) src(%dma_wait3A_268 : memref<10000x128xf32, #tpu.memory_space<hbm>>) dst(%arg9 : memref<128x128xf32, #tpu.memory_space<vmem>>)
      %run_scoped3A_269 = arith.constant 14 : i32
      "tpu.region"() ({
        %run_scoped3A_420 = tpu.sem_alloc : memref<!tpu.dma_semaphore, #tpu.memory_space<semaphore_mem>>
        %dma_start3A_421 = arith.constant 0 : i32
        %dma_start3A_422 = tpu.memref_slice %arg7[%run_scoped3A_269, %dma_start3A_421] : memref<16x128xi32, #tpu.memory_space<vmem>> -> memref<1x128xi32, #tpu.memory_space<vmem>>
        %dma_start3A_423 = tpu.memref_squeeze %dma_start3A_422 : memref<1x128xi32, #tpu.memory_space<vmem>> -> memref<128xi32, #tpu.memory_space<vmem>>
        %dma_start3A_424 = arith.constant 0 : i32
        %dma_start3A_425 = arith.constant 0 : i32
        %dma_start3A_426 = tpu.memref_slice %arg6[%dma_start3A_424, %dma_start3A_425] : memref<10128x128xf32, #tpu.memory_space<vmem_shared>> -> memref<10128x128xf32, #tpu.memory_space<vmem_shared>>
        tpu.enqueue_indirect_dma source(%arg9 : memref<128x128xf32, #tpu.memory_space<vmem>>) target(%dma_start3A_426 : memref<10128x128xf32, #tpu.memory_space<vmem_shared>>) offsets(%dma_start3A_423 : memref<128xi32, #tpu.memory_space<vmem>>) semaphore(%run_scoped3A_420 : memref<!tpu.dma_semaphore, #tpu.memory_space<semaphore_mem>>) {add = true}
        %dma_wait3A_427 = arith.constant 0 : i32
        %dma_wait3A_428 = tpu.memref_slice %arg7[%run_scoped3A_269, %dma_wait3A_427] : memref<16x128xi32, #tpu.memory_space<vmem>> -> memref<1x128xi32, #tpu.memory_space<vmem>>
        %dma_wait3A_429 = tpu.memref_squeeze %dma_wait3A_428 : memref<1x128xi32, #tpu.memory_space<vmem>> -> memref<128xi32, #tpu.memory_space<vmem>>
        %dma_wait3A_430 = arith.constant 0 : i32
        %dma_wait3A_431 = arith.constant 0 : i32
        %dma_wait3A_432 = tpu.memref_slice %arg6[%dma_wait3A_430, %dma_wait3A_431] : memref<10128x128xf32, #tpu.memory_space<vmem_shared>> -> memref<10128x128xf32, #tpu.memory_space<vmem_shared>>
        tpu.wait_indirect_dma semaphore(%run_scoped3A_420 : memref<!tpu.dma_semaphore, #tpu.memory_space<semaphore_mem>>) src(%arg9 : memref<128x128xf32, #tpu.memory_space<vmem>>) dst(%dma_wait3A_432 : memref<10128x128xf32, #tpu.memory_space<vmem_shared>>)
        tpu.yield
      }) : () -> ()
      %dma_wait3A_270 = arith.constant 7 : i32
      %dma_wait3A_271 = arith.constant 0 : i32
      %dma_wait3A_272 = tpu.memref_slice %arg7[%dma_wait3A_270, %dma_wait3A_271] : memref<16x128xi32, #tpu.memory_space<vmem>> -> memref<1x128xi32, #tpu.memory_space<vmem>>
      %dma_wait3A_273 = tpu.memref_squeeze %dma_wait3A_272 : memref<1x128xi32, #tpu.memory_space<vmem>> -> memref<128xi32, #tpu.memory_space<vmem>>
      %dma_wait3A_274 = arith.constant 0 : i32
      %dma_wait3A_275 = arith.constant 0 : i32
      %dma_wait3A_276 = tpu.memref_slice %arg2[%dma_wait3A_274, %dma_wait3A_275] : memref<10000x128xf32, #tpu.memory_space<hbm>> -> memref<10000x128xf32, #tpu.memory_space<hbm>>
      tpu.wait_indirect_dma semaphore(%arg13 : memref<!tpu.dma_semaphore, #tpu.memory_space<semaphore_mem>>) src(%dma_wait3A_276 : memref<10000x128xf32, #tpu.memory_space<hbm>>) dst(%arg10 : memref<128x128xf32, #tpu.memory_space<vmem>>)
      %run_scoped3A_277 = arith.constant 15 : i32
      "tpu.region"() ({
        %run_scoped3A_420 = tpu.sem_alloc : memref<!tpu.dma_semaphore, #tpu.memory_space<semaphore_mem>>
        %dma_start3A_421 = arith.constant 0 : i32
        %dma_start3A_422 = tpu.memref_slice %arg7[%run_scoped3A_277, %dma_start3A_421] : memref<16x128xi32, #tpu.memory_space<vmem>> -> memref<1x128xi32, #tpu.memory_space<vmem>>
        %dma_start3A_423 = tpu.memref_squeeze %dma_start3A_422 : memref<1x128xi32, #tpu.memory_space<vmem>> -> memref<128xi32, #tpu.memory_space<vmem>>
        %dma_start3A_424 = arith.constant 0 : i32
        %dma_start3A_425 = arith.constant 0 : i32
        %dma_start3A_426 = tpu.memref_slice %arg6[%dma_start3A_424, %dma_start3A_425] : memref<10128x128xf32, #tpu.memory_space<vmem_shared>> -> memref<10128x128xf32, #tpu.memory_space<vmem_shared>>
        tpu.enqueue_indirect_dma source(%arg10 : memref<128x128xf32, #tpu.memory_space<vmem>>) target(%dma_start3A_426 : memref<10128x128xf32, #tpu.memory_space<vmem_shared>>) offsets(%dma_start3A_423 : memref<128xi32, #tpu.memory_space<vmem>>) semaphore(%run_scoped3A_420 : memref<!tpu.dma_semaphore, #tpu.memory_space<semaphore_mem>>) {add = true}
        %dma_wait3A_427 = arith.constant 0 : i32
        %dma_wait3A_428 = tpu.memref_slice %arg7[%run_scoped3A_277, %dma_wait3A_427] : memref<16x128xi32, #tpu.memory_space<vmem>> -> memref<1x128xi32, #tpu.memory_space<vmem>>
        %dma_wait3A_429 = tpu.memref_squeeze %dma_wait3A_428 : memref<1x128xi32, #tpu.memory_space<vmem>> -> memref<128xi32, #tpu.memory_space<vmem>>
        %dma_wait3A_430 = arith.constant 0 : i32
        %dma_wait3A_431 = arith.constant 0 : i32
        %dma_wait3A_432 = tpu.memref_slice %arg6[%dma_wait3A_430, %dma_wait3A_431] : memref<10128x128xf32, #tpu.memory_space<vmem_shared>> -> memref<10128x128xf32, #tpu.memory_space<vmem_shared>>
        tpu.wait_indirect_dma semaphore(%run_scoped3A_420 : memref<!tpu.dma_semaphore, #tpu.memory_space<semaphore_mem>>) src(%arg10 : memref<128x128xf32, #tpu.memory_space<vmem>>) dst(%dma_wait3A_432 : memref<10128x128xf32, #tpu.memory_space<vmem_shared>>)
        tpu.yield
      }) : () -> ()
      %dma_wait3A_278 = arith.constant 0 : i32
      %dma_wait3A_279 = tpu.memref_slice %arg4[%multiple_of3A_153, %dma_wait3A_278] : memref<5632x128xi32, #tpu.memory_space<hbm>> -> memref<16x128xi32, #tpu.memory_space<hbm>>
      %dma_wait3A_280 = arith.constant 0 : i32
      %dma_wait3A_281 = tpu.memref_slice %arg4[%multiple_of3A_153, %dma_wait3A_280] : memref<5632x128xi32, #tpu.memory_space<hbm>> -> memref<16x128xi32, #tpu.memory_space<hbm>>
      tpu.wait_dma2 semaphore(%arg14 : memref<!tpu.dma_semaphore, #tpu.memory_space<semaphore_mem>>) src(%dma_wait3A_281 : memref<16x128xi32, #tpu.memory_space<hbm>>) dst(%arg8 : memref<16x128xi32, #tpu.memory_space<vmem>>)
      %add3A_282 = arith.constant 1 : i32
      %add3A_283 = arith.addi %mul3A_145, %add3A_282 : i32
      %add3A_284 = arith.addi %mul3A_6, %add3A_283 : i32
      %add3A_285 = arith.constant 1 : i32
      %add3A_286 = arith.addi %add3A_284, %add3A_285 : i32
      %mul3A_287 = arith.constant 2 : i32
      %mul3A_288 = arith.muli %add3A_286, %mul3A_287 : i32
      %mul3A_289 = arith.constant 8 : i32
      %mul3A_290 = arith.muli %mul3A_288, %mul3A_289 : i32
      %multiple_of3A_291 = tpu.assume_multiple %mul3A_290, 8 : i32
      %dma_start3A_292 = arith.constant 0 : i32
      %dma_start3A_293 = tpu.memref_slice %arg4[%multiple_of3A_291, %dma_start3A_292] : memref<5632x128xi32, #tpu.memory_space<hbm>> -> memref<16x128xi32, #tpu.memory_space<hbm>>
      %dma_start3A_294 = arith.constant 0 : i32
      %dma_start3A_295 = tpu.memref_slice %arg4[%multiple_of3A_291, %dma_start3A_294] : memref<5632x128xi32, #tpu.memory_space<hbm>> -> memref<16x128xi32, #tpu.memory_space<hbm>>
      tpu.enqueue_dma source(%dma_start3A_295 : memref<16x128xi32, #tpu.memory_space<hbm>>) target(%arg7 : memref<16x128xi32, #tpu.memory_space<vmem>>) target_semaphore(%arg14 : memref<!tpu.dma_semaphore, #tpu.memory_space<semaphore_mem>>)
      %dma_start3A_296 = arith.constant 0 : i32
      %dma_start3A_297 = arith.constant 0 : i32
      %dma_start3A_298 = tpu.memref_slice %arg8[%dma_start3A_296, %dma_start3A_297] : memref<16x128xi32, #tpu.memory_space<vmem>> -> memref<1x128xi32, #tpu.memory_space<vmem>>
      %dma_start3A_299 = tpu.memref_squeeze %dma_start3A_298 : memref<1x128xi32, #tpu.memory_space<vmem>> -> memref<128xi32, #tpu.memory_space<vmem>>
      %dma_start3A_300 = arith.constant 0 : i32
      %dma_start3A_301 = arith.constant 0 : i32
      %dma_start3A_302 = tpu.memref_slice %arg2[%dma_start3A_300, %dma_start3A_301] : memref<10000x128xf32, #tpu.memory_space<hbm>> -> memref<10000x128xf32, #tpu.memory_space<hbm>>
      tpu.enqueue_indirect_dma source(%dma_start3A_302 : memref<10000x128xf32, #tpu.memory_space<hbm>>) target(%arg9 : memref<128x128xf32, #tpu.memory_space<vmem>>) offsets(%dma_start3A_299 : memref<128xi32, #tpu.memory_space<vmem>>) semaphore(%arg12 : memref<!tpu.dma_semaphore, #tpu.memory_space<semaphore_mem>>)
      %dma_start3A_303 = arith.constant 1 : i32
      %dma_start3A_304 = arith.constant 0 : i32
      %dma_start3A_305 = tpu.memref_slice %arg8[%dma_start3A_303, %dma_start3A_304] : memref<16x128xi32, #tpu.memory_space<vmem>> -> memref<1x128xi32, #tpu.memory_space<vmem>>
      %dma_start3A_306 = tpu.memref_squeeze %dma_start3A_305 : memref<1x128xi32, #tpu.memory_space<vmem>> -> memref<128xi32, #tpu.memory_space<vmem>>
      %dma_start3A_307 = arith.constant 0 : i32
      %dma_start3A_308 = arith.constant 0 : i32
      %dma_start3A_309 = tpu.memref_slice %arg2[%dma_start3A_307, %dma_start3A_308] : memref<10000x128xf32, #tpu.memory_space<hbm>> -> memref<10000x128xf32, #tpu.memory_space<hbm>>
      tpu.enqueue_indirect_dma source(%dma_start3A_309 : memref<10000x128xf32, #tpu.memory_space<hbm>>) target(%arg10 : memref<128x128xf32, #tpu.memory_space<vmem>>) offsets(%dma_start3A_306 : memref<128xi32, #tpu.memory_space<vmem>>) semaphore(%arg13 : memref<!tpu.dma_semaphore, #tpu.memory_space<semaphore_mem>>)
      %dma_wait3A_310 = arith.constant 0 : i32
      %dma_wait3A_311 = arith.constant 0 : i32
      %dma_wait3A_312 = tpu.memref_slice %arg8[%dma_wait3A_310, %dma_wait3A_311] : memref<16x128xi32, #tpu.memory_space<vmem>> -> memref<1x128xi32, #tpu.memory_space<vmem>>
      %dma_wait3A_313 = tpu.memref_squeeze %dma_wait3A_312 : memref<1x128xi32, #tpu.memory_space<vmem>> -> memref<128xi32, #tpu.memory_space<vmem>>
      %dma_wait3A_314 = arith.constant 0 : i32
      %dma_wait3A_315 = arith.constant 0 : i32
      %dma_wait3A_316 = tpu.memref_slice %arg2[%dma_wait3A_314, %dma_wait3A_315] : memref<10000x128xf32, #tpu.memory_space<hbm>> -> memref<10000x128xf32, #tpu.memory_space<hbm>>
      tpu.wait_indirect_dma semaphore(%arg12 : memref<!tpu.dma_semaphore, #tpu.memory_space<semaphore_mem>>) src(%dma_wait3A_316 : memref<10000x128xf32, #tpu.memory_space<hbm>>) dst(%arg9 : memref<128x128xf32, #tpu.memory_space<vmem>>)
      %run_scoped3A_317 = arith.constant 8 : i32
      "tpu.region"() ({
        %run_scoped3A_420 = tpu.sem_alloc : memref<!tpu.dma_semaphore, #tpu.memory_space<semaphore_mem>>
        %dma_start3A_421 = arith.constant 0 : i32
        %dma_start3A_422 = tpu.memref_slice %arg8[%run_scoped3A_317, %dma_start3A_421] : memref<16x128xi32, #tpu.memory_space<vmem>> -> memref<1x128xi32, #tpu.memory_space<vmem>>
        %dma_start3A_423 = tpu.memref_squeeze %dma_start3A_422 : memref<1x128xi32, #tpu.memory_space<vmem>> -> memref<128xi32, #tpu.memory_space<vmem>>
        %dma_start3A_424 = arith.constant 0 : i32
        %dma_start3A_425 = arith.constant 0 : i32
        %dma_start3A_426 = tpu.memref_slice %arg6[%dma_start3A_424, %dma_start3A_425] : memref<10128x128xf32, #tpu.memory_space<vmem_shared>> -> memref<10128x128xf32, #tpu.memory_space<vmem_shared>>
        tpu.enqueue_indirect_dma source(%arg9 : memref<128x128xf32, #tpu.memory_space<vmem>>) target(%dma_start3A_426 : memref<10128x128xf32, #tpu.memory_space<vmem_shared>>) offsets(%dma_start3A_423 : memref<128xi32, #tpu.memory_space<vmem>>) semaphore(%run_scoped3A_420 : memref<!tpu.dma_semaphore, #tpu.memory_space<semaphore_mem>>) {add = true}
        %dma_wait3A_427 = arith.constant 0 : i32
        %dma_wait3A_428 = tpu.memref_slice %arg8[%run_scoped3A_317, %dma_wait3A_427] : memref<16x128xi32, #tpu.memory_space<vmem>> -> memref<1x128xi32, #tpu.memory_space<vmem>>
        %dma_wait3A_429 = tpu.memref_squeeze %dma_wait3A_428 : memref<1x128xi32, #tpu.memory_space<vmem>> -> memref<128xi32, #tpu.memory_space<vmem>>
        %dma_wait3A_430 = arith.constant 0 : i32
        %dma_wait3A_431 = arith.constant 0 : i32
        %dma_wait3A_432 = tpu.memref_slice %arg6[%dma_wait3A_430, %dma_wait3A_431] : memref<10128x128xf32, #tpu.memory_space<vmem_shared>> -> memref<10128x128xf32, #tpu.memory_space<vmem_shared>>
        tpu.wait_indirect_dma semaphore(%run_scoped3A_420 : memref<!tpu.dma_semaphore, #tpu.memory_space<semaphore_mem>>) src(%arg9 : memref<128x128xf32, #tpu.memory_space<vmem>>) dst(%dma_wait3A_432 : memref<10128x128xf32, #tpu.memory_space<vmem_shared>>)
        tpu.yield
      }) : () -> ()
      %dma_start3A_318 = arith.constant 2 : i32
      %dma_start3A_319 = arith.constant 0 : i32
      %dma_start3A_320 = tpu.memref_slice %arg8[%dma_start3A_318, %dma_start3A_319] : memref<16x128xi32, #tpu.memory_space<vmem>> -> memref<1x128xi32, #tpu.memory_space<vmem>>
      %dma_start3A_321 = tpu.memref_squeeze %dma_start3A_320 : memref<1x128xi32, #tpu.memory_space<vmem>> -> memref<128xi32, #tpu.memory_space<vmem>>
      %dma_start3A_322 = arith.constant 0 : i32
      %dma_start3A_323 = arith.constant 0 : i32
      %dma_start3A_324 = tpu.memref_slice %arg2[%dma_start3A_322, %dma_start3A_323] : memref<10000x128xf32, #tpu.memory_space<hbm>> -> memref<10000x128xf32, #tpu.memory_space<hbm>>
      tpu.enqueue_indirect_dma source(%dma_start3A_324 : memref<10000x128xf32, #tpu.memory_space<hbm>>) target(%arg9 : memref<128x128xf32, #tpu.memory_space<vmem>>) offsets(%dma_start3A_321 : memref<128xi32, #tpu.memory_space<vmem>>) semaphore(%arg12 : memref<!tpu.dma_semaphore, #tpu.memory_space<semaphore_mem>>)
      %dma_wait3A_325 = arith.constant 1 : i32
      %dma_wait3A_326 = arith.constant 0 : i32
      %dma_wait3A_327 = tpu.memref_slice %arg8[%dma_wait3A_325, %dma_wait3A_326] : memref<16x128xi32, #tpu.memory_space<vmem>> -> memref<1x128xi32, #tpu.memory_space<vmem>>
      %dma_wait3A_328 = tpu.memref_squeeze %dma_wait3A_327 : memref<1x128xi32, #tpu.memory_space<vmem>> -> memref<128xi32, #tpu.memory_space<vmem>>
      %dma_wait3A_329 = arith.constant 0 : i32
      %dma_wait3A_330 = arith.constant 0 : i32
      %dma_wait3A_331 = tpu.memref_slice %arg2[%dma_wait3A_329, %dma_wait3A_330] : memref<10000x128xf32, #tpu.memory_space<hbm>> -> memref<10000x128xf32, #tpu.memory_space<hbm>>
      tpu.wait_indirect_dma semaphore(%arg13 : memref<!tpu.dma_semaphore, #tpu.memory_space<semaphore_mem>>) src(%dma_wait3A_331 : memref<10000x128xf32, #tpu.memory_space<hbm>>) dst(%arg10 : memref<128x128xf32, #tpu.memory_space<vmem>>)
      %run_scoped3A_332 = arith.constant 9 : i32
      "tpu.region"() ({
        %run_scoped3A_420 = tpu.sem_alloc : memref<!tpu.dma_semaphore, #tpu.memory_space<semaphore_mem>>
        %dma_start3A_421 = arith.constant 0 : i32
        %dma_start3A_422 = tpu.memref_slice %arg8[%run_scoped3A_332, %dma_start3A_421] : memref<16x128xi32, #tpu.memory_space<vmem>> -> memref<1x128xi32, #tpu.memory_space<vmem>>
        %dma_start3A_423 = tpu.memref_squeeze %dma_start3A_422 : memref<1x128xi32, #tpu.memory_space<vmem>> -> memref<128xi32, #tpu.memory_space<vmem>>
        %dma_start3A_424 = arith.constant 0 : i32
        %dma_start3A_425 = arith.constant 0 : i32
        %dma_start3A_426 = tpu.memref_slice %arg6[%dma_start3A_424, %dma_start3A_425] : memref<10128x128xf32, #tpu.memory_space<vmem_shared>> -> memref<10128x128xf32, #tpu.memory_space<vmem_shared>>
        tpu.enqueue_indirect_dma source(%arg10 : memref<128x128xf32, #tpu.memory_space<vmem>>) target(%dma_start3A_426 : memref<10128x128xf32, #tpu.memory_space<vmem_shared>>) offsets(%dma_start3A_423 : memref<128xi32, #tpu.memory_space<vmem>>) semaphore(%run_scoped3A_420 : memref<!tpu.dma_semaphore, #tpu.memory_space<semaphore_mem>>) {add = true}
        %dma_wait3A_427 = arith.constant 0 : i32
        %dma_wait3A_428 = tpu.memref_slice %arg8[%run_scoped3A_332, %dma_wait3A_427] : memref<16x128xi32, #tpu.memory_space<vmem>> -> memref<1x128xi32, #tpu.memory_space<vmem>>
        %dma_wait3A_429 = tpu.memref_squeeze %dma_wait3A_428 : memref<1x128xi32, #tpu.memory_space<vmem>> -> memref<128xi32, #tpu.memory_space<vmem>>
        %dma_wait3A_430 = arith.constant 0 : i32
        %dma_wait3A_431 = arith.constant 0 : i32
        %dma_wait3A_432 = tpu.memref_slice %arg6[%dma_wait3A_430, %dma_wait3A_431] : memref<10128x128xf32, #tpu.memory_space<vmem_shared>> -> memref<10128x128xf32, #tpu.memory_space<vmem_shared>>
        tpu.wait_indirect_dma semaphore(%run_scoped3A_420 : memref<!tpu.dma_semaphore, #tpu.memory_space<semaphore_mem>>) src(%arg10 : memref<128x128xf32, #tpu.memory_space<vmem>>) dst(%dma_wait3A_432 : memref<10128x128xf32, #tpu.memory_space<vmem_shared>>)
        tpu.yield
      }) : () -> ()
      %dma_start3A_333 = arith.constant 3 : i32
      %dma_start3A_334 = arith.constant 0 : i32
      %dma_start3A_335 = tpu.memref_slice %arg8[%dma_start3A_333, %dma_start3A_334] : memref<16x128xi32, #tpu.memory_space<vmem>> -> memref<1x128xi32, #tpu.memory_space<vmem>>
      %dma_start3A_336 = tpu.memref_squeeze %dma_start3A_335 : memref<1x128xi32, #tpu.memory_space<vmem>> -> memref<128xi32, #tpu.memory_space<vmem>>
      %dma_start3A_337 = arith.constant 0 : i32
      %dma_start3A_338 = arith.constant 0 : i32
      %dma_start3A_339 = tpu.memref_slice %arg2[%dma_start3A_337, %dma_start3A_338] : memref<10000x128xf32, #tpu.memory_space<hbm>> -> memref<10000x128xf32, #tpu.memory_space<hbm>>
      tpu.enqueue_indirect_dma source(%dma_start3A_339 : memref<10000x128xf32, #tpu.memory_space<hbm>>) target(%arg10 : memref<128x128xf32, #tpu.memory_space<vmem>>) offsets(%dma_start3A_336 : memref<128xi32, #tpu.memory_space<vmem>>) semaphore(%arg13 : memref<!tpu.dma_semaphore, #tpu.memory_space<semaphore_mem>>)
      %dma_wait3A_340 = arith.constant 2 : i32
      %dma_wait3A_341 = arith.constant 0 : i32
      %dma_wait3A_342 = tpu.memref_slice %arg8[%dma_wait3A_340, %dma_wait3A_341] : memref<16x128xi32, #tpu.memory_space<vmem>> -> memref<1x128xi32, #tpu.memory_space<vmem>>
      %dma_wait3A_343 = tpu.memref_squeeze %dma_wait3A_342 : memref<1x128xi32, #tpu.memory_space<vmem>> -> memref<128xi32, #tpu.memory_space<vmem>>
      %dma_wait3A_344 = arith.constant 0 : i32
      %dma_wait3A_345 = arith.constant 0 : i32
      %dma_wait3A_346 = tpu.memref_slice %arg2[%dma_wait3A_344, %dma_wait3A_345] : memref<10000x128xf32, #tpu.memory_space<hbm>> -> memref<10000x128xf32, #tpu.memory_space<hbm>>
      tpu.wait_indirect_dma semaphore(%arg12 : memref<!tpu.dma_semaphore, #tpu.memory_space<semaphore_mem>>) src(%dma_wait3A_346 : memref<10000x128xf32, #tpu.memory_space<hbm>>) dst(%arg9 : memref<128x128xf32, #tpu.memory_space<vmem>>)
      %run_scoped3A_347 = arith.constant 10 : i32
      "tpu.region"() ({
        %run_scoped3A_420 = tpu.sem_alloc : memref<!tpu.dma_semaphore, #tpu.memory_space<semaphore_mem>>
        %dma_start3A_421 = arith.constant 0 : i32
        %dma_start3A_422 = tpu.memref_slice %arg8[%run_scoped3A_347, %dma_start3A_421] : memref<16x128xi32, #tpu.memory_space<vmem>> -> memref<1x128xi32, #tpu.memory_space<vmem>>
        %dma_start3A_423 = tpu.memref_squeeze %dma_start3A_422 : memref<1x128xi32, #tpu.memory_space<vmem>> -> memref<128xi32, #tpu.memory_space<vmem>>
        %dma_start3A_424 = arith.constant 0 : i32
        %dma_start3A_425 = arith.constant 0 : i32
        %dma_start3A_426 = tpu.memref_slice %arg6[%dma_start3A_424, %dma_start3A_425] : memref<10128x128xf32, #tpu.memory_space<vmem_shared>> -> memref<10128x128xf32, #tpu.memory_space<vmem_shared>>
        tpu.enqueue_indirect_dma source(%arg9 : memref<128x128xf32, #tpu.memory_space<vmem>>) target(%dma_start3A_426 : memref<10128x128xf32, #tpu.memory_space<vmem_shared>>) offsets(%dma_start3A_423 : memref<128xi32, #tpu.memory_space<vmem>>) semaphore(%run_scoped3A_420 : memref<!tpu.dma_semaphore, #tpu.memory_space<semaphore_mem>>) {add = true}
        %dma_wait3A_427 = arith.constant 0 : i32
        %dma_wait3A_428 = tpu.memref_slice %arg8[%run_scoped3A_347, %dma_wait3A_427] : memref<16x128xi32, #tpu.memory_space<vmem>> -> memref<1x128xi32, #tpu.memory_space<vmem>>
        %dma_wait3A_429 = tpu.memref_squeeze %dma_wait3A_428 : memref<1x128xi32, #tpu.memory_space<vmem>> -> memref<128xi32, #tpu.memory_space<vmem>>
        %dma_wait3A_430 = arith.constant 0 : i32
        %dma_wait3A_431 = arith.constant 0 : i32
        %dma_wait3A_432 = tpu.memref_slice %arg6[%dma_wait3A_430, %dma_wait3A_431] : memref<10128x128xf32, #tpu.memory_space<vmem_shared>> -> memref<10128x128xf32, #tpu.memory_space<vmem_shared>>
        tpu.wait_indirect_dma semaphore(%run_scoped3A_420 : memref<!tpu.dma_semaphore, #tpu.memory_space<semaphore_mem>>) src(%arg9 : memref<128x128xf32, #tpu.memory_space<vmem>>) dst(%dma_wait3A_432 : memref<10128x128xf32, #tpu.memory_space<vmem_shared>>)
        tpu.yield
      }) : () -> ()
      %dma_start3A_348 = arith.constant 4 : i32
      %dma_start3A_349 = arith.constant 0 : i32
      %dma_start3A_350 = tpu.memref_slice %arg8[%dma_start3A_348, %dma_start3A_349] : memref<16x128xi32, #tpu.memory_space<vmem>> -> memref<1x128xi32, #tpu.memory_space<vmem>>
      %dma_start3A_351 = tpu.memref_squeeze %dma_start3A_350 : memref<1x128xi32, #tpu.memory_space<vmem>> -> memref<128xi32, #tpu.memory_space<vmem>>
      %dma_start3A_352 = arith.constant 0 : i32
      %dma_start3A_353 = arith.constant 0 : i32
      %dma_start3A_354 = tpu.memref_slice %arg2[%dma_start3A_352, %dma_start3A_353] : memref<10000x128xf32, #tpu.memory_space<hbm>> -> memref<10000x128xf32, #tpu.memory_space<hbm>>
      tpu.enqueue_indirect_dma source(%dma_start3A_354 : memref<10000x128xf32, #tpu.memory_space<hbm>>) target(%arg9 : memref<128x128xf32, #tpu.memory_space<vmem>>) offsets(%dma_start3A_351 : memref<128xi32, #tpu.memory_space<vmem>>) semaphore(%arg12 : memref<!tpu.dma_semaphore, #tpu.memory_space<semaphore_mem>>)
      %dma_wait3A_355 = arith.constant 3 : i32
      %dma_wait3A_356 = arith.constant 0 : i32
      %dma_wait3A_357 = tpu.memref_slice %arg8[%dma_wait3A_355, %dma_wait3A_356] : memref<16x128xi32, #tpu.memory_space<vmem>> -> memref<1x128xi32, #tpu.memory_space<vmem>>
      %dma_wait3A_358 = tpu.memref_squeeze %dma_wait3A_357 : memref<1x128xi32, #tpu.memory_space<vmem>> -> memref<128xi32, #tpu.memory_space<vmem>>
      %dma_wait3A_359 = arith.constant 0 : i32
      %dma_wait3A_360 = arith.constant 0 : i32
      %dma_wait3A_361 = tpu.memref_slice %arg2[%dma_wait3A_359, %dma_wait3A_360] : memref<10000x128xf32, #tpu.memory_space<hbm>> -> memref<10000x128xf32, #tpu.memory_space<hbm>>
      tpu.wait_indirect_dma semaphore(%arg13 : memref<!tpu.dma_semaphore, #tpu.memory_space<semaphore_mem>>) src(%dma_wait3A_361 : memref<10000x128xf32, #tpu.memory_space<hbm>>) dst(%arg10 : memref<128x128xf32, #tpu.memory_space<vmem>>)
      %run_scoped3A_362 = arith.constant 11 : i32
      "tpu.region"() ({
        %run_scoped3A_420 = tpu.sem_alloc : memref<!tpu.dma_semaphore, #tpu.memory_space<semaphore_mem>>
        %dma_start3A_421 = arith.constant 0 : i32
        %dma_start3A_422 = tpu.memref_slice %arg8[%run_scoped3A_362, %dma_start3A_421] : memref<16x128xi32, #tpu.memory_space<vmem>> -> memref<1x128xi32, #tpu.memory_space<vmem>>
        %dma_start3A_423 = tpu.memref_squeeze %dma_start3A_422 : memref<1x128xi32, #tpu.memory_space<vmem>> -> memref<128xi32, #tpu.memory_space<vmem>>
        %dma_start3A_424 = arith.constant 0 : i32
        %dma_start3A_425 = arith.constant 0 : i32
        %dma_start3A_426 = tpu.memref_slice %arg6[%dma_start3A_424, %dma_start3A_425] : memref<10128x128xf32, #tpu.memory_space<vmem_shared>> -> memref<10128x128xf32, #tpu.memory_space<vmem_shared>>
        tpu.enqueue_indirect_dma source(%arg10 : memref<128x128xf32, #tpu.memory_space<vmem>>) target(%dma_start3A_426 : memref<10128x128xf32, #tpu.memory_space<vmem_shared>>) offsets(%dma_start3A_423 : memref<128xi32, #tpu.memory_space<vmem>>) semaphore(%run_scoped3A_420 : memref<!tpu.dma_semaphore, #tpu.memory_space<semaphore_mem>>) {add = true}
        %dma_wait3A_427 = arith.constant 0 : i32
        %dma_wait3A_428 = tpu.memref_slice %arg8[%run_scoped3A_362, %dma_wait3A_427] : memref<16x128xi32, #tpu.memory_space<vmem>> -> memref<1x128xi32, #tpu.memory_space<vmem>>
        %dma_wait3A_429 = tpu.memref_squeeze %dma_wait3A_428 : memref<1x128xi32, #tpu.memory_space<vmem>> -> memref<128xi32, #tpu.memory_space<vmem>>
        %dma_wait3A_430 = arith.constant 0 : i32
        %dma_wait3A_431 = arith.constant 0 : i32
        %dma_wait3A_432 = tpu.memref_slice %arg6[%dma_wait3A_430, %dma_wait3A_431] : memref<10128x128xf32, #tpu.memory_space<vmem_shared>> -> memref<10128x128xf32, #tpu.memory_space<vmem_shared>>
        tpu.wait_indirect_dma semaphore(%run_scoped3A_420 : memref<!tpu.dma_semaphore, #tpu.memory_space<semaphore_mem>>) src(%arg10 : memref<128x128xf32, #tpu.memory_space<vmem>>) dst(%dma_wait3A_432 : memref<10128x128xf32, #tpu.memory_space<vmem_shared>>)
        tpu.yield
      }) : () -> ()
      %dma_start3A_363 = arith.constant 5 : i32
      %dma_start3A_364 = arith.constant 0 : i32
      %dma_start3A_365 = tpu.memref_slice %arg8[%dma_start3A_363, %dma_start3A_364] : memref<16x128xi32, #tpu.memory_space<vmem>> -> memref<1x128xi32, #tpu.memory_space<vmem>>
      %dma_start3A_366 = tpu.memref_squeeze %dma_start3A_365 : memref<1x128xi32, #tpu.memory_space<vmem>> -> memref<128xi32, #tpu.memory_space<vmem>>
      %dma_start3A_367 = arith.constant 0 : i32
      %dma_start3A_368 = arith.constant 0 : i32
      %dma_start3A_369 = tpu.memref_slice %arg2[%dma_start3A_367, %dma_start3A_368] : memref<10000x128xf32, #tpu.memory_space<hbm>> -> memref<10000x128xf32, #tpu.memory_space<hbm>>
      tpu.enqueue_indirect_dma source(%dma_start3A_369 : memref<10000x128xf32, #tpu.memory_space<hbm>>) target(%arg10 : memref<128x128xf32, #tpu.memory_space<vmem>>) offsets(%dma_start3A_366 : memref<128xi32, #tpu.memory_space<vmem>>) semaphore(%arg13 : memref<!tpu.dma_semaphore, #tpu.memory_space<semaphore_mem>>)
      %dma_wait3A_370 = arith.constant 4 : i32
      %dma_wait3A_371 = arith.constant 0 : i32
      %dma_wait3A_372 = tpu.memref_slice %arg8[%dma_wait3A_370, %dma_wait3A_371] : memref<16x128xi32, #tpu.memory_space<vmem>> -> memref<1x128xi32, #tpu.memory_space<vmem>>
      %dma_wait3A_373 = tpu.memref_squeeze %dma_wait3A_372 : memref<1x128xi32, #tpu.memory_space<vmem>> -> memref<128xi32, #tpu.memory_space<vmem>>
      %dma_wait3A_374 = arith.constant 0 : i32
      %dma_wait3A_375 = arith.constant 0 : i32
      %dma_wait3A_376 = tpu.memref_slice %arg2[%dma_wait3A_374, %dma_wait3A_375] : memref<10000x128xf32, #tpu.memory_space<hbm>> -> memref<10000x128xf32, #tpu.memory_space<hbm>>
      tpu.wait_indirect_dma semaphore(%arg12 : memref<!tpu.dma_semaphore, #tpu.memory_space<semaphore_mem>>) src(%dma_wait3A_376 : memref<10000x128xf32, #tpu.memory_space<hbm>>) dst(%arg9 : memref<128x128xf32, #tpu.memory_space<vmem>>)
      %run_scoped3A_377 = arith.constant 12 : i32
      "tpu.region"() ({
        %run_scoped3A_420 = tpu.sem_alloc : memref<!tpu.dma_semaphore, #tpu.memory_space<semaphore_mem>>
        %dma_start3A_421 = arith.constant 0 : i32
        %dma_start3A_422 = tpu.memref_slice %arg8[%run_scoped3A_377, %dma_start3A_421] : memref<16x128xi32, #tpu.memory_space<vmem>> -> memref<1x128xi32, #tpu.memory_space<vmem>>
        %dma_start3A_423 = tpu.memref_squeeze %dma_start3A_422 : memref<1x128xi32, #tpu.memory_space<vmem>> -> memref<128xi32, #tpu.memory_space<vmem>>
        %dma_start3A_424 = arith.constant 0 : i32
        %dma_start3A_425 = arith.constant 0 : i32
        %dma_start3A_426 = tpu.memref_slice %arg6[%dma_start3A_424, %dma_start3A_425] : memref<10128x128xf32, #tpu.memory_space<vmem_shared>> -> memref<10128x128xf32, #tpu.memory_space<vmem_shared>>
        tpu.enqueue_indirect_dma source(%arg9 : memref<128x128xf32, #tpu.memory_space<vmem>>) target(%dma_start3A_426 : memref<10128x128xf32, #tpu.memory_space<vmem_shared>>) offsets(%dma_start3A_423 : memref<128xi32, #tpu.memory_space<vmem>>) semaphore(%run_scoped3A_420 : memref<!tpu.dma_semaphore, #tpu.memory_space<semaphore_mem>>) {add = true}
        %dma_wait3A_427 = arith.constant 0 : i32
        %dma_wait3A_428 = tpu.memref_slice %arg8[%run_scoped3A_377, %dma_wait3A_427] : memref<16x128xi32, #tpu.memory_space<vmem>> -> memref<1x128xi32, #tpu.memory_space<vmem>>
        %dma_wait3A_429 = tpu.memref_squeeze %dma_wait3A_428 : memref<1x128xi32, #tpu.memory_space<vmem>> -> memref<128xi32, #tpu.memory_space<vmem>>
        %dma_wait3A_430 = arith.constant 0 : i32
        %dma_wait3A_431 = arith.constant 0 : i32
        %dma_wait3A_432 = tpu.memref_slice %arg6[%dma_wait3A_430, %dma_wait3A_431] : memref<10128x128xf32, #tpu.memory_space<vmem_shared>> -> memref<10128x128xf32, #tpu.memory_space<vmem_shared>>
        tpu.wait_indirect_dma semaphore(%run_scoped3A_420 : memref<!tpu.dma_semaphore, #tpu.memory_space<semaphore_mem>>) src(%arg9 : memref<128x128xf32, #tpu.memory_space<vmem>>) dst(%dma_wait3A_432 : memref<10128x128xf32, #tpu.memory_space<vmem_shared>>)
        tpu.yield
      }) : () -> ()
      %dma_start3A_378 = arith.constant 6 : i32
      %dma_start3A_379 = arith.constant 0 : i32
      %dma_start3A_380 = tpu.memref_slice %arg8[%dma_start3A_378, %dma_start3A_379] : memref<16x128xi32, #tpu.memory_space<vmem>> -> memref<1x128xi32, #tpu.memory_space<vmem>>
      %dma_start3A_381 = tpu.memref_squeeze %dma_start3A_380 : memref<1x128xi32, #tpu.memory_space<vmem>> -> memref<128xi32, #tpu.memory_space<vmem>>
      %dma_start3A_382 = arith.constant 0 : i32
      %dma_start3A_383 = arith.constant 0 : i32
      %dma_start3A_384 = tpu.memref_slice %arg2[%dma_start3A_382, %dma_start3A_383] : memref<10000x128xf32, #tpu.memory_space<hbm>> -> memref<10000x128xf32, #tpu.memory_space<hbm>>
      tpu.enqueue_indirect_dma source(%dma_start3A_384 : memref<10000x128xf32, #tpu.memory_space<hbm>>) target(%arg9 : memref<128x128xf32, #tpu.memory_space<vmem>>) offsets(%dma_start3A_381 : memref<128xi32, #tpu.memory_space<vmem>>) semaphore(%arg12 : memref<!tpu.dma_semaphore, #tpu.memory_space<semaphore_mem>>)
      %dma_wait3A_385 = arith.constant 5 : i32
      %dma_wait3A_386 = arith.constant 0 : i32
      %dma_wait3A_387 = tpu.memref_slice %arg8[%dma_wait3A_385, %dma_wait3A_386] : memref<16x128xi32, #tpu.memory_space<vmem>> -> memref<1x128xi32, #tpu.memory_space<vmem>>
      %dma_wait3A_388 = tpu.memref_squeeze %dma_wait3A_387 : memref<1x128xi32, #tpu.memory_space<vmem>> -> memref<128xi32, #tpu.memory_space<vmem>>
      %dma_wait3A_389 = arith.constant 0 : i32
      %dma_wait3A_390 = arith.constant 0 : i32
      %dma_wait3A_391 = tpu.memref_slice %arg2[%dma_wait3A_389, %dma_wait3A_390] : memref<10000x128xf32, #tpu.memory_space<hbm>> -> memref<10000x128xf32, #tpu.memory_space<hbm>>
      tpu.wait_indirect_dma semaphore(%arg13 : memref<!tpu.dma_semaphore, #tpu.memory_space<semaphore_mem>>) src(%dma_wait3A_391 : memref<10000x128xf32, #tpu.memory_space<hbm>>) dst(%arg10 : memref<128x128xf32, #tpu.memory_space<vmem>>)
      %run_scoped3A_392 = arith.constant 13 : i32
      "tpu.region"() ({
        %run_scoped3A_420 = tpu.sem_alloc : memref<!tpu.dma_semaphore, #tpu.memory_space<semaphore_mem>>
        %dma_start3A_421 = arith.constant 0 : i32
        %dma_start3A_422 = tpu.memref_slice %arg8[%run_scoped3A_392, %dma_start3A_421] : memref<16x128xi32, #tpu.memory_space<vmem>> -> memref<1x128xi32, #tpu.memory_space<vmem>>
        %dma_start3A_423 = tpu.memref_squeeze %dma_start3A_422 : memref<1x128xi32, #tpu.memory_space<vmem>> -> memref<128xi32, #tpu.memory_space<vmem>>
        %dma_start3A_424 = arith.constant 0 : i32
        %dma_start3A_425 = arith.constant 0 : i32
        %dma_start3A_426 = tpu.memref_slice %arg6[%dma_start3A_424, %dma_start3A_425] : memref<10128x128xf32, #tpu.memory_space<vmem_shared>> -> memref<10128x128xf32, #tpu.memory_space<vmem_shared>>
        tpu.enqueue_indirect_dma source(%arg10 : memref<128x128xf32, #tpu.memory_space<vmem>>) target(%dma_start3A_426 : memref<10128x128xf32, #tpu.memory_space<vmem_shared>>) offsets(%dma_start3A_423 : memref<128xi32, #tpu.memory_space<vmem>>) semaphore(%run_scoped3A_420 : memref<!tpu.dma_semaphore, #tpu.memory_space<semaphore_mem>>) {add = true}
        %dma_wait3A_427 = arith.constant 0 : i32
        %dma_wait3A_428 = tpu.memref_slice %arg8[%run_scoped3A_392, %dma_wait3A_427] : memref<16x128xi32, #tpu.memory_space<vmem>> -> memref<1x128xi32, #tpu.memory_space<vmem>>
        %dma_wait3A_429 = tpu.memref_squeeze %dma_wait3A_428 : memref<1x128xi32, #tpu.memory_space<vmem>> -> memref<128xi32, #tpu.memory_space<vmem>>
        %dma_wait3A_430 = arith.constant 0 : i32
        %dma_wait3A_431 = arith.constant 0 : i32
        %dma_wait3A_432 = tpu.memref_slice %arg6[%dma_wait3A_430, %dma_wait3A_431] : memref<10128x128xf32, #tpu.memory_space<vmem_shared>> -> memref<10128x128xf32, #tpu.memory_space<vmem_shared>>
        tpu.wait_indirect_dma semaphore(%run_scoped3A_420 : memref<!tpu.dma_semaphore, #tpu.memory_space<semaphore_mem>>) src(%arg10 : memref<128x128xf32, #tpu.memory_space<vmem>>) dst(%dma_wait3A_432 : memref<10128x128xf32, #tpu.memory_space<vmem_shared>>)
        tpu.yield
      }) : () -> ()
      %dma_start3A_393 = arith.constant 7 : i32
      %dma_start3A_394 = arith.constant 0 : i32
      %dma_start3A_395 = tpu.memref_slice %arg8[%dma_start3A_393, %dma_start3A_394] : memref<16x128xi32, #tpu.memory_space<vmem>> -> memref<1x128xi32, #tpu.memory_space<vmem>>
      %dma_start3A_396 = tpu.memref_squeeze %dma_start3A_395 : memref<1x128xi32, #tpu.memory_space<vmem>> -> memref<128xi32, #tpu.memory_space<vmem>>
      %dma_start3A_397 = arith.constant 0 : i32
      %dma_start3A_398 = arith.constant 0 : i32
      %dma_start3A_399 = tpu.memref_slice %arg2[%dma_start3A_397, %dma_start3A_398] : memref<10000x128xf32, #tpu.memory_space<hbm>> -> memref<10000x128xf32, #tpu.memory_space<hbm>>
      tpu.enqueue_indirect_dma source(%dma_start3A_399 : memref<10000x128xf32, #tpu.memory_space<hbm>>) target(%arg10 : memref<128x128xf32, #tpu.memory_space<vmem>>) offsets(%dma_start3A_396 : memref<128xi32, #tpu.memory_space<vmem>>) semaphore(%arg13 : memref<!tpu.dma_semaphore, #tpu.memory_space<semaphore_mem>>)
      %dma_wait3A_400 = arith.constant 6 : i32
      %dma_wait3A_401 = arith.constant 0 : i32
      %dma_wait3A_402 = tpu.memref_slice %arg8[%dma_wait3A_400, %dma_wait3A_401] : memref<16x128xi32, #tpu.memory_space<vmem>> -> memref<1x128xi32, #tpu.memory_space<vmem>>
      %dma_wait3A_403 = tpu.memref_squeeze %dma_wait3A_402 : memref<1x128xi32, #tpu.memory_space<vmem>> -> memref<128xi32, #tpu.memory_space<vmem>>
      %dma_wait3A_404 = arith.constant 0 : i32
      %dma_wait3A_405 = arith.constant 0 : i32
      %dma_wait3A_406 = tpu.memref_slice %arg2[%dma_wait3A_404, %dma_wait3A_405] : memref<10000x128xf32, #tpu.memory_space<hbm>> -> memref<10000x128xf32, #tpu.memory_space<hbm>>
      tpu.wait_indirect_dma semaphore(%arg12 : memref<!tpu.dma_semaphore, #tpu.memory_space<semaphore_mem>>) src(%dma_wait3A_406 : memref<10000x128xf32, #tpu.memory_space<hbm>>) dst(%arg9 : memref<128x128xf32, #tpu.memory_space<vmem>>)
      %run_scoped3A_407 = arith.constant 14 : i32
      "tpu.region"() ({
        %run_scoped3A_420 = tpu.sem_alloc : memref<!tpu.dma_semaphore, #tpu.memory_space<semaphore_mem>>
        %dma_start3A_421 = arith.constant 0 : i32
        %dma_start3A_422 = tpu.memref_slice %arg8[%run_scoped3A_407, %dma_start3A_421] : memref<16x128xi32, #tpu.memory_space<vmem>> -> memref<1x128xi32, #tpu.memory_space<vmem>>
        %dma_start3A_423 = tpu.memref_squeeze %dma_start3A_422 : memref<1x128xi32, #tpu.memory_space<vmem>> -> memref<128xi32, #tpu.memory_space<vmem>>
        %dma_start3A_424 = arith.constant 0 : i32
        %dma_start3A_425 = arith.constant 0 : i32
        %dma_start3A_426 = tpu.memref_slice %arg6[%dma_start3A_424, %dma_start3A_425] : memref<10128x128xf32, #tpu.memory_space<vmem_shared>> -> memref<10128x128xf32, #tpu.memory_space<vmem_shared>>
        tpu.enqueue_indirect_dma source(%arg9 : memref<128x128xf32, #tpu.memory_space<vmem>>) target(%dma_start3A_426 : memref<10128x128xf32, #tpu.memory_space<vmem_shared>>) offsets(%dma_start3A_423 : memref<128xi32, #tpu.memory_space<vmem>>) semaphore(%run_scoped3A_420 : memref<!tpu.dma_semaphore, #tpu.memory_space<semaphore_mem>>) {add = true}
        %dma_wait3A_427 = arith.constant 0 : i32
        %dma_wait3A_428 = tpu.memref_slice %arg8[%run_scoped3A_407, %dma_wait3A_427] : memref<16x128xi32, #tpu.memory_space<vmem>> -> memref<1x128xi32, #tpu.memory_space<vmem>>
        %dma_wait3A_429 = tpu.memref_squeeze %dma_wait3A_428 : memref<1x128xi32, #tpu.memory_space<vmem>> -> memref<128xi32, #tpu.memory_space<vmem>>
        %dma_wait3A_430 = arith.constant 0 : i32
        %dma_wait3A_431 = arith.constant 0 : i32
        %dma_wait3A_432 = tpu.memref_slice %arg6[%dma_wait3A_430, %dma_wait3A_431] : memref<10128x128xf32, #tpu.memory_space<vmem_shared>> -> memref<10128x128xf32, #tpu.memory_space<vmem_shared>>
        tpu.wait_indirect_dma semaphore(%run_scoped3A_420 : memref<!tpu.dma_semaphore, #tpu.memory_space<semaphore_mem>>) src(%arg9 : memref<128x128xf32, #tpu.memory_space<vmem>>) dst(%dma_wait3A_432 : memref<10128x128xf32, #tpu.memory_space<vmem_shared>>)
        tpu.yield
      }) : () -> ()
      %dma_wait3A_408 = arith.constant 7 : i32
      %dma_wait3A_409 = arith.constant 0 : i32
      %dma_wait3A_410 = tpu.memref_slice %arg8[%dma_wait3A_408, %dma_wait3A_409] : memref<16x128xi32, #tpu.memory_space<vmem>> -> memref<1x128xi32, #tpu.memory_space<vmem>>
      %dma_wait3A_411 = tpu.memref_squeeze %dma_wait3A_410 : memref<1x128xi32, #tpu.memory_space<vmem>> -> memref<128xi32, #tpu.memory_space<vmem>>
      %dma_wait3A_412 = arith.constant 0 : i32
      %dma_wait3A_413 = arith.constant 0 : i32
      %dma_wait3A_414 = tpu.memref_slice %arg2[%dma_wait3A_412, %dma_wait3A_413] : memref<10000x128xf32, #tpu.memory_space<hbm>> -> memref<10000x128xf32, #tpu.memory_space<hbm>>
      tpu.wait_indirect_dma semaphore(%arg13 : memref<!tpu.dma_semaphore, #tpu.memory_space<semaphore_mem>>) src(%dma_wait3A_414 : memref<10000x128xf32, #tpu.memory_space<hbm>>) dst(%arg10 : memref<128x128xf32, #tpu.memory_space<vmem>>)
      %run_scoped3A_415 = arith.constant 15 : i32
      "tpu.region"() ({
        %run_scoped3A_420 = tpu.sem_alloc : memref<!tpu.dma_semaphore, #tpu.memory_space<semaphore_mem>>
        %dma_start3A_421 = arith.constant 0 : i32
        %dma_start3A_422 = tpu.memref_slice %arg8[%run_scoped3A_415, %dma_start3A_421] : memref<16x128xi32, #tpu.memory_space<vmem>> -> memref<1x128xi32, #tpu.memory_space<vmem>>
        %dma_start3A_423 = tpu.memref_squeeze %dma_start3A_422 : memref<1x128xi32, #tpu.memory_space<vmem>> -> memref<128xi32, #tpu.memory_space<vmem>>
        %dma_start3A_424 = arith.constant 0 : i32
        %dma_start3A_425 = arith.constant 0 : i32
        %dma_start3A_426 = tpu.memref_slice %arg6[%dma_start3A_424, %dma_start3A_425] : memref<10128x128xf32, #tpu.memory_space<vmem_shared>> -> memref<10128x128xf32, #tpu.memory_space<vmem_shared>>
        tpu.enqueue_indirect_dma source(%arg10 : memref<128x128xf32, #tpu.memory_space<vmem>>) target(%dma_start3A_426 : memref<10128x128xf32, #tpu.memory_space<vmem_shared>>) offsets(%dma_start3A_423 : memref<128xi32, #tpu.memory_space<vmem>>) semaphore(%run_scoped3A_420 : memref<!tpu.dma_semaphore, #tpu.memory_space<semaphore_mem>>) {add = true}
        %dma_wait3A_427 = arith.constant 0 : i32
        %dma_wait3A_428 = tpu.memref_slice %arg8[%run_scoped3A_415, %dma_wait3A_427] : memref<16x128xi32, #tpu.memory_space<vmem>> -> memref<1x128xi32, #tpu.memory_space<vmem>>
        %dma_wait3A_429 = tpu.memref_squeeze %dma_wait3A_428 : memref<1x128xi32, #tpu.memory_space<vmem>> -> memref<128xi32, #tpu.memory_space<vmem>>
        %dma_wait3A_430 = arith.constant 0 : i32
        %dma_wait3A_431 = arith.constant 0 : i32
        %dma_wait3A_432 = tpu.memref_slice %arg6[%dma_wait3A_430, %dma_wait3A_431] : memref<10128x128xf32, #tpu.memory_space<vmem_shared>> -> memref<10128x128xf32, #tpu.memory_space<vmem_shared>>
        tpu.wait_indirect_dma semaphore(%run_scoped3A_420 : memref<!tpu.dma_semaphore, #tpu.memory_space<semaphore_mem>>) src(%arg10 : memref<128x128xf32, #tpu.memory_space<vmem>>) dst(%dma_wait3A_432 : memref<10128x128xf32, #tpu.memory_space<vmem_shared>>)
        tpu.yield
      }) : () -> ()
      %dma_wait3A_416 = arith.constant 0 : i32
      %dma_wait3A_417 = tpu.memref_slice %arg4[%multiple_of3A_291, %dma_wait3A_416] : memref<5632x128xi32, #tpu.memory_space<hbm>> -> memref<16x128xi32, #tpu.memory_space<hbm>>
      %dma_wait3A_418 = arith.constant 0 : i32
      %dma_wait3A_419 = tpu.memref_slice %arg4[%multiple_of3A_291, %dma_wait3A_418] : memref<5632x128xi32, #tpu.memory_space<hbm>> -> memref<16x128xi32, #tpu.memory_space<hbm>>
      tpu.wait_dma2 semaphore(%arg14 : memref<!tpu.dma_semaphore, #tpu.memory_space<semaphore_mem>>) src(%dma_wait3A_419 : memref<16x128xi32, #tpu.memory_space<hbm>>) dst(%arg7 : memref<16x128xi32, #tpu.memory_space<vmem>>)
    }
    %scan3A_15 = arith.constant 5 : i32
    %dma_start3A = arith.constant 0 : i32
    %dma_start3A_16 = arith.constant 0 : i32
    %dma_start3A_17 = tpu.memref_slice %arg7[%dma_start3A, %dma_start3A_16] : memref<16x128xi32, #tpu.memory_space<vmem>> -> memref<1x128xi32, #tpu.memory_space<vmem>>
    %dma_start3A_18 = tpu.memref_squeeze %dma_start3A_17 : memref<1x128xi32, #tpu.memory_space<vmem>> -> memref<128xi32, #tpu.memory_space<vmem>>
    %dma_start3A_19 = arith.constant 0 : i32
    %dma_start3A_20 = arith.constant 0 : i32
    %dma_start3A_21 = tpu.memref_slice %arg2[%dma_start3A_19, %dma_start3A_20] : memref<10000x128xf32, #tpu.memory_space<hbm>> -> memref<10000x128xf32, #tpu.memory_space<hbm>>
    tpu.enqueue_indirect_dma source(%dma_start3A_21 : memref<10000x128xf32, #tpu.memory_space<hbm>>) target(%arg9 : memref<128x128xf32, #tpu.memory_space<vmem>>) offsets(%dma_start3A_18 : memref<128xi32, #tpu.memory_space<vmem>>) semaphore(%arg12 : memref<!tpu.dma_semaphore, #tpu.memory_space<semaphore_mem>>)
    %dma_start3A_22 = arith.constant 1 : i32
    %dma_start3A_23 = arith.constant 0 : i32
    %dma_start3A_24 = tpu.memref_slice %arg7[%dma_start3A_22, %dma_start3A_23] : memref<16x128xi32, #tpu.memory_space<vmem>> -> memref<1x128xi32, #tpu.memory_space<vmem>>
    %dma_start3A_25 = tpu.memref_squeeze %dma_start3A_24 : memref<1x128xi32, #tpu.memory_space<vmem>> -> memref<128xi32, #tpu.memory_space<vmem>>
    %dma_start3A_26 = arith.constant 0 : i32
    %dma_start3A_27 = arith.constant 0 : i32
    %dma_start3A_28 = tpu.memref_slice %arg2[%dma_start3A_26, %dma_start3A_27] : memref<10000x128xf32, #tpu.memory_space<hbm>> -> memref<10000x128xf32, #tpu.memory_space<hbm>>
    tpu.enqueue_indirect_dma source(%dma_start3A_28 : memref<10000x128xf32, #tpu.memory_space<hbm>>) target(%arg10 : memref<128x128xf32, #tpu.memory_space<vmem>>) offsets(%dma_start3A_25 : memref<128xi32, #tpu.memory_space<vmem>>) semaphore(%arg13 : memref<!tpu.dma_semaphore, #tpu.memory_space<semaphore_mem>>)
    %dma_wait3A = arith.constant 0 : i32
    %dma_wait3A_29 = arith.constant 0 : i32
    %dma_wait3A_30 = tpu.memref_slice %arg7[%dma_wait3A, %dma_wait3A_29] : memref<16x128xi32, #tpu.memory_space<vmem>> -> memref<1x128xi32, #tpu.memory_space<vmem>>
    %dma_wait3A_31 = tpu.memref_squeeze %dma_wait3A_30 : memref<1x128xi32, #tpu.memory_space<vmem>> -> memref<128xi32, #tpu.memory_space<vmem>>
    %dma_wait3A_32 = arith.constant 0 : i32
    %dma_wait3A_33 = arith.constant 0 : i32
    %dma_wait3A_34 = tpu.memref_slice %arg2[%dma_wait3A_32, %dma_wait3A_33] : memref<10000x128xf32, #tpu.memory_space<hbm>> -> memref<10000x128xf32, #tpu.memory_space<hbm>>
    tpu.wait_indirect_dma semaphore(%arg12 : memref<!tpu.dma_semaphore, #tpu.memory_space<semaphore_mem>>) src(%dma_wait3A_34 : memref<10000x128xf32, #tpu.memory_space<hbm>>) dst(%arg9 : memref<128x128xf32, #tpu.memory_space<vmem>>)
    %run_scoped3A = arith.constant 8 : i32
    "tpu.region"() ({
      %run_scoped3A_139 = tpu.sem_alloc : memref<!tpu.dma_semaphore, #tpu.memory_space<semaphore_mem>>
      %dma_start3A_140 = arith.constant 0 : i32
      %dma_start3A_141 = tpu.memref_slice %arg7[%run_scoped3A, %dma_start3A_140] : memref<16x128xi32, #tpu.memory_space<vmem>> -> memref<1x128xi32, #tpu.memory_space<vmem>>
      %dma_start3A_142 = tpu.memref_squeeze %dma_start3A_141 : memref<1x128xi32, #tpu.memory_space<vmem>> -> memref<128xi32, #tpu.memory_space<vmem>>
      %dma_start3A_143 = arith.constant 0 : i32
      %dma_start3A_144 = arith.constant 0 : i32
      %dma_start3A_145 = tpu.memref_slice %arg6[%dma_start3A_143, %dma_start3A_144] : memref<10128x128xf32, #tpu.memory_space<vmem_shared>> -> memref<10128x128xf32, #tpu.memory_space<vmem_shared>>
      tpu.enqueue_indirect_dma source(%arg9 : memref<128x128xf32, #tpu.memory_space<vmem>>) target(%dma_start3A_145 : memref<10128x128xf32, #tpu.memory_space<vmem_shared>>) offsets(%dma_start3A_142 : memref<128xi32, #tpu.memory_space<vmem>>) semaphore(%run_scoped3A_139 : memref<!tpu.dma_semaphore, #tpu.memory_space<semaphore_mem>>) {add = true}
      %dma_wait3A_146 = arith.constant 0 : i32
      %dma_wait3A_147 = tpu.memref_slice %arg7[%run_scoped3A, %dma_wait3A_146] : memref<16x128xi32, #tpu.memory_space<vmem>> -> memref<1x128xi32, #tpu.memory_space<vmem>>
      %dma_wait3A_148 = tpu.memref_squeeze %dma_wait3A_147 : memref<1x128xi32, #tpu.memory_space<vmem>> -> memref<128xi32, #tpu.memory_space<vmem>>
      %dma_wait3A_149 = arith.constant 0 : i32
      %dma_wait3A_150 = arith.constant 0 : i32
      %dma_wait3A_151 = tpu.memref_slice %arg6[%dma_wait3A_149, %dma_wait3A_150] : memref<10128x128xf32, #tpu.memory_space<vmem_shared>> -> memref<10128x128xf32, #tpu.memory_space<vmem_shared>>
      tpu.wait_indirect_dma semaphore(%run_scoped3A_139 : memref<!tpu.dma_semaphore, #tpu.memory_space<semaphore_mem>>) src(%arg9 : memref<128x128xf32, #tpu.memory_space<vmem>>) dst(%dma_wait3A_151 : memref<10128x128xf32, #tpu.memory_space<vmem_shared>>)
      tpu.yield
    }) : () -> ()
    %dma_start3A_35 = arith.constant 2 : i32
    %dma_start3A_36 = arith.constant 0 : i32
    %dma_start3A_37 = tpu.memref_slice %arg7[%dma_start3A_35, %dma_start3A_36] : memref<16x128xi32, #tpu.memory_space<vmem>> -> memref<1x128xi32, #tpu.memory_space<vmem>>
    %dma_start3A_38 = tpu.memref_squeeze %dma_start3A_37 : memref<1x128xi32, #tpu.memory_space<vmem>> -> memref<128xi32, #tpu.memory_space<vmem>>
    %dma_start3A_39 = arith.constant 0 : i32
    %dma_start3A_40 = arith.constant 0 : i32
    %dma_start3A_41 = tpu.memref_slice %arg2[%dma_start3A_39, %dma_start3A_40] : memref<10000x128xf32, #tpu.memory_space<hbm>> -> memref<10000x128xf32, #tpu.memory_space<hbm>>
    tpu.enqueue_indirect_dma source(%dma_start3A_41 : memref<10000x128xf32, #tpu.memory_space<hbm>>) target(%arg9 : memref<128x128xf32, #tpu.memory_space<vmem>>) offsets(%dma_start3A_38 : memref<128xi32, #tpu.memory_space<vmem>>) semaphore(%arg12 : memref<!tpu.dma_semaphore, #tpu.memory_space<semaphore_mem>>)
    %dma_wait3A_42 = arith.constant 1 : i32
    %dma_wait3A_43 = arith.constant 0 : i32
    %dma_wait3A_44 = tpu.memref_slice %arg7[%dma_wait3A_42, %dma_wait3A_43] : memref<16x128xi32, #tpu.memory_space<vmem>> -> memref<1x128xi32, #tpu.memory_space<vmem>>
    %dma_wait3A_45 = tpu.memref_squeeze %dma_wait3A_44 : memref<1x128xi32, #tpu.memory_space<vmem>> -> memref<128xi32, #tpu.memory_space<vmem>>
    %dma_wait3A_46 = arith.constant 0 : i32
    %dma_wait3A_47 = arith.constant 0 : i32
    %dma_wait3A_48 = tpu.memref_slice %arg2[%dma_wait3A_46, %dma_wait3A_47] : memref<10000x128xf32, #tpu.memory_space<hbm>> -> memref<10000x128xf32, #tpu.memory_space<hbm>>
    tpu.wait_indirect_dma semaphore(%arg13 : memref<!tpu.dma_semaphore, #tpu.memory_space<semaphore_mem>>) src(%dma_wait3A_48 : memref<10000x128xf32, #tpu.memory_space<hbm>>) dst(%arg10 : memref<128x128xf32, #tpu.memory_space<vmem>>)
    %run_scoped3A_49 = arith.constant 9 : i32
    "tpu.region"() ({
      %run_scoped3A_139 = tpu.sem_alloc : memref<!tpu.dma_semaphore, #tpu.memory_space<semaphore_mem>>
      %dma_start3A_140 = arith.constant 0 : i32
      %dma_start3A_141 = tpu.memref_slice %arg7[%run_scoped3A_49, %dma_start3A_140] : memref<16x128xi32, #tpu.memory_space<vmem>> -> memref<1x128xi32, #tpu.memory_space<vmem>>
      %dma_start3A_142 = tpu.memref_squeeze %dma_start3A_141 : memref<1x128xi32, #tpu.memory_space<vmem>> -> memref<128xi32, #tpu.memory_space<vmem>>
      %dma_start3A_143 = arith.constant 0 : i32
      %dma_start3A_144 = arith.constant 0 : i32
      %dma_start3A_145 = tpu.memref_slice %arg6[%dma_start3A_143, %dma_start3A_144] : memref<10128x128xf32, #tpu.memory_space<vmem_shared>> -> memref<10128x128xf32, #tpu.memory_space<vmem_shared>>
      tpu.enqueue_indirect_dma source(%arg10 : memref<128x128xf32, #tpu.memory_space<vmem>>) target(%dma_start3A_145 : memref<10128x128xf32, #tpu.memory_space<vmem_shared>>) offsets(%dma_start3A_142 : memref<128xi32, #tpu.memory_space<vmem>>) semaphore(%run_scoped3A_139 : memref<!tpu.dma_semaphore, #tpu.memory_space<semaphore_mem>>) {add = true}
      %dma_wait3A_146 = arith.constant 0 : i32
      %dma_wait3A_147 = tpu.memref_slice %arg7[%run_scoped3A_49, %dma_wait3A_146] : memref<16x128xi32, #tpu.memory_space<vmem>> -> memref<1x128xi32, #tpu.memory_space<vmem>>
      %dma_wait3A_148 = tpu.memref_squeeze %dma_wait3A_147 : memref<1x128xi32, #tpu.memory_space<vmem>> -> memref<128xi32, #tpu.memory_space<vmem>>
      %dma_wait3A_149 = arith.constant 0 : i32
      %dma_wait3A_150 = arith.constant 0 : i32
      %dma_wait3A_151 = tpu.memref_slice %arg6[%dma_wait3A_149, %dma_wait3A_150] : memref<10128x128xf32, #tpu.memory_space<vmem_shared>> -> memref<10128x128xf32, #tpu.memory_space<vmem_shared>>
      tpu.wait_indirect_dma semaphore(%run_scoped3A_139 : memref<!tpu.dma_semaphore, #tpu.memory_space<semaphore_mem>>) src(%arg10 : memref<128x128xf32, #tpu.memory_space<vmem>>) dst(%dma_wait3A_151 : memref<10128x128xf32, #tpu.memory_space<vmem_shared>>)
      tpu.yield
    }) : () -> ()
    %dma_start3A_50 = arith.constant 3 : i32
    %dma_start3A_51 = arith.constant 0 : i32
    %dma_start3A_52 = tpu.memref_slice %arg7[%dma_start3A_50, %dma_start3A_51] : memref<16x128xi32, #tpu.memory_space<vmem>> -> memref<1x128xi32, #tpu.memory_space<vmem>>
    %dma_start3A_53 = tpu.memref_squeeze %dma_start3A_52 : memref<1x128xi32, #tpu.memory_space<vmem>> -> memref<128xi32, #tpu.memory_space<vmem>>
    %dma_start3A_54 = arith.constant 0 : i32
    %dma_start3A_55 = arith.constant 0 : i32
    %dma_start3A_56 = tpu.memref_slice %arg2[%dma_start3A_54, %dma_start3A_55] : memref<10000x128xf32, #tpu.memory_space<hbm>> -> memref<10000x128xf32, #tpu.memory_space<hbm>>
    tpu.enqueue_indirect_dma source(%dma_start3A_56 : memref<10000x128xf32, #tpu.memory_space<hbm>>) target(%arg10 : memref<128x128xf32, #tpu.memory_space<vmem>>) offsets(%dma_start3A_53 : memref<128xi32, #tpu.memory_space<vmem>>) semaphore(%arg13 : memref<!tpu.dma_semaphore, #tpu.memory_space<semaphore_mem>>)
    %dma_wait3A_57 = arith.constant 2 : i32
    %dma_wait3A_58 = arith.constant 0 : i32
    %dma_wait3A_59 = tpu.memref_slice %arg7[%dma_wait3A_57, %dma_wait3A_58] : memref<16x128xi32, #tpu.memory_space<vmem>> -> memref<1x128xi32, #tpu.memory_space<vmem>>
    %dma_wait3A_60 = tpu.memref_squeeze %dma_wait3A_59 : memref<1x128xi32, #tpu.memory_space<vmem>> -> memref<128xi32, #tpu.memory_space<vmem>>
    %dma_wait3A_61 = arith.constant 0 : i32
    %dma_wait3A_62 = arith.constant 0 : i32
    %dma_wait3A_63 = tpu.memref_slice %arg2[%dma_wait3A_61, %dma_wait3A_62] : memref<10000x128xf32, #tpu.memory_space<hbm>> -> memref<10000x128xf32, #tpu.memory_space<hbm>>
    tpu.wait_indirect_dma semaphore(%arg12 : memref<!tpu.dma_semaphore, #tpu.memory_space<semaphore_mem>>) src(%dma_wait3A_63 : memref<10000x128xf32, #tpu.memory_space<hbm>>) dst(%arg9 : memref<128x128xf32, #tpu.memory_space<vmem>>)
    %run_scoped3A_64 = arith.constant 10 : i32
    "tpu.region"() ({
      %run_scoped3A_139 = tpu.sem_alloc : memref<!tpu.dma_semaphore, #tpu.memory_space<semaphore_mem>>
      %dma_start3A_140 = arith.constant 0 : i32
      %dma_start3A_141 = tpu.memref_slice %arg7[%run_scoped3A_64, %dma_start3A_140] : memref<16x128xi32, #tpu.memory_space<vmem>> -> memref<1x128xi32, #tpu.memory_space<vmem>>
      %dma_start3A_142 = tpu.memref_squeeze %dma_start3A_141 : memref<1x128xi32, #tpu.memory_space<vmem>> -> memref<128xi32, #tpu.memory_space<vmem>>
      %dma_start3A_143 = arith.constant 0 : i32
      %dma_start3A_144 = arith.constant 0 : i32
      %dma_start3A_145 = tpu.memref_slice %arg6[%dma_start3A_143, %dma_start3A_144] : memref<10128x128xf32, #tpu.memory_space<vmem_shared>> -> memref<10128x128xf32, #tpu.memory_space<vmem_shared>>
      tpu.enqueue_indirect_dma source(%arg9 : memref<128x128xf32, #tpu.memory_space<vmem>>) target(%dma_start3A_145 : memref<10128x128xf32, #tpu.memory_space<vmem_shared>>) offsets(%dma_start3A_142 : memref<128xi32, #tpu.memory_space<vmem>>) semaphore(%run_scoped3A_139 : memref<!tpu.dma_semaphore, #tpu.memory_space<semaphore_mem>>) {add = true}
      %dma_wait3A_146 = arith.constant 0 : i32
      %dma_wait3A_147 = tpu.memref_slice %arg7[%run_scoped3A_64, %dma_wait3A_146] : memref<16x128xi32, #tpu.memory_space<vmem>> -> memref<1x128xi32, #tpu.memory_space<vmem>>
      %dma_wait3A_148 = tpu.memref_squeeze %dma_wait3A_147 : memref<1x128xi32, #tpu.memory_space<vmem>> -> memref<128xi32, #tpu.memory_space<vmem>>
      %dma_wait3A_149 = arith.constant 0 : i32
      %dma_wait3A_150 = arith.constant 0 : i32
      %dma_wait3A_151 = tpu.memref_slice %arg6[%dma_wait3A_149, %dma_wait3A_150] : memref<10128x128xf32, #tpu.memory_space<vmem_shared>> -> memref<10128x128xf32, #tpu.memory_space<vmem_shared>>
      tpu.wait_indirect_dma semaphore(%run_scoped3A_139 : memref<!tpu.dma_semaphore, #tpu.memory_space<semaphore_mem>>) src(%arg9 : memref<128x128xf32, #tpu.memory_space<vmem>>) dst(%dma_wait3A_151 : memref<10128x128xf32, #tpu.memory_space<vmem_shared>>)
      tpu.yield
    }) : () -> ()
    %dma_start3A_65 = arith.constant 4 : i32
    %dma_start3A_66 = arith.constant 0 : i32
    %dma_start3A_67 = tpu.memref_slice %arg7[%dma_start3A_65, %dma_start3A_66] : memref<16x128xi32, #tpu.memory_space<vmem>> -> memref<1x128xi32, #tpu.memory_space<vmem>>
    %dma_start3A_68 = tpu.memref_squeeze %dma_start3A_67 : memref<1x128xi32, #tpu.memory_space<vmem>> -> memref<128xi32, #tpu.memory_space<vmem>>
    %dma_start3A_69 = arith.constant 0 : i32
    %dma_start3A_70 = arith.constant 0 : i32
    %dma_start3A_71 = tpu.memref_slice %arg2[%dma_start3A_69, %dma_start3A_70] : memref<10000x128xf32, #tpu.memory_space<hbm>> -> memref<10000x128xf32, #tpu.memory_space<hbm>>
    tpu.enqueue_indirect_dma source(%dma_start3A_71 : memref<10000x128xf32, #tpu.memory_space<hbm>>) target(%arg9 : memref<128x128xf32, #tpu.memory_space<vmem>>) offsets(%dma_start3A_68 : memref<128xi32, #tpu.memory_space<vmem>>) semaphore(%arg12 : memref<!tpu.dma_semaphore, #tpu.memory_space<semaphore_mem>>)
    %dma_wait3A_72 = arith.constant 3 : i32
    %dma_wait3A_73 = arith.constant 0 : i32
    %dma_wait3A_74 = tpu.memref_slice %arg7[%dma_wait3A_72, %dma_wait3A_73] : memref<16x128xi32, #tpu.memory_space<vmem>> -> memref<1x128xi32, #tpu.memory_space<vmem>>
    %dma_wait3A_75 = tpu.memref_squeeze %dma_wait3A_74 : memref<1x128xi32, #tpu.memory_space<vmem>> -> memref<128xi32, #tpu.memory_space<vmem>>
    %dma_wait3A_76 = arith.constant 0 : i32
    %dma_wait3A_77 = arith.constant 0 : i32
    %dma_wait3A_78 = tpu.memref_slice %arg2[%dma_wait3A_76, %dma_wait3A_77] : memref<10000x128xf32, #tpu.memory_space<hbm>> -> memref<10000x128xf32, #tpu.memory_space<hbm>>
    tpu.wait_indirect_dma semaphore(%arg13 : memref<!tpu.dma_semaphore, #tpu.memory_space<semaphore_mem>>) src(%dma_wait3A_78 : memref<10000x128xf32, #tpu.memory_space<hbm>>) dst(%arg10 : memref<128x128xf32, #tpu.memory_space<vmem>>)
    %run_scoped3A_79 = arith.constant 11 : i32
    "tpu.region"() ({
      %run_scoped3A_139 = tpu.sem_alloc : memref<!tpu.dma_semaphore, #tpu.memory_space<semaphore_mem>>
      %dma_start3A_140 = arith.constant 0 : i32
      %dma_start3A_141 = tpu.memref_slice %arg7[%run_scoped3A_79, %dma_start3A_140] : memref<16x128xi32, #tpu.memory_space<vmem>> -> memref<1x128xi32, #tpu.memory_space<vmem>>
      %dma_start3A_142 = tpu.memref_squeeze %dma_start3A_141 : memref<1x128xi32, #tpu.memory_space<vmem>> -> memref<128xi32, #tpu.memory_space<vmem>>
      %dma_start3A_143 = arith.constant 0 : i32
      %dma_start3A_144 = arith.constant 0 : i32
      %dma_start3A_145 = tpu.memref_slice %arg6[%dma_start3A_143, %dma_start3A_144] : memref<10128x128xf32, #tpu.memory_space<vmem_shared>> -> memref<10128x128xf32, #tpu.memory_space<vmem_shared>>
      tpu.enqueue_indirect_dma source(%arg10 : memref<128x128xf32, #tpu.memory_space<vmem>>) target(%dma_start3A_145 : memref<10128x128xf32, #tpu.memory_space<vmem_shared>>) offsets(%dma_start3A_142 : memref<128xi32, #tpu.memory_space<vmem>>) semaphore(%run_scoped3A_139 : memref<!tpu.dma_semaphore, #tpu.memory_space<semaphore_mem>>) {add = true}
      %dma_wait3A_146 = arith.constant 0 : i32
      %dma_wait3A_147 = tpu.memref_slice %arg7[%run_scoped3A_79, %dma_wait3A_146] : memref<16x128xi32, #tpu.memory_space<vmem>> -> memref<1x128xi32, #tpu.memory_space<vmem>>
      %dma_wait3A_148 = tpu.memref_squeeze %dma_wait3A_147 : memref<1x128xi32, #tpu.memory_space<vmem>> -> memref<128xi32, #tpu.memory_space<vmem>>
      %dma_wait3A_149 = arith.constant 0 : i32
      %dma_wait3A_150 = arith.constant 0 : i32
      %dma_wait3A_151 = tpu.memref_slice %arg6[%dma_wait3A_149, %dma_wait3A_150] : memref<10128x128xf32, #tpu.memory_space<vmem_shared>> -> memref<10128x128xf32, #tpu.memory_space<vmem_shared>>
      tpu.wait_indirect_dma semaphore(%run_scoped3A_139 : memref<!tpu.dma_semaphore, #tpu.memory_space<semaphore_mem>>) src(%arg10 : memref<128x128xf32, #tpu.memory_space<vmem>>) dst(%dma_wait3A_151 : memref<10128x128xf32, #tpu.memory_space<vmem_shared>>)
      tpu.yield
    }) : () -> ()
    %dma_start3A_80 = arith.constant 5 : i32
    %dma_start3A_81 = arith.constant 0 : i32
    %dma_start3A_82 = tpu.memref_slice %arg7[%dma_start3A_80, %dma_start3A_81] : memref<16x128xi32, #tpu.memory_space<vmem>> -> memref<1x128xi32, #tpu.memory_space<vmem>>
    %dma_start3A_83 = tpu.memref_squeeze %dma_start3A_82 : memref<1x128xi32, #tpu.memory_space<vmem>> -> memref<128xi32, #tpu.memory_space<vmem>>
    %dma_start3A_84 = arith.constant 0 : i32
    %dma_start3A_85 = arith.constant 0 : i32
    %dma_start3A_86 = tpu.memref_slice %arg2[%dma_start3A_84, %dma_start3A_85] : memref<10000x128xf32, #tpu.memory_space<hbm>> -> memref<10000x128xf32, #tpu.memory_space<hbm>>
    tpu.enqueue_indirect_dma source(%dma_start3A_86 : memref<10000x128xf32, #tpu.memory_space<hbm>>) target(%arg10 : memref<128x128xf32, #tpu.memory_space<vmem>>) offsets(%dma_start3A_83 : memref<128xi32, #tpu.memory_space<vmem>>) semaphore(%arg13 : memref<!tpu.dma_semaphore, #tpu.memory_space<semaphore_mem>>)
    %dma_wait3A_87 = arith.constant 4 : i32
    %dma_wait3A_88 = arith.constant 0 : i32
    %dma_wait3A_89 = tpu.memref_slice %arg7[%dma_wait3A_87, %dma_wait3A_88] : memref<16x128xi32, #tpu.memory_space<vmem>> -> memref<1x128xi32, #tpu.memory_space<vmem>>
    %dma_wait3A_90 = tpu.memref_squeeze %dma_wait3A_89 : memref<1x128xi32, #tpu.memory_space<vmem>> -> memref<128xi32, #tpu.memory_space<vmem>>
    %dma_wait3A_91 = arith.constant 0 : i32
    %dma_wait3A_92 = arith.constant 0 : i32
    %dma_wait3A_93 = tpu.memref_slice %arg2[%dma_wait3A_91, %dma_wait3A_92] : memref<10000x128xf32, #tpu.memory_space<hbm>> -> memref<10000x128xf32, #tpu.memory_space<hbm>>
    tpu.wait_indirect_dma semaphore(%arg12 : memref<!tpu.dma_semaphore, #tpu.memory_space<semaphore_mem>>) src(%dma_wait3A_93 : memref<10000x128xf32, #tpu.memory_space<hbm>>) dst(%arg9 : memref<128x128xf32, #tpu.memory_space<vmem>>)
    %run_scoped3A_94 = arith.constant 12 : i32
    "tpu.region"() ({
      %run_scoped3A_139 = tpu.sem_alloc : memref<!tpu.dma_semaphore, #tpu.memory_space<semaphore_mem>>
      %dma_start3A_140 = arith.constant 0 : i32
      %dma_start3A_141 = tpu.memref_slice %arg7[%run_scoped3A_94, %dma_start3A_140] : memref<16x128xi32, #tpu.memory_space<vmem>> -> memref<1x128xi32, #tpu.memory_space<vmem>>
      %dma_start3A_142 = tpu.memref_squeeze %dma_start3A_141 : memref<1x128xi32, #tpu.memory_space<vmem>> -> memref<128xi32, #tpu.memory_space<vmem>>
      %dma_start3A_143 = arith.constant 0 : i32
      %dma_start3A_144 = arith.constant 0 : i32
      %dma_start3A_145 = tpu.memref_slice %arg6[%dma_start3A_143, %dma_start3A_144] : memref<10128x128xf32, #tpu.memory_space<vmem_shared>> -> memref<10128x128xf32, #tpu.memory_space<vmem_shared>>
      tpu.enqueue_indirect_dma source(%arg9 : memref<128x128xf32, #tpu.memory_space<vmem>>) target(%dma_start3A_145 : memref<10128x128xf32, #tpu.memory_space<vmem_shared>>) offsets(%dma_start3A_142 : memref<128xi32, #tpu.memory_space<vmem>>) semaphore(%run_scoped3A_139 : memref<!tpu.dma_semaphore, #tpu.memory_space<semaphore_mem>>) {add = true}
      %dma_wait3A_146 = arith.constant 0 : i32
      %dma_wait3A_147 = tpu.memref_slice %arg7[%run_scoped3A_94, %dma_wait3A_146] : memref<16x128xi32, #tpu.memory_space<vmem>> -> memref<1x128xi32, #tpu.memory_space<vmem>>
      %dma_wait3A_148 = tpu.memref_squeeze %dma_wait3A_147 : memref<1x128xi32, #tpu.memory_space<vmem>> -> memref<128xi32, #tpu.memory_space<vmem>>
      %dma_wait3A_149 = arith.constant 0 : i32
      %dma_wait3A_150 = arith.constant 0 : i32
      %dma_wait3A_151 = tpu.memref_slice %arg6[%dma_wait3A_149, %dma_wait3A_150] : memref<10128x128xf32, #tpu.memory_space<vmem_shared>> -> memref<10128x128xf32, #tpu.memory_space<vmem_shared>>
      tpu.wait_indirect_dma semaphore(%run_scoped3A_139 : memref<!tpu.dma_semaphore, #tpu.memory_space<semaphore_mem>>) src(%arg9 : memref<128x128xf32, #tpu.memory_space<vmem>>) dst(%dma_wait3A_151 : memref<10128x128xf32, #tpu.memory_space<vmem_shared>>)
      tpu.yield
    }) : () -> ()
    %dma_start3A_95 = arith.constant 6 : i32
    %dma_start3A_96 = arith.constant 0 : i32
    %dma_start3A_97 = tpu.memref_slice %arg7[%dma_start3A_95, %dma_start3A_96] : memref<16x128xi32, #tpu.memory_space<vmem>> -> memref<1x128xi32, #tpu.memory_space<vmem>>
    %dma_start3A_98 = tpu.memref_squeeze %dma_start3A_97 : memref<1x128xi32, #tpu.memory_space<vmem>> -> memref<128xi32, #tpu.memory_space<vmem>>
    %dma_start3A_99 = arith.constant 0 : i32
    %dma_start3A_100 = arith.constant 0 : i32
    %dma_start3A_101 = tpu.memref_slice %arg2[%dma_start3A_99, %dma_start3A_100] : memref<10000x128xf32, #tpu.memory_space<hbm>> -> memref<10000x128xf32, #tpu.memory_space<hbm>>
    tpu.enqueue_indirect_dma source(%dma_start3A_101 : memref<10000x128xf32, #tpu.memory_space<hbm>>) target(%arg9 : memref<128x128xf32, #tpu.memory_space<vmem>>) offsets(%dma_start3A_98 : memref<128xi32, #tpu.memory_space<vmem>>) semaphore(%arg12 : memref<!tpu.dma_semaphore, #tpu.memory_space<semaphore_mem>>)
    %dma_wait3A_102 = arith.constant 5 : i32
    %dma_wait3A_103 = arith.constant 0 : i32
    %dma_wait3A_104 = tpu.memref_slice %arg7[%dma_wait3A_102, %dma_wait3A_103] : memref<16x128xi32, #tpu.memory_space<vmem>> -> memref<1x128xi32, #tpu.memory_space<vmem>>
    %dma_wait3A_105 = tpu.memref_squeeze %dma_wait3A_104 : memref<1x128xi32, #tpu.memory_space<vmem>> -> memref<128xi32, #tpu.memory_space<vmem>>
    %dma_wait3A_106 = arith.constant 0 : i32
    %dma_wait3A_107 = arith.constant 0 : i32
    %dma_wait3A_108 = tpu.memref_slice %arg2[%dma_wait3A_106, %dma_wait3A_107] : memref<10000x128xf32, #tpu.memory_space<hbm>> -> memref<10000x128xf32, #tpu.memory_space<hbm>>
    tpu.wait_indirect_dma semaphore(%arg13 : memref<!tpu.dma_semaphore, #tpu.memory_space<semaphore_mem>>) src(%dma_wait3A_108 : memref<10000x128xf32, #tpu.memory_space<hbm>>) dst(%arg10 : memref<128x128xf32, #tpu.memory_space<vmem>>)
    %run_scoped3A_109 = arith.constant 13 : i32
    "tpu.region"() ({
      %run_scoped3A_139 = tpu.sem_alloc : memref<!tpu.dma_semaphore, #tpu.memory_space<semaphore_mem>>
      %dma_start3A_140 = arith.constant 0 : i32
      %dma_start3A_141 = tpu.memref_slice %arg7[%run_scoped3A_109, %dma_start3A_140] : memref<16x128xi32, #tpu.memory_space<vmem>> -> memref<1x128xi32, #tpu.memory_space<vmem>>
      %dma_start3A_142 = tpu.memref_squeeze %dma_start3A_141 : memref<1x128xi32, #tpu.memory_space<vmem>> -> memref<128xi32, #tpu.memory_space<vmem>>
      %dma_start3A_143 = arith.constant 0 : i32
      %dma_start3A_144 = arith.constant 0 : i32
      %dma_start3A_145 = tpu.memref_slice %arg6[%dma_start3A_143, %dma_start3A_144] : memref<10128x128xf32, #tpu.memory_space<vmem_shared>> -> memref<10128x128xf32, #tpu.memory_space<vmem_shared>>
      tpu.enqueue_indirect_dma source(%arg10 : memref<128x128xf32, #tpu.memory_space<vmem>>) target(%dma_start3A_145 : memref<10128x128xf32, #tpu.memory_space<vmem_shared>>) offsets(%dma_start3A_142 : memref<128xi32, #tpu.memory_space<vmem>>) semaphore(%run_scoped3A_139 : memref<!tpu.dma_semaphore, #tpu.memory_space<semaphore_mem>>) {add = true}
      %dma_wait3A_146 = arith.constant 0 : i32
      %dma_wait3A_147 = tpu.memref_slice %arg7[%run_scoped3A_109, %dma_wait3A_146] : memref<16x128xi32, #tpu.memory_space<vmem>> -> memref<1x128xi32, #tpu.memory_space<vmem>>
      %dma_wait3A_148 = tpu.memref_squeeze %dma_wait3A_147 : memref<1x128xi32, #tpu.memory_space<vmem>> -> memref<128xi32, #tpu.memory_space<vmem>>
      %dma_wait3A_149 = arith.constant 0 : i32
      %dma_wait3A_150 = arith.constant 0 : i32
      %dma_wait3A_151 = tpu.memref_slice %arg6[%dma_wait3A_149, %dma_wait3A_150] : memref<10128x128xf32, #tpu.memory_space<vmem_shared>> -> memref<10128x128xf32, #tpu.memory_space<vmem_shared>>
      tpu.wait_indirect_dma semaphore(%run_scoped3A_139 : memref<!tpu.dma_semaphore, #tpu.memory_space<semaphore_mem>>) src(%arg10 : memref<128x128xf32, #tpu.memory_space<vmem>>) dst(%dma_wait3A_151 : memref<10128x128xf32, #tpu.memory_space<vmem_shared>>)
      tpu.yield
    }) : () -> ()
    %dma_start3A_110 = arith.constant 7 : i32
    %dma_start3A_111 = arith.constant 0 : i32
    %dma_start3A_112 = tpu.memref_slice %arg7[%dma_start3A_110, %dma_start3A_111] : memref<16x128xi32, #tpu.memory_space<vmem>> -> memref<1x128xi32, #tpu.memory_space<vmem>>
    %dma_start3A_113 = tpu.memref_squeeze %dma_start3A_112 : memref<1x128xi32, #tpu.memory_space<vmem>> -> memref<128xi32, #tpu.memory_space<vmem>>
    %dma_start3A_114 = arith.constant 0 : i32
    %dma_start3A_115 = arith.constant 0 : i32
    %dma_start3A_116 = tpu.memref_slice %arg2[%dma_start3A_114, %dma_start3A_115] : memref<10000x128xf32, #tpu.memory_space<hbm>> -> memref<10000x128xf32, #tpu.memory_space<hbm>>
    tpu.enqueue_indirect_dma source(%dma_start3A_116 : memref<10000x128xf32, #tpu.memory_space<hbm>>) target(%arg10 : memref<128x128xf32, #tpu.memory_space<vmem>>) offsets(%dma_start3A_113 : memref<128xi32, #tpu.memory_space<vmem>>) semaphore(%arg13 : memref<!tpu.dma_semaphore, #tpu.memory_space<semaphore_mem>>)
    %dma_wait3A_117 = arith.constant 6 : i32
    %dma_wait3A_118 = arith.constant 0 : i32
    %dma_wait3A_119 = tpu.memref_slice %arg7[%dma_wait3A_117, %dma_wait3A_118] : memref<16x128xi32, #tpu.memory_space<vmem>> -> memref<1x128xi32, #tpu.memory_space<vmem>>
    %dma_wait3A_120 = tpu.memref_squeeze %dma_wait3A_119 : memref<1x128xi32, #tpu.memory_space<vmem>> -> memref<128xi32, #tpu.memory_space<vmem>>
    %dma_wait3A_121 = arith.constant 0 : i32
    %dma_wait3A_122 = arith.constant 0 : i32
    %dma_wait3A_123 = tpu.memref_slice %arg2[%dma_wait3A_121, %dma_wait3A_122] : memref<10000x128xf32, #tpu.memory_space<hbm>> -> memref<10000x128xf32, #tpu.memory_space<hbm>>
    tpu.wait_indirect_dma semaphore(%arg12 : memref<!tpu.dma_semaphore, #tpu.memory_space<semaphore_mem>>) src(%dma_wait3A_123 : memref<10000x128xf32, #tpu.memory_space<hbm>>) dst(%arg9 : memref<128x128xf32, #tpu.memory_space<vmem>>)
    %run_scoped3A_124 = arith.constant 14 : i32
    "tpu.region"() ({
      %run_scoped3A_139 = tpu.sem_alloc : memref<!tpu.dma_semaphore, #tpu.memory_space<semaphore_mem>>
      %dma_start3A_140 = arith.constant 0 : i32
      %dma_start3A_141 = tpu.memref_slice %arg7[%run_scoped3A_124, %dma_start3A_140] : memref<16x128xi32, #tpu.memory_space<vmem>> -> memref<1x128xi32, #tpu.memory_space<vmem>>
      %dma_start3A_142 = tpu.memref_squeeze %dma_start3A_141 : memref<1x128xi32, #tpu.memory_space<vmem>> -> memref<128xi32, #tpu.memory_space<vmem>>
      %dma_start3A_143 = arith.constant 0 : i32
      %dma_start3A_144 = arith.constant 0 : i32
      %dma_start3A_145 = tpu.memref_slice %arg6[%dma_start3A_143, %dma_start3A_144] : memref<10128x128xf32, #tpu.memory_space<vmem_shared>> -> memref<10128x128xf32, #tpu.memory_space<vmem_shared>>
      tpu.enqueue_indirect_dma source(%arg9 : memref<128x128xf32, #tpu.memory_space<vmem>>) target(%dma_start3A_145 : memref<10128x128xf32, #tpu.memory_space<vmem_shared>>) offsets(%dma_start3A_142 : memref<128xi32, #tpu.memory_space<vmem>>) semaphore(%run_scoped3A_139 : memref<!tpu.dma_semaphore, #tpu.memory_space<semaphore_mem>>) {add = true}
      %dma_wait3A_146 = arith.constant 0 : i32
      %dma_wait3A_147 = tpu.memref_slice %arg7[%run_scoped3A_124, %dma_wait3A_146] : memref<16x128xi32, #tpu.memory_space<vmem>> -> memref<1x128xi32, #tpu.memory_space<vmem>>
      %dma_wait3A_148 = tpu.memref_squeeze %dma_wait3A_147 : memref<1x128xi32, #tpu.memory_space<vmem>> -> memref<128xi32, #tpu.memory_space<vmem>>
      %dma_wait3A_149 = arith.constant 0 : i32
      %dma_wait3A_150 = arith.constant 0 : i32
      %dma_wait3A_151 = tpu.memref_slice %arg6[%dma_wait3A_149, %dma_wait3A_150] : memref<10128x128xf32, #tpu.memory_space<vmem_shared>> -> memref<10128x128xf32, #tpu.memory_space<vmem_shared>>
      tpu.wait_indirect_dma semaphore(%run_scoped3A_139 : memref<!tpu.dma_semaphore, #tpu.memory_space<semaphore_mem>>) src(%arg9 : memref<128x128xf32, #tpu.memory_space<vmem>>) dst(%dma_wait3A_151 : memref<10128x128xf32, #tpu.memory_space<vmem_shared>>)
      tpu.yield
    }) : () -> ()
    %dma_wait3A_125 = arith.constant 7 : i32
    %dma_wait3A_126 = arith.constant 0 : i32
    %dma_wait3A_127 = tpu.memref_slice %arg7[%dma_wait3A_125, %dma_wait3A_126] : memref<16x128xi32, #tpu.memory_space<vmem>> -> memref<1x128xi32, #tpu.memory_space<vmem>>
    %dma_wait3A_128 = tpu.memref_squeeze %dma_wait3A_127 : memref<1x128xi32, #tpu.memory_space<vmem>> -> memref<128xi32, #tpu.memory_space<vmem>>
    %dma_wait3A_129 = arith.constant 0 : i32
    %dma_wait3A_130 = arith.constant 0 : i32
    %dma_wait3A_131 = tpu.memref_slice %arg2[%dma_wait3A_129, %dma_wait3A_130] : memref<10000x128xf32, #tpu.memory_space<hbm>> -> memref<10000x128xf32, #tpu.memory_space<hbm>>
    tpu.wait_indirect_dma semaphore(%arg13 : memref<!tpu.dma_semaphore, #tpu.memory_space<semaphore_mem>>) src(%dma_wait3A_131 : memref<10000x128xf32, #tpu.memory_space<hbm>>) dst(%arg10 : memref<128x128xf32, #tpu.memory_space<vmem>>)
    %run_scoped3A_132 = arith.constant 15 : i32
    "tpu.region"() ({
      %run_scoped3A_139 = tpu.sem_alloc : memref<!tpu.dma_semaphore, #tpu.memory_space<semaphore_mem>>
      %dma_start3A_140 = arith.constant 0 : i32
      %dma_start3A_141 = tpu.memref_slice %arg7[%run_scoped3A_132, %dma_start3A_140] : memref<16x128xi32, #tpu.memory_space<vmem>> -> memref<1x128xi32, #tpu.memory_space<vmem>>
      %dma_start3A_142 = tpu.memref_squeeze %dma_start3A_141 : memref<1x128xi32, #tpu.memory_space<vmem>> -> memref<128xi32, #tpu.memory_space<vmem>>
      %dma_start3A_143 = arith.constant 0 : i32
      %dma_start3A_144 = arith.constant 0 : i32
      %dma_start3A_145 = tpu.memref_slice %arg6[%dma_start3A_143, %dma_start3A_144] : memref<10128x128xf32, #tpu.memory_space<vmem_shared>> -> memref<10128x128xf32, #tpu.memory_space<vmem_shared>>
      tpu.enqueue_indirect_dma source(%arg10 : memref<128x128xf32, #tpu.memory_space<vmem>>) target(%dma_start3A_145 : memref<10128x128xf32, #tpu.memory_space<vmem_shared>>) offsets(%dma_start3A_142 : memref<128xi32, #tpu.memory_space<vmem>>) semaphore(%run_scoped3A_139 : memref<!tpu.dma_semaphore, #tpu.memory_space<semaphore_mem>>) {add = true}
      %dma_wait3A_146 = arith.constant 0 : i32
      %dma_wait3A_147 = tpu.memref_slice %arg7[%run_scoped3A_132, %dma_wait3A_146] : memref<16x128xi32, #tpu.memory_space<vmem>> -> memref<1x128xi32, #tpu.memory_space<vmem>>
      %dma_wait3A_148 = tpu.memref_squeeze %dma_wait3A_147 : memref<1x128xi32, #tpu.memory_space<vmem>> -> memref<128xi32, #tpu.memory_space<vmem>>
      %dma_wait3A_149 = arith.constant 0 : i32
      %dma_wait3A_150 = arith.constant 0 : i32
      %dma_wait3A_151 = tpu.memref_slice %arg6[%dma_wait3A_149, %dma_wait3A_150] : memref<10128x128xf32, #tpu.memory_space<vmem_shared>> -> memref<10128x128xf32, #tpu.memory_space<vmem_shared>>
      tpu.wait_indirect_dma semaphore(%run_scoped3A_139 : memref<!tpu.dma_semaphore, #tpu.memory_space<semaphore_mem>>) src(%arg10 : memref<128x128xf32, #tpu.memory_space<vmem>>) dst(%dma_wait3A_151 : memref<10128x128xf32, #tpu.memory_space<vmem_shared>>)
      tpu.yield
    }) : () -> ()
    %barrier3A_133 = arith.constant 0 : index
    tpu.barrier barrier_id(%barrier3A_133)
    %scan3A_134 = arith.constant 0 : i32
    %scan3A_135 = arith.constant 8 : i32
    %scan3A_136 = arith.addi %scan3A_134, %scan3A_135 : i32
    %scan3A_137 = arith.constant 1 : i32
    scf.for %scan3A_139 = %scan3A_134 to %scan3A_136 step %scan3A_137  : i32 {
      %mul3A_140 = arith.constant 1 : i32
      %mul3A_141 = arith.muli %scan3A_139, %mul3A_140 : i32
      %add3A_142 = arith.constant 0 : i32
      %add3A_143 = arith.addi %add3A_142, %mul3A_141 : i32
      %mul3A_144 = arith.constant 16 : i32
      %mul3A_145 = arith.muli %add3A_143, %mul3A_144 : i32
      %add3A_146 = arith.addi %arg1, %mul3A_145 : i32
      %lt3A = arith.constant 125 : i32
      %lt3A_147 = arith.cmpi slt, %add3A_146, %lt3A : i32
      %convert_element_type3A = arith.extui %lt3A_147 : i1 to i32
      %cond3A = arith.constant 0 : i32
      %cond3A_148 = arith.cmpi ne, %convert_element_type3A, %cond3A : i32
      scf.if %cond3A_148 {
        %mul3A_149 = arith.constant 80 : i32
        %mul3A_150 = arith.muli %add3A_146, %mul3A_149 : i32
        %multiple_of3A_151 = tpu.assume_multiple %mul3A_150, 8 : i32
        "tpu.region"() ({
          %run_scoped3A_152 = tpu.sem_alloc : memref<!tpu.dma_semaphore, #tpu.memory_space<semaphore_mem>>
          %dma_start3A_153 = arith.constant 0 : i32
          %dma_start3A_154 = tpu.memref_slice %arg6[%multiple_of3A_151, %dma_start3A_153] : memref<10128x128xf32, #tpu.memory_space<vmem_shared>> -> memref<80x128xf32, #tpu.memory_space<vmem_shared>>
          %dma_start3A_155 = arith.constant 0 : i32
          %dma_start3A_156 = tpu.memref_slice %arg6[%multiple_of3A_151, %dma_start3A_155] : memref<10128x128xf32, #tpu.memory_space<vmem_shared>> -> memref<80x128xf32, #tpu.memory_space<vmem_shared>>
          tpu.enqueue_dma source(%dma_start3A_156 : memref<80x128xf32, #tpu.memory_space<vmem_shared>>) target(%arg11 : memref<80x128xf32, #tpu.memory_space<vmem>>) target_semaphore(%run_scoped3A_152 : memref<!tpu.dma_semaphore, #tpu.memory_space<semaphore_mem>>)
          %dma_wait3A_157 = arith.constant 0 : i32
          %dma_wait3A_158 = tpu.memref_slice %arg6[%multiple_of3A_151, %dma_wait3A_157] : memref<10128x128xf32, #tpu.memory_space<vmem_shared>> -> memref<80x128xf32, #tpu.memory_space<vmem_shared>>
          %dma_wait3A_159 = arith.constant 0 : i32
          %dma_wait3A_160 = tpu.memref_slice %arg6[%multiple_of3A_151, %dma_wait3A_159] : memref<10128x128xf32, #tpu.memory_space<vmem_shared>> -> memref<80x128xf32, #tpu.memory_space<vmem_shared>>
          tpu.wait_dma2 semaphore(%run_scoped3A_152 : memref<!tpu.dma_semaphore, #tpu.memory_space<semaphore_mem>>) src(%dma_wait3A_160 : memref<80x128xf32, #tpu.memory_space<vmem_shared>>) dst(%arg11 : memref<80x128xf32, #tpu.memory_space<vmem>>)
          tpu.yield
        }) : () -> ()
        "tpu.region"() ({
          %run_scoped3A_152 = tpu.sem_alloc : memref<!tpu.dma_semaphore, #tpu.memory_space<semaphore_mem>>
          %dma_start3A_153 = arith.constant 0 : i32
          %dma_start3A_154 = tpu.memref_slice %arg5[%arg0, %multiple_of3A_151, %dma_start3A_153] : memref<2x10000x128xf32, #tpu.memory_space<hbm>> -> memref<1x80x128xf32, #tpu.memory_space<hbm>>
          %dma_start3A_155 = tpu.memref_squeeze %dma_start3A_154 : memref<1x80x128xf32, #tpu.memory_space<hbm>> -> memref<80x128xf32, #tpu.memory_space<hbm>>
          %dma_start3A_156 = arith.constant 0 : i32
          %dma_start3A_157 = tpu.memref_slice %arg5[%arg0, %multiple_of3A_151, %dma_start3A_156] : memref<2x10000x128xf32, #tpu.memory_space<hbm>> -> memref<1x80x128xf32, #tpu.memory_space<hbm>>
          %dma_start3A_158 = tpu.memref_squeeze %dma_start3A_157 : memref<1x80x128xf32, #tpu.memory_space<hbm>> -> memref<80x128xf32, #tpu.memory_space<hbm>>
          tpu.enqueue_dma source(%arg11 : memref<80x128xf32, #tpu.memory_space<vmem>>) target(%dma_start3A_158 : memref<80x128xf32, #tpu.memory_space<hbm>>) target_semaphore(%run_scoped3A_152 : memref<!tpu.dma_semaphore, #tpu.memory_space<semaphore_mem>>)
          %dma_wait3A_159 = arith.constant 0 : i32
          %dma_wait3A_160 = tpu.memref_slice %arg5[%arg0, %multiple_of3A_151, %dma_wait3A_159] : memref<2x10000x128xf32, #tpu.memory_space<hbm>> -> memref<1x80x128xf32, #tpu.memory_space<hbm>>
          %dma_wait3A_161 = tpu.memref_squeeze %dma_wait3A_160 : memref<1x80x128xf32, #tpu.memory_space<hbm>> -> memref<80x128xf32, #tpu.memory_space<hbm>>
          %dma_wait3A_162 = arith.constant 0 : i32
          %dma_wait3A_163 = tpu.memref_slice %arg5[%arg0, %multiple_of3A_151, %dma_wait3A_162] : memref<2x10000x128xf32, #tpu.memory_space<hbm>> -> memref<1x80x128xf32, #tpu.memory_space<hbm>>
          %dma_wait3A_164 = tpu.memref_squeeze %dma_wait3A_163 : memref<1x80x128xf32, #tpu.memory_space<hbm>> -> memref<80x128xf32, #tpu.memory_space<hbm>>
          tpu.wait_dma2 semaphore(%run_scoped3A_152 : memref<!tpu.dma_semaphore, #tpu.memory_space<semaphore_mem>>) src(%arg11 : memref<80x128xf32, #tpu.memory_space<vmem>>) dst(%dma_wait3A_164 : memref<80x128xf32, #tpu.memory_space<hbm>>)
          tpu.yield
        }) : () -> ()
      } else {
      }
    }
    %scan3A_138 = arith.constant 8 : i32
    return
  }
}

module attributes {stable_mosaic.version = 14 : i64} {
  func.func @_tca_body(%arg0: memref<10000x128xf32, #tpu.memory_space<vmem>>, %arg1: memref<10000xf32, #tpu.memory_space<vmem>>, %arg2: memref<10000xf32, #tpu.memory_space<vmem>>, %arg3: memref<10000x128xf32, #tpu.memory_space<vmem>>) attributes {dimension_semantics = [], scalar_prefetch = 0 : i64, scratch_operands = 0 : i64, tpu.core_type = #tpu.core_type<tc>} {
    %get3A = arith.constant 0 : index
    %get3A_0 = arith.constant 0 : index
    %get3A_1 = vector.load %arg0[%get3A, %get3A_0] : memref<10000x128xf32, #tpu.memory_space<vmem>>, vector<10000x128xf32>
    %get3A_2 = arith.constant 0 : index
    %get3A_3 = vector.load %arg1[%get3A_2] : memref<10000xf32, #tpu.memory_space<vmem>>, vector<10000xf32>
    %get3A_4 = arith.constant 0 : index
    %get3A_5 = vector.load %arg2[%get3A_4] : memref<10000xf32, #tpu.memory_space<vmem>>, vector<10000xf32>
    %add3A = arith.addf %get3A_3, %get3A_5 : vector<10000xf32>
    %rsqrt3A = math.rsqrt %add3A : vector<10000xf32>
    %broadcast_in_dim3A = vector.shape_cast %rsqrt3A : vector<10000xf32> to vector<10000x1xf32>
    %mul3A = vector.broadcast %broadcast_in_dim3A : vector<10000x1xf32> to vector<10000x128xf32>
    %mul3A_6 = arith.mulf %get3A_1, %mul3A : vector<10000x128xf32>
    %swap3A = arith.constant 0 : index
    %swap3A_7 = arith.constant 0 : index
    %swap3A_8 = vector.load %arg3[%swap3A, %swap3A_7] : memref<10000x128xf32, #tpu.memory_space<vmem>>, vector<10000x128xf32>
    tpu.vector_store %arg3[%swap3A, %swap3A_7], %mul3A_6 {strides = array<i32>} : memref<10000x128xf32, #tpu.memory_space<vmem>>, vector<10000x128xf32>,
    return
  }
}

module attributes {stable_mosaic.version = 14 : i64} {
  func.func @_tcc_body(%arg0: memref<2x10000x128xf32, #tpu.memory_space<vmem>>, %arg1: memref<10000xf32, #tpu.memory_space<vmem>>, %arg2: memref<10000xf32, #tpu.memory_space<vmem>>, %arg3: memref<128xf32, #tpu.memory_space<vmem>>, %arg4: memref<10000x128xf32, #tpu.memory_space<vmem>>) attributes {dimension_semantics = [], scalar_prefetch = 0 : i64, scratch_operands = 0 : i64, tpu.core_type = #tpu.core_type<tc>} {
    %get3A = arith.constant 0 : index
    %get3A_0 = arith.constant 0 : index
    %get3A_1 = arith.constant 0 : index
    %get3A_2 = vector.load %arg0[%get3A, %get3A_0, %get3A_1] : memref<2x10000x128xf32, #tpu.memory_space<vmem>>, vector<1x10000x128xf32>
    %get3A_3 = vector.shape_cast %get3A_2 : vector<1x10000x128xf32> to vector<10000x128xf32>
    %get3A_4 = arith.constant 1 : index
    %get3A_5 = arith.constant 0 : index
    %get3A_6 = arith.constant 0 : index
    %get3A_7 = vector.load %arg0[%get3A_4, %get3A_5, %get3A_6] : memref<2x10000x128xf32, #tpu.memory_space<vmem>>, vector<1x10000x128xf32>
    %get3A_8 = vector.shape_cast %get3A_7 : vector<1x10000x128xf32> to vector<10000x128xf32>
    %add3A = arith.addf %get3A_3, %get3A_8 : vector<10000x128xf32>
    %get3A_9 = arith.constant 0 : index
    %get3A_10 = vector.load %arg1[%get3A_9] : memref<10000xf32, #tpu.memory_space<vmem>>, vector<10000xf32>
    %get3A_11 = arith.constant 0 : index
    %get3A_12 = vector.load %arg2[%get3A_11] : memref<10000xf32, #tpu.memory_space<vmem>>, vector<10000xf32>
    %add3A_13 = arith.addf %get3A_10, %get3A_12 : vector<10000xf32>
    %rsqrt3A = math.rsqrt %add3A_13 : vector<10000xf32>
    %broadcast_in_dim3A = vector.shape_cast %rsqrt3A : vector<10000xf32> to vector<10000x1xf32>
    %mul3A = vector.broadcast %broadcast_in_dim3A : vector<10000x1xf32> to vector<10000x128xf32>
    %mul3A_14 = arith.mulf %add3A, %mul3A : vector<10000x128xf32>
    %get3A_15 = arith.constant 0 : index
    %get3A_16 = vector.load %arg3[%get3A_15] : memref<128xf32, #tpu.memory_space<vmem>>, vector<128xf32>
    %broadcast_in_dim3A_17 = vector.shape_cast %get3A_16 : vector<128xf32> to vector<1x128xf32>
    %add3A_18 = vector.broadcast %broadcast_in_dim3A_17 : vector<1x128xf32> to vector<10000x128xf32>
    %add3A_19 = arith.addf %mul3A_14, %add3A_18 : vector<10000x128xf32>
    %max3A = arith.constant 0.000000e+00 : f32
    %max3A_20 = vector.broadcast %max3A : f32 to vector<10000x128xf32>
    %max3A_21 = arith.maximumf %add3A_19, %max3A_20 : vector<10000x128xf32>
    %swap3A = arith.constant 0 : index
    %swap3A_22 = arith.constant 0 : index
    %swap3A_23 = vector.load %arg4[%swap3A, %swap3A_22] : memref<10000x128xf32, #tpu.memory_space<vmem>>, vector<10000x128xf32>
    tpu.vector_store %arg4[%swap3A, %swap3A_22], %max3A_21 {strides = array<i32>} : memref<10000x128xf32, #tpu.memory_space<vmem>>, vector<10000x128xf32>,
    return
  }
}

module attributes {stable_mosaic.version = 14 : i64} {
  func.func @_tcb_body(%arg0: memref<2x10000x128xf32, #tpu.memory_space<vmem>>, %arg1: memref<10000xf32, #tpu.memory_space<vmem>>, %arg2: memref<10000xf32, #tpu.memory_space<vmem>>, %arg3: memref<128x256xf32, #tpu.memory_space<vmem>>, %arg4: memref<256xf32, #tpu.memory_space<vmem>>, %arg5: memref<256x128xf32, #tpu.memory_space<vmem>>, %arg6: memref<10000x128xf32, #tpu.memory_space<vmem>>) attributes {dimension_semantics = [], scalar_prefetch = 0 : i64, scratch_operands = 0 : i64, tpu.core_type = #tpu.core_type<tc>} {
    %get3A = arith.constant 0 : index
    %get3A_0 = vector.load %arg1[%get3A] : memref<10000xf32, #tpu.memory_space<vmem>>, vector<10000xf32>
    %get3A_1 = arith.constant 0 : index
    %get3A_2 = vector.load %arg2[%get3A_1] : memref<10000xf32, #tpu.memory_space<vmem>>, vector<10000xf32>
    %add3A = arith.addf %get3A_0, %get3A_2 : vector<10000xf32>
    %rsqrt3A = math.rsqrt %add3A : vector<10000xf32>
    %broadcast_in_dim3A = vector.shape_cast %rsqrt3A : vector<10000xf32> to vector<10000x1xf32>
    %get3A_3 = arith.constant 0 : index
    %get3A_4 = arith.constant 0 : index
    %get3A_5 = arith.constant 0 : index
    %get3A_6 = vector.load %arg0[%get3A_3, %get3A_4, %get3A_5] : memref<2x10000x128xf32, #tpu.memory_space<vmem>>, vector<1x10000x128xf32>
    %get3A_7 = vector.shape_cast %get3A_6 : vector<1x10000x128xf32> to vector<10000x128xf32>
    %get3A_8 = arith.constant 1 : index
    %get3A_9 = arith.constant 0 : index
    %get3A_10 = arith.constant 0 : index
    %get3A_11 = vector.load %arg0[%get3A_8, %get3A_9, %get3A_10] : memref<2x10000x128xf32, #tpu.memory_space<vmem>>, vector<1x10000x128xf32>
    %get3A_12 = vector.shape_cast %get3A_11 : vector<1x10000x128xf32> to vector<10000x128xf32>
    %add3A_13 = arith.addf %get3A_7, %get3A_12 : vector<10000x128xf32>
    %mul3A = vector.broadcast %broadcast_in_dim3A : vector<10000x1xf32> to vector<10000x128xf32>
    %mul3A_14 = arith.mulf %add3A_13, %mul3A : vector<10000x128xf32>
    %get3A_15 = arith.constant 0 : index
    %get3A_16 = arith.constant 0 : index
    %get3A_17 = vector.load %arg3[%get3A_15, %get3A_16] : memref<128x256xf32, #tpu.memory_space<vmem>>, vector<128x256xf32>
    %dot_general3A = arith.constant dense<0.000000e+00> : vector<10000x256xf32>
    %dot_general3A_18 = tpu.matmul %mul3A_14, %get3A_17, %dot_general3A {dimension_numbers = #tpu.dot_dimension_numbers<[1], [0], [0], [1], [0, 0, 1, 1], [], []>, transpose_lhs_hint = false} : vector<10000x128xf32>, vector<128x256xf32>, vector<10000x256xf32> -> vector<10000x256xf32>
    %get3A_19 = arith.constant 0 : index
    %get3A_20 = vector.load %arg4[%get3A_19] : memref<256xf32, #tpu.memory_space<vmem>>, vector<256xf32>
    %broadcast_in_dim3A_21 = vector.shape_cast %get3A_20 : vector<256xf32> to vector<1x256xf32>
    %add3A_22 = vector.broadcast %broadcast_in_dim3A_21 : vector<1x256xf32> to vector<10000x256xf32>
    %add3A_23 = arith.addf %dot_general3A_18, %add3A_22 : vector<10000x256xf32>
    %max3A = arith.constant 0.000000e+00 : f32
    %max3A_24 = vector.broadcast %max3A : f32 to vector<10000x256xf32>
    %max3A_25 = arith.maximumf %add3A_23, %max3A_24 : vector<10000x256xf32>
    %get3A_26 = arith.constant 0 : index
    %get3A_27 = arith.constant 0 : index
    %get3A_28 = vector.load %arg5[%get3A_26, %get3A_27] : memref<256x128xf32, #tpu.memory_space<vmem>>, vector<256x128xf32>
    %dot_general3A_29 = arith.constant dense<0.000000e+00> : vector<10000x128xf32>
    %dot_general3A_30 = tpu.matmul %max3A_25, %get3A_28, %dot_general3A_29 {dimension_numbers = #tpu.dot_dimension_numbers<[1], [0], [0], [1], [0, 0, 1, 1], [], []>, transpose_lhs_hint = false} : vector<10000x256xf32>, vector<256x128xf32>, vector<10000x128xf32> -> vector<10000x128xf32>
    %mul3A_31 = vector.broadcast %broadcast_in_dim3A : vector<10000x1xf32> to vector<10000x128xf32>
    %mul3A_32 = arith.mulf %dot_general3A_30, %mul3A_31 : vector<10000x128xf32>
    %swap3A = arith.constant 0 : index
    %swap3A_33 = arith.constant 0 : index
    %swap3A_34 = vector.load %arg6[%swap3A, %swap3A_33] : memref<10000x128xf32, #tpu.memory_space<vmem>>, vector<10000x128xf32>
    tpu.vector_store %arg6[%swap3A, %swap3A_33], %mul3A_32 {strides = array<i32>} : memref<10000x128xf32, #tpu.memory_space<vmem>>, vector<10000x128xf32>,
    return
  }
}

</mosaic_0001>

<sc_bundles>
// kernel: kernel.11.cloned.1.call-start
scs
__scs_entry_jumppad:
0x0: {  	(pc) =	sbr.rel $0x88, $3  }
0x1: {  	(tag) =	ssettag $0x0;
	lr =	simm.s32 $0x1  }
0x2: {  	[smem:$0x3F9B] =	sst lr;
	_ =	strace $0xD0000000  }
0x3: {  	_ = 	snop  }
0x4: {  	_ = 	snop  }
0x5: {  	_ = 	snop  }
0x6: {  	_ = 	snop  }
0x7: {  	_ = 	snop  }
__scs_overlays_trampoline_lowered:
0x8: {  	[smem:$0x3FAA] =	sst s0  }
0x9: {  	[smem:$0x3FAB] =	sst s1  }
0xa: {  	[smem:$0x3FAC] =	sst s2  }
0xb: {  	[smem:$0x3FAD] =	sst s3  }
0xc: {  	[smem:$0x3FAE] =	sst s4  }
0xd: {  	[smem:$0x3FAF] =	sst s5  }
0xe: {  	[smem:$0x3FB0] =	sst s6  }
0xf: {  	[smem:$0x3FB1] =	sst s7  }
0x10: {  	[smem:$0x3FB2] =	sst s8  }
0x11: {  	[smem:$0x3FB3] =	sst s9;
	s0 =	simm.s32 @!p0 $0x0  }
0x12: {  	s1 =	sld [smem:$0x3F99];
	s0 =	simm.s32 @p0 $0x1  }
0x13: {  	[smem:$0x3FB4] =	sst s0;
	s0 =	simm.s32 @!p1 $0x0  }
0x14: {  	s2 =	sld [smem:$0x3F98];
	s0 =	simm.s32 @p1 $0x1  }
0x15: {  	[smem:$0x3FB5] =	sst s0;
	s0 =	simm.s32 @!p2 $0x0  }
0x16: {  	s3 =	sld [smem:$0x3FDB];
	s0 =	simm.s32 @p2 $0x1  }
0x17: {  	s4 =	simm.s32 $0x1BF5;
	[smem:$0x3FB7] =	sst s0  }
0x18: {  	s0 =	sld [smem:$0x3F9A];
	_ =	swait.ge [sflag:s4], $0x0  }
0x19: {  	s7 =	sld [smem:$0x3F9B]  }
0x1a: {  	s8 =	sadd.s32 $0xFFFFE003, lr  }
0x1b: {  	s9 =	sadd.s32 $0xFFFFFEF7, lr;
	s5 =	simm.s32 $0xFFFFFFFF;
	p2 =	slt.u32 s8, $0xFFFFF086  }
0x1c: {  	p1 =	slt.u32 s9, $0xF7A;
	s5 =	simm.s32 @!p2 $0x0  }
0x1d: {  	s5 =	simm.s32 @p1 $0x1;
	p0 =	seq.s32 s7, s2  }
0x1e: {  	s7 =	smul.u32 @!p0 $0xF7A, s2;
	p2 =	seq.s32 @!p0 s5, $0x0  }
0x1f: {  	s9 =	smul.u32 $0xF7A, s1;
	s8 =	simm.s32 @!p0 $0x1BF5;
	p2 =	por !p2, p0  }
0x20: {  	[sflag:s8] =	ssyncset.s32 @!p0 $0xFFFFF086;
	s6 =	sadd.s32 @!p0 s3, s7;
	s7 =	simm.s32 @!p0 $0x108  }
0x21: {  	s3 =	sadd.s32 s3, s9;
	s6 =	sadd.s32 @!p0 $0x88, s6;
	s7 =	simm.s32 @p2 $0x1082  }
0x22: {  	[simem:s7], [sflag:s8] =	dma.local @!p0 [hbm:s6], $0xF7A  }
0x23: {  	s9 =	sor.u32 $0xD0000000, s2;
	s6 =	simm.s32 $0x108;
	_ =	swait.ge @!p0 [sflag:s8], $0x0  }
0x24: {  	s3 =	sadd.s32 $0x88, s3;
	s6 =	simm.s32 @!p1 $0x1082;
	[sflag:s4] =	ssyncset.s32 $0xFFFFF086  }
0x25: {  	[simem:s6], [sflag:s4] =	dma.local [hbm:s3], $0xF7A  }
0x26: {  	[smem:$0x3F9B] =	sst s1;
	(tag) =	ssettag s2;
	_ =	strace s9  }
0x27: {  	s1 =	sld [smem:$0x3FAB]  }
0x28: {  	s2 =	sld [smem:$0x3FAC]  }
0x29: {  	s4 =	sld [smem:$0x3FAE]  }
0x2a: {  	p0 =	seq.s32 s5, $0x0;
	s5 =	sld [smem:$0x3FAF]  }
0x2b: {  	s6 =	sld [smem:$0x3FB0]  }
0x2c: {  	s7 =	sld [smem:$0x3FB1]  }
0x2d: {  	s3 =	simm.s32 $0x108;
	s8 =	sld [smem:$0x3FB2]  }
0x2e: {  	s3 =	simm.s32 @!p0 $0x1082;
	s9 =	sld [smem:$0x3FB3]  }
0x2f: {  	lr =	sadd.s32 s0, s3;
	s0 =	sld [smem:$0x3FAA]  }
0x30: {  	s3 =	sld [smem:$0x3FAD]  }
0x31: {  	[smem:$0x3FB6] =	sst s10  }
0x32: {  	s10 =	sld [smem:$0x3FB4];
	_ =	sdelay $0x3  }
0x33: {  	p0 =	seq.s32 s10, $0x1;
	s10 =	sld [smem:$0x3FB6];
	_ =	sdelay $0x3  }
0x34: {  	[smem:$0x3FB6] =	sst s10  }
0x35: {  	s10 =	sld [smem:$0x3FB5];
	_ =	sdelay $0x3  }
0x36: {  	p1 =	seq.s32 s10, $0x1;
	s10 =	sld [smem:$0x3FB6];
	_ =	sdelay $0x3  }
0x37: {  	[smem:$0x3FB6] =	sst s10  }
0x38: {  	s10 =	sld [smem:$0x3FB7]  }
0x39: {  	_ = 	snop;
	(pc) =	sbr.ind lr, $3  }
0x3a: {  	_ = 	snop  }
0x3b: {  	_ = 	snop  }
0x3c: {  	p2 =	seq.s32 s10, $0x1;
	s10 =	sld [smem:$0x3FB6]  }
0x3d: {  	_ =	shalt  }
0x3e: {  	_ =	shalt  }
0x3f: {  	_ =	shalt  }
0x40: {  	_ =	shalt  }
0x41: {  	_ =	shalt  }
0x42: {  	_ =	shalt  }
0x43: {  	_ =	shalt  }
0x44: {  	_ =	shalt  }
0x45: {  	_ =	shalt  }
0x46: {  	_ =	shalt  }
0x47: {  	_ =	shalt  }
0x48: {  	_ =	shalt  }
0x49: {  	_ =	shalt  }
0x4a: {  	_ =	shalt  }
0x4b: {  	_ =	shalt  }
0x4c: {  	_ =	shalt  }
0x4d: {  	_ =	shalt  }
0x4e: {  	_ =	shalt  }
0x4f: {  	_ =	shalt  }
0x50: {  	_ =	shalt  }
0x51: {  	_ =	shalt  }
0x52: {  	_ =	shalt  }
0x53: {  	_ =	shalt  }
0x54: {  	_ =	shalt  }
0x55: {  	_ =	shalt  }
0x56: {  	_ =	shalt  }
0x57: {  	_ =	shalt  }
0x58: {  	_ =	shalt  }
0x59: {  	_ =	shalt  }
0x5a: {  	_ =	shalt  }
0x5b: {  	_ =	shalt  }
0x5c: {  	_ =	shalt  }
0x5d: {  	_ =	shalt  }
0x5e: {  	_ =	shalt  }
0x5f: {  	_ =	shalt  }
0x60: {  	_ =	shalt  }
0x61: {  	_ =	shalt  }
0x62: {  	_ =	shalt  }
0x63: {  	_ =	shalt  }
0x64: {  	_ =	shalt  }
0x65: {  	_ =	shalt  }
0x66: {  	_ =	shalt  }
0x67: {  	_ =	shalt  }
0x68: {  	_ =	shalt  }
0x69: {  	_ =	shalt  }
0x6a: {  	_ =	shalt  }
0x6b: {  	_ =	shalt  }
0x6c: {  	_ =	shalt  }
0x6d: {  	_ =	shalt  }
0x6e: {  	_ =	shalt  }
0x6f: {  	_ =	shalt  }
0x70: {  	_ =	shalt  }
0x71: {  	_ =	shalt  }
0x72: {  	_ =	shalt  }
0x73: {  	_ =	shalt  }
0x74: {  	_ =	shalt  }
0x75: {  	_ =	shalt  }
0x76: {  	_ =	shalt  }
0x77: {  	_ =	shalt  }
0x78: {  	_ =	shalt  }
0x79: {  	_ =	shalt  }
0x7a: {  	_ =	shalt  }
0x7b: {  	_ =	shalt  }
0x7c: {  	_ =	shalt  }
0x7d: {  	_ =	shalt  }
0x7e: {  	_ =	shalt  }
0x7f: {  	_ =	shalt  }
0x80: {  	_ =	shalt  }
0x81: {  	_ =	shalt  }
0x82: {  	_ =	shalt  }
0x83: {  	_ =	shalt  }
0x84: {  	_ =	shalt  }
0x85: {  	_ =	shalt  }
0x86: {  	_ =	shalt  }
0x87: {  	_ =	shalt  }
.Lfunc_end0:
.L_simem_size_0:
called_computation.1_lowered:
.L_overlay_start_0:
0x88: {  	s2 =	sld [smem:$0x3FD9]  }
0x89: {  	s3 =	sld [smem:$0x3FFE];
	_ =	sdelay $0x1  }
0x8a: {  	s1 =	srdreg.scid  }
0x8b: {  	s0 =	sand.u32 $0x1, s1  }
0x8c: {  	s17 =	sshll.u32 s0, $0xA;
	s2 =	sadd.s32 s3, s2  }
0x8d: {  	s2 =	sadd.s32 s2, s17  }
0x8e: {  	[smem:$0x3FC2] =	sst s2  }
0x8f: {  	_ = 	snop  }
0x90: {  	s2 =	sld [smem:$0x3FD0];
	(tm) =	ssettm $0x1  }
0x91: {  	s18 =	sld [smem:$0x3FFB];
	_ =	sdelay $0x3  }
0x92: {  	_ =	strace s18  }
0x93: {  	s3 =	sld [smem:$0x3FFC];
	_ =	sdelay $0x3  }
0x94: {  	_ =	strace s3  }
0x95: {  	s3 =	sld [smem:$0x3FFD];
	_ =	sdelay $0x3  }
0x96: {  	_ =	strace s3  }
0x97: {  	_ =	strace $0x8FFFFFFF  }
0x98: {  	s19 =	sld [smem:$0x3FDB];
	_ =	sdelay $0x1  }
0x99: {  	s4 =	simm.s32 $_scs_section_size  }
0x9a: {  	s5 =	simm.s32 $_size__tile_overlayer_lowered;
	s6 =	simm.s32 $_tile_overlayer_lowered  }
0x9b: {  	s22 =	simm.s32 $0x1BFF;
	s21 =	sshll.u32 s6, $0x1;
	s3 =	sadd.s32 s4, s19  }
0x9c: {  	s7 =	simm.s32 $0x0;
	s20 =	sshll.u32 s5, $0x1;
	s5 =	sadd.s32 s21, s3  }
0x9d: {  	[timem:s7], [sflag:s22] =	dma.local [hbm:s5], s20  }
0x9e: {  	_ =	swait.ge [sflag:s22], s20  }
0x9f: {  	s4 =	ssub.s32 $0x0, s20;
	[sflag:s22] =	ssyncset.done $0x0  }
0xa0: {  	[sflag:s22] =	ssyncadd.s32 s4;
	_ =	sdelay $0x1  }
0xa1: {  	s23 =	simm.s32 $0x1B8B  }
0xa2: {  	_ =	swait.ge [sflag:s23], $0x1  }
0xa3: {  	[sflag:s23] =	ssyncset.done $0x0  }
0xa4: {  	s25 =	simm.s32 $0x1B8E;
	s24 =	sld [smem:$0x3FFE];
	[sflag:s23] =	ssyncadd.s32 $0xFFFFFFFF  }
0xa5: {  	s26 =	simm.s32 $execute0_lowered;
	[smem:$0x3FD2] =	sst s25  }
0xa6: {  	s5 =	sshll.u32 s26, $0x1;
	_ =	strace $0x80000049;
	[dreg:$0x1] =	wrdreg $0xFFFFFFFF  }
0xa7: {  	s28 =	simm.s32 $_size_execute0_lowered;
	s3 =	sadd.s32 s3, s5;
	[dreg:$0x0] =	wrdreg $0x0  }
0xa8: {  	s5 =	sshll.u32 s28, $0x1;
	[dreg:$0x2] =	wrdreg s3  }
0xa9: {  	[dreg:$0x3] =	wrdreg s5  }
0xaa: {  	[dreg:$0x4] =	wrdreg $0xC0  }
0xab: {  	_ =	task [dreg:s7], $0x5FFFF  }
0xac: {  	[dreg:$0x1] =	wrdreg $0xFFFFFFFF  }
0xad: {  	[dreg:$0x0] =	wrdreg $0x60  }
0xae: {  	[dreg:$0x2] =	wrdreg s2  }
0xaf: {  	[dreg:$0x3] =	wrdreg s24  }
0xb0: {  	[dreg:$0x4] =	wrdreg $0x0  }
0xb1: {  	[dreg:$0x5] =	wrdreg $0x9  }
0xb2: {  	_ =	task.clear_ibuf [dreg:s7], $0x6FFFF;
	_ =	strace $0x90000049  }
0xb3: {  	s29 =	simm.s32 $0x9;
	_ =	strace $0x8000004B  }
0xb4: {  	_ =	swait.ge [sflag:s29], $0x1  }
0xb5: {  	[sflag:s29] =	ssyncadd.s32 $0xFFFFFFFF  }
0xb6: {  	_ =	strace $0x9000004B  }
0xb7: {  	_ =	sfence  }
0xb8: {  	s30 =	sld [smem:$0x0];
	_ =	sdelay $0x2  }
0xb9: {  	s31 =	sshll.u32 s1, $0xD;
	s1 =	sshrl.u32 s1, $0x2  }
0xba: {  	s3 =	sand.u32 $0x4000, s31;
	s1 =	sadd.s32 s1, s30  }
0xbb: {  	s0 =	sor.u32 s3, s0;
	s1 =	sshll.u32 s1, $0x11  }
0xbc: {  	s0 =	sor.u32 s1, s0  }
0xbd: {  	s0 =	sadd.s32 $0x8F2B, s0  }
0xbe: {  	[sflag:s0] =	ssyncadd.remote.s32 $0x1  }
0xbf: {  	_ =	sfence.sel $0xFFFF  }
0xc0: {  	[dreg:$0x0] =	wrdreg $0xFFFFFFFF;
	(pc) =	sbr.abs _section_cstart, $3  }
0xc1: {  	[dreg:$0x1] =	wrdreg $0xFFFFFFFF  }
0xc2: {  	_ =	task.clear_ibuf [dreg:s7], $0x2FFFF;
	_ =	strace $0x9FFFFFFF  }
0xc3: {  	(tm) =	ssettm $0x7FFFFFFF  }
tec
execute0_lowered:
.L_overlay_start_1:
0x0: {  	(tag) =	ssettag $0x1  }
0x1: {  	s24 =	stileid.u32  }
0x2: {  	s9 =	smul.u32 $0x2800, s24  }
0x3: {  	s0 =	srdreg.scid;
	s25 =	smul.u32 $0xB00, s24  }
0x4: {  	s2 =	sand.u32 $0x1, s0;
	s26 =	smul.u32 $0xA000, s24  }
0x5: {  	s8 =	sor.u32 $0x10, s24;
	s7 =	smul.u32 $0x138800, s2  }
0x6: {  	s11 =	sor.u32 $0x20, s24;
	s12 =	smul.u32 $0x2800, s8  }
0x7: {  	s1 =	rddreg [dreg:$0x0];
	s13 =	sor.u32 $0x30, s24;
	s14 =	smul.u32 $0x2800, s11  }
0x8: {  	s5 =	rddreg [dreg:$0x1];
	s16 =	sor.u32 $0x40, s24;
	s17 =	smul.u32 $0x2800, s13  }
0x9: {  	s3 =	rddreg [dreg:$0x2];
	s18 =	sor.u32 $0x50, s24;
	s19 =	smul.u32 $0x2800, s16  }
0xa: {  	s4 =	simm.s32 $0x0;
	s20 =	sor.u32 $0x60, s24;
	s21 =	smul.u32 $0x2800, s18  }
0xb: {  	s28 =	simm.s32 $0x14480;
	s29 =	simm.s32 $0x80;
	s22 =	smul.u32 $0x2800, s20  }
0xc: {  	s0 =	sshll.u32 s2, $0x4;
	s23 =	ssub.s32 $0x2, s2;
	s2 =	smul.u32 $0xB000, s2  }
0xd: {  	s30 =	simm.s32 $0x14C80;
	s31 =	simm.s32 $0x13D00;
	s8 =	smul.u32 $0xA000, s8  }
0xe: {  	[smem:$0x7FF] =	sst s4;
	s10 =	sadd.s32 $0x3600, s5;
	s13 =	smul.u32 $0xA000, s13  }
0xf: {  	s18 =	smul.u32 $0xA000, s18;
	s0 =	sor.u32 s24, s0;
	s15 =	sshrl.u32 s23, $0x1  }
0x10: {  	_ =	strace $0x8000004A;
	s6 =	smul.u32 $0xB00, s0;
	s15 =	ssub.s32 s23, s15  }
0x11: {  	s0 =	sor.u32 $0x70, s24;
	s9 =	sadd.s32 s7, s9;
	s12 =	sadd.s32 s7, s12  }
0x12: {  	s14 =	sadd.s32 s7, s14;
	s17 =	sadd.s32 s7, s17;
	s19 =	sadd.s32 s7, s19  }
0x13: {  	s21 =	sadd.s32 s7, s21;
	s22 =	sadd.s32 s7, s22;
	s2 =	sadd.s32 s2, s10  }
0x14: {  	s24 =	sadd.s32 $0x2600, s5;
	s5 =	sadd.s32 $0x19600, s5;
	s8 =	sshrl.u32 s8, $0x2  }
0x15: {  	s23 =	smul.u32 $0x2800, s0;
	[dreg:$0x15] =	wrdreg s24;
	s8 =	sadd.s32 s8, s3  }
0x16: {  	s2 =	sadd.s32 s25, s2;
	s25 =	smul.u32 $0xA000, s11;
	[dreg:$0x18] =	wrdreg s8  }
0x17: {  	s11 =	simm.s32 $0x14900;
	p0 =	sgt.u32 s0, $0x7C;
	[dreg:$0x4] =	wrdreg s2  }
0x18: {  	s6 =	sadd.s32 s10, s6;
	[dreg:$0x8] =	wrdreg s11;
	s2 =	simm.s32 $0x18C80  }
0x19: {  	s11 =	simm.s32 $0x14400;
	s7 =	sadd.s32 s7, s23;
	[dreg:$0x14] =	wrdreg s6  }
0x1a: {  	s6 =	sshrl.u32 s26, $0x2;
	s26 =	smax.u32 s15, $0x1;
	s15 =	smul.u32 $0xA000, s16  }
0x1b: {  	s10 =	sshrl.u32 s25, $0x2;
	s25 =	smul.u32 $0xA000, s20;
	s20 =	sshrl.u32 s17, $0x3  }
0x1c: {  	s17 =	simm.s32 $0x14700;
	[dreg:$0x16] =	wrdreg s26;
	s23 =	sadd.s32 s6, s3  }
0x1d: {  	s16 =	sadd.s32 s10, s3;
	s6 =	sshrl.u32 s13, $0x2;
	[dreg:$0xd] =	wrdreg s17  }
0x1e: {  	s13 =	sshrl.u32 s9, $0x3;
	s9 =	simm.s32 $0x14580;
	[dreg:$0x19] =	wrdreg s16  }
0x1f: {  	s10 =	sshrl.u32 s18, $0x2;
	s7 =	sshrl.u32 s7, $0x3;
	[dreg:$0x7] =	wrdreg s9  }
0x20: {  	s17 =	simm.s32 $0x13E80;
	s6 =	sadd.s32 s6, s3;
	[dreg:$0x17] =	wrdreg s23  }
0x21: {  	s24 =	sshrl.u32 s15, $0x2;
	s8 =	sadd.s32 s5, s13;
	[dreg:$0x1a] =	wrdreg s6  }
0x22: {  	s15 =	sshrl.u32 s12, $0x3;
	s12 =	simm.s32 $0x14600;
	[dreg:$0x1d] =	wrdreg s8  }
0x23: {  	s16 =	sshrl.u32 s14, $0x3;
	s14 =	simm.s32 $0x14980;
	[dreg:$0x9] =	wrdreg s12  }
0x24: {  	s13 =	sshrl.u32 s22, $0x3;
	s26 =	sadd.s32 s24, s3;
	[dreg:$0xa] =	wrdreg s14  }
0x25: {  	s9 =	simm.s32 $0x14000;
	s6 =	sadd.s32 s10, s3;
	[dreg:$0x1b] =	wrdreg s26  }
0x26: {  	s8 =	sadd.s32 s5, s15;
	s18 =	sadd.s32 s5, s16;
	[dreg:$0x1c] =	wrdreg s6  }
0x27: {  	s24 =	simm.s32 $0x14500;
	s10 =	sshrl.u32 s21, $0x3;
	[dreg:$0x1e] =	wrdreg s8  }
0x28: {  	s15 =	simm.s32 $0x14680;
	s16 =	simm.s32 $0x14A00;
	[dreg:$0x1f] =	wrdreg s18  }
0x29: {  	s21 =	simm.s32 $0x14B00;
	s14 =	simm.s32 $0x14100;
	[dreg:$0x5] =	wrdreg s24  }
0x2a: {  	s12 =	simm.s32 $0x3;
	s6 =	sshrl.u32 s25, $0x2;
	[dreg:$0xb] =	wrdreg s15  }
0x2b: {  	s8 =	sadd.s32 s5, s20;
	s25 =	sshrl.u32 s19, $0x3;
	[dreg:$0xc] =	wrdreg s16  }
0x2c: {  	s26 =	simm.s32 $0x14880;
	s18 =	smul.u32 $0xA000, s0;
	[dreg:$0x10] =	wrdreg s21  }
0x2d: {  	s19 =	simm.s32 $0x14A80;
	s20 =	simm.s32 $0x14780;
	[smem:$0x7F6] =	sst s8  }
0x2e: {  	s24 =	simm.s32 $0x14800;
	s0 =	simm.s32 $0x1;
	[dreg:$0x6] =	wrdreg s26  }
0x2f: {  	s15 =	simm.s32 $0x13E00;
	s16 =	simm.s32 $0x14180;
	[dreg:$0xe] =	wrdreg s19  }
0x30: {  	s21 =	simm.s32 $0x13F80;
	s8 =	sadd.s32 s5, s25;
	[dreg:$0xf] =	wrdreg s20  }
0x31: {  	s22 =	sadd.s32 s6, s3;
	[dreg:$0x11] =	wrdreg s24;
	s25 =	simm.s32 $0x14B80  }
0x32: {  	s24 =	simm.s32 $0x1CC80;
	s26 =	simm.s32 $0x14C00;
	[smem:$0x7F7] =	sst s8  }
0x33: {  	s6 =	simm.s32 $0x13D80;
	s19 =	simm.s32 $0x13F00;
	[dreg:$0x12] =	wrdreg s25  }
0x34: {  	s20 =	simm.s32 $0x14280;
	s8 =	sadd.s32 s5, s10;
	[dreg:$0x13] =	wrdreg s26  }
0x35: {  	s25 =	simm.s32 $0x4;
	s26 =	simm.s32 $0x13C80;
	[smem:$0x7FD] =	sst s22  }
0x36: {  	s10 =	simm.s32 $0x14380;
	[smem:$0x7F8] =	sst s8;
	s8 =	sadd.s32 s5, s13  }
0x37: {  	s5 =	sadd.s32 s5, s7;
	s7 =	simm.s32 $0x2;
	[smem:$0x7F9] =	sst s8  }
0x38: {  	s13 =	simm.s32 $0x0;
	[smem:$0x7FA] =	sst s5;
	s5 =	sshrl.u32 s18, $0x2  }
0x39: {  	s18 =	simm.s32 $0x14200;
	[smem:$0x7FC] =	sst s13;
	s5 =	sadd.s32 s5, s3  }
0x3a: {  	s8 =	simm.s32 $0x14300;
	[smem:$0x7FB] =	sst s5;
	s5 =	simm.s32 $0x14080  }
.LBB2_1:
0x3b: {  	s13 =	rddreg [dreg:$0x15]  }
0x3c: {  	[tilespmem:s24], [sflag:$0x4] =	stream.linear.gather [hbm4b:s13+s4], $0x2800, $0x38;
	[tilespmem:$0x1F480] =	vst v63  }
0x3d: {  	_ =	swait.ge [sflag:s25], $0x2800  }
0x3e: {  	[sflag:s25] =	ssyncset.done $0x0  }
0x3f: {  	[sflag:s25] =	ssyncadd.s32 $0xFFFFD800  }
0x40: {  	[spmem:s23] =	stream.linear.scatter [tilespmem:s24], [sflag:$0x4], $0x2800, $0x38;
	[tilespmem:$0x1F480] =	vst v63  }
0x41: {  	_ =	swait.ge [sflag:s25], $0x2800  }
0x42: {  	[sflag:s25] =	ssyncset.done $0x0  }
0x43: {  	s23 =	rddreg [dreg:$0x18];
	[sflag:s25] =	ssyncadd.s32 $0xFFFFD800  }
0x44: {  	[spmem:s23] =	stream.linear.scatter [tilespmem:s24], [sflag:$0x4], $0x2800, $0x38;
	[tilespmem:$0x1F480] =	vst v63  }
0x45: {  	_ =	swait.ge [sflag:s25], $0x2800  }
0x46: {  	[sflag:s25] =	ssyncset.done $0x0  }
0x47: {  	s23 =	rddreg [dreg:$0x19];
	[sflag:s25] =	ssyncadd.s32 $0xFFFFD800  }
0x48: {  	[spmem:s23] =	stream.linear.scatter [tilespmem:s24], [sflag:$0x4], $0x2800, $0x38;
	[tilespmem:$0x1F480] =	vst v63  }
0x49: {  	_ =	swait.ge [sflag:s25], $0x2800  }
0x4a: {  	[sflag:s25] =	ssyncset.done $0x0  }
0x4b: {  	s23 =	rddreg [dreg:$0x1a];
	[sflag:s25] =	ssyncadd.s32 $0xFFFFD800  }
0x4c: {  	[spmem:s23] =	stream.linear.scatter [tilespmem:s24], [sflag:$0x4], $0x2800, $0x38;
	[tilespmem:$0x1F480] =	vst v63  }
0x4d: {  	_ =	swait.ge [sflag:s25], $0x2800  }
0x4e: {  	[sflag:s25] =	ssyncset.done $0x0  }
0x4f: {  	s23 =	rddreg [dreg:$0x1b];
	[sflag:s25] =	ssyncadd.s32 $0xFFFFD800  }
0x50: {  	[spmem:s23] =	stream.linear.scatter [tilespmem:s24], [sflag:$0x4], $0x2800, $0x38;
	[tilespmem:$0x1F480] =	vst v63  }
0x51: {  	_ =	swait.ge [sflag:s25], $0x2800  }
0x52: {  	[sflag:s25] =	ssyncset.done $0x0  }
0x53: {  	s23 =	rddreg [dreg:$0x1c];
	[sflag:s25] =	ssyncadd.s32 $0xFFFFD800  }
0x54: {  	[spmem:s23] =	stream.linear.scatter [tilespmem:s24], [sflag:$0x4], $0x2800, $0x38;
	[tilespmem:$0x1F480] =	vst v63  }
0x55: {  	_ =	swait.ge [sflag:s25], $0x2800  }
0x56: {  	[sflag:s25] =	ssyncset.done $0x0  }
0x57: {  	[sflag:s25] =	ssyncadd.s32 $0xFFFFD800  }
0x58: {  	[spmem:s22] =	stream.linear.scatter [tilespmem:s24], [sflag:$0x4], $0x2800, $0x38;
	[tilespmem:$0x1F480] =	vst v63  }
0x59: {  	_ =	swait.ge [sflag:s25], $0x2800  }
0x5a: {  	s22 =	sld [smem:$0x7FB]  }
0x5b: {  	[sflag:s25] =	ssyncset.done $0x0  }
0x5c: {  	s13 =	simm.s32 @!p0 $0x1CC80;
	[sflag:s25] =	ssyncadd.s32 $0xFFFFD800  }
0x5d: {  	[spmem:s22] =	stream.linear.scatter @!p0 [tilespmem:s13], [sflag:$0x4], $0x2800, $0x38;
	[tilespmem:$0x1F480] =	vst v63  }
0x5e: {  	s13 =	simm.s32 @!p0 $0x4  }
0x5f: {  	_ =	swait.ge @!p0 [sflag:s13], $0x2800  }
0x60: {  	[sflag:s13] =	ssyncset.done @!p0 $0x0  }
0x61: {  	[sflag:s13] =	ssyncadd.s32 @!p0 $0xFFFFD800  }
0x62: {  	[bflag:$0x0] =	sbarrier.arrive $0xFFFF  }
0x63: {  	s22 =	rddreg [dreg:$0x14]  }
0x64: {  	[tilespmem:s26], [sflag:$0x4] =	stream.linear.gather [hbm4b:s22+s4], $0x800, $0x38;
	[tilespmem:$0x1F480] =	vst v63  }
0x65: {  	_ =	swait.ge [sflag:s25], $0x800  }
0x66: {  	s23 =	rddreg [dreg:$0x4]  }
0x67: {  	[sflag:s25] =	ssyncset.done $0x0;
	s13 =	sadd.s32 $0xFFFFF600, s23  }
0x68: {  	[sflag:s25] =	ssyncadd.s32 $0xFFFFF800;
	s24 =	sadd.s32 $0xB00, s13  }
0x69: {  	[tilespmem:s28], [sflag:$0x3] =	stream.linear.gather [hbm4b:s24+s4], $0x800, $0x38;
	[tilespmem:$0x1F480] =	vst v63  }
0x6a: {  	_ = 	snop  }
0x6b: {  	[tilespmem:s30], [sflag:$0x1] =	stream.indirect.gather [hbm4b:s1+s29], $0x80, s26, s29, $0xb8;
	[tilespmem:$0x1F480] =	vst v63  }
0x6c: {  	_ = 	snop  }
0x6d: {  	[tilespmem:s2], [sflag:$0x2] =	stream.indirect.gather [hbm4b:s1+s29], $0x80, s31, s29, $0xb8;
	[tilespmem:$0x1F480] =	vst v63  }
0x6e: {  	_ =	swait.ge [sflag:s0], $0x4000  }
0x6f: {  	[sflag:s0] =	ssyncset.done $0x0  }
0x70: {  	[sflag:s0] =	ssyncadd.s32 $0xFFFFC000  }
0x71: {  	[spmem:s3] =	stream.indirect.scatter.add.f32 [tilespmem:s30], [sflag:$0x4], $0x80, s5, s29, $0xb8;
	[tilespmem:$0x1F480] =	vst v63  }
0x72: {  	_ =	swait.ge [sflag:s25], $0x4000  }
0x73: {  	[sflag:s25] =	ssyncset.done $0x0  }
0x74: {  	[sflag:s25] =	ssyncadd.s32 $0xFFFFC000  }
0x75: {  	[tilespmem:s30], [sflag:$0x1] =	stream.indirect.gather [hbm4b:s1+s29], $0x80, s6, s29, $0xb8;
	[tilespmem:$0x1F480] =	vst v63  }
0x76: {  	_ =	swait.ge [sflag:s7], $0x4000  }
0x77: {  	[sflag:s7] =	ssyncset.done $0x0  }
0x78: {  	[sflag:s7] =	ssyncadd.s32 $0xFFFFC000  }
0x79: {  	[spmem:s3] =	stream.indirect.scatter.add.f32 [tilespmem:s2], [sflag:$0x4], $0x80, s14, s29, $0xb8;
	[tilespmem:$0x1F480] =	vst v63  }
0x7a: {  	_ =	swait.ge [sflag:s25], $0x4000  }
0x7b: {  	[sflag:s25] =	ssyncset.done $0x0  }
0x7c: {  	[sflag:s25] =	ssyncadd.s32 $0xFFFFC000  }
0x7d: {  	[tilespmem:s2], [sflag:$0x2] =	stream.indirect.gather [hbm4b:s1+s29], $0x80, s15, s29, $0xb8;
	[tilespmem:$0x1F480] =	vst v63  }
0x7e: {  	_ =	swait.ge [sflag:s0], $0x4000  }
0x7f: {  	[sflag:s0] =	ssyncset.done $0x0  }
0x80: {  	[sflag:s0] =	ssyncadd.s32 $0xFFFFC000  }
0x81: {  	[spmem:s3] =	stream.indirect.scatter.add.f32 [tilespmem:s30], [sflag:$0x4], $0x80, s16, s29, $0xb8;
	[tilespmem:$0x1F480] =	vst v63  }
0x82: {  	_ =	swait.ge [sflag:s25], $0x4000  }
0x83: {  	[sflag:s25] =	ssyncset.done $0x0  }
0x84: {  	[sflag:s25] =	ssyncadd.s32 $0xFFFFC000  }
0x85: {  	[tilespmem:s30], [sflag:$0x1] =	stream.indirect.gather [hbm4b:s1+s29], $0x80, s17, s29, $0xb8;
	[tilespmem:$0x1F480] =	vst v63  }
0x86: {  	_ =	swait.ge [sflag:s7], $0x4000  }
0x87: {  	[sflag:s7] =	ssyncset.done $0x0  }
0x88: {  	[sflag:s7] =	ssyncadd.s32 $0xFFFFC000  }
0x89: {  	[spmem:s3] =	stream.indirect.scatter.add.f32 [tilespmem:s2], [sflag:$0x4], $0x80, s18, s29, $0xb8;
	[tilespmem:$0x1F480] =	vst v63  }
0x8a: {  	_ =	swait.ge [sflag:s25], $0x4000  }
0x8b: {  	[sflag:s25] =	ssyncset.done $0x0  }
0x8c: {  	[sflag:s25] =	ssyncadd.s32 $0xFFFFC000  }
0x8d: {  	[tilespmem:s2], [sflag:$0x2] =	stream.indirect.gather [hbm4b:s1+s29], $0x80, s19, s29, $0xb8;
	[tilespmem:$0x1F480] =	vst v63  }
0x8e: {  	_ =	swait.ge [sflag:s0], $0x4000  }
0x8f: {  	[sflag:s0] =	ssyncset.done $0x0  }
0x90: {  	[sflag:s0] =	ssyncadd.s32 $0xFFFFC000  }
0x91: {  	[spmem:s3] =	stream.indirect.scatter.add.f32 [tilespmem:s30], [sflag:$0x4], $0x80, s20, s29, $0xb8;
	[tilespmem:$0x1F480] =	vst v63  }
0x92: {  	_ =	swait.ge [sflag:s25], $0x4000  }
0x93: {  	[sflag:s25] =	ssyncset.done $0x0  }
0x94: {  	[sflag:s25] =	ssyncadd.s32 $0xFFFFC000  }
0x95: {  	[tilespmem:s30], [sflag:$0x1] =	stream.indirect.gather [hbm4b:s1+s29], $0x80, s21, s29, $0xb8;
	[tilespmem:$0x1F480] =	vst v63  }
0x96: {  	_ =	swait.ge [sflag:s7], $0x4000  }
0x97: {  	[sflag:s7] =	ssyncset.done $0x0  }
0x98: {  	[sflag:s7] =	ssyncadd.s32 $0xFFFFC000  }
0x99: {  	[spmem:s3] =	stream.indirect.scatter.add.f32 [tilespmem:s2], [sflag:$0x4], $0x80, s8, s29, $0xb8;
	[tilespmem:$0x1F480] =	vst v63  }
0x9a: {  	_ =	swait.ge [sflag:s25], $0x4000  }
0x9b: {  	[sflag:s25] =	ssyncset.done $0x0  }
0x9c: {  	[sflag:s25] =	ssyncadd.s32 $0xFFFFC000  }
0x9d: {  	[tilespmem:s2], [sflag:$0x2] =	stream.indirect.gather [hbm4b:s1+s29], $0x80, s9, s29, $0xb8;
	[tilespmem:$0x1F480] =	vst v63  }
0x9e: {  	_ =	swait.ge [sflag:s0], $0x4000  }
0x9f: {  	[sflag:s0] =	ssyncset.done $0x0  }
0xa0: {  	[sflag:s0] =	ssyncadd.s32 $0xFFFFC000  }
0xa1: {  	[spmem:s3] =	stream.indirect.scatter.add.f32 [tilespmem:s30], [sflag:$0x4], $0x80, s10, s29, $0xb8;
	[tilespmem:$0x1F480] =	vst v63  }
0xa2: {  	_ =	swait.ge [sflag:s25], $0x4000  }
0xa3: {  	[sflag:s25] =	ssyncset.done $0x0  }
0xa4: {  	[sflag:s25] =	ssyncadd.s32 $0xFFFFC000  }
0xa5: {  	_ =	swait.ge [sflag:s7], $0x4000  }
0xa6: {  	[sflag:s7] =	ssyncset.done $0x0  }
0xa7: {  	[sflag:s7] =	ssyncadd.s32 $0xFFFFC000  }
0xa8: {  	[spmem:s3] =	stream.indirect.scatter.add.f32 [tilespmem:s2], [sflag:$0x4], $0x80, s11, s29, $0xb8;
	[tilespmem:$0x1F480] =	vst v63  }
0xa9: {  	_ =	swait.ge [sflag:s25], $0x4000  }
0xaa: {  	[sflag:s25] =	ssyncset.done $0x0  }
0xab: {  	[sflag:s25] =	ssyncadd.s32 $0xFFFFC000  }
0xac: {  	_ =	swait.ge [sflag:s12], $0x800  }
0xad: {  	[sflag:s12] =	ssyncset.done $0x0  }
0xae: {  	s13 =	sadd.s32 $0xC00, s13;
	[sflag:s12] =	ssyncadd.s32 $0xFFFFF800  }
0xaf: {  	[tilespmem:s26], [sflag:$0x3] =	stream.linear.gather [hbm4b:s13+s4], $0x800, $0x38;
	[tilespmem:$0x1F480] =	vst v63  }
0xb0: {  	_ = 	snop  }
0xb1: {  	[tilespmem:s30], [sflag:$0x1] =	stream.indirect.gather [hbm4b:s1+s29], $0x80, s28, s29, $0xb8;
	[tilespmem:$0x1F480] =	vst v63  }
0xb2: {  	s22 =	rddreg [dreg:$0x5]  }
0xb3: {  	[tilespmem:s2], [sflag:$0x2] =	stream.indirect.gather [hbm4b:s1+s29], $0x80, s22, s29, $0xb8;
	[tilespmem:$0x1F480] =	vst v63  }
0xb4: {  	_ =	swait.ge [sflag:s0], $0x4000  }
0xb5: {  	[sflag:s0] =	ssyncset.done $0x0  }
0xb6: {  	s23 =	rddreg [dreg:$0x6];
	[sflag:s0] =	ssyncadd.s32 $0xFFFFC000  }
0xb7: {  	[spmem:s3] =	stream.indirect.scatter.add.f32 [tilespmem:s30], [sflag:$0x4], $0x80, s23, s29, $0xb8;
	[tilespmem:$0x1F480] =	vst v63  }
0xb8: {  	_ =	swait.ge [sflag:s25], $0x4000  }
0xb9: {  	[sflag:s25] =	ssyncset.done $0x0  }
0xba: {  	s24 =	rddreg [dreg:$0x7];
	[sflag:s25] =	ssyncadd.s32 $0xFFFFC000  }
0xbb: {  	[tilespmem:s30], [sflag:$0x1] =	stream.indirect.gather [hbm4b:s1+s29], $0x80, s24, s29, $0xb8;
	[tilespmem:$0x1F480] =	vst v63  }
0xbc: {  	_ =	swait.ge [sflag:s7], $0x4000  }
0xbd: {  	[sflag:s7] =	ssyncset.done $0x0  }
0xbe: {  	s22 =	rddreg [dreg:$0x8];
	[sflag:s7] =	ssyncadd.s32 $0xFFFFC000  }
0xbf: {  	[spmem:s3] =	stream.indirect.scatter.add.f32 [tilespmem:s2], [sflag:$0x4], $0x80, s22, s29, $0xb8;
	[tilespmem:$0x1F480] =	vst v63  }
0xc0: {  	_ =	swait.ge [sflag:s25], $0x4000  }
0xc1: {  	[sflag:s25] =	ssyncset.done $0x0  }
0xc2: {  	s23 =	rddreg [dreg:$0x9];
	[sflag:s25] =	ssyncadd.s32 $0xFFFFC000  }
0xc3: {  	[tilespmem:s2], [sflag:$0x2] =	stream.indirect.gather [hbm4b:s1+s29], $0x80, s23, s29, $0xb8;
	[tilespmem:$0x1F480] =	vst v63  }
0xc4: {  	_ =	swait.ge [sflag:s0], $0x4000  }
0xc5: {  	[sflag:s0] =	ssyncset.done $0x0  }
0xc6: {  	s24 =	rddreg [dreg:$0xa];
	[sflag:s0] =	ssyncadd.s32 $0xFFFFC000  }
0xc7: {  	[spmem:s3] =	stream.indirect.scatter.add.f32 [tilespmem:s30], [sflag:$0x4], $0x80, s24, s29, $0xb8;
	[tilespmem:$0x1F480] =	vst v63  }
0xc8: {  	_ =	swait.ge [sflag:s25], $0x4000  }
0xc9: {  	[sflag:s25] =	ssyncset.done $0x0  }
0xca: {  	s22 =	rddreg [dreg:$0xb];
	[sflag:s25] =	ssyncadd.s32 $0xFFFFC000  }
0xcb: {  	[tilespmem:s30], [sflag:$0x1] =	stream.indirect.gather [hbm4b:s1+s29], $0x80, s22, s29, $0xb8;
	[tilespmem:$0x1F480] =	vst v63  }
0xcc: {  	_ =	swait.ge [sflag:s7], $0x4000  }
0xcd: {  	[sflag:s7] =	ssyncset.done $0x0  }
0xce: {  	s23 =	rddreg [dreg:$0xc];
	[sflag:s7] =	ssyncadd.s32 $0xFFFFC000  }
0xcf: {  	[spmem:s3] =	stream.indirect.scatter.add.f32 [tilespmem:s2], [sflag:$0x4], $0x80, s23, s29, $0xb8;
	[tilespmem:$0x1F480] =	vst v63  }
0xd0: {  	_ =	swait.ge [sflag:s25], $0x4000  }
0xd1: {  	[sflag:s25] =	ssyncset.done $0x0  }
0xd2: {  	s24 =	rddreg [dreg:$0xd];
	[sflag:s25] =	ssyncadd.s32 $0xFFFFC000  }
0xd3: {  	[tilespmem:s2], [sflag:$0x2] =	stream.indirect.gather [hbm4b:s1+s29], $0x80, s24, s29, $0xb8;
	[tilespmem:$0x1F480] =	vst v63  }
0xd4: {  	_ =	swait.ge [sflag:s0], $0x4000  }
0xd5: {  	[sflag:s0] =	ssyncset.done $0x0  }
0xd6: {  	s22 =	rddreg [dreg:$0xe];
	[sflag:s0] =	ssyncadd.s32 $0xFFFFC000  }
0xd7: {  	[spmem:s3] =	stream.indirect.scatter.add.f32 [tilespmem:s30], [sflag:$0x4], $0x80, s22, s29, $0xb8;
	[tilespmem:$0x1F480] =	vst v63  }
0xd8: {  	_ =	swait.ge [sflag:s25], $0x4000  }
0xd9: {  	[sflag:s25] =	ssyncset.done $0x0  }
0xda: {  	s23 =	rddreg [dreg:$0xf];
	[sflag:s25] =	ssyncadd.s32 $0xFFFFC000  }
0xdb: {  	[tilespmem:s30], [sflag:$0x1] =	stream.indirect.gather [hbm4b:s1+s29], $0x80, s23, s29, $0xb8;
	[tilespmem:$0x1F480] =	vst v63  }
0xdc: {  	_ =	swait.ge [sflag:s7], $0x4000  }
0xdd: {  	[sflag:s7] =	ssyncset.done $0x0  }
0xde: {  	s24 =	rddreg [dreg:$0x10];
	[sflag:s7] =	ssyncadd.s32 $0xFFFFC000  }
0xdf: {  	[spmem:s3] =	stream.indirect.scatter.add.f32 [tilespmem:s2], [sflag:$0x4], $0x80, s24, s29, $0xb8;
	[tilespmem:$0x1F480] =	vst v63  }
0xe0: {  	_ =	swait.ge [sflag:s25], $0x4000  }
0xe1: {  	[sflag:s25] =	ssyncset.done $0x0  }
0xe2: {  	s22 =	rddreg [dreg:$0x11];
	[sflag:s25] =	ssyncadd.s32 $0xFFFFC000  }
0xe3: {  	[tilespmem:s2], [sflag:$0x2] =	stream.indirect.gather [hbm4b:s1+s29], $0x80, s22, s29, $0xb8;
	[tilespmem:$0x1F480] =	vst v63  }
0xe4: {  	_ =	swait.ge [sflag:s0], $0x4000  }
0xe5: {  	[sflag:s0] =	ssyncset.done $0x0  }
0xe6: {  	s23 =	rddreg [dreg:$0x12];
	[sflag:s0] =	ssyncadd.s32 $0xFFFFC000  }
0xe7: {  	[spmem:s3] =	stream.indirect.scatter.add.f32 [tilespmem:s30], [sflag:$0x4], $0x80, s23, s29, $0xb8;
	[tilespmem:$0x1F480] =	vst v63  }
0xe8: {  	_ =	swait.ge [sflag:s25], $0x4000  }
0xe9: {  	[sflag:s25] =	ssyncset.done $0x0  }
0xea: {  	[sflag:s25] =	ssyncadd.s32 $0xFFFFC000  }
0xeb: {  	_ =	swait.ge [sflag:s7], $0x4000  }
0xec: {  	[sflag:s7] =	ssyncset.done $0x0  }
0xed: {  	s24 =	rddreg [dreg:$0x13];
	[sflag:s7] =	ssyncadd.s32 $0xFFFFC000  }
0xee: {  	[spmem:s3] =	stream.indirect.scatter.add.f32 [tilespmem:s2], [sflag:$0x4], $0x80, s24, s29, $0xb8;
	[tilespmem:$0x1F480] =	vst v63  }
0xef: {  	_ =	swait.ge [sflag:s25], $0x4000  }
0xf0: {  	[sflag:s25] =	ssyncset.done $0x0  }
0xf1: {  	[sflag:s25] =	ssyncadd.s32 $0xFFFFC000  }
0xf2: {  	s22 =	simm.s32 $0xFFFFFA00;
	_ =	swait.ge [sflag:s12], $0x800  }
0xf3: {  	s23 =	simm.s32 $0xFFFFF800;
	s13 =	rddreg [dreg:$0x4];
	[sflag:s12] =	ssyncset.done $0x0  }
.LBB2_2:
0xf4: {  	s24 =	smov.u32 s22;
	s13 =	sadd.s32 s23, s13  }
0xf5: {  	[sflag:s12] =	ssyncadd.s32 $0xFFFFF800;
	s23 =	smov.u32 s24;
	s24 =	sadd.s32 $0xB00, s13  }
0xf6: {  	[tilespmem:s28], [sflag:$0x3] =	stream.linear.gather [hbm4b:s24+s4], $0x800, $0x38;
	[tilespmem:$0x1F480] =	vst v63  }
0xf7: {  	_ = 	snop  }
0xf8: {  	[tilespmem:s30], [sflag:$0x1] =	stream.indirect.gather [hbm4b:s1+s29], $0x80, s26, s29, $0xb8;
	[tilespmem:$0x1F480] =	vst v63  }
0xf9: {  	_ = 	snop  }
0xfa: {  	[tilespmem:s2], [sflag:$0x2] =	stream.indirect.gather [hbm4b:s1+s29], $0x80, s31, s29, $0xb8;
	[tilespmem:$0x1F480] =	vst v63  }
0xfb: {  	_ =	swait.ge [sflag:s0], $0x4000  }
0xfc: {  	[sflag:s0] =	ssyncset.done $0x0  }
0xfd: {  	[sflag:s0] =	ssyncadd.s32 $0xFFFFC000  }
0xfe: {  	[spmem:s3] =	stream.indirect.scatter.add.f32 [tilespmem:s30], [sflag:$0x4], $0x80, s5, s29, $0xb8;
	[tilespmem:$0x1F480] =	vst v63  }
0xff: {  	_ =	swait.ge [sflag:s25], $0x4000  }
0x100: {  	[sflag:s25] =	ssyncset.done $0x0  }
0x101: {  	[sflag:s25] =	ssyncadd.s32 $0xFFFFC000  }
0x102: {  	[tilespmem:s30], [sflag:$0x1] =	stream.indirect.gather [hbm4b:s1+s29], $0x80, s6, s29, $0xb8;
	[tilespmem:$0x1F480] =	vst v63  }
0x103: {  	_ =	swait.ge [sflag:s7], $0x4000  }
0x104: {  	[sflag:s7] =	ssyncset.done $0x0  }
0x105: {  	[sflag:s7] =	ssyncadd.s32 $0xFFFFC000  }
0x106: {  	[spmem:s3] =	stream.indirect.scatter.add.f32 [tilespmem:s2], [sflag:$0x4], $0x80, s14, s29, $0xb8;
	[tilespmem:$0x1F480] =	vst v63  }
0x107: {  	_ =	swait.ge [sflag:s25], $0x4000  }
0x108: {  	[sflag:s25] =	ssyncset.done $0x0  }
0x109: {  	[sflag:s25] =	ssyncadd.s32 $0xFFFFC000  }
0x10a: {  	[tilespmem:s2], [sflag:$0x2] =	stream.indirect.gather [hbm4b:s1+s29], $0x80, s15, s29, $0xb8;
	[tilespmem:$0x1F480] =	vst v63  }
0x10b: {  	_ =	swait.ge [sflag:s0], $0x4000  }
0x10c: {  	[sflag:s0] =	ssyncset.done $0x0  }
0x10d: {  	[sflag:s0] =	ssyncadd.s32 $0xFFFFC000  }
0x10e: {  	[spmem:s3] =	stream.indirect.scatter.add.f32 [tilespmem:s30], [sflag:$0x4], $0x80, s16, s29, $0xb8;
	[tilespmem:$0x1F480] =	vst v63  }
0x10f: {  	_ =	swait.ge [sflag:s25], $0x4000  }
0x110: {  	[sflag:s25] =	ssyncset.done $0x0  }
0x111: {  	[sflag:s25] =	ssyncadd.s32 $0xFFFFC000  }
0x112: {  	[tilespmem:s30], [sflag:$0x1] =	stream.indirect.gather [hbm4b:s1+s29], $0x80, s17, s29, $0xb8;
	[tilespmem:$0x1F480] =	vst v63  }
0x113: {  	_ =	swait.ge [sflag:s7], $0x4000  }
0x114: {  	[sflag:s7] =	ssyncset.done $0x0  }
0x115: {  	[sflag:s7] =	ssyncadd.s32 $0xFFFFC000  }
0x116: {  	[spmem:s3] =	stream.indirect.scatter.add.f32 [tilespmem:s2], [sflag:$0x4], $0x80, s18, s29, $0xb8;
	[tilespmem:$0x1F480] =	vst v63  }
0x117: {  	_ =	swait.ge [sflag:s25], $0x4000  }
0x118: {  	[sflag:s25] =	ssyncset.done $0x0  }
0x119: {  	[sflag:s25] =	ssyncadd.s32 $0xFFFFC000  }
0x11a: {  	[tilespmem:s2], [sflag:$0x2] =	stream.indirect.gather [hbm4b:s1+s29], $0x80, s19, s29, $0xb8;
	[tilespmem:$0x1F480] =	vst v63  }
0x11b: {  	_ =	swait.ge [sflag:s0], $0x4000  }
0x11c: {  	[sflag:s0] =	ssyncset.done $0x0  }
0x11d: {  	[sflag:s0] =	ssyncadd.s32 $0xFFFFC000  }
0x11e: {  	[spmem:s3] =	stream.indirect.scatter.add.f32 [tilespmem:s30], [sflag:$0x4], $0x80, s20, s29, $0xb8;
	[tilespmem:$0x1F480] =	vst v63  }
0x11f: {  	_ =	swait.ge [sflag:s25], $0x4000  }
0x120: {  	[sflag:s25] =	ssyncset.done $0x0  }
0x121: {  	[sflag:s25] =	ssyncadd.s32 $0xFFFFC000  }
0x122: {  	[tilespmem:s30], [sflag:$0x1] =	stream.indirect.gather [hbm4b:s1+s29], $0x80, s21, s29, $0xb8;
	[tilespmem:$0x1F480] =	vst v63  }
0x123: {  	_ =	swait.ge [sflag:s7], $0x4000  }
0x124: {  	[sflag:s7] =	ssyncset.done $0x0  }
0x125: {  	[sflag:s7] =	ssyncadd.s32 $0xFFFFC000  }
0x126: {  	[spmem:s3] =	stream.indirect.scatter.add.f32 [tilespmem:s2], [sflag:$0x4], $0x80, s8, s29, $0xb8;
	[tilespmem:$0x1F480] =	vst v63  }
0x127: {  	_ =	swait.ge [sflag:s25], $0x4000  }
0x128: {  	[sflag:s25] =	ssyncset.done $0x0  }
0x129: {  	[sflag:s25] =	ssyncadd.s32 $0xFFFFC000  }
0x12a: {  	[tilespmem:s2], [sflag:$0x2] =	stream.indirect.gather [hbm4b:s1+s29], $0x80, s9, s29, $0xb8;
	[tilespmem:$0x1F480] =	vst v63  }
0x12b: {  	_ =	swait.ge [sflag:s0], $0x4000  }
0x12c: {  	[sflag:s0] =	ssyncset.done $0x0  }
0x12d: {  	[sflag:s0] =	ssyncadd.s32 $0xFFFFC000  }
0x12e: {  	[spmem:s3] =	stream.indirect.scatter.add.f32 [tilespmem:s30], [sflag:$0x4], $0x80, s10, s29, $0xb8;
	[tilespmem:$0x1F480] =	vst v63  }
0x12f: {  	_ =	swait.ge [sflag:s25], $0x4000  }
0x130: {  	[sflag:s25] =	ssyncset.done $0x0  }
0x131: {  	[sflag:s25] =	ssyncadd.s32 $0xFFFFC000  }
0x132: {  	_ =	swait.ge [sflag:s7], $0x4000  }
0x133: {  	[sflag:s7] =	ssyncset.done $0x0  }
0x134: {  	[sflag:s7] =	ssyncadd.s32 $0xFFFFC000  }
0x135: {  	[spmem:s3] =	stream.indirect.scatter.add.f32 [tilespmem:s2], [sflag:$0x4], $0x80, s11, s29, $0xb8;
	[tilespmem:$0x1F480] =	vst v63  }
0x136: {  	_ =	swait.ge [sflag:s25], $0x4000  }
0x137: {  	[sflag:s25] =	ssyncset.done $0x0  }
0x138: {  	[sflag:s25] =	ssyncadd.s32 $0xFFFFC000  }
0x139: {  	_ =	swait.ge [sflag:s12], $0x800  }
0x13a: {  	[sflag:s12] =	ssyncset.done $0x0  }
0x13b: {  	s13 =	sadd.s32 $0xC00, s13;
	[sflag:s12] =	ssyncadd.s32 $0xFFFFF800  }
0x13c: {  	[tilespmem:s26], [sflag:$0x3] =	stream.linear.gather [hbm4b:s13+s4], $0x800, $0x38;
	[tilespmem:$0x1F480] =	vst v63  }
0x13d: {  	_ = 	snop  }
0x13e: {  	[tilespmem:s30], [sflag:$0x1] =	stream.indirect.gather [hbm4b:s1+s29], $0x80, s28, s29, $0xb8;
	[tilespmem:$0x1F480] =	vst v63  }
0x13f: {  	s24 =	rddreg [dreg:$0x5]  }
0x140: {  	[tilespmem:s2], [sflag:$0x2] =	stream.indirect.gather [hbm4b:s1+s29], $0x80, s24, s29, $0xb8;
	[tilespmem:$0x1F480] =	vst v63  }
0x141: {  	_ =	swait.ge [sflag:s0], $0x4000  }
0x142: {  	[sflag:s0] =	ssyncset.done $0x0  }
0x143: {  	s24 =	rddreg [dreg:$0x6];
	[sflag:s0] =	ssyncadd.s32 $0xFFFFC000  }
0x144: {  	[spmem:s3] =	stream.indirect.scatter.add.f32 [tilespmem:s30], [sflag:$0x4], $0x80, s24, s29, $0xb8;
	[tilespmem:$0x1F480] =	vst v63  }
0x145: {  	_ =	swait.ge [sflag:s25], $0x4000  }
0x146: {  	[sflag:s25] =	ssyncset.done $0x0  }
0x147: {  	s24 =	rddreg [dreg:$0x7];
	[sflag:s25] =	ssyncadd.s32 $0xFFFFC000  }
0x148: {  	[tilespmem:s30], [sflag:$0x1] =	stream.indirect.gather [hbm4b:s1+s29], $0x80, s24, s29, $0xb8;
	[tilespmem:$0x1F480] =	vst v63  }
0x149: {  	_ =	swait.ge [sflag:s7], $0x4000  }
0x14a: {  	[sflag:s7] =	ssyncset.done $0x0  }
0x14b: {  	s24 =	rddreg [dreg:$0x8];
	[sflag:s7] =	ssyncadd.s32 $0xFFFFC000  }
0x14c: {  	[spmem:s3] =	stream.indirect.scatter.add.f32 [tilespmem:s2], [sflag:$0x4], $0x80, s24, s29, $0xb8;
	[tilespmem:$0x1F480] =	vst v63  }
0x14d: {  	_ =	swait.ge [sflag:s25], $0x4000  }
0x14e: {  	[sflag:s25] =	ssyncset.done $0x0  }
0x14f: {  	s24 =	rddreg [dreg:$0x9];
	[sflag:s25] =	ssyncadd.s32 $0xFFFFC000  }
0x150: {  	[tilespmem:s2], [sflag:$0x2] =	stream.indirect.gather [hbm4b:s1+s29], $0x80, s24, s29, $0xb8;
	[tilespmem:$0x1F480] =	vst v63  }
0x151: {  	_ =	swait.ge [sflag:s0], $0x4000  }
0x152: {  	[sflag:s0] =	ssyncset.done $0x0  }
0x153: {  	s24 =	rddreg [dreg:$0xa];
	[sflag:s0] =	ssyncadd.s32 $0xFFFFC000  }
0x154: {  	[spmem:s3] =	stream.indirect.scatter.add.f32 [tilespmem:s30], [sflag:$0x4], $0x80, s24, s29, $0xb8;
	[tilespmem:$0x1F480] =	vst v63  }
0x155: {  	_ =	swait.ge [sflag:s25], $0x4000  }
0x156: {  	[sflag:s25] =	ssyncset.done $0x0  }
0x157: {  	s24 =	rddreg [dreg:$0xb];
	[sflag:s25] =	ssyncadd.s32 $0xFFFFC000  }
0x158: {  	[tilespmem:s30], [sflag:$0x1] =	stream.indirect.gather [hbm4b:s1+s29], $0x80, s24, s29, $0xb8;
	[tilespmem:$0x1F480] =	vst v63  }
0x159: {  	_ =	swait.ge [sflag:s7], $0x4000  }
0x15a: {  	[sflag:s7] =	ssyncset.done $0x0  }
0x15b: {  	s24 =	rddreg [dreg:$0xc];
	[sflag:s7] =	ssyncadd.s32 $0xFFFFC000  }
0x15c: {  	[spmem:s3] =	stream.indirect.scatter.add.f32 [tilespmem:s2], [sflag:$0x4], $0x80, s24, s29, $0xb8;
	[tilespmem:$0x1F480] =	vst v63  }
0x15d: {  	_ =	swait.ge [sflag:s25], $0x4000  }
0x15e: {  	[sflag:s25] =	ssyncset.done $0x0  }
0x15f: {  	s24 =	rddreg [dreg:$0xd];
	[sflag:s25] =	ssyncadd.s32 $0xFFFFC000  }
0x160: {  	[tilespmem:s2], [sflag:$0x2] =	stream.indirect.gather [hbm4b:s1+s29], $0x80, s24, s29, $0xb8;
	[tilespmem:$0x1F480] =	vst v63  }
0x161: {  	_ =	swait.ge [sflag:s0], $0x4000  }
0x162: {  	[sflag:s0] =	ssyncset.done $0x0  }
0x163: {  	s24 =	rddreg [dreg:$0xe];
	[sflag:s0] =	ssyncadd.s32 $0xFFFFC000  }
0x164: {  	[spmem:s3] =	stream.indirect.scatter.add.f32 [tilespmem:s30], [sflag:$0x4], $0x80, s24, s29, $0xb8;
	[tilespmem:$0x1F480] =	vst v63  }
0x165: {  	_ =	swait.ge [sflag:s25], $0x4000  }
0x166: {  	[sflag:s25] =	ssyncset.done $0x0  }
0x167: {  	s24 =	rddreg [dreg:$0xf];
	[sflag:s25] =	ssyncadd.s32 $0xFFFFC000  }
0x168: {  	[tilespmem:s30], [sflag:$0x1] =	stream.indirect.gather [hbm4b:s1+s29], $0x80, s24, s29, $0xb8;
	[tilespmem:$0x1F480] =	vst v63  }
0x169: {  	_ =	swait.ge [sflag:s7], $0x4000  }
0x16a: {  	[sflag:s7] =	ssyncset.done $0x0  }
0x16b: {  	s24 =	rddreg [dreg:$0x10];
	[sflag:s7] =	ssyncadd.s32 $0xFFFFC000  }
0x16c: {  	[spmem:s3] =	stream.indirect.scatter.add.f32 [tilespmem:s2], [sflag:$0x4], $0x80, s24, s29, $0xb8;
	[tilespmem:$0x1F480] =	vst v63  }
0x16d: {  	_ =	swait.ge [sflag:s25], $0x4000  }
0x16e: {  	[sflag:s25] =	ssyncset.done $0x0  }
0x16f: {  	s24 =	rddreg [dreg:$0x11];
	[sflag:s25] =	ssyncadd.s32 $0xFFFFC000  }
0x170: {  	[tilespmem:s2], [sflag:$0x2] =	stream.indirect.gather [hbm4b:s1+s29], $0x80, s24, s29, $0xb8;
	[tilespmem:$0x1F480] =	vst v63  }
0x171: {  	_ =	swait.ge [sflag:s0], $0x4000  }
0x172: {  	[sflag:s0] =	ssyncset.done $0x0  }
0x173: {  	s24 =	rddreg [dreg:$0x12];
	[sflag:s0] =	ssyncadd.s32 $0xFFFFC000  }
0x174: {  	[spmem:s3] =	stream.indirect.scatter.add.f32 [tilespmem:s30], [sflag:$0x4], $0x80, s24, s29, $0xb8;
	[tilespmem:$0x1F480] =	vst v63  }
0x175: {  	_ =	swait.ge [sflag:s25], $0x4000  }
0x176: {  	[sflag:s25] =	ssyncset.done $0x0  }
0x177: {  	[sflag:s25] =	ssyncadd.s32 $0xFFFFC000  }
0x178: {  	_ =	swait.ge [sflag:s7], $0x4000  }
0x179: {  	[sflag:s7] =	ssyncset.done $0x0  }
0x17a: {  	p1 =	sne.s32 s22, $0xFFFFFE00;
	s24 =	rddreg [dreg:$0x13];
	[sflag:s7] =	ssyncadd.s32 $0xFFFFC000  }
0x17b: {  	[spmem:s3] =	stream.indirect.scatter.add.f32 [tilespmem:s2], [sflag:$0x4], $0x80, s24, s29, $0xb8;
	[tilespmem:$0x1F480] =	vst v63  }
.Ltmp0:
0x17c: {  	_ =	swait.ge [sflag:s25], $0x4000;
	(pc) =	sbr.rel @p1 .LBB2_2-.Ltmp0, $4  }
0x17d: {  	[sflag:s25] =	ssyncset.done $0x0  }
0x17e: {  	[sflag:s25] =	ssyncadd.s32 $0xFFFFC000  }
0x17f: {  	_ =	swait.ge [sflag:s12], $0x800  }
0x180: {  	s22 =	sadd.s32 $0x200, s22;
	s13 =	rddreg [dreg:$0x4];
	[sflag:s12] =	ssyncset.done $0x0  }
0x181: {  	s13 =	sadd.s32 s23, s13  }
0x182: {  	[sflag:s12] =	ssyncadd.s32 $0xFFFFF800;
	s22 =	sadd.s32 $0xB00, s13  }
0x183: {  	[tilespmem:s28], [sflag:$0x3] =	stream.linear.gather [hbm4b:s22+s4], $0x800, $0x38;
	[tilespmem:$0x1F480] =	vst v63  }
0x184: {  	_ = 	snop  }
0x185: {  	[tilespmem:s30], [sflag:$0x1] =	stream.indirect.gather [hbm4b:s1+s29], $0x80, s26, s29, $0xb8;
	[tilespmem:$0x1F480] =	vst v63  }
0x186: {  	_ = 	snop  }
0x187: {  	[tilespmem:s2], [sflag:$0x2] =	stream.indirect.gather [hbm4b:s1+s29], $0x80, s31, s29, $0xb8;
	[tilespmem:$0x1F480] =	vst v63  }
0x188: {  	_ =	swait.ge [sflag:s0], $0x4000  }
0x189: {  	[sflag:s0] =	ssyncset.done $0x0  }
0x18a: {  	[sflag:s0] =	ssyncadd.s32 $0xFFFFC000  }
0x18b: {  	[spmem:s3] =	stream.indirect.scatter.add.f32 [tilespmem:s30], [sflag:$0x4], $0x80, s5, s29, $0xb8;
	[tilespmem:$0x1F480] =	vst v63  }
0x18c: {  	_ =	swait.ge [sflag:s25], $0x4000  }
0x18d: {  	[sflag:s25] =	ssyncset.done $0x0  }
0x18e: {  	[sflag:s25] =	ssyncadd.s32 $0xFFFFC000  }
0x18f: {  	[tilespmem:s30], [sflag:$0x1] =	stream.indirect.gather [hbm4b:s1+s29], $0x80, s6, s29, $0xb8;
	[tilespmem:$0x1F480] =	vst v63  }
0x190: {  	_ =	swait.ge [sflag:s7], $0x4000  }
0x191: {  	[sflag:s7] =	ssyncset.done $0x0  }
0x192: {  	[sflag:s7] =	ssyncadd.s32 $0xFFFFC000  }
0x193: {  	[spmem:s3] =	stream.indirect.scatter.add.f32 [tilespmem:s2], [sflag:$0x4], $0x80, s14, s29, $0xb8;
	[tilespmem:$0x1F480] =	vst v63  }
0x194: {  	_ =	swait.ge [sflag:s25], $0x4000  }
0x195: {  	[sflag:s25] =	ssyncset.done $0x0  }
0x196: {  	[sflag:s25] =	ssyncadd.s32 $0xFFFFC000  }
0x197: {  	[tilespmem:s2], [sflag:$0x2] =	stream.indirect.gather [hbm4b:s1+s29], $0x80, s15, s29, $0xb8;
	[tilespmem:$0x1F480] =	vst v63  }
0x198: {  	_ =	swait.ge [sflag:s0], $0x4000  }
0x199: {  	[sflag:s0] =	ssyncset.done $0x0  }
0x19a: {  	[sflag:s0] =	ssyncadd.s32 $0xFFFFC000  }
0x19b: {  	[spmem:s3] =	stream.indirect.scatter.add.f32 [tilespmem:s30], [sflag:$0x4], $0x80, s16, s29, $0xb8;
	[tilespmem:$0x1F480] =	vst v63  }
0x19c: {  	_ =	swait.ge [sflag:s25], $0x4000  }
0x19d: {  	[sflag:s25] =	ssyncset.done $0x0  }
0x19e: {  	[sflag:s25] =	ssyncadd.s32 $0xFFFFC000  }
0x19f: {  	[tilespmem:s30], [sflag:$0x1] =	stream.indirect.gather [hbm4b:s1+s29], $0x80, s17, s29, $0xb8;
	[tilespmem:$0x1F480] =	vst v63  }
0x1a0: {  	_ =	swait.ge [sflag:s7], $0x4000  }
0x1a1: {  	[sflag:s7] =	ssyncset.done $0x0  }
0x1a2: {  	[sflag:s7] =	ssyncadd.s32 $0xFFFFC000  }
0x1a3: {  	[spmem:s3] =	stream.indirect.scatter.add.f32 [tilespmem:s2], [sflag:$0x4], $0x80, s18, s29, $0xb8;
	[tilespmem:$0x1F480] =	vst v63  }
0x1a4: {  	_ =	swait.ge [sflag:s25], $0x4000  }
0x1a5: {  	[sflag:s25] =	ssyncset.done $0x0  }
0x1a6: {  	[sflag:s25] =	ssyncadd.s32 $0xFFFFC000  }
0x1a7: {  	[tilespmem:s2], [sflag:$0x2] =	stream.indirect.gather [hbm4b:s1+s29], $0x80, s19, s29, $0xb8;
	[tilespmem:$0x1F480] =	vst v63  }
0x1a8: {  	_ =	swait.ge [sflag:s0], $0x4000  }
0x1a9: {  	[sflag:s0] =	ssyncset.done $0x0  }
0x1aa: {  	[sflag:s0] =	ssyncadd.s32 $0xFFFFC000  }
0x1ab: {  	[spmem:s3] =	stream.indirect.scatter.add.f32 [tilespmem:s30], [sflag:$0x4], $0x80, s20, s29, $0xb8;
	[tilespmem:$0x1F480] =	vst v63  }
0x1ac: {  	_ =	swait.ge [sflag:s25], $0x4000  }
0x1ad: {  	[sflag:s25] =	ssyncset.done $0x0  }
0x1ae: {  	[sflag:s25] =	ssyncadd.s32 $0xFFFFC000  }
0x1af: {  	[tilespmem:s30], [sflag:$0x1] =	stream.indirect.gather [hbm4b:s1+s29], $0x80, s21, s29, $0xb8;
	[tilespmem:$0x1F480] =	vst v63  }
0x1b0: {  	_ =	swait.ge [sflag:s7], $0x4000  }
0x1b1: {  	[sflag:s7] =	ssyncset.done $0x0  }
0x1b2: {  	[sflag:s7] =	ssyncadd.s32 $0xFFFFC000  }
0x1b3: {  	[spmem:s3] =	stream.indirect.scatter.add.f32 [tilespmem:s2], [sflag:$0x4], $0x80, s8, s29, $0xb8;
	[tilespmem:$0x1F480] =	vst v63  }
0x1b4: {  	_ =	swait.ge [sflag:s25], $0x4000  }
0x1b5: {  	[sflag:s25] =	ssyncset.done $0x0  }
0x1b6: {  	[sflag:s25] =	ssyncadd.s32 $0xFFFFC000  }
0x1b7: {  	[tilespmem:s2], [sflag:$0x2] =	stream.indirect.gather [hbm4b:s1+s29], $0x80, s9, s29, $0xb8;
	[tilespmem:$0x1F480] =	vst v63  }
0x1b8: {  	_ =	swait.ge [sflag:s0], $0x4000  }
0x1b9: {  	[sflag:s0] =	ssyncset.done $0x0  }
0x1ba: {  	[sflag:s0] =	ssyncadd.s32 $0xFFFFC000  }
0x1bb: {  	[spmem:s3] =	stream.indirect.scatter.add.f32 [tilespmem:s30], [sflag:$0x4], $0x80, s10, s29, $0xb8;
	[tilespmem:$0x1F480] =	vst v63  }
0x1bc: {  	_ =	swait.ge [sflag:s25], $0x4000  }
0x1bd: {  	[sflag:s25] =	ssyncset.done $0x0  }
0x1be: {  	[sflag:s25] =	ssyncadd.s32 $0xFFFFC000  }
0x1bf: {  	_ =	swait.ge [sflag:s7], $0x4000  }
0x1c0: {  	[sflag:s7] =	ssyncset.done $0x0  }
0x1c1: {  	[sflag:s7] =	ssyncadd.s32 $0xFFFFC000  }
0x1c2: {  	[spmem:s3] =	stream.indirect.scatter.add.f32 [tilespmem:s2], [sflag:$0x4], $0x80, s11, s29, $0xb8;
	[tilespmem:$0x1F480] =	vst v63  }
0x1c3: {  	_ =	swait.ge [sflag:s25], $0x4000  }
0x1c4: {  	[sflag:s25] =	ssyncset.done $0x0  }
0x1c5: {  	[sflag:s25] =	ssyncadd.s32 $0xFFFFC000  }
0x1c6: {  	_ =	swait.ge [sflag:s12], $0x800  }
0x1c7: {  	[sflag:s12] =	ssyncset.done $0x0  }
0x1c8: {  	s13 =	sadd.s32 $0xC00, s13;
	[sflag:s12] =	ssyncadd.s32 $0xFFFFF800  }
0x1c9: {  	[tilespmem:s26], [sflag:$0x3] =	stream.linear.gather [hbm4b:s13+s4], $0x800, $0x38;
	[tilespmem:$0x1F480] =	vst v63  }
0x1ca: {  	_ = 	snop  }
0x1cb: {  	[tilespmem:s30], [sflag:$0x1] =	stream.indirect.gather [hbm4b:s1+s29], $0x80, s28, s29, $0xb8;
	[tilespmem:$0x1F480] =	vst v63  }
0x1cc: {  	s23 =	rddreg [dreg:$0x5]  }
0x1cd: {  	[tilespmem:s2], [sflag:$0x2] =	stream.indirect.gather [hbm4b:s1+s29], $0x80, s23, s29, $0xb8;
	[tilespmem:$0x1F480] =	vst v63  }
0x1ce: {  	_ =	swait.ge [sflag:s0], $0x4000  }
0x1cf: {  	[sflag:s0] =	ssyncset.done $0x0  }
0x1d0: {  	s24 =	rddreg [dreg:$0x6];
	[sflag:s0] =	ssyncadd.s32 $0xFFFFC000  }
0x1d1: {  	[spmem:s3] =	stream.indirect.scatter.add.f32 [tilespmem:s30], [sflag:$0x4], $0x80, s24, s29, $0xb8;
	[tilespmem:$0x1F480] =	vst v63  }
0x1d2: {  	_ =	swait.ge [sflag:s25], $0x4000  }
0x1d3: {  	[sflag:s25] =	ssyncset.done $0x0  }
0x1d4: {  	s22 =	rddreg [dreg:$0x7];
	[sflag:s25] =	ssyncadd.s32 $0xFFFFC000  }
0x1d5: {  	[tilespmem:s30], [sflag:$0x1] =	stream.indirect.gather [hbm4b:s1+s29], $0x80, s22, s29, $0xb8;
	[tilespmem:$0x1F480] =	vst v63  }
0x1d6: {  	_ =	swait.ge [sflag:s7], $0x4000  }
0x1d7: {  	[sflag:s7] =	ssyncset.done $0x0  }
0x1d8: {  	s23 =	rddreg [dreg:$0x8];
	[sflag:s7] =	ssyncadd.s32 $0xFFFFC000  }
0x1d9: {  	[spmem:s3] =	stream.indirect.scatter.add.f32 [tilespmem:s2], [sflag:$0x4], $0x80, s23, s29, $0xb8;
	[tilespmem:$0x1F480] =	vst v63  }
0x1da: {  	_ =	swait.ge [sflag:s25], $0x4000  }
0x1db: {  	[sflag:s25] =	ssyncset.done $0x0  }
0x1dc: {  	s24 =	rddreg [dreg:$0x9];
	[sflag:s25] =	ssyncadd.s32 $0xFFFFC000  }
0x1dd: {  	[tilespmem:s2], [sflag:$0x2] =	stream.indirect.gather [hbm4b:s1+s29], $0x80, s24, s29, $0xb8;
	[tilespmem:$0x1F480] =	vst v63  }
0x1de: {  	_ =	swait.ge [sflag:s0], $0x4000  }
0x1df: {  	[sflag:s0] =	ssyncset.done $0x0  }
0x1e0: {  	s22 =	rddreg [dreg:$0xa];
	[sflag:s0] =	ssyncadd.s32 $0xFFFFC000  }
0x1e1: {  	[spmem:s3] =	stream.indirect.scatter.add.f32 [tilespmem:s30], [sflag:$0x4], $0x80, s22, s29, $0xb8;
	[tilespmem:$0x1F480] =	vst v63  }
0x1e2: {  	_ =	swait.ge [sflag:s25], $0x4000  }
0x1e3: {  	[sflag:s25] =	ssyncset.done $0x0  }
0x1e4: {  	s23 =	rddreg [dreg:$0xb];
	[sflag:s25] =	ssyncadd.s32 $0xFFFFC000  }
0x1e5: {  	[tilespmem:s30], [sflag:$0x1] =	stream.indirect.gather [hbm4b:s1+s29], $0x80, s23, s29, $0xb8;
	[tilespmem:$0x1F480] =	vst v63  }
0x1e6: {  	_ =	swait.ge [sflag:s7], $0x4000  }
0x1e7: {  	[sflag:s7] =	ssyncset.done $0x0  }
0x1e8: {  	s24 =	rddreg [dreg:$0xc];
	[sflag:s7] =	ssyncadd.s32 $0xFFFFC000  }
0x1e9: {  	[spmem:s3] =	stream.indirect.scatter.add.f32 [tilespmem:s2], [sflag:$0x4], $0x80, s24, s29, $0xb8;
	[tilespmem:$0x1F480] =	vst v63  }
0x1ea: {  	_ =	swait.ge [sflag:s25], $0x4000  }
0x1eb: {  	[sflag:s25] =	ssyncset.done $0x0  }
0x1ec: {  	s22 =	rddreg [dreg:$0xd];
	[sflag:s25] =	ssyncadd.s32 $0xFFFFC000  }
0x1ed: {  	[tilespmem:s2], [sflag:$0x2] =	stream.indirect.gather [hbm4b:s1+s29], $0x80, s22, s29, $0xb8;
	[tilespmem:$0x1F480] =	vst v63  }
0x1ee: {  	_ =	swait.ge [sflag:s0], $0x4000  }
0x1ef: {  	[sflag:s0] =	ssyncset.done $0x0  }
0x1f0: {  	s23 =	rddreg [dreg:$0xe];
	[sflag:s0] =	ssyncadd.s32 $0xFFFFC000  }
0x1f1: {  	[spmem:s3] =	stream.indirect.scatter.add.f32 [tilespmem:s30], [sflag:$0x4], $0x80, s23, s29, $0xb8;
	[tilespmem:$0x1F480] =	vst v63  }
0x1f2: {  	_ =	swait.ge [sflag:s25], $0x4000  }
0x1f3: {  	[sflag:s25] =	ssyncset.done $0x0  }
0x1f4: {  	s24 =	rddreg [dreg:$0xf];
	[sflag:s25] =	ssyncadd.s32 $0xFFFFC000  }
0x1f5: {  	[tilespmem:s30], [sflag:$0x1] =	stream.indirect.gather [hbm4b:s1+s29], $0x80, s24, s29, $0xb8;
	[tilespmem:$0x1F480] =	vst v63  }
0x1f6: {  	_ =	swait.ge [sflag:s7], $0x4000  }
0x1f7: {  	[sflag:s7] =	ssyncset.done $0x0  }
0x1f8: {  	s22 =	rddreg [dreg:$0x10];
	[sflag:s7] =	ssyncadd.s32 $0xFFFFC000  }
0x1f9: {  	[spmem:s3] =	stream.indirect.scatter.add.f32 [tilespmem:s2], [sflag:$0x4], $0x80, s22, s29, $0xb8;
	[tilespmem:$0x1F480] =	vst v63  }
0x1fa: {  	_ =	swait.ge [sflag:s25], $0x4000  }
0x1fb: {  	[sflag:s25] =	ssyncset.done $0x0  }
0x1fc: {  	s23 =	rddreg [dreg:$0x11];
	[sflag:s25] =	ssyncadd.s32 $0xFFFFC000  }
0x1fd: {  	[tilespmem:s2], [sflag:$0x2] =	stream.indirect.gather [hbm4b:s1+s29], $0x80, s23, s29, $0xb8;
	[tilespmem:$0x1F480] =	vst v63  }
0x1fe: {  	_ =	swait.ge [sflag:s0], $0x4000  }
0x1ff: {  	[sflag:s0] =	ssyncset.done $0x0  }
0x200: {  	s24 =	rddreg [dreg:$0x12];
	[sflag:s0] =	ssyncadd.s32 $0xFFFFC000  }
0x201: {  	[spmem:s3] =	stream.indirect.scatter.add.f32 [tilespmem:s30], [sflag:$0x4], $0x80, s24, s29, $0xb8;
	[tilespmem:$0x1F480] =	vst v63  }
0x202: {  	_ =	swait.ge [sflag:s25], $0x4000  }
0x203: {  	[sflag:s25] =	ssyncset.done $0x0  }
0x204: {  	[sflag:s25] =	ssyncadd.s32 $0xFFFFC000  }
0x205: {  	_ =	swait.ge [sflag:s7], $0x4000  }
0x206: {  	[sflag:s7] =	ssyncset.done $0x0  }
0x207: {  	s22 =	rddreg [dreg:$0x13];
	[sflag:s7] =	ssyncadd.s32 $0xFFFFC000  }
0x208: {  	[spmem:s3] =	stream.indirect.scatter.add.f32 [tilespmem:s2], [sflag:$0x4], $0x80, s22, s29, $0xb8;
	[tilespmem:$0x1F480] =	vst v63  }
0x209: {  	_ =	swait.ge [sflag:s25], $0x4000  }
0x20a: {  	[sflag:s25] =	ssyncset.done $0x0  }
0x20b: {  	[sflag:s25] =	ssyncadd.s32 $0xFFFFC000  }
0x20c: {  	_ =	swait.ge [sflag:s12], $0x800  }
0x20d: {  	[sflag:s12] =	ssyncset.done $0x0  }
0x20e: {  	[sflag:s12] =	ssyncadd.s32 $0xFFFFF800  }
0x20f: {  	[tilespmem:s30], [sflag:$0x1] =	stream.indirect.gather [hbm4b:s1+s29], $0x80, s26, s29, $0xb8;
	[tilespmem:$0x1F480] =	vst v63  }
0x210: {  	_ = 	snop  }
0x211: {  	[tilespmem:s2], [sflag:$0x2] =	stream.indirect.gather [hbm4b:s1+s29], $0x80, s31, s29, $0xb8;
	[tilespmem:$0x1F480] =	vst v63  }
0x212: {  	_ =	swait.ge [sflag:s0], $0x4000  }
0x213: {  	[sflag:s0] =	ssyncset.done $0x0  }
0x214: {  	[sflag:s0] =	ssyncadd.s32 $0xFFFFC000  }
0x215: {  	[spmem:s3] =	stream.indirect.scatter.add.f32 [tilespmem:s30], [sflag:$0x4], $0x80, s5, s29, $0xb8;
	[tilespmem:$0x1F480] =	vst v63  }
0x216: {  	_ =	swait.ge [sflag:s25], $0x4000  }
0x217: {  	[sflag:s25] =	ssyncset.done $0x0  }
0x218: {  	[sflag:s25] =	ssyncadd.s32 $0xFFFFC000  }
0x219: {  	[tilespmem:s30], [sflag:$0x1] =	stream.indirect.gather [hbm4b:s1+s29], $0x80, s6, s29, $0xb8;
	[tilespmem:$0x1F480] =	vst v63  }
0x21a: {  	_ =	swait.ge [sflag:s7], $0x4000  }
0x21b: {  	[sflag:s7] =	ssyncset.done $0x0  }
0x21c: {  	[sflag:s7] =	ssyncadd.s32 $0xFFFFC000  }
0x21d: {  	[spmem:s3] =	stream.indirect.scatter.add.f32 [tilespmem:s2], [sflag:$0x4], $0x80, s14, s29, $0xb8;
	[tilespmem:$0x1F480] =	vst v63  }
0x21e: {  	_ =	swait.ge [sflag:s25], $0x4000  }
0x21f: {  	[sflag:s25] =	ssyncset.done $0x0  }
0x220: {  	[sflag:s25] =	ssyncadd.s32 $0xFFFFC000  }
0x221: {  	[tilespmem:s2], [sflag:$0x2] =	stream.indirect.gather [hbm4b:s1+s29], $0x80, s15, s29, $0xb8;
	[tilespmem:$0x1F480] =	vst v63  }
0x222: {  	_ =	swait.ge [sflag:s0], $0x4000  }
0x223: {  	[sflag:s0] =	ssyncset.done $0x0  }
0x224: {  	[sflag:s0] =	ssyncadd.s32 $0xFFFFC000  }
0x225: {  	[spmem:s3] =	stream.indirect.scatter.add.f32 [tilespmem:s30], [sflag:$0x4], $0x80, s16, s29, $0xb8;
	[tilespmem:$0x1F480] =	vst v63  }
0x226: {  	_ =	swait.ge [sflag:s25], $0x4000  }
0x227: {  	[sflag:s25] =	ssyncset.done $0x0  }
0x228: {  	[sflag:s25] =	ssyncadd.s32 $0xFFFFC000  }
0x229: {  	[tilespmem:s30], [sflag:$0x1] =	stream.indirect.gather [hbm4b:s1+s29], $0x80, s17, s29, $0xb8;
	[tilespmem:$0x1F480] =	vst v63  }
0x22a: {  	_ =	swait.ge [sflag:s7], $0x4000  }
0x22b: {  	[sflag:s7] =	ssyncset.done $0x0  }
0x22c: {  	[sflag:s7] =	ssyncadd.s32 $0xFFFFC000  }
0x22d: {  	[spmem:s3] =	stream.indirect.scatter.add.f32 [tilespmem:s2], [sflag:$0x4], $0x80, s18, s29, $0xb8;
	[tilespmem:$0x1F480] =	vst v63  }
0x22e: {  	_ =	swait.ge [sflag:s25], $0x4000  }
0x22f: {  	[sflag:s25] =	ssyncset.done $0x0  }
0x230: {  	[sflag:s25] =	ssyncadd.s32 $0xFFFFC000  }
0x231: {  	[tilespmem:s2], [sflag:$0x2] =	stream.indirect.gather [hbm4b:s1+s29], $0x80, s19, s29, $0xb8;
	[tilespmem:$0x1F480] =	vst v63  }
0x232: {  	_ =	swait.ge [sflag:s0], $0x4000  }
0x233: {  	[sflag:s0] =	ssyncset.done $0x0  }
0x234: {  	[sflag:s0] =	ssyncadd.s32 $0xFFFFC000  }
0x235: {  	[spmem:s3] =	stream.indirect.scatter.add.f32 [tilespmem:s30], [sflag:$0x4], $0x80, s20, s29, $0xb8;
	[tilespmem:$0x1F480] =	vst v63  }
0x236: {  	_ =	swait.ge [sflag:s25], $0x4000  }
0x237: {  	[sflag:s25] =	ssyncset.done $0x0  }
0x238: {  	[sflag:s25] =	ssyncadd.s32 $0xFFFFC000  }
0x239: {  	[tilespmem:s30], [sflag:$0x1] =	stream.indirect.gather [hbm4b:s1+s29], $0x80, s21, s29, $0xb8;
	[tilespmem:$0x1F480] =	vst v63  }
0x23a: {  	_ =	swait.ge [sflag:s7], $0x4000  }
0x23b: {  	[sflag:s7] =	ssyncset.done $0x0  }
0x23c: {  	[sflag:s7] =	ssyncadd.s32 $0xFFFFC000  }
0x23d: {  	[spmem:s3] =	stream.indirect.scatter.add.f32 [tilespmem:s2], [sflag:$0x4], $0x80, s8, s29, $0xb8;
	[tilespmem:$0x1F480] =	vst v63  }
0x23e: {  	_ =	swait.ge [sflag:s25], $0x4000  }
0x23f: {  	[sflag:s25] =	ssyncset.done $0x0  }
0x240: {  	[sflag:s25] =	ssyncadd.s32 $0xFFFFC000  }
0x241: {  	[tilespmem:s2], [sflag:$0x2] =	stream.indirect.gather [hbm4b:s1+s29], $0x80, s9, s29, $0xb8;
	[tilespmem:$0x1F480] =	vst v63  }
0x242: {  	_ =	swait.ge [sflag:s0], $0x4000  }
0x243: {  	[sflag:s0] =	ssyncset.done $0x0  }
0x244: {  	[sflag:s0] =	ssyncadd.s32 $0xFFFFC000  }
0x245: {  	[spmem:s3] =	stream.indirect.scatter.add.f32 [tilespmem:s30], [sflag:$0x4], $0x80, s10, s29, $0xb8;
	[tilespmem:$0x1F480] =	vst v63  }
0x246: {  	_ =	swait.ge [sflag:s25], $0x4000  }
0x247: {  	[sflag:s25] =	ssyncset.done $0x0  }
0x248: {  	[sflag:s25] =	ssyncadd.s32 $0xFFFFC000  }
0x249: {  	_ =	swait.ge [sflag:s7], $0x4000  }
0x24a: {  	[sflag:s7] =	ssyncset.done $0x0  }
0x24b: {  	[sflag:s7] =	ssyncadd.s32 $0xFFFFC000  }
0x24c: {  	[spmem:s3] =	stream.indirect.scatter.add.f32 [tilespmem:s2], [sflag:$0x4], $0x80, s11, s29, $0xb8;
	[tilespmem:$0x1F480] =	vst v63  }
0x24d: {  	_ =	swait.ge [sflag:s25], $0x4000  }
0x24e: {  	[sflag:s25] =	ssyncset.done $0x0  }
0x24f: {  	[sflag:s25] =	ssyncadd.s32 $0xFFFFC000  }
0x250: {  	[bflag:$0x0] =	sbarrier.arrive $0xFFFF  }
0x251: {  	s22 =	simm.s32 $0x1CC80;
	s23 =	rddreg [dreg:$0x17]  }
0x252: {  	[tilespmem:s22], [sflag:$0x5] =	stream.linear.gather [spmem:s23], $0x2800, $0x38;
	[tilespmem:$0x1F480] =	vst v63  }
0x253: {  	s23 =	simm.s32 $0x5  }
0x254: {  	_ =	swait.ge [sflag:s23], $0x2800  }
0x255: {  	[sflag:s23] =	ssyncset.done $0x0  }
0x256: {  	s24 =	rddreg [dreg:$0x1d];
	[sflag:s23] =	ssyncadd.s32 $0xFFFFD800  }
0x257: {  	[hbm4b:s24+s4] =	stream.linear.scatter [tilespmem:s22], [sflag:$0x4], $0x2800, $0x38;
	[tilespmem:$0x1F480] =	vst v63  }
0x258: {  	_ =	swait.ge [sflag:s25], $0x2800  }
0x259: {  	[sflag:s25] =	ssyncset.done $0x0  }
0x25a: {  	s24 =	rddreg [dreg:$0x18];
	[sflag:s25] =	ssyncadd.s32 $0xFFFFD800  }
0x25b: {  	[tilespmem:s22], [sflag:$0x5] =	stream.linear.gather [spmem:s24], $0x2800, $0x38;
	[tilespmem:$0x1F480] =	vst v63  }
0x25c: {  	_ =	swait.ge [sflag:s23], $0x2800  }
0x25d: {  	[sflag:s23] =	ssyncset.done $0x0  }
0x25e: {  	s24 =	rddreg [dreg:$0x1e];
	[sflag:s23] =	ssyncadd.s32 $0xFFFFD800  }
0x25f: {  	[hbm4b:s24+s4] =	stream.linear.scatter [tilespmem:s22], [sflag:$0x4], $0x2800, $0x38;
	[tilespmem:$0x1F480] =	vst v63  }
0x260: {  	_ =	swait.ge [sflag:s25], $0x2800  }
0x261: {  	[sflag:s25] =	ssyncset.done $0x0  }
0x262: {  	s24 =	rddreg [dreg:$0x19];
	[sflag:s25] =	ssyncadd.s32 $0xFFFFD800  }
0x263: {  	[tilespmem:s22], [sflag:$0x5] =	stream.linear.gather [spmem:s24], $0x2800, $0x38;
	[tilespmem:$0x1F480] =	vst v63  }
0x264: {  	_ =	swait.ge [sflag:s23], $0x2800  }
0x265: {  	[sflag:s23] =	ssyncset.done $0x0  }
0x266: {  	s24 =	rddreg [dreg:$0x1f];
	[sflag:s23] =	ssyncadd.s32 $0xFFFFD800  }
0x267: {  	[hbm4b:s24+s4] =	stream.linear.scatter [tilespmem:s22], [sflag:$0x4], $0x2800, $0x38;
	[tilespmem:$0x1F480] =	vst v63  }
0x268: {  	_ =	swait.ge [sflag:s25], $0x2800  }
0x269: {  	[sflag:s25] =	ssyncset.done $0x0  }
0x26a: {  	s24 =	rddreg [dreg:$0x1a];
	[sflag:s25] =	ssyncadd.s32 $0xFFFFD800  }
0x26b: {  	[tilespmem:s22], [sflag:$0x5] =	stream.linear.gather [spmem:s24], $0x2800, $0x38;
	[tilespmem:$0x1F480] =	vst v63  }
0x26c: {  	_ =	swait.ge [sflag:s23], $0x2800  }
0x26d: {  	s24 =	sld [smem:$0x7F6]  }
0x26e: {  	[sflag:s23] =	ssyncset.done $0x0  }
0x26f: {  	[sflag:s23] =	ssyncadd.s32 $0xFFFFD800  }
0x270: {  	[hbm4b:s24+s4] =	stream.linear.scatter [tilespmem:s22], [sflag:$0x4], $0x2800, $0x38;
	[tilespmem:$0x1F480] =	vst v63  }
0x271: {  	_ =	swait.ge [sflag:s25], $0x2800  }
0x272: {  	[sflag:s25] =	ssyncset.done $0x0  }
0x273: {  	s24 =	rddreg [dreg:$0x1b];
	[sflag:s25] =	ssyncadd.s32 $0xFFFFD800  }
0x274: {  	[tilespmem:s22], [sflag:$0x5] =	stream.linear.gather [spmem:s24], $0x2800, $0x38;
	[tilespmem:$0x1F480] =	vst v63  }
0x275: {  	_ =	swait.ge [sflag:s23], $0x2800  }
0x276: {  	s24 =	sld [smem:$0x7F7]  }
0x277: {  	[sflag:s23] =	ssyncset.done $0x0  }
0x278: {  	[sflag:s23] =	ssyncadd.s32 $0xFFFFD800  }
0x279: {  	[hbm4b:s24+s4] =	stream.linear.scatter [tilespmem:s22], [sflag:$0x4], $0x2800, $0x38;
	[tilespmem:$0x1F480] =	vst v63  }
0x27a: {  	_ =	swait.ge [sflag:s25], $0x2800  }
0x27b: {  	[sflag:s25] =	ssyncset.done $0x0  }
0x27c: {  	s24 =	rddreg [dreg:$0x1c];
	[sflag:s25] =	ssyncadd.s32 $0xFFFFD800  }
0x27d: {  	[tilespmem:s22], [sflag:$0x5] =	stream.linear.gather [spmem:s24], $0x2800, $0x38;
	[tilespmem:$0x1F480] =	vst v63  }
0x27e: {  	_ =	swait.ge [sflag:s23], $0x2800  }
0x27f: {  	s24 =	sld [smem:$0x7F8]  }
0x280: {  	[sflag:s23] =	ssyncset.done $0x0  }
0x281: {  	[sflag:s23] =	ssyncadd.s32 $0xFFFFD800  }
0x282: {  	[hbm4b:s24+s4] =	stream.linear.scatter [tilespmem:s22], [sflag:$0x4], $0x2800, $0x38;
	[tilespmem:$0x1F480] =	vst v63  }
0x283: {  	_ =	swait.ge [sflag:s25], $0x2800  }
0x284: {  	s24 =	sld [smem:$0x7FD]  }
0x285: {  	[sflag:s25] =	ssyncset.done $0x0  }
0x286: {  	[sflag:s25] =	ssyncadd.s32 $0xFFFFD800  }
0x287: {  	[tilespmem:s22], [sflag:$0x5] =	stream.linear.gather [spmem:s24], $0x2800, $0x38;
	[tilespmem:$0x1F480] =	vst v63  }
0x288: {  	_ =	swait.ge [sflag:s23], $0x2800  }
0x289: {  	[sflag:s23] =	ssyncset.done $0x0  }
0x28a: {  	[sflag:s23] =	ssyncadd.s32 $0xFFFFD800;
	s23 =	sld [smem:$0x7F9];
	_ =	sdelay $0x2  }
0x28b: {  	[hbm4b:s23+s4] =	stream.linear.scatter [tilespmem:s22], [sflag:$0x4], $0x2800, $0x38;
	[tilespmem:$0x1F480] =	vst v63  }
0x28c: {  	_ =	swait.ge [sflag:s25], $0x2800  }
0x28d: {  	s13 =	sld [smem:$0x7FB]  }
0x28e: {  	[sflag:s25] =	ssyncset.done $0x0  }
0x28f: {  	s22 =	simm.s32 @!p0 $0x1CC80;
	[sflag:s25] =	ssyncadd.s32 $0xFFFFD800  }
0x290: {  	[tilespmem:s22], [sflag:$0x5] =	stream.linear.gather @!p0 [spmem:s13], $0x2800, $0x38;
	[tilespmem:$0x1F480] =	vst v63  }
0x291: {  	s22 =	simm.s32 @!p0 $0x5  }
0x292: {  	_ =	swait.ge @!p0 [sflag:s22], $0x2800  }
0x293: {  	s23 =	sld [smem:$0x7FA]  }
0x294: {  	[sflag:s22] =	ssyncset.done @!p0 $0x0  }
0x295: {  	s13 =	simm.s32 @!p0 $0x1CC80;
	[sflag:s22] =	ssyncadd.s32 @!p0 $0xFFFFD800;
	s22 =	simm.s32 @!p0 $0x0  }
0x296: {  	[hbm4b:s23+s22] =	stream.linear.scatter @!p0 [tilespmem:s13], [sflag:$0x4], $0x2800, $0x38;
	[tilespmem:$0x1F480] =	vst v63  }
0x297: {  	s13 =	simm.s32 @!p0 $0x4  }
0x298: {  	_ =	swait.ge @!p0 [sflag:s13], $0x2800  }
0x299: {  	s22 =	sld [smem:$0x7FC];
	_ =	sdelay $0x2  }
0x29a: {  	s23 =	sadd.s32 $0x1, s22;
	s22 =	rddreg [dreg:$0x16]  }
0x29b: {  	p1 =	sne.s32 s23, s22  }
.Ltmp1:
0x29c: {  	_ = 	snop;
	(pc) =	sbr.rel @p1 .LBB2_1-.Ltmp1, $4  }
0x29d: {  	_ = 	snop  }
0x29e: {  	[sflag:s13] =	ssyncset.done @!p0 $0x0  }
0x29f: {  	[sflag:s13] =	ssyncadd.s32 @!p0 $0xFFFFD800;
	[smem:$0x7FC] =	sst s23  }
0x2a0: {  	s23 =	rddreg [dreg:$0x17];
	s22 =	smov.u32 s24;
	s24 =	simm.s32 $0x1CC80  }
0x2a1: {  	_ =	sfence.sel $0x180000  }
0x2a2: {  	[bflag:$0x0] =	sbarrier.arrive $0xFFFF  }
0x2a3: {  	_ =	strace $0x9000004A  }
0x2a4: {  	s0 =	stileid.u32;
	[bflag:$0x2] =	sbarrier.arrive $0xFFFF  }
0x2a5: {  	p0 =	sne.s32 s0, $0x0;
	s0 =	rddreg [dreg:$0x3]  }
0x2a6: {  	s0 =	sadd.s32 @!p0 $0x100000, s0  }
0x2a7: {  	[sflag:s0] =	ssyncadd.tile.s32 @!p0 $0x1;
	_ =	shalt  }
.Lfunc_end2:
_tile_overlayer_lowered:
.L_overlay_start_2:
0x2a8: {  	(tag) =	ssettag $0x2  }
0x2a9: {  	s0 =	rddreg [dreg:$0x0];
	s2 =	stileid.u32  }
0x2aa: {  	s1 =	rddreg [dreg:$0x1];
	p0 =	sne.s32 s2, $0x0  }
0x2ab: {  	s3 =	rddreg [dreg:$0x2];
	[bflag:$0x3] =	sbarrier.arrive $0xFFFF;
	s2 =	simm.s32 @!p0 $0x1C04  }
0x2ac: {  	[timem:s3], [sflag:s2] =	dma.local @!p0 [hbm:s0], s1  }
0x2ad: {  	s0 =	simm.s32 @!p0 $0x4  }
0x2ae: {  	_ =	swait.ge @!p0 [sflag:s0], s1  }
0x2af: {  	s1 =	ssub.s32 @!p0 $0x0, s1;
	[sflag:s0] =	ssyncset.done @!p0 $0x0  }
0x2b0: {  	[sflag:s0] =	ssyncadd.s32 @!p0 s1  }
0x2b1: {  	[bflag:$0x3] =	sbarrier.arrive $0xFFFF  }
0x2b2: {  	_ =	shalt  }

// kernel: kernel.14.cloned.1.call-start
scs
__scs_entry_jumppad:
0x0: {  	(pc) =	sbr.rel $0x88, $3  }
0x1: {  	(tag) =	ssettag $0x0;
	lr =	simm.s32 $0x1  }
0x2: {  	[smem:$0x3F9B] =	sst lr;
	_ =	strace $0xD0000000  }
0x3: {  	_ = 	snop  }
0x4: {  	_ = 	snop  }
0x5: {  	_ = 	snop  }
0x6: {  	_ = 	snop  }
0x7: {  	_ = 	snop  }
__scs_overlays_trampoline_lowered:
0x8: {  	[smem:$0x3FAA] =	sst s0  }
0x9: {  	[smem:$0x3FAB] =	sst s1  }
0xa: {  	[smem:$0x3FAC] =	sst s2  }
0xb: {  	[smem:$0x3FAD] =	sst s3  }
0xc: {  	[smem:$0x3FAE] =	sst s4  }
0xd: {  	[smem:$0x3FAF] =	sst s5  }
0xe: {  	[smem:$0x3FB0] =	sst s6  }
0xf: {  	[smem:$0x3FB1] =	sst s7  }
0x10: {  	[smem:$0x3FB2] =	sst s8  }
0x11: {  	[smem:$0x3FB3] =	sst s9;
	s0 =	simm.s32 @!p0 $0x0  }
0x12: {  	s1 =	sld [smem:$0x3F99];
	s0 =	simm.s32 @p0 $0x1  }
0x13: {  	[smem:$0x3FB4] =	sst s0;
	s0 =	simm.s32 @!p1 $0x0  }
0x14: {  	s2 =	sld [smem:$0x3F98];
	s0 =	simm.s32 @p1 $0x1  }
0x15: {  	[smem:$0x3FB5] =	sst s0;
	s0 =	simm.s32 @!p2 $0x0  }
0x16: {  	s3 =	sld [smem:$0x3FDB];
	s0 =	simm.s32 @p2 $0x1  }
0x17: {  	s4 =	simm.s32 $0x1BF5;
	[smem:$0x3FB7] =	sst s0  }
0x18: {  	s0 =	sld [smem:$0x3F9A];
	_ =	swait.ge [sflag:s4], $0x0  }
0x19: {  	s7 =	sld [smem:$0x3F9B]  }
0x1a: {  	s8 =	sadd.s32 $0xFFFFE003, lr  }
0x1b: {  	s9 =	sadd.s32 $0xFFFFFEF7, lr;
	s5 =	simm.s32 $0xFFFFFFFF;
	p2 =	slt.u32 s8, $0xFFFFF086  }
0x1c: {  	p1 =	slt.u32 s9, $0xF7A;
	s5 =	simm.s32 @!p2 $0x0  }
0x1d: {  	s5 =	simm.s32 @p1 $0x1;
	p0 =	seq.s32 s7, s2  }
0x1e: {  	s7 =	smul.u32 @!p0 $0xF7A, s2;
	p2 =	seq.s32 @!p0 s5, $0x0  }
0x1f: {  	s9 =	smul.u32 $0xF7A, s1;
	s8 =	simm.s32 @!p0 $0x1BF5;
	p2 =	por !p2, p0  }
0x20: {  	[sflag:s8] =	ssyncset.s32 @!p0 $0xFFFFF086;
	s6 =	sadd.s32 @!p0 s3, s7;
	s7 =	simm.s32 @!p0 $0x108  }
0x21: {  	s3 =	sadd.s32 s3, s9;
	s6 =	sadd.s32 @!p0 $0x88, s6;
	s7 =	simm.s32 @p2 $0x1082  }
0x22: {  	[simem:s7], [sflag:s8] =	dma.local @!p0 [hbm:s6], $0xF7A  }
0x23: {  	s9 =	sor.u32 $0xD0000000, s2;
	s6 =	simm.s32 $0x108;
	_ =	swait.ge @!p0 [sflag:s8], $0x0  }
0x24: {  	s3 =	sadd.s32 $0x88, s3;
	s6 =	simm.s32 @!p1 $0x1082;
	[sflag:s4] =	ssyncset.s32 $0xFFFFF086  }
0x25: {  	[simem:s6], [sflag:s4] =	dma.local [hbm:s3], $0xF7A  }
0x26: {  	[smem:$0x3F9B] =	sst s1;
	(tag) =	ssettag s2;
	_ =	strace s9  }
0x27: {  	s1 =	sld [smem:$0x3FAB]  }
0x28: {  	s2 =	sld [smem:$0x3FAC]  }
0x29: {  	s4 =	sld [smem:$0x3FAE]  }
0x2a: {  	p0 =	seq.s32 s5, $0x0;
	s5 =	sld [smem:$0x3FAF]  }
0x2b: {  	s6 =	sld [smem:$0x3FB0]  }
0x2c: {  	s7 =	sld [smem:$0x3FB1]  }
0x2d: {  	s3 =	simm.s32 $0x108;
	s8 =	sld [smem:$0x3FB2]  }
0x2e: {  	s3 =	simm.s32 @!p0 $0x1082;
	s9 =	sld [smem:$0x3FB3]  }
0x2f: {  	lr =	sadd.s32 s0, s3;
	s0 =	sld [smem:$0x3FAA]  }
0x30: {  	s3 =	sld [smem:$0x3FAD]  }
0x31: {  	[smem:$0x3FB6] =	sst s10  }
0x32: {  	s10 =	sld [smem:$0x3FB4];
	_ =	sdelay $0x3  }
0x33: {  	p0 =	seq.s32 s10, $0x1;
	s10 =	sld [smem:$0x3FB6];
	_ =	sdelay $0x3  }
0x34: {  	[smem:$0x3FB6] =	sst s10  }
0x35: {  	s10 =	sld [smem:$0x3FB5];
	_ =	sdelay $0x3  }
0x36: {  	p1 =	seq.s32 s10, $0x1;
	s10 =	sld [smem:$0x3FB6];
	_ =	sdelay $0x3  }
0x37: {  	[smem:$0x3FB6] =	sst s10  }
0x38: {  	s10 =	sld [smem:$0x3FB7]  }
0x39: {  	_ = 	snop;
	(pc) =	sbr.ind lr, $3  }
0x3a: {  	_ = 	snop  }
0x3b: {  	_ = 	snop  }
0x3c: {  	p2 =	seq.s32 s10, $0x1;
	s10 =	sld [smem:$0x3FB6]  }
0x3d: {  	_ =	shalt  }
0x3e: {  	_ =	shalt  }
0x3f: {  	_ =	shalt  }
0x40: {  	_ =	shalt  }
0x41: {  	_ =	shalt  }
0x42: {  	_ =	shalt  }
0x43: {  	_ =	shalt  }
0x44: {  	_ =	shalt  }
0x45: {  	_ =	shalt  }
0x46: {  	_ =	shalt  }
0x47: {  	_ =	shalt  }
0x48: {  	_ =	shalt  }
0x49: {  	_ =	shalt  }
0x4a: {  	_ =	shalt  }
0x4b: {  	_ =	shalt  }
0x4c: {  	_ =	shalt  }
0x4d: {  	_ =	shalt  }
0x4e: {  	_ =	shalt  }
0x4f: {  	_ =	shalt  }
0x50: {  	_ =	shalt  }
0x51: {  	_ =	shalt  }
0x52: {  	_ =	shalt  }
0x53: {  	_ =	shalt  }
0x54: {  	_ =	shalt  }
0x55: {  	_ =	shalt  }
0x56: {  	_ =	shalt  }
0x57: {  	_ =	shalt  }
0x58: {  	_ =	shalt  }
0x59: {  	_ =	shalt  }
0x5a: {  	_ =	shalt  }
0x5b: {  	_ =	shalt  }
0x5c: {  	_ =	shalt  }
0x5d: {  	_ =	shalt  }
0x5e: {  	_ =	shalt  }
0x5f: {  	_ =	shalt  }
0x60: {  	_ =	shalt  }
0x61: {  	_ =	shalt  }
0x62: {  	_ =	shalt  }
0x63: {  	_ =	shalt  }
0x64: {  	_ =	shalt  }
0x65: {  	_ =	shalt  }
0x66: {  	_ =	shalt  }
0x67: {  	_ =	shalt  }
0x68: {  	_ =	shalt  }
0x69: {  	_ =	shalt  }
0x6a: {  	_ =	shalt  }
0x6b: {  	_ =	shalt  }
0x6c: {  	_ =	shalt  }
0x6d: {  	_ =	shalt  }
0x6e: {  	_ =	shalt  }
0x6f: {  	_ =	shalt  }
0x70: {  	_ =	shalt  }
0x71: {  	_ =	shalt  }
0x72: {  	_ =	shalt  }
0x73: {  	_ =	shalt  }
0x74: {  	_ =	shalt  }
0x75: {  	_ =	shalt  }
0x76: {  	_ =	shalt  }
0x77: {  	_ =	shalt  }
0x78: {  	_ =	shalt  }
0x79: {  	_ =	shalt  }
0x7a: {  	_ =	shalt  }
0x7b: {  	_ =	shalt  }
0x7c: {  	_ =	shalt  }
0x7d: {  	_ =	shalt  }
0x7e: {  	_ =	shalt  }
0x7f: {  	_ =	shalt  }
0x80: {  	_ =	shalt  }
0x81: {  	_ =	shalt  }
0x82: {  	_ =	shalt  }
0x83: {  	_ =	shalt  }
0x84: {  	_ =	shalt  }
0x85: {  	_ =	shalt  }
0x86: {  	_ =	shalt  }
0x87: {  	_ =	shalt  }
.Lfunc_end0:
.L_simem_size_0:
called_computation.2_lowered:
.L_overlay_start_0:
0x88: {  	s2 =	sld [smem:$0x3FD9]  }
0x89: {  	s3 =	sld [smem:$0x3FFE];
	_ =	sdelay $0x1  }
0x8a: {  	s1 =	srdreg.scid  }
0x8b: {  	s0 =	sand.u32 $0x1, s1  }
0x8c: {  	s17 =	sshll.u32 s0, $0xA;
	s2 =	sadd.s32 s3, s2  }
0x8d: {  	s2 =	sadd.s32 s2, s17  }
0x8e: {  	[smem:$0x3FC2] =	sst s2  }
0x8f: {  	_ = 	snop  }
0x90: {  	s2 =	sld [smem:$0x3FD0];
	(tm) =	ssettm $0x1  }
0x91: {  	s18 =	sld [smem:$0x3FFB];
	_ =	sdelay $0x3  }
0x92: {  	_ =	strace s18  }
0x93: {  	s3 =	sld [smem:$0x3FFC];
	_ =	sdelay $0x3  }
0x94: {  	_ =	strace s3  }
0x95: {  	s3 =	sld [smem:$0x3FFD];
	_ =	sdelay $0x3  }
0x96: {  	_ =	strace s3  }
0x97: {  	_ =	strace $0x8FFFFFFF  }
0x98: {  	s19 =	sld [smem:$0x3FDB];
	_ =	sdelay $0x1  }
0x99: {  	s4 =	simm.s32 $_scs_section_size  }
0x9a: {  	s5 =	simm.s32 $_size__tile_overlayer_lowered;
	s6 =	simm.s32 $_tile_overlayer_lowered  }
0x9b: {  	s22 =	simm.s32 $0x1BFF;
	s21 =	sshll.u32 s6, $0x1;
	s3 =	sadd.s32 s4, s19  }
0x9c: {  	s7 =	simm.s32 $0x0;
	s20 =	sshll.u32 s5, $0x1;
	s5 =	sadd.s32 s21, s3  }
0x9d: {  	[timem:s7], [sflag:s22] =	dma.local [hbm:s5], s20  }
0x9e: {  	_ =	swait.ge [sflag:s22], s20  }
0x9f: {  	s4 =	ssub.s32 $0x0, s20;
	[sflag:s22] =	ssyncset.done $0x0  }
0xa0: {  	[sflag:s22] =	ssyncadd.s32 s4;
	_ =	sdelay $0x1  }
0xa1: {  	s23 =	simm.s32 $0x1B8B  }
0xa2: {  	_ =	swait.ge [sflag:s23], $0x1  }
0xa3: {  	[sflag:s23] =	ssyncset.done $0x0  }
0xa4: {  	s25 =	simm.s32 $0x1B8E;
	s24 =	sld [smem:$0x3FFE];
	[sflag:s23] =	ssyncadd.s32 $0xFFFFFFFF  }
0xa5: {  	s26 =	simm.s32 $execute0_lowered;
	[smem:$0x3FD2] =	sst s25  }
0xa6: {  	s5 =	sshll.u32 s26, $0x1;
	_ =	strace $0x8000004C;
	[dreg:$0x1] =	wrdreg $0xFFFFFFFF  }
0xa7: {  	s28 =	simm.s32 $_size_execute0_lowered;
	s3 =	sadd.s32 s3, s5;
	[dreg:$0x0] =	wrdreg $0x0  }
0xa8: {  	s5 =	sshll.u32 s28, $0x1;
	[dreg:$0x2] =	wrdreg s3  }
0xa9: {  	[dreg:$0x3] =	wrdreg s5  }
0xaa: {  	[dreg:$0x4] =	wrdreg $0xC0  }
0xab: {  	_ =	task [dreg:s7], $0x5FFFF  }
0xac: {  	[dreg:$0x1] =	wrdreg $0xFFFFFFFF  }
0xad: {  	[dreg:$0x0] =	wrdreg $0x60  }
0xae: {  	[dreg:$0x2] =	wrdreg s2  }
0xaf: {  	[dreg:$0x3] =	wrdreg s24  }
0xb0: {  	[dreg:$0x4] =	wrdreg $0x0  }
0xb1: {  	[dreg:$0x5] =	wrdreg $0x9  }
0xb2: {  	_ =	task.clear_ibuf [dreg:s7], $0x6FFFF;
	_ =	strace $0x9000004C  }
0xb3: {  	s29 =	simm.s32 $0x9;
	_ =	strace $0x8000004E  }
0xb4: {  	_ =	swait.ge [sflag:s29], $0x1  }
0xb5: {  	[sflag:s29] =	ssyncadd.s32 $0xFFFFFFFF  }
0xb6: {  	_ =	strace $0x9000004E  }
0xb7: {  	_ =	sfence  }
0xb8: {  	s30 =	sld [smem:$0x0];
	_ =	sdelay $0x2  }
0xb9: {  	s31 =	sshll.u32 s1, $0xD;
	s1 =	sshrl.u32 s1, $0x2  }
0xba: {  	s3 =	sand.u32 $0x4000, s31;
	s1 =	sadd.s32 s1, s30  }
0xbb: {  	s0 =	sor.u32 s3, s0;
	s1 =	sshll.u32 s1, $0x11  }
0xbc: {  	s0 =	sor.u32 s1, s0  }
0xbd: {  	s0 =	sadd.s32 $0x8F2B, s0  }
0xbe: {  	[sflag:s0] =	ssyncadd.remote.s32 $0x1  }
0xbf: {  	_ =	sfence.sel $0xFFFF  }
0xc0: {  	[dreg:$0x0] =	wrdreg $0xFFFFFFFF;
	(pc) =	sbr.abs _section_cstart, $3  }
0xc1: {  	[dreg:$0x1] =	wrdreg $0xFFFFFFFF  }
0xc2: {  	_ =	task.clear_ibuf [dreg:s7], $0x2FFFF;
	_ =	strace $0x9FFFFFFF  }
0xc3: {  	(tm) =	ssettm $0x7FFFFFFF  }
tec
execute0_lowered:
.L_overlay_start_1:
0x0: {  	(tag) =	ssettag $0x1  }
0x1: {  	s24 =	stileid.u32  }
0x2: {  	s9 =	smul.u32 $0x2800, s24  }
0x3: {  	s0 =	srdreg.scid;
	s25 =	smul.u32 $0xB00, s24  }
0x4: {  	s2 =	sand.u32 $0x1, s0;
	s26 =	smul.u32 $0xA000, s24  }
0x5: {  	s8 =	sor.u32 $0x10, s24;
	s7 =	smul.u32 $0x138800, s2  }
0x6: {  	s11 =	sor.u32 $0x20, s24;
	s12 =	smul.u32 $0x2800, s8  }
0x7: {  	s1 =	rddreg [dreg:$0x0];
	s13 =	sor.u32 $0x30, s24;
	s14 =	smul.u32 $0x2800, s11  }
0x8: {  	s5 =	rddreg [dreg:$0x1];
	s16 =	sor.u32 $0x40, s24;
	s17 =	smul.u32 $0x2800, s13  }
0x9: {  	s3 =	rddreg [dreg:$0x2];
	s18 =	sor.u32 $0x50, s24;
	s19 =	smul.u32 $0x2800, s16  }
0xa: {  	s4 =	simm.s32 $0x0;
	s20 =	sor.u32 $0x60, s24;
	s21 =	smul.u32 $0x2800, s18  }
0xb: {  	s28 =	simm.s32 $0x14480;
	s29 =	simm.s32 $0x80;
	s22 =	smul.u32 $0x2800, s20  }
0xc: {  	s0 =	sshll.u32 s2, $0x4;
	s23 =	ssub.s32 $0x2, s2;
	s2 =	smul.u32 $0xB000, s2  }
0xd: {  	s30 =	simm.s32 $0x14C80;
	s31 =	simm.s32 $0x13D00;
	s8 =	smul.u32 $0xA000, s8  }
0xe: {  	[smem:$0x7FF] =	sst s4;
	s10 =	sadd.s32 $0x3600, s5;
	s13 =	smul.u32 $0xA000, s13  }
0xf: {  	s18 =	smul.u32 $0xA000, s18;
	s0 =	sor.u32 s24, s0;
	s15 =	sshrl.u32 s23, $0x1  }
0x10: {  	_ =	strace $0x8000004D;
	s6 =	smul.u32 $0xB00, s0;
	s15 =	ssub.s32 s23, s15  }
0x11: {  	s0 =	sor.u32 $0x70, s24;
	s9 =	sadd.s32 s7, s9;
	s12 =	sadd.s32 s7, s12  }
0x12: {  	s14 =	sadd.s32 s7, s14;
	s17 =	sadd.s32 s7, s17;
	s19 =	sadd.s32 s7, s19  }
0x13: {  	s21 =	sadd.s32 s7, s21;
	s22 =	sadd.s32 s7, s22;
	s2 =	sadd.s32 s2, s10  }
0x14: {  	s24 =	sadd.s32 $0x2600, s5;
	s5 =	sadd.s32 $0x19600, s5;
	s8 =	sshrl.u32 s8, $0x2  }
0x15: {  	s23 =	smul.u32 $0x2800, s0;
	[dreg:$0x15] =	wrdreg s24;
	s8 =	sadd.s32 s8, s3  }
0x16: {  	s2 =	sadd.s32 s25, s2;
	s25 =	smul.u32 $0xA000, s11;
	[dreg:$0x18] =	wrdreg s8  }
0x17: {  	s11 =	simm.s32 $0x14900;
	p0 =	sgt.u32 s0, $0x7C;
	[dreg:$0x4] =	wrdreg s2  }
0x18: {  	s6 =	sadd.s32 s10, s6;
	[dreg:$0x8] =	wrdreg s11;
	s2 =	simm.s32 $0x18C80  }
0x19: {  	s11 =	simm.s32 $0x14400;
	s7 =	sadd.s32 s7, s23;
	[dreg:$0x14] =	wrdreg s6  }
0x1a: {  	s6 =	sshrl.u32 s26, $0x2;
	s26 =	smax.u32 s15, $0x1;
	s15 =	smul.u32 $0xA000, s16  }
0x1b: {  	s10 =	sshrl.u32 s25, $0x2;
	s25 =	smul.u32 $0xA000, s20;
	s20 =	sshrl.u32 s17, $0x3  }
0x1c: {  	s17 =	simm.s32 $0x14700;
	[dreg:$0x16] =	wrdreg s26;
	s23 =	sadd.s32 s6, s3  }
0x1d: {  	s16 =	sadd.s32 s10, s3;
	s6 =	sshrl.u32 s13, $0x2;
	[dreg:$0xd] =	wrdreg s17  }
0x1e: {  	s13 =	sshrl.u32 s9, $0x3;
	s9 =	simm.s32 $0x14580;
	[dreg:$0x19] =	wrdreg s16  }
0x1f: {  	s10 =	sshrl.u32 s18, $0x2;
	s7 =	sshrl.u32 s7, $0x3;
	[dreg:$0x7] =	wrdreg s9  }
0x20: {  	s17 =	simm.s32 $0x13E80;
	s6 =	sadd.s32 s6, s3;
	[dreg:$0x17] =	wrdreg s23  }
0x21: {  	s24 =	sshrl.u32 s15, $0x2;
	s8 =	sadd.s32 s5, s13;
	[dreg:$0x1a] =	wrdreg s6  }
0x22: {  	s15 =	sshrl.u32 s12, $0x3;
	s12 =	simm.s32 $0x14600;
	[dreg:$0x1d] =	wrdreg s8  }
0x23: {  	s16 =	sshrl.u32 s14, $0x3;
	s14 =	simm.s32 $0x14980;
	[dreg:$0x9] =	wrdreg s12  }
0x24: {  	s13 =	sshrl.u32 s22, $0x3;
	s26 =	sadd.s32 s24, s3;
	[dreg:$0xa] =	wrdreg s14  }
0x25: {  	s9 =	simm.s32 $0x14000;
	s6 =	sadd.s32 s10, s3;
	[dreg:$0x1b] =	wrdreg s26  }
0x26: {  	s8 =	sadd.s32 s5, s15;
	s18 =	sadd.s32 s5, s16;
	[dreg:$0x1c] =	wrdreg s6  }
0x27: {  	s24 =	simm.s32 $0x14500;
	s10 =	sshrl.u32 s21, $0x3;
	[dreg:$0x1e] =	wrdreg s8  }
0x28: {  	s15 =	simm.s32 $0x14680;
	s16 =	simm.s32 $0x14A00;
	[dreg:$0x1f] =	wrdreg s18  }
0x29: {  	s21 =	simm.s32 $0x14B00;
	s14 =	simm.s32 $0x14100;
	[dreg:$0x5] =	wrdreg s24  }
0x2a: {  	s12 =	simm.s32 $0x3;
	s6 =	sshrl.u32 s25, $0x2;
	[dreg:$0xb] =	wrdreg s15  }
0x2b: {  	s8 =	sadd.s32 s5, s20;
	s25 =	sshrl.u32 s19, $0x3;
	[dreg:$0xc] =	wrdreg s16  }
0x2c: {  	s26 =	simm.s32 $0x14880;
	s18 =	smul.u32 $0xA000, s0;
	[dreg:$0x10] =	wrdreg s21  }
0x2d: {  	s19 =	simm.s32 $0x14A80;
	s20 =	simm.s32 $0x14780;
	[smem:$0x7F6] =	sst s8  }
0x2e: {  	s24 =	simm.s32 $0x14800;
	s0 =	simm.s32 $0x1;
	[dreg:$0x6] =	wrdreg s26  }
0x2f: {  	s15 =	simm.s32 $0x13E00;
	s16 =	simm.s32 $0x14180;
	[dreg:$0xe] =	wrdreg s19  }
0x30: {  	s21 =	simm.s32 $0x13F80;
	s8 =	sadd.s32 s5, s25;
	[dreg:$0xf] =	wrdreg s20  }
0x31: {  	s22 =	sadd.s32 s6, s3;
	[dreg:$0x11] =	wrdreg s24;
	s25 =	simm.s32 $0x14B80  }
0x32: {  	s24 =	simm.s32 $0x1CC80;
	s26 =	simm.s32 $0x14C00;
	[smem:$0x7F7] =	sst s8  }
0x33: {  	s6 =	simm.s32 $0x13D80;
	s19 =	simm.s32 $0x13F00;
	[dreg:$0x12] =	wrdreg s25  }
0x34: {  	s20 =	simm.s32 $0x14280;
	s8 =	sadd.s32 s5, s10;
	[dreg:$0x13] =	wrdreg s26  }
0x35: {  	s25 =	simm.s32 $0x4;
	s26 =	simm.s32 $0x13C80;
	[smem:$0x7FD] =	sst s22  }
0x36: {  	s10 =	simm.s32 $0x14380;
	[smem:$0x7F8] =	sst s8;
	s8 =	sadd.s32 s5, s13  }
0x37: {  	s5 =	sadd.s32 s5, s7;
	s7 =	simm.s32 $0x2;
	[smem:$0x7F9] =	sst s8  }
0x38: {  	s13 =	simm.s32 $0x0;
	[smem:$0x7FA] =	sst s5;
	s5 =	sshrl.u32 s18, $0x2  }
0x39: {  	s18 =	simm.s32 $0x14200;
	[smem:$0x7FC] =	sst s13;
	s5 =	sadd.s32 s5, s3  }
0x3a: {  	s8 =	simm.s32 $0x14300;
	[smem:$0x7FB] =	sst s5;
	s5 =	simm.s32 $0x14080  }
.LBB2_1:
0x3b: {  	s13 =	rddreg [dreg:$0x15]  }
0x3c: {  	[tilespmem:s24], [sflag:$0x4] =	stream.linear.gather [hbm4b:s13+s4], $0x2800, $0x38;
	[tilespmem:$0x1F480] =	vst v63  }
0x3d: {  	_ =	swait.ge [sflag:s25], $0x2800  }
0x3e: {  	[sflag:s25] =	ssyncset.done $0x0  }
0x3f: {  	[sflag:s25] =	ssyncadd.s32 $0xFFFFD800  }
0x40: {  	[spmem:s23] =	stream.linear.scatter [tilespmem:s24], [sflag:$0x4], $0x2800, $0x38;
	[tilespmem:$0x1F480] =	vst v63  }
0x41: {  	_ =	swait.ge [sflag:s25], $0x2800  }
0x42: {  	[sflag:s25] =	ssyncset.done $0x0  }
0x43: {  	s23 =	rddreg [dreg:$0x18];
	[sflag:s25] =	ssyncadd.s32 $0xFFFFD800  }
0x44: {  	[spmem:s23] =	stream.linear.scatter [tilespmem:s24], [sflag:$0x4], $0x2800, $0x38;
	[tilespmem:$0x1F480] =	vst v63  }
0x45: {  	_ =	swait.ge [sflag:s25], $0x2800  }
0x46: {  	[sflag:s25] =	ssyncset.done $0x0  }
0x47: {  	s23 =	rddreg [dreg:$0x19];
	[sflag:s25] =	ssyncadd.s32 $0xFFFFD800  }
0x48: {  	[spmem:s23] =	stream.linear.scatter [tilespmem:s24], [sflag:$0x4], $0x2800, $0x38;
	[tilespmem:$0x1F480] =	vst v63  }
0x49: {  	_ =	swait.ge [sflag:s25], $0x2800  }
0x4a: {  	[sflag:s25] =	ssyncset.done $0x0  }
0x4b: {  	s23 =	rddreg [dreg:$0x1a];
	[sflag:s25] =	ssyncadd.s32 $0xFFFFD800  }
0x4c: {  	[spmem:s23] =	stream.linear.scatter [tilespmem:s24], [sflag:$0x4], $0x2800, $0x38;
	[tilespmem:$0x1F480] =	vst v63  }
0x4d: {  	_ =	swait.ge [sflag:s25], $0x2800  }
0x4e: {  	[sflag:s25] =	ssyncset.done $0x0  }
0x4f: {  	s23 =	rddreg [dreg:$0x1b];
	[sflag:s25] =	ssyncadd.s32 $0xFFFFD800  }
0x50: {  	[spmem:s23] =	stream.linear.scatter [tilespmem:s24], [sflag:$0x4], $0x2800, $0x38;
	[tilespmem:$0x1F480] =	vst v63  }
0x51: {  	_ =	swait.ge [sflag:s25], $0x2800  }
0x52: {  	[sflag:s25] =	ssyncset.done $0x0  }
0x53: {  	s23 =	rddreg [dreg:$0x1c];
	[sflag:s25] =	ssyncadd.s32 $0xFFFFD800  }
0x54: {  	[spmem:s23] =	stream.linear.scatter [tilespmem:s24], [sflag:$0x4], $0x2800, $0x38;
	[tilespmem:$0x1F480] =	vst v63  }
0x55: {  	_ =	swait.ge [sflag:s25], $0x2800  }
0x56: {  	[sflag:s25] =	ssyncset.done $0x0  }
0x57: {  	[sflag:s25] =	ssyncadd.s32 $0xFFFFD800  }
0x58: {  	[spmem:s22] =	stream.linear.scatter [tilespmem:s24], [sflag:$0x4], $0x2800, $0x38;
	[tilespmem:$0x1F480] =	vst v63  }
0x59: {  	_ =	swait.ge [sflag:s25], $0x2800  }
0x5a: {  	s22 =	sld [smem:$0x7FB]  }
0x5b: {  	[sflag:s25] =	ssyncset.done $0x0  }
0x5c: {  	s13 =	simm.s32 @!p0 $0x1CC80;
	[sflag:s25] =	ssyncadd.s32 $0xFFFFD800  }
0x5d: {  	[spmem:s22] =	stream.linear.scatter @!p0 [tilespmem:s13], [sflag:$0x4], $0x2800, $0x38;
	[tilespmem:$0x1F480] =	vst v63  }
0x5e: {  	s13 =	simm.s32 @!p0 $0x4  }
0x5f: {  	_ =	swait.ge @!p0 [sflag:s13], $0x2800  }
0x60: {  	[sflag:s13] =	ssyncset.done @!p0 $0x0  }
0x61: {  	[sflag:s13] =	ssyncadd.s32 @!p0 $0xFFFFD800  }
0x62: {  	[bflag:$0x0] =	sbarrier.arrive $0xFFFF  }
0x63: {  	s22 =	rddreg [dreg:$0x14]  }
0x64: {  	[tilespmem:s26], [sflag:$0x4] =	stream.linear.gather [hbm4b:s22+s4], $0x800, $0x38;
	[tilespmem:$0x1F480] =	vst v63  }
0x65: {  	_ =	swait.ge [sflag:s25], $0x800  }
0x66: {  	s23 =	rddreg [dreg:$0x4]  }
0x67: {  	[sflag:s25] =	ssyncset.done $0x0;
	s13 =	sadd.s32 $0xFFFFF600, s23  }
0x68: {  	[sflag:s25] =	ssyncadd.s32 $0xFFFFF800;
	s24 =	sadd.s32 $0xB00, s13  }
0x69: {  	[tilespmem:s28], [sflag:$0x3] =	stream.linear.gather [hbm4b:s24+s4], $0x800, $0x38;
	[tilespmem:$0x1F480] =	vst v63  }
0x6a: {  	_ = 	snop  }
0x6b: {  	[tilespmem:s30], [sflag:$0x1] =	stream.indirect.gather [hbm4b:s1+s29], $0x80, s26, s29, $0xb8;
	[tilespmem:$0x1F480] =	vst v63  }
0x6c: {  	_ = 	snop  }
0x6d: {  	[tilespmem:s2], [sflag:$0x2] =	stream.indirect.gather [hbm4b:s1+s29], $0x80, s31, s29, $0xb8;
	[tilespmem:$0x1F480] =	vst v63  }
0x6e: {  	_ =	swait.ge [sflag:s0], $0x4000  }
0x6f: {  	[sflag:s0] =	ssyncset.done $0x0  }
0x70: {  	[sflag:s0] =	ssyncadd.s32 $0xFFFFC000  }
0x71: {  	[spmem:s3] =	stream.indirect.scatter.add.f32 [tilespmem:s30], [sflag:$0x4], $0x80, s5, s29, $0xb8;
	[tilespmem:$0x1F480] =	vst v63  }
0x72: {  	_ =	swait.ge [sflag:s25], $0x4000  }
0x73: {  	[sflag:s25] =	ssyncset.done $0x0  }
0x74: {  	[sflag:s25] =	ssyncadd.s32 $0xFFFFC000  }
0x75: {  	[tilespmem:s30], [sflag:$0x1] =	stream.indirect.gather [hbm4b:s1+s29], $0x80, s6, s29, $0xb8;
	[tilespmem:$0x1F480] =	vst v63  }
0x76: {  	_ =	swait.ge [sflag:s7], $0x4000  }
0x77: {  	[sflag:s7] =	ssyncset.done $0x0  }
0x78: {  	[sflag:s7] =	ssyncadd.s32 $0xFFFFC000  }
0x79: {  	[spmem:s3] =	stream.indirect.scatter.add.f32 [tilespmem:s2], [sflag:$0x4], $0x80, s14, s29, $0xb8;
	[tilespmem:$0x1F480] =	vst v63  }
0x7a: {  	_ =	swait.ge [sflag:s25], $0x4000  }
0x7b: {  	[sflag:s25] =	ssyncset.done $0x0  }
0x7c: {  	[sflag:s25] =	ssyncadd.s32 $0xFFFFC000  }
0x7d: {  	[tilespmem:s2], [sflag:$0x2] =	stream.indirect.gather [hbm4b:s1+s29], $0x80, s15, s29, $0xb8;
	[tilespmem:$0x1F480] =	vst v63  }
0x7e: {  	_ =	swait.ge [sflag:s0], $0x4000  }
0x7f: {  	[sflag:s0] =	ssyncset.done $0x0  }
0x80: {  	[sflag:s0] =	ssyncadd.s32 $0xFFFFC000  }
0x81: {  	[spmem:s3] =	stream.indirect.scatter.add.f32 [tilespmem:s30], [sflag:$0x4], $0x80, s16, s29, $0xb8;
	[tilespmem:$0x1F480] =	vst v63  }
0x82: {  	_ =	swait.ge [sflag:s25], $0x4000  }
0x83: {  	[sflag:s25] =	ssyncset.done $0x0  }
0x84: {  	[sflag:s25] =	ssyncadd.s32 $0xFFFFC000  }
0x85: {  	[tilespmem:s30], [sflag:$0x1] =	stream.indirect.gather [hbm4b:s1+s29], $0x80, s17, s29, $0xb8;
	[tilespmem:$0x1F480] =	vst v63  }
0x86: {  	_ =	swait.ge [sflag:s7], $0x4000  }
0x87: {  	[sflag:s7] =	ssyncset.done $0x0  }
0x88: {  	[sflag:s7] =	ssyncadd.s32 $0xFFFFC000  }
0x89: {  	[spmem:s3] =	stream.indirect.scatter.add.f32 [tilespmem:s2], [sflag:$0x4], $0x80, s18, s29, $0xb8;
	[tilespmem:$0x1F480] =	vst v63  }
0x8a: {  	_ =	swait.ge [sflag:s25], $0x4000  }
0x8b: {  	[sflag:s25] =	ssyncset.done $0x0  }
0x8c: {  	[sflag:s25] =	ssyncadd.s32 $0xFFFFC000  }
0x8d: {  	[tilespmem:s2], [sflag:$0x2] =	stream.indirect.gather [hbm4b:s1+s29], $0x80, s19, s29, $0xb8;
	[tilespmem:$0x1F480] =	vst v63  }
0x8e: {  	_ =	swait.ge [sflag:s0], $0x4000  }
0x8f: {  	[sflag:s0] =	ssyncset.done $0x0  }
0x90: {  	[sflag:s0] =	ssyncadd.s32 $0xFFFFC000  }
0x91: {  	[spmem:s3] =	stream.indirect.scatter.add.f32 [tilespmem:s30], [sflag:$0x4], $0x80, s20, s29, $0xb8;
	[tilespmem:$0x1F480] =	vst v63  }
0x92: {  	_ =	swait.ge [sflag:s25], $0x4000  }
0x93: {  	[sflag:s25] =	ssyncset.done $0x0  }
0x94: {  	[sflag:s25] =	ssyncadd.s32 $0xFFFFC000  }
0x95: {  	[tilespmem:s30], [sflag:$0x1] =	stream.indirect.gather [hbm4b:s1+s29], $0x80, s21, s29, $0xb8;
	[tilespmem:$0x1F480] =	vst v63  }
0x96: {  	_ =	swait.ge [sflag:s7], $0x4000  }
0x97: {  	[sflag:s7] =	ssyncset.done $0x0  }
0x98: {  	[sflag:s7] =	ssyncadd.s32 $0xFFFFC000  }
0x99: {  	[spmem:s3] =	stream.indirect.scatter.add.f32 [tilespmem:s2], [sflag:$0x4], $0x80, s8, s29, $0xb8;
	[tilespmem:$0x1F480] =	vst v63  }
0x9a: {  	_ =	swait.ge [sflag:s25], $0x4000  }
0x9b: {  	[sflag:s25] =	ssyncset.done $0x0  }
0x9c: {  	[sflag:s25] =	ssyncadd.s32 $0xFFFFC000  }
0x9d: {  	[tilespmem:s2], [sflag:$0x2] =	stream.indirect.gather [hbm4b:s1+s29], $0x80, s9, s29, $0xb8;
	[tilespmem:$0x1F480] =	vst v63  }
0x9e: {  	_ =	swait.ge [sflag:s0], $0x4000  }
0x9f: {  	[sflag:s0] =	ssyncset.done $0x0  }
0xa0: {  	[sflag:s0] =	ssyncadd.s32 $0xFFFFC000  }
0xa1: {  	[spmem:s3] =	stream.indirect.scatter.add.f32 [tilespmem:s30], [sflag:$0x4], $0x80, s10, s29, $0xb8;
	[tilespmem:$0x1F480] =	vst v63  }
0xa2: {  	_ =	swait.ge [sflag:s25], $0x4000  }
0xa3: {  	[sflag:s25] =	ssyncset.done $0x0  }
0xa4: {  	[sflag:s25] =	ssyncadd.s32 $0xFFFFC000  }
0xa5: {  	_ =	swait.ge [sflag:s7], $0x4000  }
0xa6: {  	[sflag:s7] =	ssyncset.done $0x0  }
0xa7: {  	[sflag:s7] =	ssyncadd.s32 $0xFFFFC000  }
0xa8: {  	[spmem:s3] =	stream.indirect.scatter.add.f32 [tilespmem:s2], [sflag:$0x4], $0x80, s11, s29, $0xb8;
	[tilespmem:$0x1F480] =	vst v63  }
0xa9: {  	_ =	swait.ge [sflag:s25], $0x4000  }
0xaa: {  	[sflag:s25] =	ssyncset.done $0x0  }
0xab: {  	[sflag:s25] =	ssyncadd.s32 $0xFFFFC000  }
0xac: {  	_ =	swait.ge [sflag:s12], $0x800  }
0xad: {  	[sflag:s12] =	ssyncset.done $0x0  }
0xae: {  	s13 =	sadd.s32 $0xC00, s13;
	[sflag:s12] =	ssyncadd.s32 $0xFFFFF800  }
0xaf: {  	[tilespmem:s26], [sflag:$0x3] =	stream.linear.gather [hbm4b:s13+s4], $0x800, $0x38;
	[tilespmem:$0x1F480] =	vst v63  }
0xb0: {  	_ = 	snop  }
0xb1: {  	[tilespmem:s30], [sflag:$0x1] =	stream.indirect.gather [hbm4b:s1+s29], $0x80, s28, s29, $0xb8;
	[tilespmem:$0x1F480] =	vst v63  }
0xb2: {  	s22 =	rddreg [dreg:$0x5]  }
0xb3: {  	[tilespmem:s2], [sflag:$0x2] =	stream.indirect.gather [hbm4b:s1+s29], $0x80, s22, s29, $0xb8;
	[tilespmem:$0x1F480] =	vst v63  }
0xb4: {  	_ =	swait.ge [sflag:s0], $0x4000  }
0xb5: {  	[sflag:s0] =	ssyncset.done $0x0  }
0xb6: {  	s23 =	rddreg [dreg:$0x6];
	[sflag:s0] =	ssyncadd.s32 $0xFFFFC000  }
0xb7: {  	[spmem:s3] =	stream.indirect.scatter.add.f32 [tilespmem:s30], [sflag:$0x4], $0x80, s23, s29, $0xb8;
	[tilespmem:$0x1F480] =	vst v63  }
0xb8: {  	_ =	swait.ge [sflag:s25], $0x4000  }
0xb9: {  	[sflag:s25] =	ssyncset.done $0x0  }
0xba: {  	s24 =	rddreg [dreg:$0x7];
	[sflag:s25] =	ssyncadd.s32 $0xFFFFC000  }
0xbb: {  	[tilespmem:s30], [sflag:$0x1] =	stream.indirect.gather [hbm4b:s1+s29], $0x80, s24, s29, $0xb8;
	[tilespmem:$0x1F480] =	vst v63  }
0xbc: {  	_ =	swait.ge [sflag:s7], $0x4000  }
0xbd: {  	[sflag:s7] =	ssyncset.done $0x0  }
0xbe: {  	s22 =	rddreg [dreg:$0x8];
	[sflag:s7] =	ssyncadd.s32 $0xFFFFC000  }
0xbf: {  	[spmem:s3] =	stream.indirect.scatter.add.f32 [tilespmem:s2], [sflag:$0x4], $0x80, s22, s29, $0xb8;
	[tilespmem:$0x1F480] =	vst v63  }
0xc0: {  	_ =	swait.ge [sflag:s25], $0x4000  }
0xc1: {  	[sflag:s25] =	ssyncset.done $0x0  }
0xc2: {  	s23 =	rddreg [dreg:$0x9];
	[sflag:s25] =	ssyncadd.s32 $0xFFFFC000  }
0xc3: {  	[tilespmem:s2], [sflag:$0x2] =	stream.indirect.gather [hbm4b:s1+s29], $0x80, s23, s29, $0xb8;
	[tilespmem:$0x1F480] =	vst v63  }
0xc4: {  	_ =	swait.ge [sflag:s0], $0x4000  }
0xc5: {  	[sflag:s0] =	ssyncset.done $0x0  }
0xc6: {  	s24 =	rddreg [dreg:$0xa];
	[sflag:s0] =	ssyncadd.s32 $0xFFFFC000  }
0xc7: {  	[spmem:s3] =	stream.indirect.scatter.add.f32 [tilespmem:s30], [sflag:$0x4], $0x80, s24, s29, $0xb8;
	[tilespmem:$0x1F480] =	vst v63  }
0xc8: {  	_ =	swait.ge [sflag:s25], $0x4000  }
0xc9: {  	[sflag:s25] =	ssyncset.done $0x0  }
0xca: {  	s22 =	rddreg [dreg:$0xb];
	[sflag:s25] =	ssyncadd.s32 $0xFFFFC000  }
0xcb: {  	[tilespmem:s30], [sflag:$0x1] =	stream.indirect.gather [hbm4b:s1+s29], $0x80, s22, s29, $0xb8;
	[tilespmem:$0x1F480] =	vst v63  }
0xcc: {  	_ =	swait.ge [sflag:s7], $0x4000  }
0xcd: {  	[sflag:s7] =	ssyncset.done $0x0  }
0xce: {  	s23 =	rddreg [dreg:$0xc];
	[sflag:s7] =	ssyncadd.s32 $0xFFFFC000  }
0xcf: {  	[spmem:s3] =	stream.indirect.scatter.add.f32 [tilespmem:s2], [sflag:$0x4], $0x80, s23, s29, $0xb8;
	[tilespmem:$0x1F480] =	vst v63  }
0xd0: {  	_ =	swait.ge [sflag:s25], $0x4000  }
0xd1: {  	[sflag:s25] =	ssyncset.done $0x0  }
0xd2: {  	s24 =	rddreg [dreg:$0xd];
	[sflag:s25] =	ssyncadd.s32 $0xFFFFC000  }
0xd3: {  	[tilespmem:s2], [sflag:$0x2] =	stream.indirect.gather [hbm4b:s1+s29], $0x80, s24, s29, $0xb8;
	[tilespmem:$0x1F480] =	vst v63  }
0xd4: {  	_ =	swait.ge [sflag:s0], $0x4000  }
0xd5: {  	[sflag:s0] =	ssyncset.done $0x0  }
0xd6: {  	s22 =	rddreg [dreg:$0xe];
	[sflag:s0] =	ssyncadd.s32 $0xFFFFC000  }
0xd7: {  	[spmem:s3] =	stream.indirect.scatter.add.f32 [tilespmem:s30], [sflag:$0x4], $0x80, s22, s29, $0xb8;
	[tilespmem:$0x1F480] =	vst v63  }
0xd8: {  	_ =	swait.ge [sflag:s25], $0x4000  }
0xd9: {  	[sflag:s25] =	ssyncset.done $0x0  }
0xda: {  	s23 =	rddreg [dreg:$0xf];
	[sflag:s25] =	ssyncadd.s32 $0xFFFFC000  }
0xdb: {  	[tilespmem:s30], [sflag:$0x1] =	stream.indirect.gather [hbm4b:s1+s29], $0x80, s23, s29, $0xb8;
	[tilespmem:$0x1F480] =	vst v63  }
0xdc: {  	_ =	swait.ge [sflag:s7], $0x4000  }
0xdd: {  	[sflag:s7] =	ssyncset.done $0x0  }
0xde: {  	s24 =	rddreg [dreg:$0x10];
	[sflag:s7] =	ssyncadd.s32 $0xFFFFC000  }
0xdf: {  	[spmem:s3] =	stream.indirect.scatter.add.f32 [tilespmem:s2], [sflag:$0x4], $0x80, s24, s29, $0xb8;
	[tilespmem:$0x1F480] =	vst v63  }
0xe0: {  	_ =	swait.ge [sflag:s25], $0x4000  }
0xe1: {  	[sflag:s25] =	ssyncset.done $0x0  }
0xe2: {  	s22 =	rddreg [dreg:$0x11];
	[sflag:s25] =	ssyncadd.s32 $0xFFFFC000  }
0xe3: {  	[tilespmem:s2], [sflag:$0x2] =	stream.indirect.gather [hbm4b:s1+s29], $0x80, s22, s29, $0xb8;
	[tilespmem:$0x1F480] =	vst v63  }
0xe4: {  	_ =	swait.ge [sflag:s0], $0x4000  }
0xe5: {  	[sflag:s0] =	ssyncset.done $0x0  }
0xe6: {  	s23 =	rddreg [dreg:$0x12];
	[sflag:s0] =	ssyncadd.s32 $0xFFFFC000  }
0xe7: {  	[spmem:s3] =	stream.indirect.scatter.add.f32 [tilespmem:s30], [sflag:$0x4], $0x80, s23, s29, $0xb8;
	[tilespmem:$0x1F480] =	vst v63  }
0xe8: {  	_ =	swait.ge [sflag:s25], $0x4000  }
0xe9: {  	[sflag:s25] =	ssyncset.done $0x0  }
0xea: {  	[sflag:s25] =	ssyncadd.s32 $0xFFFFC000  }
0xeb: {  	_ =	swait.ge [sflag:s7], $0x4000  }
0xec: {  	[sflag:s7] =	ssyncset.done $0x0  }
0xed: {  	s24 =	rddreg [dreg:$0x13];
	[sflag:s7] =	ssyncadd.s32 $0xFFFFC000  }
0xee: {  	[spmem:s3] =	stream.indirect.scatter.add.f32 [tilespmem:s2], [sflag:$0x4], $0x80, s24, s29, $0xb8;
	[tilespmem:$0x1F480] =	vst v63  }
0xef: {  	_ =	swait.ge [sflag:s25], $0x4000  }
0xf0: {  	[sflag:s25] =	ssyncset.done $0x0  }
0xf1: {  	[sflag:s25] =	ssyncadd.s32 $0xFFFFC000  }
0xf2: {  	s22 =	simm.s32 $0xFFFFFA00;
	_ =	swait.ge [sflag:s12], $0x800  }
0xf3: {  	s23 =	simm.s32 $0xFFFFF800;
	s13 =	rddreg [dreg:$0x4];
	[sflag:s12] =	ssyncset.done $0x0  }
.LBB2_2:
0xf4: {  	s24 =	smov.u32 s22;
	s13 =	sadd.s32 s23, s13  }
0xf5: {  	[sflag:s12] =	ssyncadd.s32 $0xFFFFF800;
	s23 =	smov.u32 s24;
	s24 =	sadd.s32 $0xB00, s13  }
0xf6: {  	[tilespmem:s28], [sflag:$0x3] =	stream.linear.gather [hbm4b:s24+s4], $0x800, $0x38;
	[tilespmem:$0x1F480] =	vst v63  }
0xf7: {  	_ = 	snop  }
0xf8: {  	[tilespmem:s30], [sflag:$0x1] =	stream.indirect.gather [hbm4b:s1+s29], $0x80, s26, s29, $0xb8;
	[tilespmem:$0x1F480] =	vst v63  }
0xf9: {  	_ = 	snop  }
0xfa: {  	[tilespmem:s2], [sflag:$0x2] =	stream.indirect.gather [hbm4b:s1+s29], $0x80, s31, s29, $0xb8;
	[tilespmem:$0x1F480] =	vst v63  }
0xfb: {  	_ =	swait.ge [sflag:s0], $0x4000  }
0xfc: {  	[sflag:s0] =	ssyncset.done $0x0  }
0xfd: {  	[sflag:s0] =	ssyncadd.s32 $0xFFFFC000  }
0xfe: {  	[spmem:s3] =	stream.indirect.scatter.add.f32 [tilespmem:s30], [sflag:$0x4], $0x80, s5, s29, $0xb8;
	[tilespmem:$0x1F480] =	vst v63  }
0xff: {  	_ =	swait.ge [sflag:s25], $0x4000  }
0x100: {  	[sflag:s25] =	ssyncset.done $0x0  }
0x101: {  	[sflag:s25] =	ssyncadd.s32 $0xFFFFC000  }
0x102: {  	[tilespmem:s30], [sflag:$0x1] =	stream.indirect.gather [hbm4b:s1+s29], $0x80, s6, s29, $0xb8;
	[tilespmem:$0x1F480] =	vst v63  }
0x103: {  	_ =	swait.ge [sflag:s7], $0x4000  }
0x104: {  	[sflag:s7] =	ssyncset.done $0x0  }
0x105: {  	[sflag:s7] =	ssyncadd.s32 $0xFFFFC000  }
0x106: {  	[spmem:s3] =	stream.indirect.scatter.add.f32 [tilespmem:s2], [sflag:$0x4], $0x80, s14, s29, $0xb8;
	[tilespmem:$0x1F480] =	vst v63  }
0x107: {  	_ =	swait.ge [sflag:s25], $0x4000  }
0x108: {  	[sflag:s25] =	ssyncset.done $0x0  }
0x109: {  	[sflag:s25] =	ssyncadd.s32 $0xFFFFC000  }
0x10a: {  	[tilespmem:s2], [sflag:$0x2] =	stream.indirect.gather [hbm4b:s1+s29], $0x80, s15, s29, $0xb8;
	[tilespmem:$0x1F480] =	vst v63  }
0x10b: {  	_ =	swait.ge [sflag:s0], $0x4000  }
0x10c: {  	[sflag:s0] =	ssyncset.done $0x0  }
0x10d: {  	[sflag:s0] =	ssyncadd.s32 $0xFFFFC000  }
0x10e: {  	[spmem:s3] =	stream.indirect.scatter.add.f32 [tilespmem:s30], [sflag:$0x4], $0x80, s16, s29, $0xb8;
	[tilespmem:$0x1F480] =	vst v63  }
0x10f: {  	_ =	swait.ge [sflag:s25], $0x4000  }
0x110: {  	[sflag:s25] =	ssyncset.done $0x0  }
0x111: {  	[sflag:s25] =	ssyncadd.s32 $0xFFFFC000  }
0x112: {  	[tilespmem:s30], [sflag:$0x1] =	stream.indirect.gather [hbm4b:s1+s29], $0x80, s17, s29, $0xb8;
	[tilespmem:$0x1F480] =	vst v63  }
0x113: {  	_ =	swait.ge [sflag:s7], $0x4000  }
0x114: {  	[sflag:s7] =	ssyncset.done $0x0  }
0x115: {  	[sflag:s7] =	ssyncadd.s32 $0xFFFFC000  }
0x116: {  	[spmem:s3] =	stream.indirect.scatter.add.f32 [tilespmem:s2], [sflag:$0x4], $0x80, s18, s29, $0xb8;
	[tilespmem:$0x1F480] =	vst v63  }
0x117: {  	_ =	swait.ge [sflag:s25], $0x4000  }
0x118: {  	[sflag:s25] =	ssyncset.done $0x0  }
0x119: {  	[sflag:s25] =	ssyncadd.s32 $0xFFFFC000  }
0x11a: {  	[tilespmem:s2], [sflag:$0x2] =	stream.indirect.gather [hbm4b:s1+s29], $0x80, s19, s29, $0xb8;
	[tilespmem:$0x1F480] =	vst v63  }
0x11b: {  	_ =	swait.ge [sflag:s0], $0x4000  }
0x11c: {  	[sflag:s0] =	ssyncset.done $0x0  }
0x11d: {  	[sflag:s0] =	ssyncadd.s32 $0xFFFFC000  }
0x11e: {  	[spmem:s3] =	stream.indirect.scatter.add.f32 [tilespmem:s30], [sflag:$0x4], $0x80, s20, s29, $0xb8;
	[tilespmem:$0x1F480] =	vst v63  }
0x11f: {  	_ =	swait.ge [sflag:s25], $0x4000  }
0x120: {  	[sflag:s25] =	ssyncset.done $0x0  }
0x121: {  	[sflag:s25] =	ssyncadd.s32 $0xFFFFC000  }
0x122: {  	[tilespmem:s30], [sflag:$0x1] =	stream.indirect.gather [hbm4b:s1+s29], $0x80, s21, s29, $0xb8;
	[tilespmem:$0x1F480] =	vst v63  }
0x123: {  	_ =	swait.ge [sflag:s7], $0x4000  }
0x124: {  	[sflag:s7] =	ssyncset.done $0x0  }
0x125: {  	[sflag:s7] =	ssyncadd.s32 $0xFFFFC000  }
0x126: {  	[spmem:s3] =	stream.indirect.scatter.add.f32 [tilespmem:s2], [sflag:$0x4], $0x80, s8, s29, $0xb8;
	[tilespmem:$0x1F480] =	vst v63  }
0x127: {  	_ =	swait.ge [sflag:s25], $0x4000  }
0x128: {  	[sflag:s25] =	ssyncset.done $0x0  }
0x129: {  	[sflag:s25] =	ssyncadd.s32 $0xFFFFC000  }
0x12a: {  	[tilespmem:s2], [sflag:$0x2] =	stream.indirect.gather [hbm4b:s1+s29], $0x80, s9, s29, $0xb8;
	[tilespmem:$0x1F480] =	vst v63  }
0x12b: {  	_ =	swait.ge [sflag:s0], $0x4000  }
0x12c: {  	[sflag:s0] =	ssyncset.done $0x0  }
0x12d: {  	[sflag:s0] =	ssyncadd.s32 $0xFFFFC000  }
0x12e: {  	[spmem:s3] =	stream.indirect.scatter.add.f32 [tilespmem:s30], [sflag:$0x4], $0x80, s10, s29, $0xb8;
	[tilespmem:$0x1F480] =	vst v63  }
0x12f: {  	_ =	swait.ge [sflag:s25], $0x4000  }
0x130: {  	[sflag:s25] =	ssyncset.done $0x0  }
0x131: {  	[sflag:s25] =	ssyncadd.s32 $0xFFFFC000  }
0x132: {  	_ =	swait.ge [sflag:s7], $0x4000  }
0x133: {  	[sflag:s7] =	ssyncset.done $0x0  }
0x134: {  	[sflag:s7] =	ssyncadd.s32 $0xFFFFC000  }
0x135: {  	[spmem:s3] =	stream.indirect.scatter.add.f32 [tilespmem:s2], [sflag:$0x4], $0x80, s11, s29, $0xb8;
	[tilespmem:$0x1F480] =	vst v63  }
0x136: {  	_ =	swait.ge [sflag:s25], $0x4000  }
0x137: {  	[sflag:s25] =	ssyncset.done $0x0  }
0x138: {  	[sflag:s25] =	ssyncadd.s32 $0xFFFFC000  }
0x139: {  	_ =	swait.ge [sflag:s12], $0x800  }
0x13a: {  	[sflag:s12] =	ssyncset.done $0x0  }
0x13b: {  	s13 =	sadd.s32 $0xC00, s13;
	[sflag:s12] =	ssyncadd.s32 $0xFFFFF800  }
0x13c: {  	[tilespmem:s26], [sflag:$0x3] =	stream.linear.gather [hbm4b:s13+s4], $0x800, $0x38;
	[tilespmem:$0x1F480] =	vst v63  }
0x13d: {  	_ = 	snop  }
0x13e: {  	[tilespmem:s30], [sflag:$0x1] =	stream.indirect.gather [hbm4b:s1+s29], $0x80, s28, s29, $0xb8;
	[tilespmem:$0x1F480] =	vst v63  }
0x13f: {  	s24 =	rddreg [dreg:$0x5]  }
0x140: {  	[tilespmem:s2], [sflag:$0x2] =	stream.indirect.gather [hbm4b:s1+s29], $0x80, s24, s29, $0xb8;
	[tilespmem:$0x1F480] =	vst v63  }
0x141: {  	_ =	swait.ge [sflag:s0], $0x4000  }
0x142: {  	[sflag:s0] =	ssyncset.done $0x0  }
0x143: {  	s24 =	rddreg [dreg:$0x6];
	[sflag:s0] =	ssyncadd.s32 $0xFFFFC000  }
0x144: {  	[spmem:s3] =	stream.indirect.scatter.add.f32 [tilespmem:s30], [sflag:$0x4], $0x80, s24, s29, $0xb8;
	[tilespmem:$0x1F480] =	vst v63  }
0x145: {  	_ =	swait.ge [sflag:s25], $0x4000  }
0x146: {  	[sflag:s25] =	ssyncset.done $0x0  }
0x147: {  	s24 =	rddreg [dreg:$0x7];
	[sflag:s25] =	ssyncadd.s32 $0xFFFFC000  }
0x148: {  	[tilespmem:s30], [sflag:$0x1] =	stream.indirect.gather [hbm4b:s1+s29], $0x80, s24, s29, $0xb8;
	[tilespmem:$0x1F480] =	vst v63  }
0x149: {  	_ =	swait.ge [sflag:s7], $0x4000  }
0x14a: {  	[sflag:s7] =	ssyncset.done $0x0  }
0x14b: {  	s24 =	rddreg [dreg:$0x8];
	[sflag:s7] =	ssyncadd.s32 $0xFFFFC000  }
0x14c: {  	[spmem:s3] =	stream.indirect.scatter.add.f32 [tilespmem:s2], [sflag:$0x4], $0x80, s24, s29, $0xb8;
	[tilespmem:$0x1F480] =	vst v63  }
0x14d: {  	_ =	swait.ge [sflag:s25], $0x4000  }
0x14e: {  	[sflag:s25] =	ssyncset.done $0x0  }
0x14f: {  	s24 =	rddreg [dreg:$0x9];
	[sflag:s25] =	ssyncadd.s32 $0xFFFFC000  }
0x150: {  	[tilespmem:s2], [sflag:$0x2] =	stream.indirect.gather [hbm4b:s1+s29], $0x80, s24, s29, $0xb8;
	[tilespmem:$0x1F480] =	vst v63  }
0x151: {  	_ =	swait.ge [sflag:s0], $0x4000  }
0x152: {  	[sflag:s0] =	ssyncset.done $0x0  }
0x153: {  	s24 =	rddreg [dreg:$0xa];
	[sflag:s0] =	ssyncadd.s32 $0xFFFFC000  }
0x154: {  	[spmem:s3] =	stream.indirect.scatter.add.f32 [tilespmem:s30], [sflag:$0x4], $0x80, s24, s29, $0xb8;
	[tilespmem:$0x1F480] =	vst v63  }
0x155: {  	_ =	swait.ge [sflag:s25], $0x4000  }
0x156: {  	[sflag:s25] =	ssyncset.done $0x0  }
0x157: {  	s24 =	rddreg [dreg:$0xb];
	[sflag:s25] =	ssyncadd.s32 $0xFFFFC000  }
0x158: {  	[tilespmem:s30], [sflag:$0x1] =	stream.indirect.gather [hbm4b:s1+s29], $0x80, s24, s29, $0xb8;
	[tilespmem:$0x1F480] =	vst v63  }
0x159: {  	_ =	swait.ge [sflag:s7], $0x4000  }
0x15a: {  	[sflag:s7] =	ssyncset.done $0x0  }
0x15b: {  	s24 =	rddreg [dreg:$0xc];
	[sflag:s7] =	ssyncadd.s32 $0xFFFFC000  }
0x15c: {  	[spmem:s3] =	stream.indirect.scatter.add.f32 [tilespmem:s2], [sflag:$0x4], $0x80, s24, s29, $0xb8;
	[tilespmem:$0x1F480] =	vst v63  }
0x15d: {  	_ =	swait.ge [sflag:s25], $0x4000  }
0x15e: {  	[sflag:s25] =	ssyncset.done $0x0  }
0x15f: {  	s24 =	rddreg [dreg:$0xd];
	[sflag:s25] =	ssyncadd.s32 $0xFFFFC000  }
0x160: {  	[tilespmem:s2], [sflag:$0x2] =	stream.indirect.gather [hbm4b:s1+s29], $0x80, s24, s29, $0xb8;
	[tilespmem:$0x1F480] =	vst v63  }
0x161: {  	_ =	swait.ge [sflag:s0], $0x4000  }
0x162: {  	[sflag:s0] =	ssyncset.done $0x0  }
0x163: {  	s24 =	rddreg [dreg:$0xe];
	[sflag:s0] =	ssyncadd.s32 $0xFFFFC000  }
0x164: {  	[spmem:s3] =	stream.indirect.scatter.add.f32 [tilespmem:s30], [sflag:$0x4], $0x80, s24, s29, $0xb8;
	[tilespmem:$0x1F480] =	vst v63  }
0x165: {  	_ =	swait.ge [sflag:s25], $0x4000  }
0x166: {  	[sflag:s25] =	ssyncset.done $0x0  }
0x167: {  	s24 =	rddreg [dreg:$0xf];
	[sflag:s25] =	ssyncadd.s32 $0xFFFFC000  }
0x168: {  	[tilespmem:s30], [sflag:$0x1] =	stream.indirect.gather [hbm4b:s1+s29], $0x80, s24, s29, $0xb8;
	[tilespmem:$0x1F480] =	vst v63  }
0x169: {  	_ =	swait.ge [sflag:s7], $0x4000  }
0x16a: {  	[sflag:s7] =	ssyncset.done $0x0  }
0x16b: {  	s24 =	rddreg [dreg:$0x10];
	[sflag:s7] =	ssyncadd.s32 $0xFFFFC000  }
0x16c: {  	[spmem:s3] =	stream.indirect.scatter.add.f32 [tilespmem:s2], [sflag:$0x4], $0x80, s24, s29, $0xb8;
	[tilespmem:$0x1F480] =	vst v63  }
0x16d: {  	_ =	swait.ge [sflag:s25], $0x4000  }
0x16e: {  	[sflag:s25] =	ssyncset.done $0x0  }
0x16f: {  	s24 =	rddreg [dreg:$0x11];
	[sflag:s25] =	ssyncadd.s32 $0xFFFFC000  }
0x170: {  	[tilespmem:s2], [sflag:$0x2] =	stream.indirect.gather [hbm4b:s1+s29], $0x80, s24, s29, $0xb8;
	[tilespmem:$0x1F480] =	vst v63  }
0x171: {  	_ =	swait.ge [sflag:s0], $0x4000  }
0x172: {  	[sflag:s0] =	ssyncset.done $0x0  }
0x173: {  	s24 =	rddreg [dreg:$0x12];
	[sflag:s0] =	ssyncadd.s32 $0xFFFFC000  }
0x174: {  	[spmem:s3] =	stream.indirect.scatter.add.f32 [tilespmem:s30], [sflag:$0x4], $0x80, s24, s29, $0xb8;
	[tilespmem:$0x1F480] =	vst v63  }
0x175: {  	_ =	swait.ge [sflag:s25], $0x4000  }
0x176: {  	[sflag:s25] =	ssyncset.done $0x0  }
0x177: {  	[sflag:s25] =	ssyncadd.s32 $0xFFFFC000  }
0x178: {  	_ =	swait.ge [sflag:s7], $0x4000  }
0x179: {  	[sflag:s7] =	ssyncset.done $0x0  }
0x17a: {  	p1 =	sne.s32 s22, $0xFFFFFE00;
	s24 =	rddreg [dreg:$0x13];
	[sflag:s7] =	ssyncadd.s32 $0xFFFFC000  }
0x17b: {  	[spmem:s3] =	stream.indirect.scatter.add.f32 [tilespmem:s2], [sflag:$0x4], $0x80, s24, s29, $0xb8;
	[tilespmem:$0x1F480] =	vst v63  }
.Ltmp0:
0x17c: {  	_ =	swait.ge [sflag:s25], $0x4000;
	(pc) =	sbr.rel @p1 .LBB2_2-.Ltmp0, $4  }
0x17d: {  	[sflag:s25] =	ssyncset.done $0x0  }
0x17e: {  	[sflag:s25] =	ssyncadd.s32 $0xFFFFC000  }
0x17f: {  	_ =	swait.ge [sflag:s12], $0x800  }
0x180: {  	s22 =	sadd.s32 $0x200, s22;
	s13 =	rddreg [dreg:$0x4];
	[sflag:s12] =	ssyncset.done $0x0  }
0x181: {  	s13 =	sadd.s32 s23, s13  }
0x182: {  	[sflag:s12] =	ssyncadd.s32 $0xFFFFF800;
	s22 =	sadd.s32 $0xB00, s13  }
0x183: {  	[tilespmem:s28], [sflag:$0x3] =	stream.linear.gather [hbm4b:s22+s4], $0x800, $0x38;
	[tilespmem:$0x1F480] =	vst v63  }
0x184: {  	_ = 	snop  }
0x185: {  	[tilespmem:s30], [sflag:$0x1] =	stream.indirect.gather [hbm4b:s1+s29], $0x80, s26, s29, $0xb8;
	[tilespmem:$0x1F480] =	vst v63  }
0x186: {  	_ = 	snop  }
0x187: {  	[tilespmem:s2], [sflag:$0x2] =	stream.indirect.gather [hbm4b:s1+s29], $0x80, s31, s29, $0xb8;
	[tilespmem:$0x1F480] =	vst v63  }
0x188: {  	_ =	swait.ge [sflag:s0], $0x4000  }
0x189: {  	[sflag:s0] =	ssyncset.done $0x0  }
0x18a: {  	[sflag:s0] =	ssyncadd.s32 $0xFFFFC000  }
0x18b: {  	[spmem:s3] =	stream.indirect.scatter.add.f32 [tilespmem:s30], [sflag:$0x4], $0x80, s5, s29, $0xb8;
	[tilespmem:$0x1F480] =	vst v63  }
0x18c: {  	_ =	swait.ge [sflag:s25], $0x4000  }
0x18d: {  	[sflag:s25] =	ssyncset.done $0x0  }
0x18e: {  	[sflag:s25] =	ssyncadd.s32 $0xFFFFC000  }
0x18f: {  	[tilespmem:s30], [sflag:$0x1] =	stream.indirect.gather [hbm4b:s1+s29], $0x80, s6, s29, $0xb8;
	[tilespmem:$0x1F480] =	vst v63  }
0x190: {  	_ =	swait.ge [sflag:s7], $0x4000  }
0x191: {  	[sflag:s7] =	ssyncset.done $0x0  }
0x192: {  	[sflag:s7] =	ssyncadd.s32 $0xFFFFC000  }
0x193: {  	[spmem:s3] =	stream.indirect.scatter.add.f32 [tilespmem:s2], [sflag:$0x4], $0x80, s14, s29, $0xb8;
	[tilespmem:$0x1F480] =	vst v63  }
0x194: {  	_ =	swait.ge [sflag:s25], $0x4000  }
0x195: {  	[sflag:s25] =	ssyncset.done $0x0  }
0x196: {  	[sflag:s25] =	ssyncadd.s32 $0xFFFFC000  }
0x197: {  	[tilespmem:s2], [sflag:$0x2] =	stream.indirect.gather [hbm4b:s1+s29], $0x80, s15, s29, $0xb8;
	[tilespmem:$0x1F480] =	vst v63  }
0x198: {  	_ =	swait.ge [sflag:s0], $0x4000  }
0x199: {  	[sflag:s0] =	ssyncset.done $0x0  }
0x19a: {  	[sflag:s0] =	ssyncadd.s32 $0xFFFFC000  }
0x19b: {  	[spmem:s3] =	stream.indirect.scatter.add.f32 [tilespmem:s30], [sflag:$0x4], $0x80, s16, s29, $0xb8;
	[tilespmem:$0x1F480] =	vst v63  }
0x19c: {  	_ =	swait.ge [sflag:s25], $0x4000  }
0x19d: {  	[sflag:s25] =	ssyncset.done $0x0  }
0x19e: {  	[sflag:s25] =	ssyncadd.s32 $0xFFFFC000  }
0x19f: {  	[tilespmem:s30], [sflag:$0x1] =	stream.indirect.gather [hbm4b:s1+s29], $0x80, s17, s29, $0xb8;
	[tilespmem:$0x1F480] =	vst v63  }
0x1a0: {  	_ =	swait.ge [sflag:s7], $0x4000  }
0x1a1: {  	[sflag:s7] =	ssyncset.done $0x0  }
0x1a2: {  	[sflag:s7] =	ssyncadd.s32 $0xFFFFC000  }
0x1a3: {  	[spmem:s3] =	stream.indirect.scatter.add.f32 [tilespmem:s2], [sflag:$0x4], $0x80, s18, s29, $0xb8;
	[tilespmem:$0x1F480] =	vst v63  }
0x1a4: {  	_ =	swait.ge [sflag:s25], $0x4000  }
0x1a5: {  	[sflag:s25] =	ssyncset.done $0x0  }
0x1a6: {  	[sflag:s25] =	ssyncadd.s32 $0xFFFFC000  }
0x1a7: {  	[tilespmem:s2], [sflag:$0x2] =	stream.indirect.gather [hbm4b:s1+s29], $0x80, s19, s29, $0xb8;
	[tilespmem:$0x1F480] =	vst v63  }
0x1a8: {  	_ =	swait.ge [sflag:s0], $0x4000  }
0x1a9: {  	[sflag:s0] =	ssyncset.done $0x0  }
0x1aa: {  	[sflag:s0] =	ssyncadd.s32 $0xFFFFC000  }
0x1ab: {  	[spmem:s3] =	stream.indirect.scatter.add.f32 [tilespmem:s30], [sflag:$0x4], $0x80, s20, s29, $0xb8;
	[tilespmem:$0x1F480] =	vst v63  }
0x1ac: {  	_ =	swait.ge [sflag:s25], $0x4000  }
0x1ad: {  	[sflag:s25] =	ssyncset.done $0x0  }
0x1ae: {  	[sflag:s25] =	ssyncadd.s32 $0xFFFFC000  }
0x1af: {  	[tilespmem:s30], [sflag:$0x1] =	stream.indirect.gather [hbm4b:s1+s29], $0x80, s21, s29, $0xb8;
	[tilespmem:$0x1F480] =	vst v63  }
0x1b0: {  	_ =	swait.ge [sflag:s7], $0x4000  }
0x1b1: {  	[sflag:s7] =	ssyncset.done $0x0  }
0x1b2: {  	[sflag:s7] =	ssyncadd.s32 $0xFFFFC000  }
0x1b3: {  	[spmem:s3] =	stream.indirect.scatter.add.f32 [tilespmem:s2], [sflag:$0x4], $0x80, s8, s29, $0xb8;
	[tilespmem:$0x1F480] =	vst v63  }
0x1b4: {  	_ =	swait.ge [sflag:s25], $0x4000  }
0x1b5: {  	[sflag:s25] =	ssyncset.done $0x0  }
0x1b6: {  	[sflag:s25] =	ssyncadd.s32 $0xFFFFC000  }
0x1b7: {  	[tilespmem:s2], [sflag:$0x2] =	stream.indirect.gather [hbm4b:s1+s29], $0x80, s9, s29, $0xb8;
	[tilespmem:$0x1F480] =	vst v63  }
0x1b8: {  	_ =	swait.ge [sflag:s0], $0x4000  }
0x1b9: {  	[sflag:s0] =	ssyncset.done $0x0  }
0x1ba: {  	[sflag:s0] =	ssyncadd.s32 $0xFFFFC000  }
0x1bb: {  	[spmem:s3] =	stream.indirect.scatter.add.f32 [tilespmem:s30], [sflag:$0x4], $0x80, s10, s29, $0xb8;
	[tilespmem:$0x1F480] =	vst v63  }
0x1bc: {  	_ =	swait.ge [sflag:s25], $0x4000  }
0x1bd: {  	[sflag:s25] =	ssyncset.done $0x0  }
0x1be: {  	[sflag:s25] =	ssyncadd.s32 $0xFFFFC000  }
0x1bf: {  	_ =	swait.ge [sflag:s7], $0x4000  }
0x1c0: {  	[sflag:s7] =	ssyncset.done $0x0  }
0x1c1: {  	[sflag:s7] =	ssyncadd.s32 $0xFFFFC000  }
0x1c2: {  	[spmem:s3] =	stream.indirect.scatter.add.f32 [tilespmem:s2], [sflag:$0x4], $0x80, s11, s29, $0xb8;
	[tilespmem:$0x1F480] =	vst v63  }
0x1c3: {  	_ =	swait.ge [sflag:s25], $0x4000  }
0x1c4: {  	[sflag:s25] =	ssyncset.done $0x0  }
0x1c5: {  	[sflag:s25] =	ssyncadd.s32 $0xFFFFC000  }
0x1c6: {  	_ =	swait.ge [sflag:s12], $0x800  }
0x1c7: {  	[sflag:s12] =	ssyncset.done $0x0  }
0x1c8: {  	s13 =	sadd.s32 $0xC00, s13;
	[sflag:s12] =	ssyncadd.s32 $0xFFFFF800  }
0x1c9: {  	[tilespmem:s26], [sflag:$0x3] =	stream.linear.gather [hbm4b:s13+s4], $0x800, $0x38;
	[tilespmem:$0x1F480] =	vst v63  }
0x1ca: {  	_ = 	snop  }
0x1cb: {  	[tilespmem:s30], [sflag:$0x1] =	stream.indirect.gather [hbm4b:s1+s29], $0x80, s28, s29, $0xb8;
	[tilespmem:$0x1F480] =	vst v63  }
0x1cc: {  	s23 =	rddreg [dreg:$0x5]  }
0x1cd: {  	[tilespmem:s2], [sflag:$0x2] =	stream.indirect.gather [hbm4b:s1+s29], $0x80, s23, s29, $0xb8;
	[tilespmem:$0x1F480] =	vst v63  }
0x1ce: {  	_ =	swait.ge [sflag:s0], $0x4000  }
0x1cf: {  	[sflag:s0] =	ssyncset.done $0x0  }
0x1d0: {  	s24 =	rddreg [dreg:$0x6];
	[sflag:s0] =	ssyncadd.s32 $0xFFFFC000  }
0x1d1: {  	[spmem:s3] =	stream.indirect.scatter.add.f32 [tilespmem:s30], [sflag:$0x4], $0x80, s24, s29, $0xb8;
	[tilespmem:$0x1F480] =	vst v63  }
0x1d2: {  	_ =	swait.ge [sflag:s25], $0x4000  }
0x1d3: {  	[sflag:s25] =	ssyncset.done $0x0  }
0x1d4: {  	s22 =	rddreg [dreg:$0x7];
	[sflag:s25] =	ssyncadd.s32 $0xFFFFC000  }
0x1d5: {  	[tilespmem:s30], [sflag:$0x1] =	stream.indirect.gather [hbm4b:s1+s29], $0x80, s22, s29, $0xb8;
	[tilespmem:$0x1F480] =	vst v63  }
0x1d6: {  	_ =	swait.ge [sflag:s7], $0x4000  }
0x1d7: {  	[sflag:s7] =	ssyncset.done $0x0  }
0x1d8: {  	s23 =	rddreg [dreg:$0x8];
	[sflag:s7] =	ssyncadd.s32 $0xFFFFC000  }
0x1d9: {  	[spmem:s3] =	stream.indirect.scatter.add.f32 [tilespmem:s2], [sflag:$0x4], $0x80, s23, s29, $0xb8;
	[tilespmem:$0x1F480] =	vst v63  }
0x1da: {  	_ =	swait.ge [sflag:s25], $0x4000  }
0x1db: {  	[sflag:s25] =	ssyncset.done $0x0  }
0x1dc: {  	s24 =	rddreg [dreg:$0x9];
	[sflag:s25] =	ssyncadd.s32 $0xFFFFC000  }
0x1dd: {  	[tilespmem:s2], [sflag:$0x2] =	stream.indirect.gather [hbm4b:s1+s29], $0x80, s24, s29, $0xb8;
	[tilespmem:$0x1F480] =	vst v63  }
0x1de: {  	_ =	swait.ge [sflag:s0], $0x4000  }
0x1df: {  	[sflag:s0] =	ssyncset.done $0x0  }
0x1e0: {  	s22 =	rddreg [dreg:$0xa];
	[sflag:s0] =	ssyncadd.s32 $0xFFFFC000  }
0x1e1: {  	[spmem:s3] =	stream.indirect.scatter.add.f32 [tilespmem:s30], [sflag:$0x4], $0x80, s22, s29, $0xb8;
	[tilespmem:$0x1F480] =	vst v63  }
0x1e2: {  	_ =	swait.ge [sflag:s25], $0x4000  }
0x1e3: {  	[sflag:s25] =	ssyncset.done $0x0  }
0x1e4: {  	s23 =	rddreg [dreg:$0xb];
	[sflag:s25] =	ssyncadd.s32 $0xFFFFC000  }
0x1e5: {  	[tilespmem:s30], [sflag:$0x1] =	stream.indirect.gather [hbm4b:s1+s29], $0x80, s23, s29, $0xb8;
	[tilespmem:$0x1F480] =	vst v63  }
0x1e6: {  	_ =	swait.ge [sflag:s7], $0x4000  }
0x1e7: {  	[sflag:s7] =	ssyncset.done $0x0  }
0x1e8: {  	s24 =	rddreg [dreg:$0xc];
	[sflag:s7] =	ssyncadd.s32 $0xFFFFC000  }
0x1e9: {  	[spmem:s3] =	stream.indirect.scatter.add.f32 [tilespmem:s2], [sflag:$0x4], $0x80, s24, s29, $0xb8;
	[tilespmem:$0x1F480] =	vst v63  }
0x1ea: {  	_ =	swait.ge [sflag:s25], $0x4000  }
0x1eb: {  	[sflag:s25] =	ssyncset.done $0x0  }
0x1ec: {  	s22 =	rddreg [dreg:$0xd];
	[sflag:s25] =	ssyncadd.s32 $0xFFFFC000  }
0x1ed: {  	[tilespmem:s2], [sflag:$0x2] =	stream.indirect.gather [hbm4b:s1+s29], $0x80, s22, s29, $0xb8;
	[tilespmem:$0x1F480] =	vst v63  }
0x1ee: {  	_ =	swait.ge [sflag:s0], $0x4000  }
0x1ef: {  	[sflag:s0] =	ssyncset.done $0x0  }
0x1f0: {  	s23 =	rddreg [dreg:$0xe];
	[sflag:s0] =	ssyncadd.s32 $0xFFFFC000  }
0x1f1: {  	[spmem:s3] =	stream.indirect.scatter.add.f32 [tilespmem:s30], [sflag:$0x4], $0x80, s23, s29, $0xb8;
	[tilespmem:$0x1F480] =	vst v63  }
0x1f2: {  	_ =	swait.ge [sflag:s25], $0x4000  }
0x1f3: {  	[sflag:s25] =	ssyncset.done $0x0  }
0x1f4: {  	s24 =	rddreg [dreg:$0xf];
	[sflag:s25] =	ssyncadd.s32 $0xFFFFC000  }
0x1f5: {  	[tilespmem:s30], [sflag:$0x1] =	stream.indirect.gather [hbm4b:s1+s29], $0x80, s24, s29, $0xb8;
	[tilespmem:$0x1F480] =	vst v63  }
0x1f6: {  	_ =	swait.ge [sflag:s7], $0x4000  }
0x1f7: {  	[sflag:s7] =	ssyncset.done $0x0  }
0x1f8: {  	s22 =	rddreg [dreg:$0x10];
	[sflag:s7] =	ssyncadd.s32 $0xFFFFC000  }
0x1f9: {  	[spmem:s3] =	stream.indirect.scatter.add.f32 [tilespmem:s2], [sflag:$0x4], $0x80, s22, s29, $0xb8;
	[tilespmem:$0x1F480] =	vst v63  }
0x1fa: {  	_ =	swait.ge [sflag:s25], $0x4000  }
0x1fb: {  	[sflag:s25] =	ssyncset.done $0x0  }
0x1fc: {  	s23 =	rddreg [dreg:$0x11];
	[sflag:s25] =	ssyncadd.s32 $0xFFFFC000  }
0x1fd: {  	[tilespmem:s2], [sflag:$0x2] =	stream.indirect.gather [hbm4b:s1+s29], $0x80, s23, s29, $0xb8;
	[tilespmem:$0x1F480] =	vst v63  }
0x1fe: {  	_ =	swait.ge [sflag:s0], $0x4000  }
0x1ff: {  	[sflag:s0] =	ssyncset.done $0x0  }
0x200: {  	s24 =	rddreg [dreg:$0x12];
	[sflag:s0] =	ssyncadd.s32 $0xFFFFC000  }
0x201: {  	[spmem:s3] =	stream.indirect.scatter.add.f32 [tilespmem:s30], [sflag:$0x4], $0x80, s24, s29, $0xb8;
	[tilespmem:$0x1F480] =	vst v63  }
0x202: {  	_ =	swait.ge [sflag:s25], $0x4000  }
0x203: {  	[sflag:s25] =	ssyncset.done $0x0  }
0x204: {  	[sflag:s25] =	ssyncadd.s32 $0xFFFFC000  }
0x205: {  	_ =	swait.ge [sflag:s7], $0x4000  }
0x206: {  	[sflag:s7] =	ssyncset.done $0x0  }
0x207: {  	s22 =	rddreg [dreg:$0x13];
	[sflag:s7] =	ssyncadd.s32 $0xFFFFC000  }
0x208: {  	[spmem:s3] =	stream.indirect.scatter.add.f32 [tilespmem:s2], [sflag:$0x4], $0x80, s22, s29, $0xb8;
	[tilespmem:$0x1F480] =	vst v63  }
0x209: {  	_ =	swait.ge [sflag:s25], $0x4000  }
0x20a: {  	[sflag:s25] =	ssyncset.done $0x0  }
0x20b: {  	[sflag:s25] =	ssyncadd.s32 $0xFFFFC000  }
0x20c: {  	_ =	swait.ge [sflag:s12], $0x800  }
0x20d: {  	[sflag:s12] =	ssyncset.done $0x0  }
0x20e: {  	[sflag:s12] =	ssyncadd.s32 $0xFFFFF800  }
0x20f: {  	[tilespmem:s30], [sflag:$0x1] =	stream.indirect.gather [hbm4b:s1+s29], $0x80, s26, s29, $0xb8;
	[tilespmem:$0x1F480] =	vst v63  }
0x210: {  	_ = 	snop  }
0x211: {  	[tilespmem:s2], [sflag:$0x2] =	stream.indirect.gather [hbm4b:s1+s29], $0x80, s31, s29, $0xb8;
	[tilespmem:$0x1F480] =	vst v63  }
0x212: {  	_ =	swait.ge [sflag:s0], $0x4000  }
0x213: {  	[sflag:s0] =	ssyncset.done $0x0  }
0x214: {  	[sflag:s0] =	ssyncadd.s32 $0xFFFFC000  }
0x215: {  	[spmem:s3] =	stream.indirect.scatter.add.f32 [tilespmem:s30], [sflag:$0x4], $0x80, s5, s29, $0xb8;
	[tilespmem:$0x1F480] =	vst v63  }
0x216: {  	_ =	swait.ge [sflag:s25], $0x4000  }
0x217: {  	[sflag:s25] =	ssyncset.done $0x0  }
0x218: {  	[sflag:s25] =	ssyncadd.s32 $0xFFFFC000  }
0x219: {  	[tilespmem:s30], [sflag:$0x1] =	stream.indirect.gather [hbm4b:s1+s29], $0x80, s6, s29, $0xb8;
	[tilespmem:$0x1F480] =	vst v63  }
0x21a: {  	_ =	swait.ge [sflag:s7], $0x4000  }
0x21b: {  	[sflag:s7] =	ssyncset.done $0x0  }
0x21c: {  	[sflag:s7] =	ssyncadd.s32 $0xFFFFC000  }
0x21d: {  	[spmem:s3] =	stream.indirect.scatter.add.f32 [tilespmem:s2], [sflag:$0x4], $0x80, s14, s29, $0xb8;
	[tilespmem:$0x1F480] =	vst v63  }
0x21e: {  	_ =	swait.ge [sflag:s25], $0x4000  }
0x21f: {  	[sflag:s25] =	ssyncset.done $0x0  }
0x220: {  	[sflag:s25] =	ssyncadd.s32 $0xFFFFC000  }
0x221: {  	[tilespmem:s2], [sflag:$0x2] =	stream.indirect.gather [hbm4b:s1+s29], $0x80, s15, s29, $0xb8;
	[tilespmem:$0x1F480] =	vst v63  }
0x222: {  	_ =	swait.ge [sflag:s0], $0x4000  }
0x223: {  	[sflag:s0] =	ssyncset.done $0x0  }
0x224: {  	[sflag:s0] =	ssyncadd.s32 $0xFFFFC000  }
0x225: {  	[spmem:s3] =	stream.indirect.scatter.add.f32 [tilespmem:s30], [sflag:$0x4], $0x80, s16, s29, $0xb8;
	[tilespmem:$0x1F480] =	vst v63  }
0x226: {  	_ =	swait.ge [sflag:s25], $0x4000  }
0x227: {  	[sflag:s25] =	ssyncset.done $0x0  }
0x228: {  	[sflag:s25] =	ssyncadd.s32 $0xFFFFC000  }
0x229: {  	[tilespmem:s30], [sflag:$0x1] =	stream.indirect.gather [hbm4b:s1+s29], $0x80, s17, s29, $0xb8;
	[tilespmem:$0x1F480] =	vst v63  }
0x22a: {  	_ =	swait.ge [sflag:s7], $0x4000  }
0x22b: {  	[sflag:s7] =	ssyncset.done $0x0  }
0x22c: {  	[sflag:s7] =	ssyncadd.s32 $0xFFFFC000  }
0x22d: {  	[spmem:s3] =	stream.indirect.scatter.add.f32 [tilespmem:s2], [sflag:$0x4], $0x80, s18, s29, $0xb8;
	[tilespmem:$0x1F480] =	vst v63  }
0x22e: {  	_ =	swait.ge [sflag:s25], $0x4000  }
0x22f: {  	[sflag:s25] =	ssyncset.done $0x0  }
0x230: {  	[sflag:s25] =	ssyncadd.s32 $0xFFFFC000  }
0x231: {  	[tilespmem:s2], [sflag:$0x2] =	stream.indirect.gather [hbm4b:s1+s29], $0x80, s19, s29, $0xb8;
	[tilespmem:$0x1F480] =	vst v63  }
0x232: {  	_ =	swait.ge [sflag:s0], $0x4000  }
0x233: {  	[sflag:s0] =	ssyncset.done $0x0  }
0x234: {  	[sflag:s0] =	ssyncadd.s32 $0xFFFFC000  }
0x235: {  	[spmem:s3] =	stream.indirect.scatter.add.f32 [tilespmem:s30], [sflag:$0x4], $0x80, s20, s29, $0xb8;
	[tilespmem:$0x1F480] =	vst v63  }
0x236: {  	_ =	swait.ge [sflag:s25], $0x4000  }
0x237: {  	[sflag:s25] =	ssyncset.done $0x0  }
0x238: {  	[sflag:s25] =	ssyncadd.s32 $0xFFFFC000  }
0x239: {  	[tilespmem:s30], [sflag:$0x1] =	stream.indirect.gather [hbm4b:s1+s29], $0x80, s21, s29, $0xb8;
	[tilespmem:$0x1F480] =	vst v63  }
0x23a: {  	_ =	swait.ge [sflag:s7], $0x4000  }
0x23b: {  	[sflag:s7] =	ssyncset.done $0x0  }
0x23c: {  	[sflag:s7] =	ssyncadd.s32 $0xFFFFC000  }
0x23d: {  	[spmem:s3] =	stream.indirect.scatter.add.f32 [tilespmem:s2], [sflag:$0x4], $0x80, s8, s29, $0xb8;
	[tilespmem:$0x1F480] =	vst v63  }
0x23e: {  	_ =	swait.ge [sflag:s25], $0x4000  }
0x23f: {  	[sflag:s25] =	ssyncset.done $0x0  }
0x240: {  	[sflag:s25] =	ssyncadd.s32 $0xFFFFC000  }
0x241: {  	[tilespmem:s2], [sflag:$0x2] =	stream.indirect.gather [hbm4b:s1+s29], $0x80, s9, s29, $0xb8;
	[tilespmem:$0x1F480] =	vst v63  }
0x242: {  	_ =	swait.ge [sflag:s0], $0x4000  }
0x243: {  	[sflag:s0] =	ssyncset.done $0x0  }
0x244: {  	[sflag:s0] =	ssyncadd.s32 $0xFFFFC000  }
0x245: {  	[spmem:s3] =	stream.indirect.scatter.add.f32 [tilespmem:s30], [sflag:$0x4], $0x80, s10, s29, $0xb8;
	[tilespmem:$0x1F480] =	vst v63  }
0x246: {  	_ =	swait.ge [sflag:s25], $0x4000  }
0x247: {  	[sflag:s25] =	ssyncset.done $0x0  }
0x248: {  	[sflag:s25] =	ssyncadd.s32 $0xFFFFC000  }
0x249: {  	_ =	swait.ge [sflag:s7], $0x4000  }
0x24a: {  	[sflag:s7] =	ssyncset.done $0x0  }
0x24b: {  	[sflag:s7] =	ssyncadd.s32 $0xFFFFC000  }
0x24c: {  	[spmem:s3] =	stream.indirect.scatter.add.f32 [tilespmem:s2], [sflag:$0x4], $0x80, s11, s29, $0xb8;
	[tilespmem:$0x1F480] =	vst v63  }
0x24d: {  	_ =	swait.ge [sflag:s25], $0x4000  }
0x24e: {  	[sflag:s25] =	ssyncset.done $0x0  }
0x24f: {  	[sflag:s25] =	ssyncadd.s32 $0xFFFFC000  }
0x250: {  	[bflag:$0x0] =	sbarrier.arrive $0xFFFF  }
0x251: {  	s22 =	simm.s32 $0x1CC80;
	s23 =	rddreg [dreg:$0x17]  }
0x252: {  	[tilespmem:s22], [sflag:$0x5] =	stream.linear.gather [spmem:s23], $0x2800, $0x38;
	[tilespmem:$0x1F480] =	vst v63  }
0x253: {  	s23 =	simm.s32 $0x5  }
0x254: {  	_ =	swait.ge [sflag:s23], $0x2800  }
0x255: {  	[sflag:s23] =	ssyncset.done $0x0  }
0x256: {  	s24 =	rddreg [dreg:$0x1d];
	[sflag:s23] =	ssyncadd.s32 $0xFFFFD800  }
0x257: {  	[hbm4b:s24+s4] =	stream.linear.scatter [tilespmem:s22], [sflag:$0x4], $0x2800, $0x38;
	[tilespmem:$0x1F480] =	vst v63  }
0x258: {  	_ =	swait.ge [sflag:s25], $0x2800  }
0x259: {  	[sflag:s25] =	ssyncset.done $0x0  }
0x25a: {  	s24 =	rddreg [dreg:$0x18];
	[sflag:s25] =	ssyncadd.s32 $0xFFFFD800  }
0x25b: {  	[tilespmem:s22], [sflag:$0x5] =	stream.linear.gather [spmem:s24], $0x2800, $0x38;
	[tilespmem:$0x1F480] =	vst v63  }
0x25c: {  	_ =	swait.ge [sflag:s23], $0x2800  }
0x25d: {  	[sflag:s23] =	ssyncset.done $0x0  }
0x25e: {  	s24 =	rddreg [dreg:$0x1e];
	[sflag:s23] =	ssyncadd.s32 $0xFFFFD800  }
0x25f: {  	[hbm4b:s24+s4] =	stream.linear.scatter [tilespmem:s22], [sflag:$0x4], $0x2800, $0x38;
	[tilespmem:$0x1F480] =	vst v63  }
0x260: {  	_ =	swait.ge [sflag:s25], $0x2800  }
0x261: {  	[sflag:s25] =	ssyncset.done $0x0  }
0x262: {  	s24 =	rddreg [dreg:$0x19];
	[sflag:s25] =	ssyncadd.s32 $0xFFFFD800  }
0x263: {  	[tilespmem:s22], [sflag:$0x5] =	stream.linear.gather [spmem:s24], $0x2800, $0x38;
	[tilespmem:$0x1F480] =	vst v63  }
0x264: {  	_ =	swait.ge [sflag:s23], $0x2800  }
0x265: {  	[sflag:s23] =	ssyncset.done $0x0  }
0x266: {  	s24 =	rddreg [dreg:$0x1f];
	[sflag:s23] =	ssyncadd.s32 $0xFFFFD800  }
0x267: {  	[hbm4b:s24+s4] =	stream.linear.scatter [tilespmem:s22], [sflag:$0x4], $0x2800, $0x38;
	[tilespmem:$0x1F480] =	vst v63  }
0x268: {  	_ =	swait.ge [sflag:s25], $0x2800  }
0x269: {  	[sflag:s25] =	ssyncset.done $0x0  }
0x26a: {  	s24 =	rddreg [dreg:$0x1a];
	[sflag:s25] =	ssyncadd.s32 $0xFFFFD800  }
0x26b: {  	[tilespmem:s22], [sflag:$0x5] =	stream.linear.gather [spmem:s24], $0x2800, $0x38;
	[tilespmem:$0x1F480] =	vst v63  }
0x26c: {  	_ =	swait.ge [sflag:s23], $0x2800  }
0x26d: {  	s24 =	sld [smem:$0x7F6]  }
0x26e: {  	[sflag:s23] =	ssyncset.done $0x0  }
0x26f: {  	[sflag:s23] =	ssyncadd.s32 $0xFFFFD800  }
0x270: {  	[hbm4b:s24+s4] =	stream.linear.scatter [tilespmem:s22], [sflag:$0x4], $0x2800, $0x38;
	[tilespmem:$0x1F480] =	vst v63  }
0x271: {  	_ =	swait.ge [sflag:s25], $0x2800  }
0x272: {  	[sflag:s25] =	ssyncset.done $0x0  }
0x273: {  	s24 =	rddreg [dreg:$0x1b];
	[sflag:s25] =	ssyncadd.s32 $0xFFFFD800  }
0x274: {  	[tilespmem:s22], [sflag:$0x5] =	stream.linear.gather [spmem:s24], $0x2800, $0x38;
	[tilespmem:$0x1F480] =	vst v63  }
0x275: {  	_ =	swait.ge [sflag:s23], $0x2800  }
0x276: {  	s24 =	sld [smem:$0x7F7]  }
0x277: {  	[sflag:s23] =	ssyncset.done $0x0  }
0x278: {  	[sflag:s23] =	ssyncadd.s32 $0xFFFFD800  }
0x279: {  	[hbm4b:s24+s4] =	stream.linear.scatter [tilespmem:s22], [sflag:$0x4], $0x2800, $0x38;
	[tilespmem:$0x1F480] =	vst v63  }
0x27a: {  	_ =	swait.ge [sflag:s25], $0x2800  }
0x27b: {  	[sflag:s25] =	ssyncset.done $0x0  }
0x27c: {  	s24 =	rddreg [dreg:$0x1c];
	[sflag:s25] =	ssyncadd.s32 $0xFFFFD800  }
0x27d: {  	[tilespmem:s22], [sflag:$0x5] =	stream.linear.gather [spmem:s24], $0x2800, $0x38;
	[tilespmem:$0x1F480] =	vst v63  }
0x27e: {  	_ =	swait.ge [sflag:s23], $0x2800  }
0x27f: {  	s24 =	sld [smem:$0x7F8]  }
0x280: {  	[sflag:s23] =	ssyncset.done $0x0  }
0x281: {  	[sflag:s23] =	ssyncadd.s32 $0xFFFFD800  }
0x282: {  	[hbm4b:s24+s4] =	stream.linear.scatter [tilespmem:s22], [sflag:$0x4], $0x2800, $0x38;
	[tilespmem:$0x1F480] =	vst v63  }
0x283: {  	_ =	swait.ge [sflag:s25], $0x2800  }
0x284: {  	s24 =	sld [smem:$0x7FD]  }
0x285: {  	[sflag:s25] =	ssyncset.done $0x0  }
0x286: {  	[sflag:s25] =	ssyncadd.s32 $0xFFFFD800  }
0x287: {  	[tilespmem:s22], [sflag:$0x5] =	stream.linear.gather [spmem:s24], $0x2800, $0x38;
	[tilespmem:$0x1F480] =	vst v63  }
0x288: {  	_ =	swait.ge [sflag:s23], $0x2800  }
0x289: {  	[sflag:s23] =	ssyncset.done $0x0  }
0x28a: {  	[sflag:s23] =	ssyncadd.s32 $0xFFFFD800;
	s23 =	sld [smem:$0x7F9];
	_ =	sdelay $0x2  }
0x28b: {  	[hbm4b:s23+s4] =	stream.linear.scatter [tilespmem:s22], [sflag:$0x4], $0x2800, $0x38;
	[tilespmem:$0x1F480] =	vst v63  }
0x28c: {  	_ =	swait.ge [sflag:s25], $0x2800  }
0x28d: {  	s13 =	sld [smem:$0x7FB]  }
0x28e: {  	[sflag:s25] =	ssyncset.done $0x0  }
0x28f: {  	s22 =	simm.s32 @!p0 $0x1CC80;
	[sflag:s25] =	ssyncadd.s32 $0xFFFFD800  }
0x290: {  	[tilespmem:s22], [sflag:$0x5] =	stream.linear.gather @!p0 [spmem:s13], $0x2800, $0x38;
	[tilespmem:$0x1F480] =	vst v63  }
0x291: {  	s22 =	simm.s32 @!p0 $0x5  }
0x292: {  	_ =	swait.ge @!p0 [sflag:s22], $0x2800  }
0x293: {  	s23 =	sld [smem:$0x7FA]  }
0x294: {  	[sflag:s22] =	ssyncset.done @!p0 $0x0  }
0x295: {  	s13 =	simm.s32 @!p0 $0x1CC80;
	[sflag:s22] =	ssyncadd.s32 @!p0 $0xFFFFD800;
	s22 =	simm.s32 @!p0 $0x0  }
0x296: {  	[hbm4b:s23+s22] =	stream.linear.scatter @!p0 [tilespmem:s13], [sflag:$0x4], $0x2800, $0x38;
	[tilespmem:$0x1F480] =	vst v63  }
0x297: {  	s13 =	simm.s32 @!p0 $0x4  }
0x298: {  	_ =	swait.ge @!p0 [sflag:s13], $0x2800  }
0x299: {  	s22 =	sld [smem:$0x7FC];
	_ =	sdelay $0x2  }
0x29a: {  	s23 =	sadd.s32 $0x1, s22;
	s22 =	rddreg [dreg:$0x16]  }
0x29b: {  	p1 =	sne.s32 s23, s22  }
.Ltmp1:
0x29c: {  	_ = 	snop;
	(pc) =	sbr.rel @p1 .LBB2_1-.Ltmp1, $4  }
0x29d: {  	_ = 	snop  }
0x29e: {  	[sflag:s13] =	ssyncset.done @!p0 $0x0  }
0x29f: {  	[sflag:s13] =	ssyncadd.s32 @!p0 $0xFFFFD800;
	[smem:$0x7FC] =	sst s23  }
0x2a0: {  	s23 =	rddreg [dreg:$0x17];
	s22 =	smov.u32 s24;
	s24 =	simm.s32 $0x1CC80  }
0x2a1: {  	_ =	sfence.sel $0x180000  }
0x2a2: {  	[bflag:$0x0] =	sbarrier.arrive $0xFFFF  }
0x2a3: {  	_ =	strace $0x9000004D  }
0x2a4: {  	s0 =	stileid.u32;
	[bflag:$0x2] =	sbarrier.arrive $0xFFFF  }
0x2a5: {  	p0 =	sne.s32 s0, $0x0;
	s0 =	rddreg [dreg:$0x3]  }
0x2a6: {  	s0 =	sadd.s32 @!p0 $0x100000, s0  }
0x2a7: {  	[sflag:s0] =	ssyncadd.tile.s32 @!p0 $0x1;
	_ =	shalt  }
.Lfunc_end2:
_tile_overlayer_lowered:
.L_overlay_start_2:
0x2a8: {  	(tag) =	ssettag $0x2  }
0x2a9: {  	s0 =	rddreg [dreg:$0x0];
	s2 =	stileid.u32  }
0x2aa: {  	s1 =	rddreg [dreg:$0x1];
	p0 =	sne.s32 s2, $0x0  }
0x2ab: {  	s3 =	rddreg [dreg:$0x2];
	[bflag:$0x3] =	sbarrier.arrive $0xFFFF;
	s2 =	simm.s32 @!p0 $0x1C04  }
0x2ac: {  	[timem:s3], [sflag:s2] =	dma.local @!p0 [hbm:s0], s1  }
0x2ad: {  	s0 =	simm.s32 @!p0 $0x4  }
0x2ae: {  	_ =	swait.ge @!p0 [sflag:s0], s1  }
0x2af: {  	s1 =	ssub.s32 @!p0 $0x0, s1;
	[sflag:s0] =	ssyncset.done @!p0 $0x0  }
0x2b0: {  	[sflag:s0] =	ssyncadd.s32 @!p0 s1  }
0x2b1: {  	[bflag:$0x3] =	sbarrier.arrive $0xFFFF  }
0x2b2: {  	_ =	shalt  }

// kernel: kernel.8.cloned.1.call-start
scs
__scs_entry_jumppad:
0x0: {  	(pc) =	sbr.rel $0x88, $3  }
0x1: {  	(tag) =	ssettag $0x0;
	lr =	simm.s32 $0x1  }
0x2: {  	[smem:$0x3F9B] =	sst lr;
	_ =	strace $0xD0000000  }
0x3: {  	_ = 	snop  }
0x4: {  	_ = 	snop  }
0x5: {  	_ = 	snop  }
0x6: {  	_ = 	snop  }
0x7: {  	_ = 	snop  }
__scs_overlays_trampoline_lowered:
0x8: {  	[smem:$0x3FAA] =	sst s0  }
0x9: {  	[smem:$0x3FAB] =	sst s1  }
0xa: {  	[smem:$0x3FAC] =	sst s2  }
0xb: {  	[smem:$0x3FAD] =	sst s3  }
0xc: {  	[smem:$0x3FAE] =	sst s4  }
0xd: {  	[smem:$0x3FAF] =	sst s5  }
0xe: {  	[smem:$0x3FB0] =	sst s6  }
0xf: {  	[smem:$0x3FB1] =	sst s7  }
0x10: {  	[smem:$0x3FB2] =	sst s8  }
0x11: {  	[smem:$0x3FB3] =	sst s9;
	s0 =	simm.s32 @!p0 $0x0  }
0x12: {  	s1 =	sld [smem:$0x3F99];
	s0 =	simm.s32 @p0 $0x1  }
0x13: {  	[smem:$0x3FB4] =	sst s0;
	s0 =	simm.s32 @!p1 $0x0  }
0x14: {  	s2 =	sld [smem:$0x3F98];
	s0 =	simm.s32 @p1 $0x1  }
0x15: {  	[smem:$0x3FB5] =	sst s0;
	s0 =	simm.s32 @!p2 $0x0  }
0x16: {  	s3 =	sld [smem:$0x3FDB];
	s0 =	simm.s32 @p2 $0x1  }
0x17: {  	s4 =	simm.s32 $0x1BF5;
	[smem:$0x3FB7] =	sst s0  }
0x18: {  	s0 =	sld [smem:$0x3F9A];
	_ =	swait.ge [sflag:s4], $0x0  }
0x19: {  	s7 =	sld [smem:$0x3F9B]  }
0x1a: {  	s8 =	sadd.s32 $0xFFFFE003, lr  }
0x1b: {  	s9 =	sadd.s32 $0xFFFFFEF7, lr;
	s5 =	simm.s32 $0xFFFFFFFF;
	p2 =	slt.u32 s8, $0xFFFFF086  }
0x1c: {  	p1 =	slt.u32 s9, $0xF7A;
	s5 =	simm.s32 @!p2 $0x0  }
0x1d: {  	s5 =	simm.s32 @p1 $0x1;
	p0 =	seq.s32 s7, s2  }
0x1e: {  	s7 =	smul.u32 @!p0 $0xF7A, s2;
	p2 =	seq.s32 @!p0 s5, $0x0  }
0x1f: {  	s9 =	smul.u32 $0xF7A, s1;
	s8 =	simm.s32 @!p0 $0x1BF5;
	p2 =	por !p2, p0  }
0x20: {  	[sflag:s8] =	ssyncset.s32 @!p0 $0xFFFFF086;
	s6 =	sadd.s32 @!p0 s3, s7;
	s7 =	simm.s32 @!p0 $0x108  }
0x21: {  	s3 =	sadd.s32 s3, s9;
	s6 =	sadd.s32 @!p0 $0x88, s6;
	s7 =	simm.s32 @p2 $0x1082  }
0x22: {  	[simem:s7], [sflag:s8] =	dma.local @!p0 [hbm:s6], $0xF7A  }
0x23: {  	s9 =	sor.u32 $0xD0000000, s2;
	s6 =	simm.s32 $0x108;
	_ =	swait.ge @!p0 [sflag:s8], $0x0  }
0x24: {  	s3 =	sadd.s32 $0x88, s3;
	s6 =	simm.s32 @!p1 $0x1082;
	[sflag:s4] =	ssyncset.s32 $0xFFFFF086  }
0x25: {  	[simem:s6], [sflag:s4] =	dma.local [hbm:s3], $0xF7A  }
0x26: {  	[smem:$0x3F9B] =	sst s1;
	(tag) =	ssettag s2;
	_ =	strace s9  }
0x27: {  	s1 =	sld [smem:$0x3FAB]  }
0x28: {  	s2 =	sld [smem:$0x3FAC]  }
0x29: {  	s4 =	sld [smem:$0x3FAE]  }
0x2a: {  	p0 =	seq.s32 s5, $0x0;
	s5 =	sld [smem:$0x3FAF]  }
0x2b: {  	s6 =	sld [smem:$0x3FB0]  }
0x2c: {  	s7 =	sld [smem:$0x3FB1]  }
0x2d: {  	s3 =	simm.s32 $0x108;
	s8 =	sld [smem:$0x3FB2]  }
0x2e: {  	s3 =	simm.s32 @!p0 $0x1082;
	s9 =	sld [smem:$0x3FB3]  }
0x2f: {  	lr =	sadd.s32 s0, s3;
	s0 =	sld [smem:$0x3FAA]  }
0x30: {  	s3 =	sld [smem:$0x3FAD]  }
0x31: {  	[smem:$0x3FB6] =	sst s10  }
0x32: {  	s10 =	sld [smem:$0x3FB4];
	_ =	sdelay $0x3  }
0x33: {  	p0 =	seq.s32 s10, $0x1;
	s10 =	sld [smem:$0x3FB6];
	_ =	sdelay $0x3  }
0x34: {  	[smem:$0x3FB6] =	sst s10  }
0x35: {  	s10 =	sld [smem:$0x3FB5];
	_ =	sdelay $0x3  }
0x36: {  	p1 =	seq.s32 s10, $0x1;
	s10 =	sld [smem:$0x3FB6];
	_ =	sdelay $0x3  }
0x37: {  	[smem:$0x3FB6] =	sst s10  }
0x38: {  	s10 =	sld [smem:$0x3FB7]  }
0x39: {  	_ = 	snop;
	(pc) =	sbr.ind lr, $3  }
0x3a: {  	_ = 	snop  }
0x3b: {  	_ = 	snop  }
0x3c: {  	p2 =	seq.s32 s10, $0x1;
	s10 =	sld [smem:$0x3FB6]  }
0x3d: {  	_ =	shalt  }
0x3e: {  	_ =	shalt  }
0x3f: {  	_ =	shalt  }
0x40: {  	_ =	shalt  }
0x41: {  	_ =	shalt  }
0x42: {  	_ =	shalt  }
0x43: {  	_ =	shalt  }
0x44: {  	_ =	shalt  }
0x45: {  	_ =	shalt  }
0x46: {  	_ =	shalt  }
0x47: {  	_ =	shalt  }
0x48: {  	_ =	shalt  }
0x49: {  	_ =	shalt  }
0x4a: {  	_ =	shalt  }
0x4b: {  	_ =	shalt  }
0x4c: {  	_ =	shalt  }
0x4d: {  	_ =	shalt  }
0x4e: {  	_ =	shalt  }
0x4f: {  	_ =	shalt  }
0x50: {  	_ =	shalt  }
0x51: {  	_ =	shalt  }
0x52: {  	_ =	shalt  }
0x53: {  	_ =	shalt  }
0x54: {  	_ =	shalt  }
0x55: {  	_ =	shalt  }
0x56: {  	_ =	shalt  }
0x57: {  	_ =	shalt  }
0x58: {  	_ =	shalt  }
0x59: {  	_ =	shalt  }
0x5a: {  	_ =	shalt  }
0x5b: {  	_ =	shalt  }
0x5c: {  	_ =	shalt  }
0x5d: {  	_ =	shalt  }
0x5e: {  	_ =	shalt  }
0x5f: {  	_ =	shalt  }
0x60: {  	_ =	shalt  }
0x61: {  	_ =	shalt  }
0x62: {  	_ =	shalt  }
0x63: {  	_ =	shalt  }
0x64: {  	_ =	shalt  }
0x65: {  	_ =	shalt  }
0x66: {  	_ =	shalt  }
0x67: {  	_ =	shalt  }
0x68: {  	_ =	shalt  }
0x69: {  	_ =	shalt  }
0x6a: {  	_ =	shalt  }
0x6b: {  	_ =	shalt  }
0x6c: {  	_ =	shalt  }
0x6d: {  	_ =	shalt  }
0x6e: {  	_ =	shalt  }
0x6f: {  	_ =	shalt  }
0x70: {  	_ =	shalt  }
0x71: {  	_ =	shalt  }
0x72: {  	_ =	shalt  }
0x73: {  	_ =	shalt  }
0x74: {  	_ =	shalt  }
0x75: {  	_ =	shalt  }
0x76: {  	_ =	shalt  }
0x77: {  	_ =	shalt  }
0x78: {  	_ =	shalt  }
0x79: {  	_ =	shalt  }
0x7a: {  	_ =	shalt  }
0x7b: {  	_ =	shalt  }
0x7c: {  	_ =	shalt  }
0x7d: {  	_ =	shalt  }
0x7e: {  	_ =	shalt  }
0x7f: {  	_ =	shalt  }
0x80: {  	_ =	shalt  }
0x81: {  	_ =	shalt  }
0x82: {  	_ =	shalt  }
0x83: {  	_ =	shalt  }
0x84: {  	_ =	shalt  }
0x85: {  	_ =	shalt  }
0x86: {  	_ =	shalt  }
0x87: {  	_ =	shalt  }
.Lfunc_end0:
.L_simem_size_0:
called_computation_lowered:
.L_overlay_start_0:
0x88: {  	s2 =	sld [smem:$0x3FD9]  }
0x89: {  	s3 =	sld [smem:$0x3FFE];
	_ =	sdelay $0x1  }
0x8a: {  	s1 =	srdreg.scid  }
0x8b: {  	s0 =	sand.u32 $0x1, s1  }
0x8c: {  	s17 =	sshll.u32 s0, $0xA;
	s2 =	sadd.s32 s3, s2  }
0x8d: {  	s2 =	sadd.s32 s2, s17  }
0x8e: {  	[smem:$0x3FC2] =	sst s2  }
0x8f: {  	_ = 	snop  }
0x90: {  	s2 =	sld [smem:$0x3FD0];
	(tm) =	ssettm $0x1  }
0x91: {  	s18 =	sld [smem:$0x3FFB];
	_ =	sdelay $0x3  }
0x92: {  	_ =	strace s18  }
0x93: {  	s3 =	sld [smem:$0x3FFC];
	_ =	sdelay $0x3  }
0x94: {  	_ =	strace s3  }
0x95: {  	s3 =	sld [smem:$0x3FFD];
	_ =	sdelay $0x3  }
0x96: {  	_ =	strace s3  }
0x97: {  	_ =	strace $0x8FFFFFFF  }
0x98: {  	s19 =	sld [smem:$0x3FDB];
	_ =	sdelay $0x1  }
0x99: {  	s4 =	simm.s32 $_scs_section_size  }
0x9a: {  	s5 =	simm.s32 $_size__tile_overlayer_lowered;
	s6 =	simm.s32 $_tile_overlayer_lowered  }
0x9b: {  	s22 =	simm.s32 $0x1BFF;
	s21 =	sshll.u32 s6, $0x1;
	s3 =	sadd.s32 s4, s19  }
0x9c: {  	s7 =	simm.s32 $0x0;
	s20 =	sshll.u32 s5, $0x1;
	s5 =	sadd.s32 s21, s3  }
0x9d: {  	[timem:s7], [sflag:s22] =	dma.local [hbm:s5], s20  }
0x9e: {  	_ =	swait.ge [sflag:s22], s20  }
0x9f: {  	s4 =	ssub.s32 $0x0, s20;
	[sflag:s22] =	ssyncset.done $0x0  }
0xa0: {  	[sflag:s22] =	ssyncadd.s32 s4;
	_ =	sdelay $0x1  }
0xa1: {  	s23 =	simm.s32 $0x1B8B  }
0xa2: {  	_ =	swait.ge [sflag:s23], $0x1  }
0xa3: {  	[sflag:s23] =	ssyncset.done $0x0  }
0xa4: {  	s25 =	simm.s32 $0x1B8E;
	s24 =	sld [smem:$0x3FFE];
	[sflag:s23] =	ssyncadd.s32 $0xFFFFFFFF  }
0xa5: {  	s26 =	simm.s32 $execute0_lowered;
	[smem:$0x3FD2] =	sst s25  }
0xa6: {  	s5 =	sshll.u32 s26, $0x1;
	_ =	strace $0x80000046;
	[dreg:$0x1] =	wrdreg $0xFFFFFFFF  }
0xa7: {  	s28 =	simm.s32 $_size_execute0_lowered;
	s3 =	sadd.s32 s3, s5;
	[dreg:$0x0] =	wrdreg $0x0  }
0xa8: {  	s5 =	sshll.u32 s28, $0x1;
	[dreg:$0x2] =	wrdreg s3  }
0xa9: {  	[dreg:$0x3] =	wrdreg s5  }
0xaa: {  	[dreg:$0x4] =	wrdreg $0xC0  }
0xab: {  	_ =	task [dreg:s7], $0x5FFFF  }
0xac: {  	[dreg:$0x1] =	wrdreg $0xFFFFFFFF  }
0xad: {  	[dreg:$0x0] =	wrdreg $0x60  }
0xae: {  	[dreg:$0x2] =	wrdreg s2  }
0xaf: {  	[dreg:$0x3] =	wrdreg s24  }
0xb0: {  	[dreg:$0x4] =	wrdreg $0x0  }
0xb1: {  	[dreg:$0x5] =	wrdreg $0x9  }
0xb2: {  	_ =	task.clear_ibuf [dreg:s7], $0x6FFFF;
	_ =	strace $0x90000046  }
0xb3: {  	s29 =	simm.s32 $0x9;
	_ =	strace $0x80000048  }
0xb4: {  	_ =	swait.ge [sflag:s29], $0x1  }
0xb5: {  	[sflag:s29] =	ssyncadd.s32 $0xFFFFFFFF  }
0xb6: {  	_ =	strace $0x90000048  }
0xb7: {  	_ =	sfence  }
0xb8: {  	s30 =	sld [smem:$0x0];
	_ =	sdelay $0x2  }
0xb9: {  	s31 =	sshll.u32 s1, $0xD;
	s1 =	sshrl.u32 s1, $0x2  }
0xba: {  	s3 =	sand.u32 $0x4000, s31;
	s1 =	sadd.s32 s1, s30  }
0xbb: {  	s0 =	sor.u32 s3, s0;
	s1 =	sshll.u32 s1, $0x11  }
0xbc: {  	s0 =	sor.u32 s1, s0  }
0xbd: {  	s0 =	sadd.s32 $0x8F2B, s0  }
0xbe: {  	[sflag:s0] =	ssyncadd.remote.s32 $0x1  }
0xbf: {  	_ =	sfence.sel $0xFFFF  }
0xc0: {  	[dreg:$0x0] =	wrdreg $0xFFFFFFFF;
	(pc) =	sbr.abs _section_cstart, $3  }
0xc1: {  	[dreg:$0x1] =	wrdreg $0xFFFFFFFF  }
0xc2: {  	_ =	task.clear_ibuf [dreg:s7], $0x2FFFF;
	_ =	strace $0x9FFFFFFF  }
0xc3: {  	(tm) =	ssettm $0x7FFFFFFF  }
tec
execute0_lowered:
.L_overlay_start_1:
0x0: {  	(tag) =	ssettag $0x1  }
0x1: {  	s0 =	rddreg [dreg:$0x0]  }
0x2: {  	s3 =	rddreg [dreg:$0x1]  }
0x3: {  	s1 =	rddreg [dreg:$0x2]  }
0x4: {  	s5 =	srdreg.scid;
	s20 =	stileid.u32;
	s4 =	sadd.s32 $0x2800, s3  }
0x5: {  	s9 =	sand.u32 $0x1, s5;
	s11 =	smul.u32 $0x140, s20;
	s17 =	sor.u32 $0x10, s20  }
0x6: {  	s5 =	sadd.s32 $0x2600, s3;
	s6 =	sadd.s32 $0x2A00, s3;
	s19 =	smul.u32 $0x140, s17  }
0x7: {  	s7 =	sshll.u32 s9, $0x4;
	s8 =	ssub.s32 $0x2, s9;
	s23 =	smul.u32 $0x50, s17  }
0x8: {  	s10 =	sor.u32 s20, s7;
	s7 =	sadd.s32 $0x3000, s3;
	s18 =	sshrl.u32 s8, $0x1  }
0x9: {  	s10 =	smul.u32 $0x580, s10;
	s3 =	ssub.s32 s8, s18;
	s18 =	sor.u32 $0x20, s20  }
0xa: {  	s25 =	sor.u32 $0x70, s20;
	p0 =	seq.s32 s9, $0x1;
	s22 =	smul.u32 $0x140, s18  }
0xb: {  	s9 =	smax.u32 s3, $0x1;
	s3 =	sor.u32 $0x30, s20;
	s24 =	smul.u32 $0x50, s18  }
0xc: {  	s2 =	simm.s32 $0x0;
	p1 =	sgt.u32 s25, $0x7C;
	s13 =	smul.u32 $0x140, s3  }
0xd: {  	s8 =	sadd.s32 s0, s10;
	s0 =	sshrl.u32 s19, $0x2;
	s19 =	smul.u32 $0x140, s25  }
0xe: {  	p2 =	slt.u32 s25, $0x7D;
	s21 =	sshrl.u32 s11, $0x2;
	s3 =	smul.u32 $0x50, s3  }
0xf: {  	s10 =	sadd.s32 s21, s1;
	s21 =	sor.u32 $0x50, s20;
	s25 =	smul.u32 $0x50, s25  }
0x10: {  	s12 =	sshrl.u32 s22, $0x2;
	s11 =	sadd.s32 s0, s1;
	s15 =	smul.u32 $0x140, s21  }
0x11: {  	s0 =	sor.u32 $0x40, s20;
	s22 =	sor.u32 $0x60, s20;
	s20 =	smul.u32 $0x50, s20  }
0x12: {  	[smem:$0x7FF] =	sst s2;
	s14 =	smul.u32 $0x140, s0  }
0x13: {  	_ =	strace $0x80000047;
	s16 =	smul.u32 $0x140, s22  }
0x14: {  	s29 =	sshrl.u32 s24, $0x3;
	s12 =	sadd.s32 s12, s1;
	s0 =	smul.u32 $0x50, s0  }
0x15: {  	s13 =	sshrl.u32 s13, $0x2;
	s19 =	sshrl.u32 s19, $0x2;
	s30 =	smul.u32 $0x50, s22  }
0x16: {  	[dreg:$0x4] =	wrdreg s25;
	s13 =	sadd.s32 s13, s1;
	s15 =	sshrl.u32 s15, $0x2  }
0x17: {  	s17 =	sadd.s32 s19, s1;
	s18 =	sadd.s32 s20, s1;
	s26 =	sshrl.u32 s20, $0x3  }
0x18: {  	s19 =	sadd.s32 s23, s1;
	s23 =	sshrl.u32 s23, $0x3;
	s20 =	sadd.s32 s24, s1  }
0x19: {  	s22 =	sadd.s32 s0, s1;
	s28 =	sshrl.u32 s0, $0x3;
	s0 =	smov.u32 s26  }
0x1a: {  	s24 =	smul.u32 $0x50, s21;
	[dreg:$0x14] =	wrdreg s23;
	s0 =	sadd.s32 s7, s0  }
0x1b: {  	s21 =	sadd.s32 s3, s1;
	s3 =	sshrl.u32 s3, $0x3;
	[dreg:$0x6] =	wrdreg s0  }
0x1c: {  	s14 =	sshrl.u32 s14, $0x2;
	s26 =	sadd.s32 s6, s26;
	s0 =	rddreg [dreg:$0x14]  }
0x1d: {  	s15 =	sadd.s32 s15, s1;
	[dreg:$0x5] =	wrdreg s26;
	s26 =	sadd.s32 s6, s0  }
0x1e: {  	s23 =	sadd.s32 s24, s1;
	s0 =	sadd.s32 s7, s0;
	[dreg:$0x7] =	wrdreg s26  }
0x1f: {  	s31 =	sshrl.u32 s24, $0x3;
	[dreg:$0x8] =	wrdreg s0;
	s0 =	sadd.s32 s6, s29  }
0x20: {  	s24 =	sadd.s32 s30, s1;
	s26 =	sadd.s32 s6, s31;
	[dreg:$0x9] =	wrdreg s0  }
0x21: {  	s30 =	sshrl.u32 s30, $0x3;
	s0 =	sadd.s32 s7, s29;
	[dreg:$0xf] =	wrdreg s26  }
0x22: {  	s16 =	sshrl.u32 s16, $0x2;
	s26 =	sadd.s32 s6, s30;
	[dreg:$0xa] =	wrdreg s0  }
0x23: {  	s14 =	sadd.s32 s14, s1;
	s0 =	sadd.s32 s6, s3;
	[dreg:$0x11] =	wrdreg s26  }
0x24: {  	s16 =	sadd.s32 s16, s1;
	s3 =	sadd.s32 s7, s3;
	[dreg:$0xb] =	wrdreg s0  }
0x25: {  	s29 =	simm.s32 $0x2E80;
	s26 =	sshrl.u32 s25, $0x3;
	[dreg:$0xc] =	wrdreg s3  }
.Ltmp0:
0x26: {  	s0 =	sadd.s32 s6, s28;
	[dreg:$0x13] =	wrdreg s26;
	(pc) =	sbr.rel .LBB2_1-.Ltmp0, $4  }
0x27: {  	s3 =	sadd.s32 s7, s28;
	s28 =	simm.s32 $0x1;
	[dreg:$0xd] =	wrdreg s0  }
0x28: {  	[dreg:$0xe] =	wrdreg s3;
	s3 =	sadd.s32 s7, s31;
	s31 =	simm.s32 $0x80  }
0x29: {  	s0 =	simm.s32 $0x2;
	[dreg:$0x10] =	wrdreg s3;
	s3 =	sadd.s32 s7, s30  }
0x2a: {  	s30 =	simm.s32 $0x2F00;
	[dreg:$0x12] =	wrdreg s3;
	s3 =	simm.s32 $0x0  }
.LBB2_6:
0x2b: {  	s26 =	rddreg [dreg:$0x4]  }
0x2c: {  	s26 =	sadd.s32 s26, s1  }
0x2d: {  	[tilespmem:s30], [sflag:$0x2] =	stream.linear.gather [spmem:s26], $0x50, $0x38;
	[tilespmem:$0x2F80] =	vst v63  }
0x2e: {  	_ =	swait.ge [sflag:s0], $0x50  }
0x2f: {  	[sflag:s0] =	ssyncset.done $0x0;
	s26 =	rddreg [dreg:$0x13]  }
0x30: {  	s25 =	sadd.s32 s25, s26;
	[sflag:s0] =	ssyncadd.s32 $0xFFFFFFB0  }
0x31: {  	[hbm4b:s25+s2] =	stream.linear.scatter [tilespmem:s30], [sflag:$0x1], $0x50, $0x38;
	[tilespmem:$0x2F80] =	vst v63  }
0x32: {  	_ =	swait.ge [sflag:s28], $0x50  }
0x33: {  	[sflag:s28] =	ssyncset.done $0x0  }
0x34: {  	[sflag:s28] =	ssyncadd.s32 $0xFFFFFFB0  }
.LBB2_7:
0x35: {  	s3 =	sadd.s32 $0x1, s3  }
0x36: {  	p3 =	sne.s32 s3, s9  }
.Ltmp1:
0x37: {  	_ = 	snop;
	(pc) =	sbr.rel @!p3 .LBB2_8-.Ltmp1, $1  }
0x38: {  	_ =	sdelay $0x3  }
.LBB2_1:
0x39: {  	s25 =	simm.s32 $0x280  }
0x3a: {  	[tilespmem:s25], [sflag:$0x1] =	stream.linear.gather [hbm4b:s8+s2], $0x2C00, $0x38;
	[tilespmem:$0x2F80] =	vst v63  }
0x3b: {  	_ =	swait.ge [sflag:s28], $0x2C00  }
0x3c: {  	[sflag:s28] =	ssyncset.done $0x0  }
0x3d: {  	[sflag:s28] =	ssyncadd.s32 $0xFFFFD400  }
0x3e: {  	[tilespmem:s29], [sflag:$0x1] =	stream.linear.gather [hbm4b:s5+s2], $0x80, $0x38;
	[tilespmem:$0x2F80] =	vst v63  }
0x3f: {  	_ =	swait.ge [sflag:s28], $0x80  }
0x40: {  	[sflag:s28] =	ssyncset.done $0x0  }
0x41: {  	[sflag:s28] =	ssyncadd.s32 $0xFFFFFF80  }
0x42: {  	[tilespmem:s30], [sflag:$0x1] =	stream.linear.gather [hbm4b:s4+s2], $0x80, $0x38;
	[tilespmem:$0x2F80] =	vst v63  }
0x43: {  	_ =	swait.ge [sflag:s28], $0x80  }
0x44: {  	[sflag:s28] =	ssyncset.done $0x0  }
0x45: {  	[sflag:s28] =	ssyncadd.s32 $0xFFFFFF80  }
0x46: {  	[spmem:s10] =	stream.linear.scatter [tilespmem:s30], [sflag:$0x1], $0x50, $0x38;
	[tilespmem:$0x2F80] =	vst v63  }
0x47: {  	_ =	swait.ge [sflag:s28], $0x50  }
0x48: {  	[sflag:s28] =	ssyncset.done $0x0  }
0x49: {  	[sflag:s28] =	ssyncadd.s32 $0xFFFFFFB0  }
0x4a: {  	[spmem:s11] =	stream.linear.scatter [tilespmem:s30], [sflag:$0x1], $0x50, $0x38;
	[tilespmem:$0x2F80] =	vst v63  }
0x4b: {  	_ =	swait.ge [sflag:s28], $0x50  }
0x4c: {  	[sflag:s28] =	ssyncset.done $0x0  }
0x4d: {  	[sflag:s28] =	ssyncadd.s32 $0xFFFFFFB0  }
0x4e: {  	[spmem:s12] =	stream.linear.scatter [tilespmem:s30], [sflag:$0x1], $0x50, $0x38;
	[tilespmem:$0x2F80] =	vst v63  }
0x4f: {  	_ =	swait.ge [sflag:s28], $0x50  }
0x50: {  	[sflag:s28] =	ssyncset.done $0x0  }
0x51: {  	[sflag:s28] =	ssyncadd.s32 $0xFFFFFFB0  }
0x52: {  	[spmem:s13] =	stream.linear.scatter [tilespmem:s30], [sflag:$0x1], $0x50, $0x38;
	[tilespmem:$0x2F80] =	vst v63  }
0x53: {  	_ =	swait.ge [sflag:s28], $0x50  }
0x54: {  	[sflag:s28] =	ssyncset.done $0x0  }
0x55: {  	[sflag:s28] =	ssyncadd.s32 $0xFFFFFFB0  }
0x56: {  	[spmem:s14] =	stream.linear.scatter [tilespmem:s30], [sflag:$0x1], $0x50, $0x38;
	[tilespmem:$0x2F80] =	vst v63  }
0x57: {  	_ =	swait.ge [sflag:s28], $0x50  }
0x58: {  	[sflag:s28] =	ssyncset.done $0x0  }
0x59: {  	[sflag:s28] =	ssyncadd.s32 $0xFFFFFFB0  }
0x5a: {  	[spmem:s15] =	stream.linear.scatter [tilespmem:s30], [sflag:$0x1], $0x50, $0x38;
	[tilespmem:$0x2F80] =	vst v63  }
0x5b: {  	_ =	swait.ge [sflag:s28], $0x50  }
0x5c: {  	[sflag:s28] =	ssyncset.done $0x0  }
0x5d: {  	[sflag:s28] =	ssyncadd.s32 $0xFFFFFFB0  }
0x5e: {  	[spmem:s16] =	stream.linear.scatter [tilespmem:s30], [sflag:$0x1], $0x50, $0x38;
	[tilespmem:$0x2F80] =	vst v63  }
0x5f: {  	_ =	swait.ge [sflag:s28], $0x50  }
0x60: {  	[sflag:s28] =	ssyncset.done $0x0  }
0x61: {  	s25 =	simm.s32 @!p1 $0x2F00;
	[sflag:s28] =	ssyncadd.s32 $0xFFFFFFB0  }
0x62: {  	[spmem:s17] =	stream.linear.scatter @!p1 [tilespmem:s25], [sflag:$0x1], $0x50, $0x38;
	[tilespmem:$0x2F80] =	vst v63  }
0x63: {  	s25 =	simm.s32 @!p1 $0x1  }
0x64: {  	_ =	swait.ge @!p1 [sflag:s25], $0x50  }
0x65: {  	[sflag:s25] =	ssyncset.done @!p1 $0x0  }
0x66: {  	[sflag:s25] =	ssyncadd.s32 @!p1 $0xFFFFFFB0  }
0x67: {  	s26 =	simm.s32 $0x280;
	[bflag:$0x0] =	sbarrier.arrive $0xFFFF  }
0x68: {  	[spmem:s1] =	stream.indirect.scatter.add.f32 [tilespmem:s29], [sflag:$0x1], $0x1, s26, s31, $0xb8;
	[tilespmem:$0x2F80] =	vst v63  }
0x69: {  	s25 =	simm.s32 $0x200;
	_ =	swait.ge [sflag:s28], $0x80  }
.LBB2_2:
0x6a: {  	s26 =	sshra.s32 s25, $0x2;
	[sflag:s28] =	ssyncset.done $0x0;
	p3 =	sne.s32 s25, $0xAE00  }
.Ltmp2:
0x6b: {  	s26 =	sadd.s32 $0x280, s26;
	[sflag:s28] =	ssyncadd.s32 $0xFFFFFF80;
	(pc) =	sbr.rel @p3 .LBB2_2-.Ltmp2, $3  }
0x6c: {  	[spmem:s1] =	stream.indirect.scatter.add.f32 [tilespmem:s29], [sflag:$0x1], $0x1, s26, s31, $0xb8;
	[tilespmem:$0x2F80] =	vst v63  }
0x6d: {  	s25 =	sadd.s32 $0x200, s25;
	_ =	sdelay $0x1  }
0x6e: {  	_ =	swait.ge [sflag:s28], $0x80  }
.Ltmp3:
0x6f: {  	(pc) =	sbr.rel @!p0 .LBB2_4-.Ltmp3, $3  }
0x70: {  	[sflag:s28] =	ssyncset.done $0x0  }
0x71: {  	[sflag:s28] =	ssyncadd.s32 $0xFFFFFF80  }
0x72: {  	[bflag:$0x0] =	sbarrier.arrive $0xFFFF;
	_ =	sdelay $0x1  }
0x73: {  	[tilespmem:s30], [sflag:$0x2] =	stream.linear.gather [spmem:s18], $0x50, $0x38;
	[tilespmem:$0x2F80] =	vst v63  }
0x74: {  	_ =	swait.ge [sflag:s0], $0x50  }
0x75: {  	[sflag:s0] =	ssyncset.done $0x0  }
0x76: {  	s25 =	rddreg [dreg:$0x6];
	[sflag:s0] =	ssyncadd.s32 $0xFFFFFFB0  }
0x77: {  	[hbm4b:s25+s2] =	stream.linear.scatter [tilespmem:s30], [sflag:$0x1], $0x50, $0x38;
	[tilespmem:$0x2F80] =	vst v63  }
0x78: {  	_ =	swait.ge [sflag:s28], $0x50  }
0x79: {  	[sflag:s28] =	ssyncset.done $0x0  }
0x7a: {  	[sflag:s28] =	ssyncadd.s32 $0xFFFFFFB0  }
0x7b: {  	[tilespmem:s30], [sflag:$0x2] =	stream.linear.gather [spmem:s19], $0x50, $0x38;
	[tilespmem:$0x2F80] =	vst v63  }
0x7c: {  	_ =	swait.ge [sflag:s0], $0x50  }
0x7d: {  	[sflag:s0] =	ssyncset.done $0x0  }
0x7e: {  	s26 =	rddreg [dreg:$0x8];
	[sflag:s0] =	ssyncadd.s32 $0xFFFFFFB0  }
0x7f: {  	[hbm4b:s26+s2] =	stream.linear.scatter [tilespmem:s30], [sflag:$0x1], $0x50, $0x38;
	[tilespmem:$0x2F80] =	vst v63  }
0x80: {  	_ =	swait.ge [sflag:s28], $0x50  }
0x81: {  	[sflag:s28] =	ssyncset.done $0x0  }
0x82: {  	[sflag:s28] =	ssyncadd.s32 $0xFFFFFFB0  }
0x83: {  	[tilespmem:s30], [sflag:$0x2] =	stream.linear.gather [spmem:s20], $0x50, $0x38;
	[tilespmem:$0x2F80] =	vst v63  }
0x84: {  	_ =	swait.ge [sflag:s0], $0x50  }
0x85: {  	[sflag:s0] =	ssyncset.done $0x0  }
0x86: {  	s26 =	rddreg [dreg:$0xa];
	[sflag:s0] =	ssyncadd.s32 $0xFFFFFFB0  }
0x87: {  	[hbm4b:s26+s2] =	stream.linear.scatter [tilespmem:s30], [sflag:$0x1], $0x50, $0x38;
	[tilespmem:$0x2F80] =	vst v63  }
0x88: {  	_ =	swait.ge [sflag:s28], $0x50  }
0x89: {  	[sflag:s28] =	ssyncset.done $0x0  }
0x8a: {  	[sflag:s28] =	ssyncadd.s32 $0xFFFFFFB0  }
0x8b: {  	[tilespmem:s30], [sflag:$0x2] =	stream.linear.gather [spmem:s21], $0x50, $0x38;
	[tilespmem:$0x2F80] =	vst v63  }
0x8c: {  	_ =	swait.ge [sflag:s0], $0x50  }
0x8d: {  	[sflag:s0] =	ssyncset.done $0x0  }
0x8e: {  	s26 =	rddreg [dreg:$0xc];
	[sflag:s0] =	ssyncadd.s32 $0xFFFFFFB0  }
0x8f: {  	[hbm4b:s26+s2] =	stream.linear.scatter [tilespmem:s30], [sflag:$0x1], $0x50, $0x38;
	[tilespmem:$0x2F80] =	vst v63  }
0x90: {  	_ =	swait.ge [sflag:s28], $0x50  }
0x91: {  	[sflag:s28] =	ssyncset.done $0x0  }
0x92: {  	[sflag:s28] =	ssyncadd.s32 $0xFFFFFFB0  }
0x93: {  	[tilespmem:s30], [sflag:$0x2] =	stream.linear.gather [spmem:s22], $0x50, $0x38;
	[tilespmem:$0x2F80] =	vst v63  }
0x94: {  	_ =	swait.ge [sflag:s0], $0x50  }
0x95: {  	[sflag:s0] =	ssyncset.done $0x0  }
0x96: {  	s26 =	rddreg [dreg:$0xe];
	[sflag:s0] =	ssyncadd.s32 $0xFFFFFFB0  }
0x97: {  	[hbm4b:s26+s2] =	stream.linear.scatter [tilespmem:s30], [sflag:$0x1], $0x50, $0x38;
	[tilespmem:$0x2F80] =	vst v63  }
0x98: {  	_ =	swait.ge [sflag:s28], $0x50  }
0x99: {  	[sflag:s28] =	ssyncset.done $0x0  }
0x9a: {  	[sflag:s28] =	ssyncadd.s32 $0xFFFFFFB0  }
0x9b: {  	[tilespmem:s30], [sflag:$0x2] =	stream.linear.gather [spmem:s23], $0x50, $0x38;
	[tilespmem:$0x2F80] =	vst v63  }
0x9c: {  	_ =	swait.ge [sflag:s0], $0x50  }
0x9d: {  	[sflag:s0] =	ssyncset.done $0x0  }
0x9e: {  	s26 =	rddreg [dreg:$0x10];
	[sflag:s0] =	ssyncadd.s32 $0xFFFFFFB0  }
0x9f: {  	[hbm4b:s26+s2] =	stream.linear.scatter [tilespmem:s30], [sflag:$0x1], $0x50, $0x38;
	[tilespmem:$0x2F80] =	vst v63  }
0xa0: {  	_ =	swait.ge [sflag:s28], $0x50  }
0xa1: {  	[sflag:s28] =	ssyncset.done $0x0  }
0xa2: {  	[sflag:s28] =	ssyncadd.s32 $0xFFFFFFB0  }
0xa3: {  	[tilespmem:s30], [sflag:$0x2] =	stream.linear.gather [spmem:s24], $0x50, $0x38;
	[tilespmem:$0x2F80] =	vst v63  }
0xa4: {  	_ =	swait.ge [sflag:s0], $0x50  }
0xa5: {  	[sflag:s0] =	ssyncset.done $0x0  }
0xa6: {  	s26 =	rddreg [dreg:$0x12];
	[sflag:s0] =	ssyncadd.s32 $0xFFFFFFB0  }
0xa7: {  	[hbm4b:s26+s2] =	stream.linear.scatter [tilespmem:s30], [sflag:$0x1], $0x50, $0x38;
	[tilespmem:$0x2F80] =	vst v63  }
.Ltmp4:
0xa8: {  	_ = 	snop;
	(pc) =	sbr.rel @p1 .LBB2_7-.Ltmp4, $4  }
.Ltmp5:
0xa9: {  	_ = 	snop;
	(pc) =	sbr.rel @!p1 .LBB2_6-.Ltmp5, $4  }
0xaa: {  	_ =	swait.ge [sflag:s28], $0x50  }
0xab: {  	[sflag:s28] =	ssyncset.done $0x0  }
0xac: {  	s25 =	smov.u32 s7;
	[sflag:s28] =	ssyncadd.s32 $0xFFFFFFB0  }
0xad: {  	_ = 	snop  }
.LBB2_4:
0xae: {  	[tilespmem:s30], [sflag:$0x2] =	stream.linear.gather [spmem:s18], $0x50, $0x38;
	[tilespmem:$0x2F80] =	vst v63  }
0xaf: {  	_ =	swait.ge [sflag:s0], $0x50  }
0xb0: {  	[sflag:s0] =	ssyncset.done $0x0  }
0xb1: {  	s25 =	rddreg [dreg:$0x5];
	[sflag:s0] =	ssyncadd.s32 $0xFFFFFFB0  }
0xb2: {  	[hbm4b:s25+s2] =	stream.linear.scatter [tilespmem:s30], [sflag:$0x1], $0x50, $0x38;
	[tilespmem:$0x2F80] =	vst v63  }
0xb3: {  	_ =	swait.ge [sflag:s28], $0x50  }
0xb4: {  	[sflag:s28] =	ssyncset.done $0x0  }
0xb5: {  	[sflag:s28] =	ssyncadd.s32 $0xFFFFFFB0  }
0xb6: {  	[tilespmem:s30], [sflag:$0x2] =	stream.linear.gather [spmem:s19], $0x50, $0x38;
	[tilespmem:$0x2F80] =	vst v63  }
0xb7: {  	_ =	swait.ge [sflag:s0], $0x50  }
0xb8: {  	[sflag:s0] =	ssyncset.done $0x0  }
0xb9: {  	s26 =	rddreg [dreg:$0x7];
	[sflag:s0] =	ssyncadd.s32 $0xFFFFFFB0  }
0xba: {  	[hbm4b:s26+s2] =	stream.linear.scatter [tilespmem:s30], [sflag:$0x1], $0x50, $0x38;
	[tilespmem:$0x2F80] =	vst v63  }
0xbb: {  	_ =	swait.ge [sflag:s28], $0x50  }
0xbc: {  	[sflag:s28] =	ssyncset.done $0x0  }
0xbd: {  	[sflag:s28] =	ssyncadd.s32 $0xFFFFFFB0  }
0xbe: {  	[tilespmem:s30], [sflag:$0x2] =	stream.linear.gather [spmem:s20], $0x50, $0x38;
	[tilespmem:$0x2F80] =	vst v63  }
0xbf: {  	_ =	swait.ge [sflag:s0], $0x50  }
0xc0: {  	[sflag:s0] =	ssyncset.done $0x0  }
0xc1: {  	s26 =	rddreg [dreg:$0x9];
	[sflag:s0] =	ssyncadd.s32 $0xFFFFFFB0  }
0xc2: {  	[hbm4b:s26+s2] =	stream.linear.scatter [tilespmem:s30], [sflag:$0x1], $0x50, $0x38;
	[tilespmem:$0x2F80] =	vst v63  }
0xc3: {  	_ =	swait.ge [sflag:s28], $0x50  }
0xc4: {  	[sflag:s28] =	ssyncset.done $0x0  }
0xc5: {  	[sflag:s28] =	ssyncadd.s32 $0xFFFFFFB0  }
0xc6: {  	[tilespmem:s30], [sflag:$0x2] =	stream.linear.gather [spmem:s21], $0x50, $0x38;
	[tilespmem:$0x2F80] =	vst v63  }
0xc7: {  	_ =	swait.ge [sflag:s0], $0x50  }
0xc8: {  	[sflag:s0] =	ssyncset.done $0x0  }
0xc9: {  	s26 =	rddreg [dreg:$0xb];
	[sflag:s0] =	ssyncadd.s32 $0xFFFFFFB0  }
0xca: {  	[hbm4b:s26+s2] =	stream.linear.scatter [tilespmem:s30], [sflag:$0x1], $0x50, $0x38;
	[tilespmem:$0x2F80] =	vst v63  }
0xcb: {  	_ =	swait.ge [sflag:s28], $0x50  }
0xcc: {  	[sflag:s28] =	ssyncset.done $0x0  }
0xcd: {  	[sflag:s28] =	ssyncadd.s32 $0xFFFFFFB0  }
0xce: {  	[tilespmem:s30], [sflag:$0x2] =	stream.linear.gather [spmem:s22], $0x50, $0x38;
	[tilespmem:$0x2F80] =	vst v63  }
0xcf: {  	_ =	swait.ge [sflag:s0], $0x50  }
0xd0: {  	[sflag:s0] =	ssyncset.done $0x0  }
0xd1: {  	s26 =	rddreg [dreg:$0xd];
	[sflag:s0] =	ssyncadd.s32 $0xFFFFFFB0  }
0xd2: {  	[hbm4b:s26+s2] =	stream.linear.scatter [tilespmem:s30], [sflag:$0x1], $0x50, $0x38;
	[tilespmem:$0x2F80] =	vst v63  }
0xd3: {  	_ =	swait.ge [sflag:s28], $0x50  }
0xd4: {  	[sflag:s28] =	ssyncset.done $0x0  }
0xd5: {  	[sflag:s28] =	ssyncadd.s32 $0xFFFFFFB0  }
0xd6: {  	[tilespmem:s30], [sflag:$0x2] =	stream.linear.gather [spmem:s23], $0x50, $0x38;
	[tilespmem:$0x2F80] =	vst v63  }
0xd7: {  	_ =	swait.ge [sflag:s0], $0x50  }
0xd8: {  	[sflag:s0] =	ssyncset.done $0x0  }
0xd9: {  	s26 =	rddreg [dreg:$0xf];
	[sflag:s0] =	ssyncadd.s32 $0xFFFFFFB0  }
0xda: {  	[hbm4b:s26+s2] =	stream.linear.scatter [tilespmem:s30], [sflag:$0x1], $0x50, $0x38;
	[tilespmem:$0x2F80] =	vst v63  }
0xdb: {  	_ =	swait.ge [sflag:s28], $0x50  }
0xdc: {  	[sflag:s28] =	ssyncset.done $0x0  }
0xdd: {  	[sflag:s28] =	ssyncadd.s32 $0xFFFFFFB0  }
0xde: {  	[tilespmem:s30], [sflag:$0x2] =	stream.linear.gather [spmem:s24], $0x50, $0x38;
	[tilespmem:$0x2F80] =	vst v63  }
0xdf: {  	_ =	swait.ge [sflag:s0], $0x50  }
0xe0: {  	[sflag:s0] =	ssyncset.done $0x0  }
0xe1: {  	s26 =	rddreg [dreg:$0x11];
	[sflag:s0] =	ssyncadd.s32 $0xFFFFFFB0  }
0xe2: {  	[hbm4b:s26+s2] =	stream.linear.scatter [tilespmem:s30], [sflag:$0x1], $0x50, $0x38;
	[tilespmem:$0x2F80] =	vst v63  }
.Ltmp6:
0xe3: {  	_ = 	snop;
	(pc) =	sbr.rel @p2 .LBB2_6-.Ltmp6, $4  }
.Ltmp7:
0xe4: {  	_ = 	snop;
	(pc) =	sbr.rel @!p2 .LBB2_7-.Ltmp7, $4  }
0xe5: {  	_ =	swait.ge [sflag:s28], $0x50  }
0xe6: {  	[sflag:s28] =	ssyncset.done $0x0  }
0xe7: {  	s25 =	smov.u32 s6;
	[sflag:s28] =	ssyncadd.s32 $0xFFFFFFB0  }
0xe8: {  	_ = 	snop  }
.LBB2_8:
0xe9: {  	_ =	sfence.sel $0x180000  }
0xea: {  	[bflag:$0x0] =	sbarrier.arrive $0xFFFF  }
0xeb: {  	_ =	strace $0x90000047  }
0xec: {  	s0 =	stileid.u32;
	[bflag:$0x2] =	sbarrier.arrive $0xFFFF  }
0xed: {  	p0 =	sne.s32 s0, $0x0;
	s0 =	rddreg [dreg:$0x3]  }
0xee: {  	s0 =	sadd.s32 @!p0 $0x100000, s0  }
0xef: {  	[sflag:s0] =	ssyncadd.tile.s32 @!p0 $0x1;
	_ =	shalt  }
.Lfunc_end2:
_tile_overlayer_lowered:
.L_overlay_start_2:
0xf0: {  	(tag) =	ssettag $0x2  }
0xf1: {  	s0 =	rddreg [dreg:$0x0];
	s2 =	stileid.u32  }
0xf2: {  	s1 =	rddreg [dreg:$0x1];
	p0 =	sne.s32 s2, $0x0  }
0xf3: {  	s3 =	rddreg [dreg:$0x2];
	[bflag:$0x3] =	sbarrier.arrive $0xFFFF;
	s2 =	simm.s32 @!p0 $0x1C01  }
0xf4: {  	[timem:s3], [sflag:s2] =	dma.local @!p0 [hbm:s0], s1  }
0xf5: {  	s0 =	simm.s32 @!p0 $0x1  }
0xf6: {  	_ =	swait.ge @!p0 [sflag:s0], s1  }
0xf7: {  	s1 =	ssub.s32 @!p0 $0x0, s1;
	[sflag:s0] =	ssyncset.done @!p0 $0x0  }
0xf8: {  	[sflag:s0] =	ssyncadd.s32 @!p0 s1  }
0xf9: {  	[bflag:$0x3] =	sbarrier.arrive $0xFFFF  }
0xfa: {  	_ =	shalt  }

</sc_bundles>
